<compile_context>
chip_gen: v7x
topology: tpu7x:2x2x1
jax: 0.10.2.dev20260603
libtpu: 0.0.44.dev20260713+nightly
codegen_flags: <defaults>
</compile_context>

<pallas_src>
import functools

import jax
import jax.numpy as jnp
from jax import lax
from jax.experimental import pallas as pl
from jax.experimental.pallas import tpu as pltpu, tpu_sc as plsc

N = 853
FM = 512
E = 54592

NP = 896
NN = NP * NP
CHUNK = 128
NCHA = 32
NCHS = 16
EPADA = 16 * NCHA * CHUNK
EPADS = 32 * NCHS * CHUNK
DEAD = (NP - N) * CHUNK
SLICE = NN // 16
ZCH = SLICE // 16
SPAD = NN - 1
NB = 7
SLAB = NP * CHUNK
RPT = NP // 16

_f32 = jnp.float32
_i32 = jnp.int32


def _sc_body(si_f, si_g, si_s, c_f, c_g, c_s0, c_s1,
             sbA, sbS, ones, zbuf, acc0, acc1, sem):
    cid = lax.axis_index("c")
    sid = lax.axis_index("s")
    base = sid * SLICE

    def run_core(si_a, out_a, out_s):
        w = cid * 16 + sid
        idx_cps = [pltpu.async_copy(si_a.at[sid], sbA, sem),
                   pltpu.async_copy(si_s.at[w], sbS, sem)]

        def zero_zbuf(i, c):
            zbuf[pl.ds(i * 16, 16)] = jnp.zeros((16,), _f32)
            return c

        lax.fori_loop(0, ZCH // 16, zero_zbuf, 0)
        for k in range(8):
            ones[pl.ds(k * 16, 16)] = jnp.ones((16,), _f32)

        zero_cps = []
        for k in range(16):
            zero_cps.append(pltpu.async_copy(
                zbuf, acc0.at[pl.ds(base + k * ZCH, ZCH)], sem))
        for k in range(16):
            zero_cps.append(pltpu.async_copy(
                zbuf, acc1.at[pl.ds(base + k * ZCH, ZCH)], sem))
        for c in idx_cps:
            c.wait()
        for c in zero_cps:
            c.wait()
        plsc.subcore_barrier()

        sc_cps = [pltpu.async_copy(ones, acc0.at[sbA.at[j]], sem, add=True)
                  for j in range(NCHA)]
        sc_cps += [pltpu.async_copy(ones, acc1.at[sbS.at[j]], sem, add=True)
                   for j in range(NCHS)]
        for c in sc_cps:
            c.wait()
        plsc.subcore_barrier()

        fsl = pl.ds(base, SLICE)
        out_cps = [pltpu.async_copy(acc0.at[fsl], out_a.at[fsl], sem),
                   pltpu.async_copy(acc1.at[fsl], out_s.at[fsl], sem)]
        for c in out_cps:
            c.wait()

    @pl.when(cid == 0)
    def _():
        run_core(si_f, c_f, c_s0)

    @pl.when(cid == 1)
    def _():
        run_core(si_g, c_g, c_s1)


@functools.cache
def _sc_build():
    return pl.kernel(
        _sc_body,
        out_type=[jax.ShapeDtypeStruct((NN,), _f32)] * 4,
        mesh=plsc.VectorSubcoreMesh(core_axis_name="c", subcore_axis_name="s"),
        scratch_types=[
            pltpu.VMEM((NCHA, CHUNK), _i32),
            pltpu.VMEM((NCHS, CHUNK), _i32),
            pltpu.VMEM((CHUNK,), _f32),
            pltpu.VMEM((ZCH,), _f32),
            pltpu.VMEM_SHARED((NN,), _f32),
            pltpu.VMEM_SHARED((NN,), _f32),
            pltpu.SemaphoreType.DMA,
        ],
    )


def _sigmoid(x):
    return 1.0 / (1.0 + jnp.exp(-x))


def _tc_body(fm1_ref, dmf_ref, dms_ref, dmg_ref,
             cf_ref, cs0_ref, cs1_ref, cg_ref,
             w1f, b1f, w2f, b2f, w1s, b1s, w2s, b2s, w1g, b1g, w2g, b2g,
             fc1w, fc1b, fc2w, fc2b, cw, cb, rmask, out_ref):
    fm1 = fm1_ref[...]
    mask = rmask[...]
    xs = []
    for cnt_ref, dm_ref, w1, b1, w2, b2 in (
            (cf_ref, dmf_ref, w1f, b1f, w2f, b2f),
            ((cs0_ref, cs1_ref), dms_ref, w1s, b1s, w2s, b2s),
            (cg_ref, dmg_ref, w1g, b1g, w2g, b2g)):
        if isinstance(cnt_ref, tuple):
            C = cnt_ref[0][...] + cnt_ref[1][...]
        else:
            C = cnt_ref[...]
        blocks = []
        deg = jnp.ones((NP, 1), _f32)
        for c in range(NB):
            dmt = jnp.swapaxes(dm_ref[c * CHUNK:(c + 1) * CHUNK, :], 0, 1)
            blk = C[c].astype(jnp.bfloat16) * dmt
            deg = deg + jnp.sum(blk.astype(_f32), axis=1, keepdims=True)
            blocks.append(blk)
        dis = jnp.where(deg > 0, lax.rsqrt(deg), 0.0) * mask

        z1 = dis * jnp.dot(fm1, w1[...], preferred_element_type=_f32)
        z1b = z1.astype(jnp.bfloat16)
        y1 = z1
        for c in range(NB):
            y1 = y1 + jnp.dot(blocks[c], z1b[c * CHUNK:(c + 1) * CHUNK, :],
                              preferred_element_type=_f32)
        x1 = jnp.maximum(dis * y1 + b1[...], 0.0) * mask
        z2 = dis * jnp.dot(x1.astype(jnp.bfloat16), w2[...],
                           preferred_element_type=_f32)
        z2b = z2.astype(jnp.bfloat16)
        y2 = z2
        for c in range(NB):
            y2 = y2 + jnp.dot(blocks[c], z2b[c * CHUNK:(c + 1) * CHUNK, :],
                              preferred_element_type=_f32)
        x2 = jnp.maximum(dis * y2 + b2[...], 0.0) * mask
        xs.append(x1)
        xs.append(x2)

    inv = 1.0 / (N * FM)
    att1 = fc1b[...]
    for c in range(6):
        att1 = att1 + (jnp.sum(xs[c]) * inv) * fc1w[c:c + 1, :]
    att1 = jnp.maximum(att1, 0.0)
    att2 = _sigmoid(jnp.dot(att1, fc2w[...],
                            preferred_element_type=_f32) + fc2b[...])
    s = att2 * cw[...]

    acc = jnp.full((NP, FM), cb[0, 0], _f32)
    for c in range(6):
        acc = acc + s[0:1, c:c + 1] * xs[c]
    out_ref[...] = acc[:N]


_tc_call = pl.pallas_call(
    _tc_body,
    out_shape=jax.ShapeDtypeStruct((N, FM), _f32),
)


def _edge_indices(edges, epad, tiles):
    src = edges[0].astype(_i32)
    dst = edges[1].astype(_i32)
    sidx = (src // CHUNK) * SLAB + dst * CHUNK + (src % CHUNK)
    k = jnp.arange(epad - E, dtype=_i32)
    dead = (NB - 1 - k // DEAD) * SLAB + N * CHUNK + (k % DEAD)
    sidx = jnp.concatenate([sidx, dead])
    nch = epad // (tiles * CHUNK)
    return sidx.reshape(tiles, nch, CHUNK)


def kernel(fm1, edges_f, edges_s, edges_g, dm_f, dm_s, dm_g,
           W_x1_f, b_x1_f, W_x2_f, b_x2_f, W_x1_s, b_x1_s, W_x2_s, b_x2_s,
           W_x1_g, b_x1_g, W_x2_g, b_x2_g,
           fc1_W, fc1_b, fc2_W, fc2_b, cnn_w, cnn_b):
    si_f = _edge_indices(edges_f, EPADA, 16)
    si_s = _edge_indices(edges_s, EPADS, 32)
    si_g = _edge_indices(edges_g, EPADA, 16)

    c_f, c_g, c_s0, c_s1 = [
        a.reshape(NB, NP, CHUNK) for a in _sc_build()(si_f, si_g, si_s)]

    _bf = jnp.bfloat16
    fm1p = jnp.pad(fm1.astype(_bf), ((0, NP - N), (0, 0)))
    dmfp = jnp.pad(dm_f.astype(_bf), ((0, NP - N), (0, NP - N)))
    dmsp = jnp.pad(dm_s.astype(_bf), ((0, NP - N), (0, NP - N)))
    dmgp = jnp.pad(dm_g.astype(_bf), ((0, NP - N), (0, NP - N)))
    rmask = (jnp.arange(NP) < N).astype(_f32).reshape(NP, 1)
    fc1w = jnp.pad(fc1_W, ((0, 2), (0, 2)))
    fc1b = jnp.pad(fc1_b, (0, 2)).reshape(1, 32)
    fc2w = jnp.pad(fc2_W, ((0, 2), (0, 2)))
    fc2b = jnp.pad(fc2_b, (0, 2)).reshape(1, 8)
    cw = jnp.pad(cnn_w, (0, 2)).reshape(1, 8)
    cb = cnn_b.reshape(1, 1)

    return _tc_call(
        fm1p, dmfp, dmsp, dmgp, c_f, c_s0, c_s1, c_g,
        W_x1_f.astype(_bf), b_x1_f.reshape(1, FM),
        W_x2_f.astype(_bf), b_x2_f.reshape(1, FM),
        W_x1_s.astype(_bf), b_x1_s.reshape(1, FM),
        W_x2_s.astype(_bf), b_x2_s.reshape(1, FM),
        W_x1_g.astype(_bf), b_x1_g.reshape(1, FM),
        W_x2_g.astype(_bf), b_x2_g.reshape(1, FM),
        fc1w, fc1b, fc2w, fc2b, cw, cb, rmask)

# --- scband reference (transcript-rebuilt; emitter-appended) ---
"""Pipeline reference for scband-embedding-m-47287589929190 (READ-ONLY COPY).

The authoritative reference and input builder live on the scoring server;
editing this copy changes nothing except your own understanding.
"""

import jax, jax.numpy as jnp
import numpy as np

N = 853
FM = 512
E = 54592


def _gcn_conv(x, edge_index, edge_weight, W, b):
    src = edge_index[0]
    dst = edge_index[1]
    loop = jnp.arange(N, dtype=edge_index.dtype)
    src2 = jnp.concatenate([src, loop])
    dst2 = jnp.concatenate([dst, loop])
    ew = jnp.concatenate([edge_weight, jnp.ones((N,), x.dtype)])
    deg = jnp.zeros((N,), x.dtype).at[dst2].add(ew)
    dis = jnp.where(deg > 0, 1.0 / jnp.sqrt(jnp.where(deg > 0, deg, 1.0)), 0.0)
    norm = dis[src2] * ew * dis[dst2]
    msg = (x @ W)[src2] * norm[:, None]
    out = jnp.zeros((N, W.shape[1]), x.dtype).at[dst2].add(msg)
    return out + b


def setup_inputs(seed: int = 0):
    key = jax.random.key(seed)
    ks = jax.random.split(key, 40)
    s = 1.0 / np.sqrt(FM)
    inp = {
        "fm1": jax.random.normal(ks[0], (N, FM), dtype=jnp.float32),
        "edges_f": jax.random.randint(ks[1], (2, E), 0, N, dtype=jnp.int32),
        "edges_s": jax.random.randint(ks[2], (2, E), 0, N, dtype=jnp.int32),
        "edges_g": jax.random.randint(ks[3], (2, E), 0, N, dtype=jnp.int32),
        "dm_f": jax.random.uniform(ks[4], (N, N), dtype=jnp.float32),
        "dm_s": jax.random.uniform(ks[5], (N, N), dtype=jnp.float32),
        "dm_g": jax.random.uniform(ks[6], (N, N), dtype=jnp.float32),
    }
    names = ["x1_f", "x2_f", "x1_s", "x2_s", "x1_g", "x2_g"]
    for i, nm in enumerate(names):
        inp["W_" + nm] = jax.random.normal(ks[7 + 2 * i], (FM, FM), dtype=jnp.float32) * s
        inp["b_" + nm] = jnp.zeros((FM,), dtype=jnp.float32)
    inp["fc1_W"] = jax.random.normal(ks[20], (6, 30), dtype=jnp.float32) * (1.0 / np.sqrt(6.0))
    inp["fc1_b"] = jnp.zeros((30,), dtype=jnp.float32)
    inp["fc2_W"] = jax.random.normal(ks[21], (30, 6), dtype=jnp.float32) * (1.0 / np.sqrt(30.0))
    inp["fc2_b"] = jnp.zeros((6,), dtype=jnp.float32)
    inp["cnn_w"] = jax.random.normal(ks[22], (6,), dtype=jnp.float32) * (1.0 / np.sqrt(6.0))
    inp["cnn_b"] = jnp.zeros((1,), dtype=jnp.float32)
    return inp


def reference(fm1, edges_f, edges_s, edges_g, dm_f, dm_s, dm_g,
              W_x1_f, b_x1_f, W_x2_f, b_x2_f, W_x1_s, b_x1_s, W_x2_s, b_x2_s,
              W_x1_g, b_x1_g, W_x2_g, b_x2_g,
              fc1_W, fc1_b, fc2_W, fc2_b, cnn_w, cnn_b):
    ew_f = dm_f[edges_f[0], edges_f[1]]
    ew_s = dm_s[edges_s[0], edges_s[1]]
    ew_g = dm_g[edges_g[0], edges_g[1]]
    x_f1 = jax.nn.relu(_gcn_conv(fm1, edges_f, ew_f, W_x1_f, b_x1_f))
    x_f2 = jax.nn.relu(_gcn_conv(x_f1, edges_f, ew_f, W_x2_f, b_x2_f))
    x_s1 = jax.nn.relu(_gcn_conv(fm1, edges_s, ew_s, W_x1_s, b_x1_s))
    x_s2 = jax.nn.relu(_gcn_conv(x_s1, edges_s, ew_s, W_x2_s, b_x2_s))
    x_g1 = jax.nn.relu(_gcn_conv(fm1, edges_g, ew_g, W_x1_g, b_x1_g))
    x_g2 = jax.nn.relu(_gcn_conv(x_g1, edges_g, ew_g, W_x2_g, b_x2_g))
    XM = jnp.concatenate([x_f1, x_f2, x_s1, x_s2, x_g1, x_g2], axis=1).T
    XM = XM.reshape(1, 6, FM, N)
    att = jnp.mean(XM, axis=(2, 3))
    att = jax.nn.relu(att @ fc1_W + fc1_b)
    att = jax.nn.sigmoid(att @ fc2_W + fc2_b)
    XMa = jax.nn.relu(att.reshape(1, 6, 1, 1) * XM)
    x = jnp.einsum("bchw,c->bhw", XMa, cnn_w) + cnn_b[0]
    return x.reshape(FM, N).T

if __name__ == "__main__":
    import jax
    _d = setup_inputs()
    print(jax.jit(kernel)(*tuple(_d.values())))

</pallas_src>

<mosaic_0001>
#map = affine_map<(d0, d1) -> (0, 0, 0)>
#map1 = affine_map<(d0, d1) -> (0)>
module attributes {stable_mosaic.version = 14 : i64} {
  func.func @_sc_body(%arg0: i32, %arg1: i32, %arg2: memref<16x32x128xi32, #tpu.memory_space<hbm>>, %arg3: memref<16x32x128xi32, #tpu.memory_space<hbm>>, %arg4: memref<32x16x128xi32, #tpu.memory_space<hbm>>, %arg5: memref<802816xf32, #tpu.memory_space<hbm>>, %arg6: memref<802816xf32, #tpu.memory_space<hbm>>, %arg7: memref<802816xf32, #tpu.memory_space<hbm>>, %arg8: memref<802816xf32, #tpu.memory_space<hbm>>, %arg9: memref<32x128xi32, #tpu.memory_space<vmem>>, %arg10: memref<16x128xi32, #tpu.memory_space<vmem>>, %arg11: memref<128xf32, #tpu.memory_space<vmem>>, %arg12: memref<3136xf32, #tpu.memory_space<vmem>>, %arg13: memref<802816xf32, #tpu.memory_space<vmem_shared>>, %arg14: memref<802816xf32, #tpu.memory_space<vmem_shared>>, %arg15: memref<!tpu.dma_semaphore, #tpu.memory_space<semaphore_mem>>) attributes {dimension_semantics = [#tpu.dimension_semantics<core_parallel>, #tpu.dimension_semantics<subcore_parallel>], iteration_bounds = array<i64: 2, 16>, scalar_prefetch = 0 : i64, scratch_operands = 7 : i64, tpu.core_type = #tpu.core_type<sc_vector_subcore>, window_params = [{transform_indices = #map}, {transform_indices = #map}, {transform_indices = #map}, {transform_indices = #map1}, {transform_indices = #map1}, {transform_indices = #map1}, {transform_indices = #map1}]} {
    %mul3A = arith.constant 50176 : i32
    %mul3A_0 = arith.muli %arg1, %mul3A : i32
    %eq3A = arith.constant 0 : i32
    %eq3A_1 = arith.cmpi eq, %arg0, %eq3A : i32
    %convert_element_type3A = arith.extui %eq3A_1 : i1 to i32
    %cond3A = arith.constant 0 : i32
    %cond3A_2 = arith.cmpi ne, %convert_element_type3A, %cond3A : i32
    scf.if %cond3A_2 {
      %mul3A_8 = arith.constant 16 : i32
      %mul3A_9 = arith.muli %arg0, %mul3A_8 : i32
      %add3A = arith.addi %mul3A_9, %arg1 : i32
      %dma_start3A = arith.constant 0 : i32
      %dma_start3A_10 = arith.constant 0 : i32
      %dma_start3A_11 = tpu.memref_slice %arg2[%arg1, %dma_start3A, %dma_start3A_10] : memref<16x32x128xi32, #tpu.memory_space<hbm>> -> memref<1x32x128xi32, #tpu.memory_space<hbm>>
      %dma_start3A_12 = tpu.memref_squeeze %dma_start3A_11 : memref<1x32x128xi32, #tpu.memory_space<hbm>> -> memref<32x128xi32, #tpu.memory_space<hbm>>
      %dma_start3A_13 = arith.constant 0 : i32
      %dma_start3A_14 = arith.constant 0 : i32
      %dma_start3A_15 = tpu.memref_slice %arg2[%arg1, %dma_start3A_13, %dma_start3A_14] : memref<16x32x128xi32, #tpu.memory_space<hbm>> -> memref<1x32x128xi32, #tpu.memory_space<hbm>>
      %dma_start3A_16 = tpu.memref_squeeze %dma_start3A_15 : memref<1x32x128xi32, #tpu.memory_space<hbm>> -> memref<32x128xi32, #tpu.memory_space<hbm>>
      tpu.enqueue_dma source(%dma_start3A_16 : memref<32x128xi32, #tpu.memory_space<hbm>>) target(%arg9 : memref<32x128xi32, #tpu.memory_space<vmem>>) target_semaphore(%arg15 : memref<!tpu.dma_semaphore, #tpu.memory_space<semaphore_mem>>)
      %dma_start3A_17 = arith.constant 0 : i32
      %dma_start3A_18 = arith.constant 0 : i32
      %dma_start3A_19 = tpu.memref_slice %arg4[%add3A, %dma_start3A_17, %dma_start3A_18] : memref<32x16x128xi32, #tpu.memory_space<hbm>> -> memref<1x16x128xi32, #tpu.memory_space<hbm>>
      %dma_start3A_20 = tpu.memref_squeeze %dma_start3A_19 : memref<1x16x128xi32, #tpu.memory_space<hbm>> -> memref<16x128xi32, #tpu.memory_space<hbm>>
      %dma_start3A_21 = arith.constant 0 : i32
      %dma_start3A_22 = arith.constant 0 : i32
      %dma_start3A_23 = tpu.memref_slice %arg4[%add3A, %dma_start3A_21, %dma_start3A_22] : memref<32x16x128xi32, #tpu.memory_space<hbm>> -> memref<1x16x128xi32, #tpu.memory_space<hbm>>
      %dma_start3A_24 = tpu.memref_squeeze %dma_start3A_23 : memref<1x16x128xi32, #tpu.memory_space<hbm>> -> memref<16x128xi32, #tpu.memory_space<hbm>>
      tpu.enqueue_dma source(%dma_start3A_24 : memref<16x128xi32, #tpu.memory_space<hbm>>) target(%arg10 : memref<16x128xi32, #tpu.memory_space<vmem>>) target_semaphore(%arg15 : memref<!tpu.dma_semaphore, #tpu.memory_space<semaphore_mem>>)
      %scan3A = arith.constant 0 : i32
      %scan3A_25 = arith.constant 0 : i32
      %scan3A_26 = arith.constant 196 : i32
      %scan3A_27 = arith.addi %scan3A_25, %scan3A_26 : i32
      %scan3A_28 = arith.constant 1 : i32
      scf.for %scan3A_868 = %scan3A_25 to %scan3A_27 step %scan3A_28  : i32 {
        %broadcast_in_dim3A_869 = arith.constant 0.000000e+00 : f32
        %broadcast_in_dim3A_870 = vector.broadcast %broadcast_in_dim3A_869 : f32 to vector<16xf32>
        %mul3A_871 = arith.constant 16 : i32
        %mul3A_872 = arith.muli %scan3A_868, %mul3A_871 : i32
        %swap3A_873 = arith.index_cast %mul3A_872 : i32 to index
        %swap3A_874 = tpu.vector_load %arg12[%swap3A_873] {strides = array<i32>} : memref<3136xf32, #tpu.memory_space<vmem>>, vector<16xf32>,
        %swap3A_875 = vector.shape_cast %swap3A_874 : vector<16xf32> to vector<16xf32>
        %swap3A_876 = vector.shape_cast %broadcast_in_dim3A_870 : vector<16xf32> to vector<16xf32>
        tpu.vector_store %arg12[%swap3A_873], %swap3A_876 {strides = array<i32>} : memref<3136xf32, #tpu.memory_space<vmem>>, vector<16xf32>,
      }
      %scan3A_29 = arith.constant 196 : i32
      %broadcast_in_dim3A = arith.constant 1.000000e+00 : f32
      %broadcast_in_dim3A_30 = vector.broadcast %broadcast_in_dim3A : f32 to vector<16xf32>
      %swap3A = arith.constant 0 : index
      %swap3A_31 = tpu.vector_load %arg11[%swap3A] {strides = array<i32>} : memref<128xf32, #tpu.memory_space<vmem>>, vector<16xf32>,
      %swap3A_32 = vector.shape_cast %swap3A_31 : vector<16xf32> to vector<16xf32>
      %swap3A_33 = vector.shape_cast %broadcast_in_dim3A_30 : vector<16xf32> to vector<16xf32>
      tpu.vector_store %arg11[%swap3A], %swap3A_33 {strides = array<i32>} : memref<128xf32, #tpu.memory_space<vmem>>, vector<16xf32>,
      %broadcast_in_dim3A_34 = arith.constant 1.000000e+00 : f32
      %broadcast_in_dim3A_35 = vector.broadcast %broadcast_in_dim3A_34 : f32 to vector<16xf32>
      %swap3A_36 = arith.constant 16 : index
      %swap3A_37 = tpu.vector_load %arg11[%swap3A_36] {strides = array<i32>} : memref<128xf32, #tpu.memory_space<vmem>>, vector<16xf32>,
      %swap3A_38 = vector.shape_cast %swap3A_37 : vector<16xf32> to vector<16xf32>
      %swap3A_39 = vector.shape_cast %broadcast_in_dim3A_35 : vector<16xf32> to vector<16xf32>
      tpu.vector_store %arg11[%swap3A_36], %swap3A_39 {strides = array<i32>} : memref<128xf32, #tpu.memory_space<vmem>>, vector<16xf32>,
      %broadcast_in_dim3A_40 = arith.constant 1.000000e+00 : f32
      %broadcast_in_dim3A_41 = vector.broadcast %broadcast_in_dim3A_40 : f32 to vector<16xf32>
      %swap3A_42 = arith.constant 32 : index
      %swap3A_43 = tpu.vector_load %arg11[%swap3A_42] {strides = array<i32>} : memref<128xf32, #tpu.memory_space<vmem>>, vector<16xf32>,
      %swap3A_44 = vector.shape_cast %swap3A_43 : vector<16xf32> to vector<16xf32>
      %swap3A_45 = vector.shape_cast %broadcast_in_dim3A_41 : vector<16xf32> to vector<16xf32>
      tpu.vector_store %arg11[%swap3A_42], %swap3A_45 {strides = array<i32>} : memref<128xf32, #tpu.memory_space<vmem>>, vector<16xf32>,
      %broadcast_in_dim3A_46 = arith.constant 1.000000e+00 : f32
      %broadcast_in_dim3A_47 = vector.broadcast %broadcast_in_dim3A_46 : f32 to vector<16xf32>
      %swap3A_48 = arith.constant 48 : index
      %swap3A_49 = tpu.vector_load %arg11[%swap3A_48] {strides = array<i32>} : memref<128xf32, #tpu.memory_space<vmem>>, vector<16xf32>,
      %swap3A_50 = vector.shape_cast %swap3A_49 : vector<16xf32> to vector<16xf32>
      %swap3A_51 = vector.shape_cast %broadcast_in_dim3A_47 : vector<16xf32> to vector<16xf32>
      tpu.vector_store %arg11[%swap3A_48], %swap3A_51 {strides = array<i32>} : memref<128xf32, #tpu.memory_space<vmem>>, vector<16xf32>,
      %broadcast_in_dim3A_52 = arith.constant 1.000000e+00 : f32
      %broadcast_in_dim3A_53 = vector.broadcast %broadcast_in_dim3A_52 : f32 to vector<16xf32>
      %swap3A_54 = arith.constant 64 : index
      %swap3A_55 = tpu.vector_load %arg11[%swap3A_54] {strides = array<i32>} : memref<128xf32, #tpu.memory_space<vmem>>, vector<16xf32>,
      %swap3A_56 = vector.shape_cast %swap3A_55 : vector<16xf32> to vector<16xf32>
      %swap3A_57 = vector.shape_cast %broadcast_in_dim3A_53 : vector<16xf32> to vector<16xf32>
      tpu.vector_store %arg11[%swap3A_54], %swap3A_57 {strides = array<i32>} : memref<128xf32, #tpu.memory_space<vmem>>, vector<16xf32>,
      %broadcast_in_dim3A_58 = arith.constant 1.000000e+00 : f32
      %broadcast_in_dim3A_59 = vector.broadcast %broadcast_in_dim3A_58 : f32 to vector<16xf32>
      %swap3A_60 = arith.constant 80 : index
      %swap3A_61 = tpu.vector_load %arg11[%swap3A_60] {strides = array<i32>} : memref<128xf32, #tpu.memory_space<vmem>>, vector<16xf32>,
      %swap3A_62 = vector.shape_cast %swap3A_61 : vector<16xf32> to vector<16xf32>
      %swap3A_63 = vector.shape_cast %broadcast_in_dim3A_59 : vector<16xf32> to vector<16xf32>
      tpu.vector_store %arg11[%swap3A_60], %swap3A_63 {strides = array<i32>} : memref<128xf32, #tpu.memory_space<vmem>>, vector<16xf32>,
      %broadcast_in_dim3A_64 = arith.constant 1.000000e+00 : f32
      %broadcast_in_dim3A_65 = vector.broadcast %broadcast_in_dim3A_64 : f32 to vector<16xf32>
      %swap3A_66 = arith.constant 96 : index
      %swap3A_67 = tpu.vector_load %arg11[%swap3A_66] {strides = array<i32>} : memref<128xf32, #tpu.memory_space<vmem>>, vector<16xf32>,
      %swap3A_68 = vector.shape_cast %swap3A_67 : vector<16xf32> to vector<16xf32>
      %swap3A_69 = vector.shape_cast %broadcast_in_dim3A_65 : vector<16xf32> to vector<16xf32>
      tpu.vector_store %arg11[%swap3A_66], %swap3A_69 {strides = array<i32>} : memref<128xf32, #tpu.memory_space<vmem>>, vector<16xf32>,
      %broadcast_in_dim3A_70 = arith.constant 1.000000e+00 : f32
      %broadcast_in_dim3A_71 = vector.broadcast %broadcast_in_dim3A_70 : f32 to vector<16xf32>
      %swap3A_72 = arith.constant 112 : index
      %swap3A_73 = tpu.vector_load %arg11[%swap3A_72] {strides = array<i32>} : memref<128xf32, #tpu.memory_space<vmem>>, vector<16xf32>,
      %swap3A_74 = vector.shape_cast %swap3A_73 : vector<16xf32> to vector<16xf32>
      %swap3A_75 = vector.shape_cast %broadcast_in_dim3A_71 : vector<16xf32> to vector<16xf32>
      tpu.vector_store %arg11[%swap3A_72], %swap3A_75 {strides = array<i32>} : memref<128xf32, #tpu.memory_space<vmem>>, vector<16xf32>,
      %add3A_76 = arith.constant 0 : i32
      %add3A_77 = arith.addi %mul3A_0, %add3A_76 : i32
      %dma_start3A_78 = tpu.memref_slice %arg13[%add3A_77] : memref<802816xf32, #tpu.memory_space<vmem_shared>> -> memref<3136xf32, #tpu.memory_space<vmem_shared>>
      %dma_start3A_79 = tpu.memref_slice %arg13[%add3A_77] : memref<802816xf32, #tpu.memory_space<vmem_shared>> -> memref<3136xf32, #tpu.memory_space<vmem_shared>>
      tpu.enqueue_dma source(%arg12 : memref<3136xf32, #tpu.memory_space<vmem>>) target(%dma_start3A_79 : memref<3136xf32, #tpu.memory_space<vmem_shared>>) target_semaphore(%arg15 : memref<!tpu.dma_semaphore, #tpu.memory_space<semaphore_mem>>)
      %add3A_80 = arith.constant 3136 : i32
      %add3A_81 = arith.addi %mul3A_0, %add3A_80 : i32
      %dma_start3A_82 = tpu.memref_slice %arg13[%add3A_81] : memref<802816xf32, #tpu.memory_space<vmem_shared>> -> memref<3136xf32, #tpu.memory_space<vmem_shared>>
      %dma_start3A_83 = tpu.memref_slice %arg13[%add3A_81] : memref<802816xf32, #tpu.memory_space<vmem_shared>> -> memref<3136xf32, #tpu.memory_space<vmem_shared>>
      tpu.enqueue_dma source(%arg12 : memref<3136xf32, #tpu.memory_space<vmem>>) target(%dma_start3A_83 : memref<3136xf32, #tpu.memory_space<vmem_shared>>) target_semaphore(%arg15 : memref<!tpu.dma_semaphore, #tpu.memory_space<semaphore_mem>>)
      %add3A_84 = arith.constant 6272 : i32
      %add3A_85 = arith.addi %mul3A_0, %add3A_84 : i32
      %dma_start3A_86 = tpu.memref_slice %arg13[%add3A_85] : memref<802816xf32, #tpu.memory_space<vmem_shared>> -> memref<3136xf32, #tpu.memory_space<vmem_shared>>
      %dma_start3A_87 = tpu.memref_slice %arg13[%add3A_85] : memref<802816xf32, #tpu.memory_space<vmem_shared>> -> memref<3136xf32, #tpu.memory_space<vmem_shared>>
      tpu.enqueue_dma source(%arg12 : memref<3136xf32, #tpu.memory_space<vmem>>) target(%dma_start3A_87 : memref<3136xf32, #tpu.memory_space<vmem_shared>>) target_semaphore(%arg15 : memref<!tpu.dma_semaphore, #tpu.memory_space<semaphore_mem>>)
      %add3A_88 = arith.constant 9408 : i32
      %add3A_89 = arith.addi %mul3A_0, %add3A_88 : i32
      %dma_start3A_90 = tpu.memref_slice %arg13[%add3A_89] : memref<802816xf32, #tpu.memory_space<vmem_shared>> -> memref<3136xf32, #tpu.memory_space<vmem_shared>>
      %dma_start3A_91 = tpu.memref_slice %arg13[%add3A_89] : memref<802816xf32, #tpu.memory_space<vmem_shared>> -> memref<3136xf32, #tpu.memory_space<vmem_shared>>
      tpu.enqueue_dma source(%arg12 : memref<3136xf32, #tpu.memory_space<vmem>>) target(%dma_start3A_91 : memref<3136xf32, #tpu.memory_space<vmem_shared>>) target_semaphore(%arg15 : memref<!tpu.dma_semaphore, #tpu.memory_space<semaphore_mem>>)
      %add3A_92 = arith.constant 12544 : i32
      %add3A_93 = arith.addi %mul3A_0, %add3A_92 : i32
      %dma_start3A_94 = tpu.memref_slice %arg13[%add3A_93] : memref<802816xf32, #tpu.memory_space<vmem_shared>> -> memref<3136xf32, #tpu.memory_space<vmem_shared>>
      %dma_start3A_95 = tpu.memref_slice %arg13[%add3A_93] : memref<802816xf32, #tpu.memory_space<vmem_shared>> -> memref<3136xf32, #tpu.memory_space<vmem_shared>>
      tpu.enqueue_dma source(%arg12 : memref<3136xf32, #tpu.memory_space<vmem>>) target(%dma_start3A_95 : memref<3136xf32, #tpu.memory_space<vmem_shared>>) target_semaphore(%arg15 : memref<!tpu.dma_semaphore, #tpu.memory_space<semaphore_mem>>)
      %add3A_96 = arith.constant 15680 : i32
      %add3A_97 = arith.addi %mul3A_0, %add3A_96 : i32
      %dma_start3A_98 = tpu.memref_slice %arg13[%add3A_97] : memref<802816xf32, #tpu.memory_space<vmem_shared>> -> memref<3136xf32, #tpu.memory_space<vmem_shared>>
      %dma_start3A_99 = tpu.memref_slice %arg13[%add3A_97] : memref<802816xf32, #tpu.memory_space<vmem_shared>> -> memref<3136xf32, #tpu.memory_space<vmem_shared>>
      tpu.enqueue_dma source(%arg12 : memref<3136xf32, #tpu.memory_space<vmem>>) target(%dma_start3A_99 : memref<3136xf32, #tpu.memory_space<vmem_shared>>) target_semaphore(%arg15 : memref<!tpu.dma_semaphore, #tpu.memory_space<semaphore_mem>>)
      %add3A_100 = arith.constant 18816 : i32
      %add3A_101 = arith.addi %mul3A_0, %add3A_100 : i32
      %dma_start3A_102 = tpu.memref_slice %arg13[%add3A_101] : memref<802816xf32, #tpu.memory_space<vmem_shared>> -> memref<3136xf32, #tpu.memory_space<vmem_shared>>
      %dma_start3A_103 = tpu.memref_slice %arg13[%add3A_101] : memref<802816xf32, #tpu.memory_space<vmem_shared>> -> memref<3136xf32, #tpu.memory_space<vmem_shared>>
      tpu.enqueue_dma source(%arg12 : memref<3136xf32, #tpu.memory_space<vmem>>) target(%dma_start3A_103 : memref<3136xf32, #tpu.memory_space<vmem_shared>>) target_semaphore(%arg15 : memref<!tpu.dma_semaphore, #tpu.memory_space<semaphore_mem>>)
      %add3A_104 = arith.constant 21952 : i32
      %add3A_105 = arith.addi %mul3A_0, %add3A_104 : i32
      %dma_start3A_106 = tpu.memref_slice %arg13[%add3A_105] : memref<802816xf32, #tpu.memory_space<vmem_shared>> -> memref<3136xf32, #tpu.memory_space<vmem_shared>>
      %dma_start3A_107 = tpu.memref_slice %arg13[%add3A_105] : memref<802816xf32, #tpu.memory_space<vmem_shared>> -> memref<3136xf32, #tpu.memory_space<vmem_shared>>
      tpu.enqueue_dma source(%arg12 : memref<3136xf32, #tpu.memory_space<vmem>>) target(%dma_start3A_107 : memref<3136xf32, #tpu.memory_space<vmem_shared>>) target_semaphore(%arg15 : memref<!tpu.dma_semaphore, #tpu.memory_space<semaphore_mem>>)
      %add3A_108 = arith.constant 25088 : i32
      %add3A_109 = arith.addi %mul3A_0, %add3A_108 : i32
      %dma_start3A_110 = tpu.memref_slice %arg13[%add3A_109] : memref<802816xf32, #tpu.memory_space<vmem_shared>> -> memref<3136xf32, #tpu.memory_space<vmem_shared>>
      %dma_start3A_111 = tpu.memref_slice %arg13[%add3A_109] : memref<802816xf32, #tpu.memory_space<vmem_shared>> -> memref<3136xf32, #tpu.memory_space<vmem_shared>>
      tpu.enqueue_dma source(%arg12 : memref<3136xf32, #tpu.memory_space<vmem>>) target(%dma_start3A_111 : memref<3136xf32, #tpu.memory_space<vmem_shared>>) target_semaphore(%arg15 : memref<!tpu.dma_semaphore, #tpu.memory_space<semaphore_mem>>)
      %add3A_112 = arith.constant 28224 : i32
      %add3A_113 = arith.addi %mul3A_0, %add3A_112 : i32
      %dma_start3A_114 = tpu.memref_slice %arg13[%add3A_113] : memref<802816xf32, #tpu.memory_space<vmem_shared>> -> memref<3136xf32, #tpu.memory_space<vmem_shared>>
      %dma_start3A_115 = tpu.memref_slice %arg13[%add3A_113] : memref<802816xf32, #tpu.memory_space<vmem_shared>> -> memref<3136xf32, #tpu.memory_space<vmem_shared>>
      tpu.enqueue_dma source(%arg12 : memref<3136xf32, #tpu.memory_space<vmem>>) target(%dma_start3A_115 : memref<3136xf32, #tpu.memory_space<vmem_shared>>) target_semaphore(%arg15 : memref<!tpu.dma_semaphore, #tpu.memory_space<semaphore_mem>>)
      %add3A_116 = arith.constant 31360 : i32
      %add3A_117 = arith.addi %mul3A_0, %add3A_116 : i32
      %dma_start3A_118 = tpu.memref_slice %arg13[%add3A_117] : memref<802816xf32, #tpu.memory_space<vmem_shared>> -> memref<3136xf32, #tpu.memory_space<vmem_shared>>
      %dma_start3A_119 = tpu.memref_slice %arg13[%add3A_117] : memref<802816xf32, #tpu.memory_space<vmem_shared>> -> memref<3136xf32, #tpu.memory_space<vmem_shared>>
      tpu.enqueue_dma source(%arg12 : memref<3136xf32, #tpu.memory_space<vmem>>) target(%dma_start3A_119 : memref<3136xf32, #tpu.memory_space<vmem_shared>>) target_semaphore(%arg15 : memref<!tpu.dma_semaphore, #tpu.memory_space<semaphore_mem>>)
      %add3A_120 = arith.constant 34496 : i32
      %add3A_121 = arith.addi %mul3A_0, %add3A_120 : i32
      %dma_start3A_122 = tpu.memref_slice %arg13[%add3A_121] : memref<802816xf32, #tpu.memory_space<vmem_shared>> -> memref<3136xf32, #tpu.memory_space<vmem_shared>>
      %dma_start3A_123 = tpu.memref_slice %arg13[%add3A_121] : memref<802816xf32, #tpu.memory_space<vmem_shared>> -> memref<3136xf32, #tpu.memory_space<vmem_shared>>
      tpu.enqueue_dma source(%arg12 : memref<3136xf32, #tpu.memory_space<vmem>>) target(%dma_start3A_123 : memref<3136xf32, #tpu.memory_space<vmem_shared>>) target_semaphore(%arg15 : memref<!tpu.dma_semaphore, #tpu.memory_space<semaphore_mem>>)
      %add3A_124 = arith.constant 37632 : i32
      %add3A_125 = arith.addi %mul3A_0, %add3A_124 : i32
      %dma_start3A_126 = tpu.memref_slice %arg13[%add3A_125] : memref<802816xf32, #tpu.memory_space<vmem_shared>> -> memref<3136xf32, #tpu.memory_space<vmem_shared>>
      %dma_start3A_127 = tpu.memref_slice %arg13[%add3A_125] : memref<802816xf32, #tpu.memory_space<vmem_shared>> -> memref<3136xf32, #tpu.memory_space<vmem_shared>>
      tpu.enqueue_dma source(%arg12 : memref<3136xf32, #tpu.memory_space<vmem>>) target(%dma_start3A_127 : memref<3136xf32, #tpu.memory_space<vmem_shared>>) target_semaphore(%arg15 : memref<!tpu.dma_semaphore, #tpu.memory_space<semaphore_mem>>)
      %add3A_128 = arith.constant 40768 : i32
      %add3A_129 = arith.addi %mul3A_0, %add3A_128 : i32
      %dma_start3A_130 = tpu.memref_slice %arg13[%add3A_129] : memref<802816xf32, #tpu.memory_space<vmem_shared>> -> memref<3136xf32, #tpu.memory_space<vmem_shared>>
      %dma_start3A_131 = tpu.memref_slice %arg13[%add3A_129] : memref<802816xf32, #tpu.memory_space<vmem_shared>> -> memref<3136xf32, #tpu.memory_space<vmem_shared>>
      tpu.enqueue_dma source(%arg12 : memref<3136xf32, #tpu.memory_space<vmem>>) target(%dma_start3A_131 : memref<3136xf32, #tpu.memory_space<vmem_shared>>) target_semaphore(%arg15 : memref<!tpu.dma_semaphore, #tpu.memory_space<semaphore_mem>>)
      %add3A_132 = arith.constant 43904 : i32
      %add3A_133 = arith.addi %mul3A_0, %add3A_132 : i32
      %dma_start3A_134 = tpu.memref_slice %arg13[%add3A_133] : memref<802816xf32, #tpu.memory_space<vmem_shared>> -> memref<3136xf32, #tpu.memory_space<vmem_shared>>
      %dma_start3A_135 = tpu.memref_slice %arg13[%add3A_133] : memref<802816xf32, #tpu.memory_space<vmem_shared>> -> memref<3136xf32, #tpu.memory_space<vmem_shared>>
      tpu.enqueue_dma source(%arg12 : memref<3136xf32, #tpu.memory_space<vmem>>) target(%dma_start3A_135 : memref<3136xf32, #tpu.memory_space<vmem_shared>>) target_semaphore(%arg15 : memref<!tpu.dma_semaphore, #tpu.memory_space<semaphore_mem>>)
      %add3A_136 = arith.constant 47040 : i32
      %add3A_137 = arith.addi %mul3A_0, %add3A_136 : i32
      %dma_start3A_138 = tpu.memref_slice %arg13[%add3A_137] : memref<802816xf32, #tpu.memory_space<vmem_shared>> -> memref<3136xf32, #tpu.memory_space<vmem_shared>>
      %dma_start3A_139 = tpu.memref_slice %arg13[%add3A_137] : memref<802816xf32, #tpu.memory_space<vmem_shared>> -> memref<3136xf32, #tpu.memory_space<vmem_shared>>
      tpu.enqueue_dma source(%arg12 : memref<3136xf32, #tpu.memory_space<vmem>>) target(%dma_start3A_139 : memref<3136xf32, #tpu.memory_space<vmem_shared>>) target_semaphore(%arg15 : memref<!tpu.dma_semaphore, #tpu.memory_space<semaphore_mem>>)
      %add3A_140 = arith.constant 0 : i32
      %add3A_141 = arith.addi %mul3A_0, %add3A_140 : i32
      %dma_start3A_142 = tpu.memref_slice %arg14[%add3A_141] : memref<802816xf32, #tpu.memory_space<vmem_shared>> -> memref<3136xf32, #tpu.memory_space<vmem_shared>>
      %dma_start3A_143 = tpu.memref_slice %arg14[%add3A_141] : memref<802816xf32, #tpu.memory_space<vmem_shared>> -> memref<3136xf32, #tpu.memory_space<vmem_shared>>
      tpu.enqueue_dma source(%arg12 : memref<3136xf32, #tpu.memory_space<vmem>>) target(%dma_start3A_143 : memref<3136xf32, #tpu.memory_space<vmem_shared>>) target_semaphore(%arg15 : memref<!tpu.dma_semaphore, #tpu.memory_space<semaphore_mem>>)
      %add3A_144 = arith.constant 3136 : i32
      %add3A_145 = arith.addi %mul3A_0, %add3A_144 : i32
      %dma_start3A_146 = tpu.memref_slice %arg14[%add3A_145] : memref<802816xf32, #tpu.memory_space<vmem_shared>> -> memref<3136xf32, #tpu.memory_space<vmem_shared>>
      %dma_start3A_147 = tpu.memref_slice %arg14[%add3A_145] : memref<802816xf32, #tpu.memory_space<vmem_shared>> -> memref<3136xf32, #tpu.memory_space<vmem_shared>>
      tpu.enqueue_dma source(%arg12 : memref<3136xf32, #tpu.memory_space<vmem>>) target(%dma_start3A_147 : memref<3136xf32, #tpu.memory_space<vmem_shared>>) target_semaphore(%arg15 : memref<!tpu.dma_semaphore, #tpu.memory_space<semaphore_mem>>)
      %add3A_148 = arith.constant 6272 : i32
      %add3A_149 = arith.addi %mul3A_0, %add3A_148 : i32
      %dma_start3A_150 = tpu.memref_slice %arg14[%add3A_149] : memref<802816xf32, #tpu.memory_space<vmem_shared>> -> memref<3136xf32, #tpu.memory_space<vmem_shared>>
      %dma_start3A_151 = tpu.memref_slice %arg14[%add3A_149] : memref<802816xf32, #tpu.memory_space<vmem_shared>> -> memref<3136xf32, #tpu.memory_space<vmem_shared>>
      tpu.enqueue_dma source(%arg12 : memref<3136xf32, #tpu.memory_space<vmem>>) target(%dma_start3A_151 : memref<3136xf32, #tpu.memory_space<vmem_shared>>) target_semaphore(%arg15 : memref<!tpu.dma_semaphore, #tpu.memory_space<semaphore_mem>>)
      %add3A_152 = arith.constant 9408 : i32
      %add3A_153 = arith.addi %mul3A_0, %add3A_152 : i32
      %dma_start3A_154 = tpu.memref_slice %arg14[%add3A_153] : memref<802816xf32, #tpu.memory_space<vmem_shared>> -> memref<3136xf32, #tpu.memory_space<vmem_shared>>
      %dma_start3A_155 = tpu.memref_slice %arg14[%add3A_153] : memref<802816xf32, #tpu.memory_space<vmem_shared>> -> memref<3136xf32, #tpu.memory_space<vmem_shared>>
      tpu.enqueue_dma source(%arg12 : memref<3136xf32, #tpu.memory_space<vmem>>) target(%dma_start3A_155 : memref<3136xf32, #tpu.memory_space<vmem_shared>>) target_semaphore(%arg15 : memref<!tpu.dma_semaphore, #tpu.memory_space<semaphore_mem>>)
      %add3A_156 = arith.constant 12544 : i32
      %add3A_157 = arith.addi %mul3A_0, %add3A_156 : i32
      %dma_start3A_158 = tpu.memref_slice %arg14[%add3A_157] : memref<802816xf32, #tpu.memory_space<vmem_shared>> -> memref<3136xf32, #tpu.memory_space<vmem_shared>>
      %dma_start3A_159 = tpu.memref_slice %arg14[%add3A_157] : memref<802816xf32, #tpu.memory_space<vmem_shared>> -> memref<3136xf32, #tpu.memory_space<vmem_shared>>
      tpu.enqueue_dma source(%arg12 : memref<3136xf32, #tpu.memory_space<vmem>>) target(%dma_start3A_159 : memref<3136xf32, #tpu.memory_space<vmem_shared>>) target_semaphore(%arg15 : memref<!tpu.dma_semaphore, #tpu.memory_space<semaphore_mem>>)
      %add3A_160 = arith.constant 15680 : i32
      %add3A_161 = arith.addi %mul3A_0, %add3A_160 : i32
      %dma_start3A_162 = tpu.memref_slice %arg14[%add3A_161] : memref<802816xf32, #tpu.memory_space<vmem_shared>> -> memref<3136xf32, #tpu.memory_space<vmem_shared>>
      %dma_start3A_163 = tpu.memref_slice %arg14[%add3A_161] : memref<802816xf32, #tpu.memory_space<vmem_shared>> -> memref<3136xf32, #tpu.memory_space<vmem_shared>>
      tpu.enqueue_dma source(%arg12 : memref<3136xf32, #tpu.memory_space<vmem>>) target(%dma_start3A_163 : memref<3136xf32, #tpu.memory_space<vmem_shared>>) target_semaphore(%arg15 : memref<!tpu.dma_semaphore, #tpu.memory_space<semaphore_mem>>)
      %add3A_164 = arith.constant 18816 : i32
      %add3A_165 = arith.addi %mul3A_0, %add3A_164 : i32
      %dma_start3A_166 = tpu.memref_slice %arg14[%add3A_165] : memref<802816xf32, #tpu.memory_space<vmem_shared>> -> memref<3136xf32, #tpu.memory_space<vmem_shared>>
      %dma_start3A_167 = tpu.memref_slice %arg14[%add3A_165] : memref<802816xf32, #tpu.memory_space<vmem_shared>> -> memref<3136xf32, #tpu.memory_space<vmem_shared>>
      tpu.enqueue_dma source(%arg12 : memref<3136xf32, #tpu.memory_space<vmem>>) target(%dma_start3A_167 : memref<3136xf32, #tpu.memory_space<vmem_shared>>) target_semaphore(%arg15 : memref<!tpu.dma_semaphore, #tpu.memory_space<semaphore_mem>>)
      %add3A_168 = arith.constant 21952 : i32
      %add3A_169 = arith.addi %mul3A_0, %add3A_168 : i32
      %dma_start3A_170 = tpu.memref_slice %arg14[%add3A_169] : memref<802816xf32, #tpu.memory_space<vmem_shared>> -> memref<3136xf32, #tpu.memory_space<vmem_shared>>
      %dma_start3A_171 = tpu.memref_slice %arg14[%add3A_169] : memref<802816xf32, #tpu.memory_space<vmem_shared>> -> memref<3136xf32, #tpu.memory_space<vmem_shared>>
      tpu.enqueue_dma source(%arg12 : memref<3136xf32, #tpu.memory_space<vmem>>) target(%dma_start3A_171 : memref<3136xf32, #tpu.memory_space<vmem_shared>>) target_semaphore(%arg15 : memref<!tpu.dma_semaphore, #tpu.memory_space<semaphore_mem>>)
      %add3A_172 = arith.constant 25088 : i32
      %add3A_173 = arith.addi %mul3A_0, %add3A_172 : i32
      %dma_start3A_174 = tpu.memref_slice %arg14[%add3A_173] : memref<802816xf32, #tpu.memory_space<vmem_shared>> -> memref<3136xf32, #tpu.memory_space<vmem_shared>>
      %dma_start3A_175 = tpu.memref_slice %arg14[%add3A_173] : memref<802816xf32, #tpu.memory_space<vmem_shared>> -> memref<3136xf32, #tpu.memory_space<vmem_shared>>
      tpu.enqueue_dma source(%arg12 : memref<3136xf32, #tpu.memory_space<vmem>>) target(%dma_start3A_175 : memref<3136xf32, #tpu.memory_space<vmem_shared>>) target_semaphore(%arg15 : memref<!tpu.dma_semaphore, #tpu.memory_space<semaphore_mem>>)
      %add3A_176 = arith.constant 28224 : i32
      %add3A_177 = arith.addi %mul3A_0, %add3A_176 : i32
      %dma_start3A_178 = tpu.memref_slice %arg14[%add3A_177] : memref<802816xf32, #tpu.memory_space<vmem_shared>> -> memref<3136xf32, #tpu.memory_space<vmem_shared>>
      %dma_start3A_179 = tpu.memref_slice %arg14[%add3A_177] : memref<802816xf32, #tpu.memory_space<vmem_shared>> -> memref<3136xf32, #tpu.memory_space<vmem_shared>>
      tpu.enqueue_dma source(%arg12 : memref<3136xf32, #tpu.memory_space<vmem>>) target(%dma_start3A_179 : memref<3136xf32, #tpu.memory_space<vmem_shared>>) target_semaphore(%arg15 : memref<!tpu.dma_semaphore, #tpu.memory_space<semaphore_mem>>)
      %add3A_180 = arith.constant 31360 : i32
      %add3A_181 = arith.addi %mul3A_0, %add3A_180 : i32
      %dma_start3A_182 = tpu.memref_slice %arg14[%add3A_181] : memref<802816xf32, #tpu.memory_space<vmem_shared>> -> memref<3136xf32, #tpu.memory_space<vmem_shared>>
      %dma_start3A_183 = tpu.memref_slice %arg14[%add3A_181] : memref<802816xf32, #tpu.memory_space<vmem_shared>> -> memref<3136xf32, #tpu.memory_space<vmem_shared>>
      tpu.enqueue_dma source(%arg12 : memref<3136xf32, #tpu.memory_space<vmem>>) target(%dma_start3A_183 : memref<3136xf32, #tpu.memory_space<vmem_shared>>) target_semaphore(%arg15 : memref<!tpu.dma_semaphore, #tpu.memory_space<semaphore_mem>>)
      %add3A_184 = arith.constant 34496 : i32
      %add3A_185 = arith.addi %mul3A_0, %add3A_184 : i32
      %dma_start3A_186 = tpu.memref_slice %arg14[%add3A_185] : memref<802816xf32, #tpu.memory_space<vmem_shared>> -> memref<3136xf32, #tpu.memory_space<vmem_shared>>
      %dma_start3A_187 = tpu.memref_slice %arg14[%add3A_185] : memref<802816xf32, #tpu.memory_space<vmem_shared>> -> memref<3136xf32, #tpu.memory_space<vmem_shared>>
      tpu.enqueue_dma source(%arg12 : memref<3136xf32, #tpu.memory_space<vmem>>) target(%dma_start3A_187 : memref<3136xf32, #tpu.memory_space<vmem_shared>>) target_semaphore(%arg15 : memref<!tpu.dma_semaphore, #tpu.memory_space<semaphore_mem>>)
      %add3A_188 = arith.constant 37632 : i32
      %add3A_189 = arith.addi %mul3A_0, %add3A_188 : i32
      %dma_start3A_190 = tpu.memref_slice %arg14[%add3A_189] : memref<802816xf32, #tpu.memory_space<vmem_shared>> -> memref<3136xf32, #tpu.memory_space<vmem_shared>>
      %dma_start3A_191 = tpu.memref_slice %arg14[%add3A_189] : memref<802816xf32, #tpu.memory_space<vmem_shared>> -> memref<3136xf32, #tpu.memory_space<vmem_shared>>
      tpu.enqueue_dma source(%arg12 : memref<3136xf32, #tpu.memory_space<vmem>>) target(%dma_start3A_191 : memref<3136xf32, #tpu.memory_space<vmem_shared>>) target_semaphore(%arg15 : memref<!tpu.dma_semaphore, #tpu.memory_space<semaphore_mem>>)
      %add3A_192 = arith.constant 40768 : i32
      %add3A_193 = arith.addi %mul3A_0, %add3A_192 : i32
      %dma_start3A_194 = tpu.memref_slice %arg14[%add3A_193] : memref<802816xf32, #tpu.memory_space<vmem_shared>> -> memref<3136xf32, #tpu.memory_space<vmem_shared>>
      %dma_start3A_195 = tpu.memref_slice %arg14[%add3A_193] : memref<802816xf32, #tpu.memory_space<vmem_shared>> -> memref<3136xf32, #tpu.memory_space<vmem_shared>>
      tpu.enqueue_dma source(%arg12 : memref<3136xf32, #tpu.memory_space<vmem>>) target(%dma_start3A_195 : memref<3136xf32, #tpu.memory_space<vmem_shared>>) target_semaphore(%arg15 : memref<!tpu.dma_semaphore, #tpu.memory_space<semaphore_mem>>)
      %add3A_196 = arith.constant 43904 : i32
      %add3A_197 = arith.addi %mul3A_0, %add3A_196 : i32
      %dma_start3A_198 = tpu.memref_slice %arg14[%add3A_197] : memref<802816xf32, #tpu.memory_space<vmem_shared>> -> memref<3136xf32, #tpu.memory_space<vmem_shared>>
      %dma_start3A_199 = tpu.memref_slice %arg14[%add3A_197] : memref<802816xf32, #tpu.memory_space<vmem_shared>> -> memref<3136xf32, #tpu.memory_space<vmem_shared>>
      tpu.enqueue_dma source(%arg12 : memref<3136xf32, #tpu.memory_space<vmem>>) target(%dma_start3A_199 : memref<3136xf32, #tpu.memory_space<vmem_shared>>) target_semaphore(%arg15 : memref<!tpu.dma_semaphore, #tpu.memory_space<semaphore_mem>>)
      %add3A_200 = arith.constant 47040 : i32
      %add3A_201 = arith.addi %mul3A_0, %add3A_200 : i32
      %dma_start3A_202 = tpu.memref_slice %arg14[%add3A_201] : memref<802816xf32, #tpu.memory_space<vmem_shared>> -> memref<3136xf32, #tpu.memory_space<vmem_shared>>
      %dma_start3A_203 = tpu.memref_slice %arg14[%add3A_201] : memref<802816xf32, #tpu.memory_space<vmem_shared>> -> memref<3136xf32, #tpu.memory_space<vmem_shared>>
      tpu.enqueue_dma source(%arg12 : memref<3136xf32, #tpu.memory_space<vmem>>) target(%dma_start3A_203 : memref<3136xf32, #tpu.memory_space<vmem_shared>>) target_semaphore(%arg15 : memref<!tpu.dma_semaphore, #tpu.memory_space<semaphore_mem>>)
      %dma_wait3A = arith.constant 0 : i32
      %dma_wait3A_204 = arith.constant 0 : i32
      %dma_wait3A_205 = tpu.memref_slice %arg2[%arg1, %dma_wait3A, %dma_wait3A_204] : memref<16x32x128xi32, #tpu.memory_space<hbm>> -> memref<1x32x128xi32, #tpu.memory_space<hbm>>
      %dma_wait3A_206 = tpu.memref_squeeze %dma_wait3A_205 : memref<1x32x128xi32, #tpu.memory_space<hbm>> -> memref<32x128xi32, #tpu.memory_space<hbm>>
      %dma_wait3A_207 = arith.constant 0 : i32
      %dma_wait3A_208 = arith.constant 0 : i32
      %dma_wait3A_209 = tpu.memref_slice %arg2[%arg1, %dma_wait3A_207, %dma_wait3A_208] : memref<16x32x128xi32, #tpu.memory_space<hbm>> -> memref<1x32x128xi32, #tpu.memory_space<hbm>>
      %dma_wait3A_210 = tpu.memref_squeeze %dma_wait3A_209 : memref<1x32x128xi32, #tpu.memory_space<hbm>> -> memref<32x128xi32, #tpu.memory_space<hbm>>
      tpu.wait_dma2 semaphore(%arg15 : memref<!tpu.dma_semaphore, #tpu.memory_space<semaphore_mem>>) src(%dma_wait3A_210 : memref<32x128xi32, #tpu.memory_space<hbm>>) dst(%arg9 : memref<32x128xi32, #tpu.memory_space<vmem>>)
      %dma_wait3A_211 = arith.constant 0 : i32
      %dma_wait3A_212 = arith.constant 0 : i32
      %dma_wait3A_213 = tpu.memref_slice %arg4[%add3A, %dma_wait3A_211, %dma_wait3A_212] : memref<32x16x128xi32, #tpu.memory_space<hbm>> -> memref<1x16x128xi32, #tpu.memory_space<hbm>>
      %dma_wait3A_214 = tpu.memref_squeeze %dma_wait3A_213 : memref<1x16x128xi32, #tpu.memory_space<hbm>> -> memref<16x128xi32, #tpu.memory_space<hbm>>
      %dma_wait3A_215 = arith.constant 0 : i32
      %dma_wait3A_216 = arith.constant 0 : i32
      %dma_wait3A_217 = tpu.memref_slice %arg4[%add3A, %dma_wait3A_215, %dma_wait3A_216] : memref<32x16x128xi32, #tpu.memory_space<hbm>> -> memref<1x16x128xi32, #tpu.memory_space<hbm>>
      %dma_wait3A_218 = tpu.memref_squeeze %dma_wait3A_217 : memref<1x16x128xi32, #tpu.memory_space<hbm>> -> memref<16x128xi32, #tpu.memory_space<hbm>>
      tpu.wait_dma2 semaphore(%arg15 : memref<!tpu.dma_semaphore, #tpu.memory_space<semaphore_mem>>) src(%dma_wait3A_218 : memref<16x128xi32, #tpu.memory_space<hbm>>) dst(%arg10 : memref<16x128xi32, #tpu.memory_space<vmem>>)
      %dma_wait3A_219 = tpu.memref_slice %arg13[%add3A_77] : memref<802816xf32, #tpu.memory_space<vmem_shared>> -> memref<3136xf32, #tpu.memory_space<vmem_shared>>
      %dma_wait3A_220 = tpu.memref_slice %arg13[%add3A_77] : memref<802816xf32, #tpu.memory_space<vmem_shared>> -> memref<3136xf32, #tpu.memory_space<vmem_shared>>
      tpu.wait_dma2 semaphore(%arg15 : memref<!tpu.dma_semaphore, #tpu.memory_space<semaphore_mem>>) src(%arg12 : memref<3136xf32, #tpu.memory_space<vmem>>) dst(%dma_wait3A_220 : memref<3136xf32, #tpu.memory_space<vmem_shared>>)
      %dma_wait3A_221 = tpu.memref_slice %arg13[%add3A_81] : memref<802816xf32, #tpu.memory_space<vmem_shared>> -> memref<3136xf32, #tpu.memory_space<vmem_shared>>
      %dma_wait3A_222 = tpu.memref_slice %arg13[%add3A_81] : memref<802816xf32, #tpu.memory_space<vmem_shared>> -> memref<3136xf32, #tpu.memory_space<vmem_shared>>
      tpu.wait_dma2 semaphore(%arg15 : memref<!tpu.dma_semaphore, #tpu.memory_space<semaphore_mem>>) src(%arg12 : memref<3136xf32, #tpu.memory_space<vmem>>) dst(%dma_wait3A_222 : memref<3136xf32, #tpu.memory_space<vmem_shared>>)
      %dma_wait3A_223 = tpu.memref_slice %arg13[%add3A_85] : memref<802816xf32, #tpu.memory_space<vmem_shared>> -> memref<3136xf32, #tpu.memory_space<vmem_shared>>
      %dma_wait3A_224 = tpu.memref_slice %arg13[%add3A_85] : memref<802816xf32, #tpu.memory_space<vmem_shared>> -> memref<3136xf32, #tpu.memory_space<vmem_shared>>
      tpu.wait_dma2 semaphore(%arg15 : memref<!tpu.dma_semaphore, #tpu.memory_space<semaphore_mem>>) src(%arg12 : memref<3136xf32, #tpu.memory_space<vmem>>) dst(%dma_wait3A_224 : memref<3136xf32, #tpu.memory_space<vmem_shared>>)
      %dma_wait3A_225 = tpu.memref_slice %arg13[%add3A_89] : memref<802816xf32, #tpu.memory_space<vmem_shared>> -> memref<3136xf32, #tpu.memory_space<vmem_shared>>
      %dma_wait3A_226 = tpu.memref_slice %arg13[%add3A_89] : memref<802816xf32, #tpu.memory_space<vmem_shared>> -> memref<3136xf32, #tpu.memory_space<vmem_shared>>
      tpu.wait_dma2 semaphore(%arg15 : memref<!tpu.dma_semaphore, #tpu.memory_space<semaphore_mem>>) src(%arg12 : memref<3136xf32, #tpu.memory_space<vmem>>) dst(%dma_wait3A_226 : memref<3136xf32, #tpu.memory_space<vmem_shared>>)
      %dma_wait3A_227 = tpu.memref_slice %arg13[%add3A_93] : memref<802816xf32, #tpu.memory_space<vmem_shared>> -> memref<3136xf32, #tpu.memory_space<vmem_shared>>
      %dma_wait3A_228 = tpu.memref_slice %arg13[%add3A_93] : memref<802816xf32, #tpu.memory_space<vmem_shared>> -> memref<3136xf32, #tpu.memory_space<vmem_shared>>
      tpu.wait_dma2 semaphore(%arg15 : memref<!tpu.dma_semaphore, #tpu.memory_space<semaphore_mem>>) src(%arg12 : memref<3136xf32, #tpu.memory_space<vmem>>) dst(%dma_wait3A_228 : memref<3136xf32, #tpu.memory_space<vmem_shared>>)
      %dma_wait3A_229 = tpu.memref_slice %arg13[%add3A_97] : memref<802816xf32, #tpu.memory_space<vmem_shared>> -> memref<3136xf32, #tpu.memory_space<vmem_shared>>
      %dma_wait3A_230 = tpu.memref_slice %arg13[%add3A_97] : memref<802816xf32, #tpu.memory_space<vmem_shared>> -> memref<3136xf32, #tpu.memory_space<vmem_shared>>
      tpu.wait_dma2 semaphore(%arg15 : memref<!tpu.dma_semaphore, #tpu.memory_space<semaphore_mem>>) src(%arg12 : memref<3136xf32, #tpu.memory_space<vmem>>) dst(%dma_wait3A_230 : memref<3136xf32, #tpu.memory_space<vmem_shared>>)
      %dma_wait3A_231 = tpu.memref_slice %arg13[%add3A_101] : memref<802816xf32, #tpu.memory_space<vmem_shared>> -> memref<3136xf32, #tpu.memory_space<vmem_shared>>
      %dma_wait3A_232 = tpu.memref_slice %arg13[%add3A_101] : memref<802816xf32, #tpu.memory_space<vmem_shared>> -> memref<3136xf32, #tpu.memory_space<vmem_shared>>
      tpu.wait_dma2 semaphore(%arg15 : memref<!tpu.dma_semaphore, #tpu.memory_space<semaphore_mem>>) src(%arg12 : memref<3136xf32, #tpu.memory_space<vmem>>) dst(%dma_wait3A_232 : memref<3136xf32, #tpu.memory_space<vmem_shared>>)
      %dma_wait3A_233 = tpu.memref_slice %arg13[%add3A_105] : memref<802816xf32, #tpu.memory_space<vmem_shared>> -> memref<3136xf32, #tpu.memory_space<vmem_shared>>
      %dma_wait3A_234 = tpu.memref_slice %arg13[%add3A_105] : memref<802816xf32, #tpu.memory_space<vmem_shared>> -> memref<3136xf32, #tpu.memory_space<vmem_shared>>
      tpu.wait_dma2 semaphore(%arg15 : memref<!tpu.dma_semaphore, #tpu.memory_space<semaphore_mem>>) src(%arg12 : memref<3136xf32, #tpu.memory_space<vmem>>) dst(%dma_wait3A_234 : memref<3136xf32, #tpu.memory_space<vmem_shared>>)
      %dma_wait3A_235 = tpu.memref_slice %arg13[%add3A_109] : memref<802816xf32, #tpu.memory_space<vmem_shared>> -> memref<3136xf32, #tpu.memory_space<vmem_shared>>
      %dma_wait3A_236 = tpu.memref_slice %arg13[%add3A_109] : memref<802816xf32, #tpu.memory_space<vmem_shared>> -> memref<3136xf32, #tpu.memory_space<vmem_shared>>
      tpu.wait_dma2 semaphore(%arg15 : memref<!tpu.dma_semaphore, #tpu.memory_space<semaphore_mem>>) src(%arg12 : memref<3136xf32, #tpu.memory_space<vmem>>) dst(%dma_wait3A_236 : memref<3136xf32, #tpu.memory_space<vmem_shared>>)
      %dma_wait3A_237 = tpu.memref_slice %arg13[%add3A_113] : memref<802816xf32, #tpu.memory_space<vmem_shared>> -> memref<3136xf32, #tpu.memory_space<vmem_shared>>
      %dma_wait3A_238 = tpu.memref_slice %arg13[%add3A_113] : memref<802816xf32, #tpu.memory_space<vmem_shared>> -> memref<3136xf32, #tpu.memory_space<vmem_shared>>
      tpu.wait_dma2 semaphore(%arg15 : memref<!tpu.dma_semaphore, #tpu.memory_space<semaphore_mem>>) src(%arg12 : memref<3136xf32, #tpu.memory_space<vmem>>) dst(%dma_wait3A_238 : memref<3136xf32, #tpu.memory_space<vmem_shared>>)
      %dma_wait3A_239 = tpu.memref_slice %arg13[%add3A_117] : memref<802816xf32, #tpu.memory_space<vmem_shared>> -> memref<3136xf32, #tpu.memory_space<vmem_shared>>
      %dma_wait3A_240 = tpu.memref_slice %arg13[%add3A_117] : memref<802816xf32, #tpu.memory_space<vmem_shared>> -> memref<3136xf32, #tpu.memory_space<vmem_shared>>
      tpu.wait_dma2 semaphore(%arg15 : memref<!tpu.dma_semaphore, #tpu.memory_space<semaphore_mem>>) src(%arg12 : memref<3136xf32, #tpu.memory_space<vmem>>) dst(%dma_wait3A_240 : memref<3136xf32, #tpu.memory_space<vmem_shared>>)
      %dma_wait3A_241 = tpu.memref_slice %arg13[%add3A_121] : memref<802816xf32, #tpu.memory_space<vmem_shared>> -> memref<3136xf32, #tpu.memory_space<vmem_shared>>
      %dma_wait3A_242 = tpu.memref_slice %arg13[%add3A_121] : memref<802816xf32, #tpu.memory_space<vmem_shared>> -> memref<3136xf32, #tpu.memory_space<vmem_shared>>
      tpu.wait_dma2 semaphore(%arg15 : memref<!tpu.dma_semaphore, #tpu.memory_space<semaphore_mem>>) src(%arg12 : memref<3136xf32, #tpu.memory_space<vmem>>) dst(%dma_wait3A_242 : memref<3136xf32, #tpu.memory_space<vmem_shared>>)
      %dma_wait3A_243 = tpu.memref_slice %arg13[%add3A_125] : memref<802816xf32, #tpu.memory_space<vmem_shared>> -> memref<3136xf32, #tpu.memory_space<vmem_shared>>
      %dma_wait3A_244 = tpu.memref_slice %arg13[%add3A_125] : memref<802816xf32, #tpu.memory_space<vmem_shared>> -> memref<3136xf32, #tpu.memory_space<vmem_shared>>
      tpu.wait_dma2 semaphore(%arg15 : memref<!tpu.dma_semaphore, #tpu.memory_space<semaphore_mem>>) src(%arg12 : memref<3136xf32, #tpu.memory_space<vmem>>) dst(%dma_wait3A_244 : memref<3136xf32, #tpu.memory_space<vmem_shared>>)
      %dma_wait3A_245 = tpu.memref_slice %arg13[%add3A_129] : memref<802816xf32, #tpu.memory_space<vmem_shared>> -> memref<3136xf32, #tpu.memory_space<vmem_shared>>
      %dma_wait3A_246 = tpu.memref_slice %arg13[%add3A_129] : memref<802816xf32, #tpu.memory_space<vmem_shared>> -> memref<3136xf32, #tpu.memory_space<vmem_shared>>
      tpu.wait_dma2 semaphore(%arg15 : memref<!tpu.dma_semaphore, #tpu.memory_space<semaphore_mem>>) src(%arg12 : memref<3136xf32, #tpu.memory_space<vmem>>) dst(%dma_wait3A_246 : memref<3136xf32, #tpu.memory_space<vmem_shared>>)
      %dma_wait3A_247 = tpu.memref_slice %arg13[%add3A_133] : memref<802816xf32, #tpu.memory_space<vmem_shared>> -> memref<3136xf32, #tpu.memory_space<vmem_shared>>
      %dma_wait3A_248 = tpu.memref_slice %arg13[%add3A_133] : memref<802816xf32, #tpu.memory_space<vmem_shared>> -> memref<3136xf32, #tpu.memory_space<vmem_shared>>
      tpu.wait_dma2 semaphore(%arg15 : memref<!tpu.dma_semaphore, #tpu.memory_space<semaphore_mem>>) src(%arg12 : memref<3136xf32, #tpu.memory_space<vmem>>) dst(%dma_wait3A_248 : memref<3136xf32, #tpu.memory_space<vmem_shared>>)
      %dma_wait3A_249 = tpu.memref_slice %arg13[%add3A_137] : memref<802816xf32, #tpu.memory_space<vmem_shared>> -> memref<3136xf32, #tpu.memory_space<vmem_shared>>
      %dma_wait3A_250 = tpu.memref_slice %arg13[%add3A_137] : memref<802816xf32, #tpu.memory_space<vmem_shared>> -> memref<3136xf32, #tpu.memory_space<vmem_shared>>
      tpu.wait_dma2 semaphore(%arg15 : memref<!tpu.dma_semaphore, #tpu.memory_space<semaphore_mem>>) src(%arg12 : memref<3136xf32, #tpu.memory_space<vmem>>) dst(%dma_wait3A_250 : memref<3136xf32, #tpu.memory_space<vmem_shared>>)
      %dma_wait3A_251 = tpu.memref_slice %arg14[%add3A_141] : memref<802816xf32, #tpu.memory_space<vmem_shared>> -> memref<3136xf32, #tpu.memory_space<vmem_shared>>
      %dma_wait3A_252 = tpu.memref_slice %arg14[%add3A_141] : memref<802816xf32, #tpu.memory_space<vmem_shared>> -> memref<3136xf32, #tpu.memory_space<vmem_shared>>
      tpu.wait_dma2 semaphore(%arg15 : memref<!tpu.dma_semaphore, #tpu.memory_space<semaphore_mem>>) src(%arg12 : memref<3136xf32, #tpu.memory_space<vmem>>) dst(%dma_wait3A_252 : memref<3136xf32, #tpu.memory_space<vmem_shared>>)
      %dma_wait3A_253 = tpu.memref_slice %arg14[%add3A_145] : memref<802816xf32, #tpu.memory_space<vmem_shared>> -> memref<3136xf32, #tpu.memory_space<vmem_shared>>
      %dma_wait3A_254 = tpu.memref_slice %arg14[%add3A_145] : memref<802816xf32, #tpu.memory_space<vmem_shared>> -> memref<3136xf32, #tpu.memory_space<vmem_shared>>
      tpu.wait_dma2 semaphore(%arg15 : memref<!tpu.dma_semaphore, #tpu.memory_space<semaphore_mem>>) src(%arg12 : memref<3136xf32, #tpu.memory_space<vmem>>) dst(%dma_wait3A_254 : memref<3136xf32, #tpu.memory_space<vmem_shared>>)
      %dma_wait3A_255 = tpu.memref_slice %arg14[%add3A_149] : memref<802816xf32, #tpu.memory_space<vmem_shared>> -> memref<3136xf32, #tpu.memory_space<vmem_shared>>
      %dma_wait3A_256 = tpu.memref_slice %arg14[%add3A_149] : memref<802816xf32, #tpu.memory_space<vmem_shared>> -> memref<3136xf32, #tpu.memory_space<vmem_shared>>
      tpu.wait_dma2 semaphore(%arg15 : memref<!tpu.dma_semaphore, #tpu.memory_space<semaphore_mem>>) src(%arg12 : memref<3136xf32, #tpu.memory_space<vmem>>) dst(%dma_wait3A_256 : memref<3136xf32, #tpu.memory_space<vmem_shared>>)
      %dma_wait3A_257 = tpu.memref_slice %arg14[%add3A_153] : memref<802816xf32, #tpu.memory_space<vmem_shared>> -> memref<3136xf32, #tpu.memory_space<vmem_shared>>
      %dma_wait3A_258 = tpu.memref_slice %arg14[%add3A_153] : memref<802816xf32, #tpu.memory_space<vmem_shared>> -> memref<3136xf32, #tpu.memory_space<vmem_shared>>
      tpu.wait_dma2 semaphore(%arg15 : memref<!tpu.dma_semaphore, #tpu.memory_space<semaphore_mem>>) src(%arg12 : memref<3136xf32, #tpu.memory_space<vmem>>) dst(%dma_wait3A_258 : memref<3136xf32, #tpu.memory_space<vmem_shared>>)
      %dma_wait3A_259 = tpu.memref_slice %arg14[%add3A_157] : memref<802816xf32, #tpu.memory_space<vmem_shared>> -> memref<3136xf32, #tpu.memory_space<vmem_shared>>
      %dma_wait3A_260 = tpu.memref_slice %arg14[%add3A_157] : memref<802816xf32, #tpu.memory_space<vmem_shared>> -> memref<3136xf32, #tpu.memory_space<vmem_shared>>
      tpu.wait_dma2 semaphore(%arg15 : memref<!tpu.dma_semaphore, #tpu.memory_space<semaphore_mem>>) src(%arg12 : memref<3136xf32, #tpu.memory_space<vmem>>) dst(%dma_wait3A_260 : memref<3136xf32, #tpu.memory_space<vmem_shared>>)
      %dma_wait3A_261 = tpu.memref_slice %arg14[%add3A_161] : memref<802816xf32, #tpu.memory_space<vmem_shared>> -> memref<3136xf32, #tpu.memory_space<vmem_shared>>
      %dma_wait3A_262 = tpu.memref_slice %arg14[%add3A_161] : memref<802816xf32, #tpu.memory_space<vmem_shared>> -> memref<3136xf32, #tpu.memory_space<vmem_shared>>
      tpu.wait_dma2 semaphore(%arg15 : memref<!tpu.dma_semaphore, #tpu.memory_space<semaphore_mem>>) src(%arg12 : memref<3136xf32, #tpu.memory_space<vmem>>) dst(%dma_wait3A_262 : memref<3136xf32, #tpu.memory_space<vmem_shared>>)
      %dma_wait3A_263 = tpu.memref_slice %arg14[%add3A_165] : memref<802816xf32, #tpu.memory_space<vmem_shared>> -> memref<3136xf32, #tpu.memory_space<vmem_shared>>
      %dma_wait3A_264 = tpu.memref_slice %arg14[%add3A_165] : memref<802816xf32, #tpu.memory_space<vmem_shared>> -> memref<3136xf32, #tpu.memory_space<vmem_shared>>
      tpu.wait_dma2 semaphore(%arg15 : memref<!tpu.dma_semaphore, #tpu.memory_space<semaphore_mem>>) src(%arg12 : memref<3136xf32, #tpu.memory_space<vmem>>) dst(%dma_wait3A_264 : memref<3136xf32, #tpu.memory_space<vmem_shared>>)
      %dma_wait3A_265 = tpu.memref_slice %arg14[%add3A_169] : memref<802816xf32, #tpu.memory_space<vmem_shared>> -> memref<3136xf32, #tpu.memory_space<vmem_shared>>
      %dma_wait3A_266 = tpu.memref_slice %arg14[%add3A_169] : memref<802816xf32, #tpu.memory_space<vmem_shared>> -> memref<3136xf32, #tpu.memory_space<vmem_shared>>
      tpu.wait_dma2 semaphore(%arg15 : memref<!tpu.dma_semaphore, #tpu.memory_space<semaphore_mem>>) src(%arg12 : memref<3136xf32, #tpu.memory_space<vmem>>) dst(%dma_wait3A_266 : memref<3136xf32, #tpu.memory_space<vmem_shared>>)
      %dma_wait3A_267 = tpu.memref_slice %arg14[%add3A_173] : memref<802816xf32, #tpu.memory_space<vmem_shared>> -> memref<3136xf32, #tpu.memory_space<vmem_shared>>
      %dma_wait3A_268 = tpu.memref_slice %arg14[%add3A_173] : memref<802816xf32, #tpu.memory_space<vmem_shared>> -> memref<3136xf32, #tpu.memory_space<vmem_shared>>
      tpu.wait_dma2 semaphore(%arg15 : memref<!tpu.dma_semaphore, #tpu.memory_space<semaphore_mem>>) src(%arg12 : memref<3136xf32, #tpu.memory_space<vmem>>) dst(%dma_wait3A_268 : memref<3136xf32, #tpu.memory_space<vmem_shared>>)
      %dma_wait3A_269 = tpu.memref_slice %arg14[%add3A_177] : memref<802816xf32, #tpu.memory_space<vmem_shared>> -> memref<3136xf32, #tpu.memory_space<vmem_shared>>
      %dma_wait3A_270 = tpu.memref_slice %arg14[%add3A_177] : memref<802816xf32, #tpu.memory_space<vmem_shared>> -> memref<3136xf32, #tpu.memory_space<vmem_shared>>
      tpu.wait_dma2 semaphore(%arg15 : memref<!tpu.dma_semaphore, #tpu.memory_space<semaphore_mem>>) src(%arg12 : memref<3136xf32, #tpu.memory_space<vmem>>) dst(%dma_wait3A_270 : memref<3136xf32, #tpu.memory_space<vmem_shared>>)
      %dma_wait3A_271 = tpu.memref_slice %arg14[%add3A_181] : memref<802816xf32, #tpu.memory_space<vmem_shared>> -> memref<3136xf32, #tpu.memory_space<vmem_shared>>
      %dma_wait3A_272 = tpu.memref_slice %arg14[%add3A_181] : memref<802816xf32, #tpu.memory_space<vmem_shared>> -> memref<3136xf32, #tpu.memory_space<vmem_shared>>
      tpu.wait_dma2 semaphore(%arg15 : memref<!tpu.dma_semaphore, #tpu.memory_space<semaphore_mem>>) src(%arg12 : memref<3136xf32, #tpu.memory_space<vmem>>) dst(%dma_wait3A_272 : memref<3136xf32, #tpu.memory_space<vmem_shared>>)
      %dma_wait3A_273 = tpu.memref_slice %arg14[%add3A_185] : memref<802816xf32, #tpu.memory_space<vmem_shared>> -> memref<3136xf32, #tpu.memory_space<vmem_shared>>
      %dma_wait3A_274 = tpu.memref_slice %arg14[%add3A_185] : memref<802816xf32, #tpu.memory_space<vmem_shared>> -> memref<3136xf32, #tpu.memory_space<vmem_shared>>
      tpu.wait_dma2 semaphore(%arg15 : memref<!tpu.dma_semaphore, #tpu.memory_space<semaphore_mem>>) src(%arg12 : memref<3136xf32, #tpu.memory_space<vmem>>) dst(%dma_wait3A_274 : memref<3136xf32, #tpu.memory_space<vmem_shared>>)
      %dma_wait3A_275 = tpu.memref_slice %arg14[%add3A_189] : memref<802816xf32, #tpu.memory_space<vmem_shared>> -> memref<3136xf32, #tpu.memory_space<vmem_shared>>
      %dma_wait3A_276 = tpu.memref_slice %arg14[%add3A_189] : memref<802816xf32, #tpu.memory_space<vmem_shared>> -> memref<3136xf32, #tpu.memory_space<vmem_shared>>
      tpu.wait_dma2 semaphore(%arg15 : memref<!tpu.dma_semaphore, #tpu.memory_space<semaphore_mem>>) src(%arg12 : memref<3136xf32, #tpu.memory_space<vmem>>) dst(%dma_wait3A_276 : memref<3136xf32, #tpu.memory_space<vmem_shared>>)
      %dma_wait3A_277 = tpu.memref_slice %arg14[%add3A_193] : memref<802816xf32, #tpu.memory_space<vmem_shared>> -> memref<3136xf32, #tpu.memory_space<vmem_shared>>
      %dma_wait3A_278 = tpu.memref_slice %arg14[%add3A_193] : memref<802816xf32, #tpu.memory_space<vmem_shared>> -> memref<3136xf32, #tpu.memory_space<vmem_shared>>
      tpu.wait_dma2 semaphore(%arg15 : memref<!tpu.dma_semaphore, #tpu.memory_space<semaphore_mem>>) src(%arg12 : memref<3136xf32, #tpu.memory_space<vmem>>) dst(%dma_wait3A_278 : memref<3136xf32, #tpu.memory_space<vmem_shared>>)
      %dma_wait3A_279 = tpu.memref_slice %arg14[%add3A_197] : memref<802816xf32, #tpu.memory_space<vmem_shared>> -> memref<3136xf32, #tpu.memory_space<vmem_shared>>
      %dma_wait3A_280 = tpu.memref_slice %arg14[%add3A_197] : memref<802816xf32, #tpu.memory_space<vmem_shared>> -> memref<3136xf32, #tpu.memory_space<vmem_shared>>
      tpu.wait_dma2 semaphore(%arg15 : memref<!tpu.dma_semaphore, #tpu.memory_space<semaphore_mem>>) src(%arg12 : memref<3136xf32, #tpu.memory_space<vmem>>) dst(%dma_wait3A_280 : memref<3136xf32, #tpu.memory_space<vmem_shared>>)
      %dma_wait3A_281 = tpu.memref_slice %arg14[%add3A_201] : memref<802816xf32, #tpu.memory_space<vmem_shared>> -> memref<3136xf32, #tpu.memory_space<vmem_shared>>
      %dma_wait3A_282 = tpu.memref_slice %arg14[%add3A_201] : memref<802816xf32, #tpu.memory_space<vmem_shared>> -> memref<3136xf32, #tpu.memory_space<vmem_shared>>
      tpu.wait_dma2 semaphore(%arg15 : memref<!tpu.dma_semaphore, #tpu.memory_space<semaphore_mem>>) src(%arg12 : memref<3136xf32, #tpu.memory_space<vmem>>) dst(%dma_wait3A_282 : memref<3136xf32, #tpu.memory_space<vmem_shared>>)
      %barrier3A = arith.constant 0 : index
      tpu.barrier barrier_id(%barrier3A)
      %dma_start3A_283 = arith.constant 0 : i32
      %dma_start3A_284 = arith.constant 0 : i32
      %dma_start3A_285 = tpu.memref_slice %arg9[%dma_start3A_283, %dma_start3A_284] : memref<32x128xi32, #tpu.memory_space<vmem>> -> memref<1x128xi32, #tpu.memory_space<vmem>>
      %dma_start3A_286 = tpu.memref_squeeze %dma_start3A_285 : memref<1x128xi32, #tpu.memory_space<vmem>> -> memref<128xi32, #tpu.memory_space<vmem>>
      %dma_start3A_287 = arith.constant 0 : i32
      %dma_start3A_288 = tpu.memref_slice %arg13[%dma_start3A_287] : memref<802816xf32, #tpu.memory_space<vmem_shared>> -> memref<802816xf32, #tpu.memory_space<vmem_shared>>
      tpu.enqueue_indirect_dma source(%arg11 : memref<128xf32, #tpu.memory_space<vmem>>) target(%dma_start3A_288 : memref<802816xf32, #tpu.memory_space<vmem_shared>>) offsets(%dma_start3A_286 : memref<128xi32, #tpu.memory_space<vmem>>) semaphore(%arg15 : memref<!tpu.dma_semaphore, #tpu.memory_space<semaphore_mem>>) {add = true}
      %dma_start3A_289 = arith.constant 1 : i32
      %dma_start3A_290 = arith.constant 0 : i32
      %dma_start3A_291 = tpu.memref_slice %arg9[%dma_start3A_289, %dma_start3A_290] : memref<32x128xi32, #tpu.memory_space<vmem>> -> memref<1x128xi32, #tpu.memory_space<vmem>>
      %dma_start3A_292 = tpu.memref_squeeze %dma_start3A_291 : memref<1x128xi32, #tpu.memory_space<vmem>> -> memref<128xi32, #tpu.memory_space<vmem>>
      %dma_start3A_293 = arith.constant 0 : i32
      %dma_start3A_294 = tpu.memref_slice %arg13[%dma_start3A_293] : memref<802816xf32, #tpu.memory_space<vmem_shared>> -> memref<802816xf32, #tpu.memory_space<vmem_shared>>
      tpu.enqueue_indirect_dma source(%arg11 : memref<128xf32, #tpu.memory_space<vmem>>) target(%dma_start3A_294 : memref<802816xf32, #tpu.memory_space<vmem_shared>>) offsets(%dma_start3A_292 : memref<128xi32, #tpu.memory_space<vmem>>) semaphore(%arg15 : memref<!tpu.dma_semaphore, #tpu.memory_space<semaphore_mem>>) {add = true}
      %dma_start3A_295 = arith.constant 2 : i32
      %dma_start3A_296 = arith.constant 0 : i32
      %dma_start3A_297 = tpu.memref_slice %arg9[%dma_start3A_295, %dma_start3A_296] : memref<32x128xi32, #tpu.memory_space<vmem>> -> memref<1x128xi32, #tpu.memory_space<vmem>>
      %dma_start3A_298 = tpu.memref_squeeze %dma_start3A_297 : memref<1x128xi32, #tpu.memory_space<vmem>> -> memref<128xi32, #tpu.memory_space<vmem>>
      %dma_start3A_299 = arith.constant 0 : i32
      %dma_start3A_300 = tpu.memref_slice %arg13[%dma_start3A_299] : memref<802816xf32, #tpu.memory_space<vmem_shared>> -> memref<802816xf32, #tpu.memory_space<vmem_shared>>
      tpu.enqueue_indirect_dma source(%arg11 : memref<128xf32, #tpu.memory_space<vmem>>) target(%dma_start3A_300 : memref<802816xf32, #tpu.memory_space<vmem_shared>>) offsets(%dma_start3A_298 : memref<128xi32, #tpu.memory_space<vmem>>) semaphore(%arg15 : memref<!tpu.dma_semaphore, #tpu.memory_space<semaphore_mem>>) {add = true}
      %dma_start3A_301 = arith.constant 3 : i32
      %dma_start3A_302 = arith.constant 0 : i32
      %dma_start3A_303 = tpu.memref_slice %arg9[%dma_start3A_301, %dma_start3A_302] : memref<32x128xi32, #tpu.memory_space<vmem>> -> memref<1x128xi32, #tpu.memory_space<vmem>>
      %dma_start3A_304 = tpu.memref_squeeze %dma_start3A_303 : memref<1x128xi32, #tpu.memory_space<vmem>> -> memref<128xi32, #tpu.memory_space<vmem>>
      %dma_start3A_305 = arith.constant 0 : i32
      %dma_start3A_306 = tpu.memref_slice %arg13[%dma_start3A_305] : memref<802816xf32, #tpu.memory_space<vmem_shared>> -> memref<802816xf32, #tpu.memory_space<vmem_shared>>
      tpu.enqueue_indirect_dma source(%arg11 : memref<128xf32, #tpu.memory_space<vmem>>) target(%dma_start3A_306 : memref<802816xf32, #tpu.memory_space<vmem_shared>>) offsets(%dma_start3A_304 : memref<128xi32, #tpu.memory_space<vmem>>) semaphore(%arg15 : memref<!tpu.dma_semaphore, #tpu.memory_space<semaphore_mem>>) {add = true}
      %dma_start3A_307 = arith.constant 4 : i32
      %dma_start3A_308 = arith.constant 0 : i32
      %dma_start3A_309 = tpu.memref_slice %arg9[%dma_start3A_307, %dma_start3A_308] : memref<32x128xi32, #tpu.memory_space<vmem>> -> memref<1x128xi32, #tpu.memory_space<vmem>>
      %dma_start3A_310 = tpu.memref_squeeze %dma_start3A_309 : memref<1x128xi32, #tpu.memory_space<vmem>> -> memref<128xi32, #tpu.memory_space<vmem>>
      %dma_start3A_311 = arith.constant 0 : i32
      %dma_start3A_312 = tpu.memref_slice %arg13[%dma_start3A_311] : memref<802816xf32, #tpu.memory_space<vmem_shared>> -> memref<802816xf32, #tpu.memory_space<vmem_shared>>
      tpu.enqueue_indirect_dma source(%arg11 : memref<128xf32, #tpu.memory_space<vmem>>) target(%dma_start3A_312 : memref<802816xf32, #tpu.memory_space<vmem_shared>>) offsets(%dma_start3A_310 : memref<128xi32, #tpu.memory_space<vmem>>) semaphore(%arg15 : memref<!tpu.dma_semaphore, #tpu.memory_space<semaphore_mem>>) {add = true}
      %dma_start3A_313 = arith.constant 5 : i32
      %dma_start3A_314 = arith.constant 0 : i32
      %dma_start3A_315 = tpu.memref_slice %arg9[%dma_start3A_313, %dma_start3A_314] : memref<32x128xi32, #tpu.memory_space<vmem>> -> memref<1x128xi32, #tpu.memory_space<vmem>>
      %dma_start3A_316 = tpu.memref_squeeze %dma_start3A_315 : memref<1x128xi32, #tpu.memory_space<vmem>> -> memref<128xi32, #tpu.memory_space<vmem>>
      %dma_start3A_317 = arith.constant 0 : i32
      %dma_start3A_318 = tpu.memref_slice %arg13[%dma_start3A_317] : memref<802816xf32, #tpu.memory_space<vmem_shared>> -> memref<802816xf32, #tpu.memory_space<vmem_shared>>
      tpu.enqueue_indirect_dma source(%arg11 : memref<128xf32, #tpu.memory_space<vmem>>) target(%dma_start3A_318 : memref<802816xf32, #tpu.memory_space<vmem_shared>>) offsets(%dma_start3A_316 : memref<128xi32, #tpu.memory_space<vmem>>) semaphore(%arg15 : memref<!tpu.dma_semaphore, #tpu.memory_space<semaphore_mem>>) {add = true}
      %dma_start3A_319 = arith.constant 6 : i32
      %dma_start3A_320 = arith.constant 0 : i32
      %dma_start3A_321 = tpu.memref_slice %arg9[%dma_start3A_319, %dma_start3A_320] : memref<32x128xi32, #tpu.memory_space<vmem>> -> memref<1x128xi32, #tpu.memory_space<vmem>>
      %dma_start3A_322 = tpu.memref_squeeze %dma_start3A_321 : memref<1x128xi32, #tpu.memory_space<vmem>> -> memref<128xi32, #tpu.memory_space<vmem>>
      %dma_start3A_323 = arith.constant 0 : i32
      %dma_start3A_324 = tpu.memref_slice %arg13[%dma_start3A_323] : memref<802816xf32, #tpu.memory_space<vmem_shared>> -> memref<802816xf32, #tpu.memory_space<vmem_shared>>
      tpu.enqueue_indirect_dma source(%arg11 : memref<128xf32, #tpu.memory_space<vmem>>) target(%dma_start3A_324 : memref<802816xf32, #tpu.memory_space<vmem_shared>>) offsets(%dma_start3A_322 : memref<128xi32, #tpu.memory_space<vmem>>) semaphore(%arg15 : memref<!tpu.dma_semaphore, #tpu.memory_space<semaphore_mem>>) {add = true}
      %dma_start3A_325 = arith.constant 7 : i32
      %dma_start3A_326 = arith.constant 0 : i32
      %dma_start3A_327 = tpu.memref_slice %arg9[%dma_start3A_325, %dma_start3A_326] : memref<32x128xi32, #tpu.memory_space<vmem>> -> memref<1x128xi32, #tpu.memory_space<vmem>>
      %dma_start3A_328 = tpu.memref_squeeze %dma_start3A_327 : memref<1x128xi32, #tpu.memory_space<vmem>> -> memref<128xi32, #tpu.memory_space<vmem>>
      %dma_start3A_329 = arith.constant 0 : i32
      %dma_start3A_330 = tpu.memref_slice %arg13[%dma_start3A_329] : memref<802816xf32, #tpu.memory_space<vmem_shared>> -> memref<802816xf32, #tpu.memory_space<vmem_shared>>
      tpu.enqueue_indirect_dma source(%arg11 : memref<128xf32, #tpu.memory_space<vmem>>) target(%dma_start3A_330 : memref<802816xf32, #tpu.memory_space<vmem_shared>>) offsets(%dma_start3A_328 : memref<128xi32, #tpu.memory_space<vmem>>) semaphore(%arg15 : memref<!tpu.dma_semaphore, #tpu.memory_space<semaphore_mem>>) {add = true}
      %dma_start3A_331 = arith.constant 8 : i32
      %dma_start3A_332 = arith.constant 0 : i32
      %dma_start3A_333 = tpu.memref_slice %arg9[%dma_start3A_331, %dma_start3A_332] : memref<32x128xi32, #tpu.memory_space<vmem>> -> memref<1x128xi32, #tpu.memory_space<vmem>>
      %dma_start3A_334 = tpu.memref_squeeze %dma_start3A_333 : memref<1x128xi32, #tpu.memory_space<vmem>> -> memref<128xi32, #tpu.memory_space<vmem>>
      %dma_start3A_335 = arith.constant 0 : i32
      %dma_start3A_336 = tpu.memref_slice %arg13[%dma_start3A_335] : memref<802816xf32, #tpu.memory_space<vmem_shared>> -> memref<802816xf32, #tpu.memory_space<vmem_shared>>
      tpu.enqueue_indirect_dma source(%arg11 : memref<128xf32, #tpu.memory_space<vmem>>) target(%dma_start3A_336 : memref<802816xf32, #tpu.memory_space<vmem_shared>>) offsets(%dma_start3A_334 : memref<128xi32, #tpu.memory_space<vmem>>) semaphore(%arg15 : memref<!tpu.dma_semaphore, #tpu.memory_space<semaphore_mem>>) {add = true}
      %dma_start3A_337 = arith.constant 9 : i32
      %dma_start3A_338 = arith.constant 0 : i32
      %dma_start3A_339 = tpu.memref_slice %arg9[%dma_start3A_337, %dma_start3A_338] : memref<32x128xi32, #tpu.memory_space<vmem>> -> memref<1x128xi32, #tpu.memory_space<vmem>>
      %dma_start3A_340 = tpu.memref_squeeze %dma_start3A_339 : memref<1x128xi32, #tpu.memory_space<vmem>> -> memref<128xi32, #tpu.memory_space<vmem>>
      %dma_start3A_341 = arith.constant 0 : i32
      %dma_start3A_342 = tpu.memref_slice %arg13[%dma_start3A_341] : memref<802816xf32, #tpu.memory_space<vmem_shared>> -> memref<802816xf32, #tpu.memory_space<vmem_shared>>
      tpu.enqueue_indirect_dma source(%arg11 : memref<128xf32, #tpu.memory_space<vmem>>) target(%dma_start3A_342 : memref<802816xf32, #tpu.memory_space<vmem_shared>>) offsets(%dma_start3A_340 : memref<128xi32, #tpu.memory_space<vmem>>) semaphore(%arg15 : memref<!tpu.dma_semaphore, #tpu.memory_space<semaphore_mem>>) {add = true}
      %dma_start3A_343 = arith.constant 10 : i32
      %dma_start3A_344 = arith.constant 0 : i32
      %dma_start3A_345 = tpu.memref_slice %arg9[%dma_start3A_343, %dma_start3A_344] : memref<32x128xi32, #tpu.memory_space<vmem>> -> memref<1x128xi32, #tpu.memory_space<vmem>>
      %dma_start3A_346 = tpu.memref_squeeze %dma_start3A_345 : memref<1x128xi32, #tpu.memory_space<vmem>> -> memref<128xi32, #tpu.memory_space<vmem>>
      %dma_start3A_347 = arith.constant 0 : i32
      %dma_start3A_348 = tpu.memref_slice %arg13[%dma_start3A_347] : memref<802816xf32, #tpu.memory_space<vmem_shared>> -> memref<802816xf32, #tpu.memory_space<vmem_shared>>
      tpu.enqueue_indirect_dma source(%arg11 : memref<128xf32, #tpu.memory_space<vmem>>) target(%dma_start3A_348 : memref<802816xf32, #tpu.memory_space<vmem_shared>>) offsets(%dma_start3A_346 : memref<128xi32, #tpu.memory_space<vmem>>) semaphore(%arg15 : memref<!tpu.dma_semaphore, #tpu.memory_space<semaphore_mem>>) {add = true}
      %dma_start3A_349 = arith.constant 11 : i32
      %dma_start3A_350 = arith.constant 0 : i32
      %dma_start3A_351 = tpu.memref_slice %arg9[%dma_start3A_349, %dma_start3A_350] : memref<32x128xi32, #tpu.memory_space<vmem>> -> memref<1x128xi32, #tpu.memory_space<vmem>>
      %dma_start3A_352 = tpu.memref_squeeze %dma_start3A_351 : memref<1x128xi32, #tpu.memory_space<vmem>> -> memref<128xi32, #tpu.memory_space<vmem>>
      %dma_start3A_353 = arith.constant 0 : i32
      %dma_start3A_354 = tpu.memref_slice %arg13[%dma_start3A_353] : memref<802816xf32, #tpu.memory_space<vmem_shared>> -> memref<802816xf32, #tpu.memory_space<vmem_shared>>
      tpu.enqueue_indirect_dma source(%arg11 : memref<128xf32, #tpu.memory_space<vmem>>) target(%dma_start3A_354 : memref<802816xf32, #tpu.memory_space<vmem_shared>>) offsets(%dma_start3A_352 : memref<128xi32, #tpu.memory_space<vmem>>) semaphore(%arg15 : memref<!tpu.dma_semaphore, #tpu.memory_space<semaphore_mem>>) {add = true}
      %dma_start3A_355 = arith.constant 12 : i32
      %dma_start3A_356 = arith.constant 0 : i32
      %dma_start3A_357 = tpu.memref_slice %arg9[%dma_start3A_355, %dma_start3A_356] : memref<32x128xi32, #tpu.memory_space<vmem>> -> memref<1x128xi32, #tpu.memory_space<vmem>>
      %dma_start3A_358 = tpu.memref_squeeze %dma_start3A_357 : memref<1x128xi32, #tpu.memory_space<vmem>> -> memref<128xi32, #tpu.memory_space<vmem>>
      %dma_start3A_359 = arith.constant 0 : i32
      %dma_start3A_360 = tpu.memref_slice %arg13[%dma_start3A_359] : memref<802816xf32, #tpu.memory_space<vmem_shared>> -> memref<802816xf32, #tpu.memory_space<vmem_shared>>
      tpu.enqueue_indirect_dma source(%arg11 : memref<128xf32, #tpu.memory_space<vmem>>) target(%dma_start3A_360 : memref<802816xf32, #tpu.memory_space<vmem_shared>>) offsets(%dma_start3A_358 : memref<128xi32, #tpu.memory_space<vmem>>) semaphore(%arg15 : memref<!tpu.dma_semaphore, #tpu.memory_space<semaphore_mem>>) {add = true}
      %dma_start3A_361 = arith.constant 13 : i32
      %dma_start3A_362 = arith.constant 0 : i32
      %dma_start3A_363 = tpu.memref_slice %arg9[%dma_start3A_361, %dma_start3A_362] : memref<32x128xi32, #tpu.memory_space<vmem>> -> memref<1x128xi32, #tpu.memory_space<vmem>>
      %dma_start3A_364 = tpu.memref_squeeze %dma_start3A_363 : memref<1x128xi32, #tpu.memory_space<vmem>> -> memref<128xi32, #tpu.memory_space<vmem>>
      %dma_start3A_365 = arith.constant 0 : i32
      %dma_start3A_366 = tpu.memref_slice %arg13[%dma_start3A_365] : memref<802816xf32, #tpu.memory_space<vmem_shared>> -> memref<802816xf32, #tpu.memory_space<vmem_shared>>
      tpu.enqueue_indirect_dma source(%arg11 : memref<128xf32, #tpu.memory_space<vmem>>) target(%dma_start3A_366 : memref<802816xf32, #tpu.memory_space<vmem_shared>>) offsets(%dma_start3A_364 : memref<128xi32, #tpu.memory_space<vmem>>) semaphore(%arg15 : memref<!tpu.dma_semaphore, #tpu.memory_space<semaphore_mem>>) {add = true}
      %dma_start3A_367 = arith.constant 14 : i32
      %dma_start3A_368 = arith.constant 0 : i32
      %dma_start3A_369 = tpu.memref_slice %arg9[%dma_start3A_367, %dma_start3A_368] : memref<32x128xi32, #tpu.memory_space<vmem>> -> memref<1x128xi32, #tpu.memory_space<vmem>>
      %dma_start3A_370 = tpu.memref_squeeze %dma_start3A_369 : memref<1x128xi32, #tpu.memory_space<vmem>> -> memref<128xi32, #tpu.memory_space<vmem>>
      %dma_start3A_371 = arith.constant 0 : i32
      %dma_start3A_372 = tpu.memref_slice %arg13[%dma_start3A_371] : memref<802816xf32, #tpu.memory_space<vmem_shared>> -> memref<802816xf32, #tpu.memory_space<vmem_shared>>
      tpu.enqueue_indirect_dma source(%arg11 : memref<128xf32, #tpu.memory_space<vmem>>) target(%dma_start3A_372 : memref<802816xf32, #tpu.memory_space<vmem_shared>>) offsets(%dma_start3A_370 : memref<128xi32, #tpu.memory_space<vmem>>) semaphore(%arg15 : memref<!tpu.dma_semaphore, #tpu.memory_space<semaphore_mem>>) {add = true}
      %dma_start3A_373 = arith.constant 15 : i32
      %dma_start3A_374 = arith.constant 0 : i32
      %dma_start3A_375 = tpu.memref_slice %arg9[%dma_start3A_373, %dma_start3A_374] : memref<32x128xi32, #tpu.memory_space<vmem>> -> memref<1x128xi32, #tpu.memory_space<vmem>>
      %dma_start3A_376 = tpu.memref_squeeze %dma_start3A_375 : memref<1x128xi32, #tpu.memory_space<vmem>> -> memref<128xi32, #tpu.memory_space<vmem>>
      %dma_start3A_377 = arith.constant 0 : i32
      %dma_start3A_378 = tpu.memref_slice %arg13[%dma_start3A_377] : memref<802816xf32, #tpu.memory_space<vmem_shared>> -> memref<802816xf32, #tpu.memory_space<vmem_shared>>
      tpu.enqueue_indirect_dma source(%arg11 : memref<128xf32, #tpu.memory_space<vmem>>) target(%dma_start3A_378 : memref<802816xf32, #tpu.memory_space<vmem_shared>>) offsets(%dma_start3A_376 : memref<128xi32, #tpu.memory_space<vmem>>) semaphore(%arg15 : memref<!tpu.dma_semaphore, #tpu.memory_space<semaphore_mem>>) {add = true}
      %dma_start3A_379 = arith.constant 16 : i32
      %dma_start3A_380 = arith.constant 0 : i32
      %dma_start3A_381 = tpu.memref_slice %arg9[%dma_start3A_379, %dma_start3A_380] : memref<32x128xi32, #tpu.memory_space<vmem>> -> memref<1x128xi32, #tpu.memory_space<vmem>>
      %dma_start3A_382 = tpu.memref_squeeze %dma_start3A_381 : memref<1x128xi32, #tpu.memory_space<vmem>> -> memref<128xi32, #tpu.memory_space<vmem>>
      %dma_start3A_383 = arith.constant 0 : i32
      %dma_start3A_384 = tpu.memref_slice %arg13[%dma_start3A_383] : memref<802816xf32, #tpu.memory_space<vmem_shared>> -> memref<802816xf32, #tpu.memory_space<vmem_shared>>
      tpu.enqueue_indirect_dma source(%arg11 : memref<128xf32, #tpu.memory_space<vmem>>) target(%dma_start3A_384 : memref<802816xf32, #tpu.memory_space<vmem_shared>>) offsets(%dma_start3A_382 : memref<128xi32, #tpu.memory_space<vmem>>) semaphore(%arg15 : memref<!tpu.dma_semaphore, #tpu.memory_space<semaphore_mem>>) {add = true}
      %dma_start3A_385 = arith.constant 17 : i32
      %dma_start3A_386 = arith.constant 0 : i32
      %dma_start3A_387 = tpu.memref_slice %arg9[%dma_start3A_385, %dma_start3A_386] : memref<32x128xi32, #tpu.memory_space<vmem>> -> memref<1x128xi32, #tpu.memory_space<vmem>>
      %dma_start3A_388 = tpu.memref_squeeze %dma_start3A_387 : memref<1x128xi32, #tpu.memory_space<vmem>> -> memref<128xi32, #tpu.memory_space<vmem>>
      %dma_start3A_389 = arith.constant 0 : i32
      %dma_start3A_390 = tpu.memref_slice %arg13[%dma_start3A_389] : memref<802816xf32, #tpu.memory_space<vmem_shared>> -> memref<802816xf32, #tpu.memory_space<vmem_shared>>
      tpu.enqueue_indirect_dma source(%arg11 : memref<128xf32, #tpu.memory_space<vmem>>) target(%dma_start3A_390 : memref<802816xf32, #tpu.memory_space<vmem_shared>>) offsets(%dma_start3A_388 : memref<128xi32, #tpu.memory_space<vmem>>) semaphore(%arg15 : memref<!tpu.dma_semaphore, #tpu.memory_space<semaphore_mem>>) {add = true}
      %dma_start3A_391 = arith.constant 18 : i32
      %dma_start3A_392 = arith.constant 0 : i32
      %dma_start3A_393 = tpu.memref_slice %arg9[%dma_start3A_391, %dma_start3A_392] : memref<32x128xi32, #tpu.memory_space<vmem>> -> memref<1x128xi32, #tpu.memory_space<vmem>>
      %dma_start3A_394 = tpu.memref_squeeze %dma_start3A_393 : memref<1x128xi32, #tpu.memory_space<vmem>> -> memref<128xi32, #tpu.memory_space<vmem>>
      %dma_start3A_395 = arith.constant 0 : i32
      %dma_start3A_396 = tpu.memref_slice %arg13[%dma_start3A_395] : memref<802816xf32, #tpu.memory_space<vmem_shared>> -> memref<802816xf32, #tpu.memory_space<vmem_shared>>
      tpu.enqueue_indirect_dma source(%arg11 : memref<128xf32, #tpu.memory_space<vmem>>) target(%dma_start3A_396 : memref<802816xf32, #tpu.memory_space<vmem_shared>>) offsets(%dma_start3A_394 : memref<128xi32, #tpu.memory_space<vmem>>) semaphore(%arg15 : memref<!tpu.dma_semaphore, #tpu.memory_space<semaphore_mem>>) {add = true}
      %dma_start3A_397 = arith.constant 19 : i32
      %dma_start3A_398 = arith.constant 0 : i32
      %dma_start3A_399 = tpu.memref_slice %arg9[%dma_start3A_397, %dma_start3A_398] : memref<32x128xi32, #tpu.memory_space<vmem>> -> memref<1x128xi32, #tpu.memory_space<vmem>>
      %dma_start3A_400 = tpu.memref_squeeze %dma_start3A_399 : memref<1x128xi32, #tpu.memory_space<vmem>> -> memref<128xi32, #tpu.memory_space<vmem>>
      %dma_start3A_401 = arith.constant 0 : i32
      %dma_start3A_402 = tpu.memref_slice %arg13[%dma_start3A_401] : memref<802816xf32, #tpu.memory_space<vmem_shared>> -> memref<802816xf32, #tpu.memory_space<vmem_shared>>
      tpu.enqueue_indirect_dma source(%arg11 : memref<128xf32, #tpu.memory_space<vmem>>) target(%dma_start3A_402 : memref<802816xf32, #tpu.memory_space<vmem_shared>>) offsets(%dma_start3A_400 : memref<128xi32, #tpu.memory_space<vmem>>) semaphore(%arg15 : memref<!tpu.dma_semaphore, #tpu.memory_space<semaphore_mem>>) {add = true}
      %dma_start3A_403 = arith.constant 20 : i32
      %dma_start3A_404 = arith.constant 0 : i32
      %dma_start3A_405 = tpu.memref_slice %arg9[%dma_start3A_403, %dma_start3A_404] : memref<32x128xi32, #tpu.memory_space<vmem>> -> memref<1x128xi32, #tpu.memory_space<vmem>>
      %dma_start3A_406 = tpu.memref_squeeze %dma_start3A_405 : memref<1x128xi32, #tpu.memory_space<vmem>> -> memref<128xi32, #tpu.memory_space<vmem>>
      %dma_start3A_407 = arith.constant 0 : i32
      %dma_start3A_408 = tpu.memref_slice %arg13[%dma_start3A_407] : memref<802816xf32, #tpu.memory_space<vmem_shared>> -> memref<802816xf32, #tpu.memory_space<vmem_shared>>
      tpu.enqueue_indirect_dma source(%arg11 : memref<128xf32, #tpu.memory_space<vmem>>) target(%dma_start3A_408 : memref<802816xf32, #tpu.memory_space<vmem_shared>>) offsets(%dma_start3A_406 : memref<128xi32, #tpu.memory_space<vmem>>) semaphore(%arg15 : memref<!tpu.dma_semaphore, #tpu.memory_space<semaphore_mem>>) {add = true}
      %dma_start3A_409 = arith.constant 21 : i32
      %dma_start3A_410 = arith.constant 0 : i32
      %dma_start3A_411 = tpu.memref_slice %arg9[%dma_start3A_409, %dma_start3A_410] : memref<32x128xi32, #tpu.memory_space<vmem>> -> memref<1x128xi32, #tpu.memory_space<vmem>>
      %dma_start3A_412 = tpu.memref_squeeze %dma_start3A_411 : memref<1x128xi32, #tpu.memory_space<vmem>> -> memref<128xi32, #tpu.memory_space<vmem>>
      %dma_start3A_413 = arith.constant 0 : i32
      %dma_start3A_414 = tpu.memref_slice %arg13[%dma_start3A_413] : memref<802816xf32, #tpu.memory_space<vmem_shared>> -> memref<802816xf32, #tpu.memory_space<vmem_shared>>
      tpu.enqueue_indirect_dma source(%arg11 : memref<128xf32, #tpu.memory_space<vmem>>) target(%dma_start3A_414 : memref<802816xf32, #tpu.memory_space<vmem_shared>>) offsets(%dma_start3A_412 : memref<128xi32, #tpu.memory_space<vmem>>) semaphore(%arg15 : memref<!tpu.dma_semaphore, #tpu.memory_space<semaphore_mem>>) {add = true}
      %dma_start3A_415 = arith.constant 22 : i32
      %dma_start3A_416 = arith.constant 0 : i32
      %dma_start3A_417 = tpu.memref_slice %arg9[%dma_start3A_415, %dma_start3A_416] : memref<32x128xi32, #tpu.memory_space<vmem>> -> memref<1x128xi32, #tpu.memory_space<vmem>>
      %dma_start3A_418 = tpu.memref_squeeze %dma_start3A_417 : memref<1x128xi32, #tpu.memory_space<vmem>> -> memref<128xi32, #tpu.memory_space<vmem>>
      %dma_start3A_419 = arith.constant 0 : i32
      %dma_start3A_420 = tpu.memref_slice %arg13[%dma_start3A_419] : memref<802816xf32, #tpu.memory_space<vmem_shared>> -> memref<802816xf32, #tpu.memory_space<vmem_shared>>
      tpu.enqueue_indirect_dma source(%arg11 : memref<128xf32, #tpu.memory_space<vmem>>) target(%dma_start3A_420 : memref<802816xf32, #tpu.memory_space<vmem_shared>>) offsets(%dma_start3A_418 : memref<128xi32, #tpu.memory_space<vmem>>) semaphore(%arg15 : memref<!tpu.dma_semaphore, #tpu.memory_space<semaphore_mem>>) {add = true}
      %dma_start3A_421 = arith.constant 23 : i32
      %dma_start3A_422 = arith.constant 0 : i32
      %dma_start3A_423 = tpu.memref_slice %arg9[%dma_start3A_421, %dma_start3A_422] : memref<32x128xi32, #tpu.memory_space<vmem>> -> memref<1x128xi32, #tpu.memory_space<vmem>>
      %dma_start3A_424 = tpu.memref_squeeze %dma_start3A_423 : memref<1x128xi32, #tpu.memory_space<vmem>> -> memref<128xi32, #tpu.memory_space<vmem>>
      %dma_start3A_425 = arith.constant 0 : i32
      %dma_start3A_426 = tpu.memref_slice %arg13[%dma_start3A_425] : memref<802816xf32, #tpu.memory_space<vmem_shared>> -> memref<802816xf32, #tpu.memory_space<vmem_shared>>
      tpu.enqueue_indirect_dma source(%arg11 : memref<128xf32, #tpu.memory_space<vmem>>) target(%dma_start3A_426 : memref<802816xf32, #tpu.memory_space<vmem_shared>>) offsets(%dma_start3A_424 : memref<128xi32, #tpu.memory_space<vmem>>) semaphore(%arg15 : memref<!tpu.dma_semaphore, #tpu.memory_space<semaphore_mem>>) {add = true}
      %dma_start3A_427 = arith.constant 24 : i32
      %dma_start3A_428 = arith.constant 0 : i32
      %dma_start3A_429 = tpu.memref_slice %arg9[%dma_start3A_427, %dma_start3A_428] : memref<32x128xi32, #tpu.memory_space<vmem>> -> memref<1x128xi32, #tpu.memory_space<vmem>>
      %dma_start3A_430 = tpu.memref_squeeze %dma_start3A_429 : memref<1x128xi32, #tpu.memory_space<vmem>> -> memref<128xi32, #tpu.memory_space<vmem>>
      %dma_start3A_431 = arith.constant 0 : i32
      %dma_start3A_432 = tpu.memref_slice %arg13[%dma_start3A_431] : memref<802816xf32, #tpu.memory_space<vmem_shared>> -> memref<802816xf32, #tpu.memory_space<vmem_shared>>
      tpu.enqueue_indirect_dma source(%arg11 : memref<128xf32, #tpu.memory_space<vmem>>) target(%dma_start3A_432 : memref<802816xf32, #tpu.memory_space<vmem_shared>>) offsets(%dma_start3A_430 : memref<128xi32, #tpu.memory_space<vmem>>) semaphore(%arg15 : memref<!tpu.dma_semaphore, #tpu.memory_space<semaphore_mem>>) {add = true}
      %dma_start3A_433 = arith.constant 25 : i32
      %dma_start3A_434 = arith.constant 0 : i32
      %dma_start3A_435 = tpu.memref_slice %arg9[%dma_start3A_433, %dma_start3A_434] : memref<32x128xi32, #tpu.memory_space<vmem>> -> memref<1x128xi32, #tpu.memory_space<vmem>>
      %dma_start3A_436 = tpu.memref_squeeze %dma_start3A_435 : memref<1x128xi32, #tpu.memory_space<vmem>> -> memref<128xi32, #tpu.memory_space<vmem>>
      %dma_start3A_437 = arith.constant 0 : i32
      %dma_start3A_438 = tpu.memref_slice %arg13[%dma_start3A_437] : memref<802816xf32, #tpu.memory_space<vmem_shared>> -> memref<802816xf32, #tpu.memory_space<vmem_shared>>
      tpu.enqueue_indirect_dma source(%arg11 : memref<128xf32, #tpu.memory_space<vmem>>) target(%dma_start3A_438 : memref<802816xf32, #tpu.memory_space<vmem_shared>>) offsets(%dma_start3A_436 : memref<128xi32, #tpu.memory_space<vmem>>) semaphore(%arg15 : memref<!tpu.dma_semaphore, #tpu.memory_space<semaphore_mem>>) {add = true}
      %dma_start3A_439 = arith.constant 26 : i32
      %dma_start3A_440 = arith.constant 0 : i32
      %dma_start3A_441 = tpu.memref_slice %arg9[%dma_start3A_439, %dma_start3A_440] : memref<32x128xi32, #tpu.memory_space<vmem>> -> memref<1x128xi32, #tpu.memory_space<vmem>>
      %dma_start3A_442 = tpu.memref_squeeze %dma_start3A_441 : memref<1x128xi32, #tpu.memory_space<vmem>> -> memref<128xi32, #tpu.memory_space<vmem>>
      %dma_start3A_443 = arith.constant 0 : i32
      %dma_start3A_444 = tpu.memref_slice %arg13[%dma_start3A_443] : memref<802816xf32, #tpu.memory_space<vmem_shared>> -> memref<802816xf32, #tpu.memory_space<vmem_shared>>
      tpu.enqueue_indirect_dma source(%arg11 : memref<128xf32, #tpu.memory_space<vmem>>) target(%dma_start3A_444 : memref<802816xf32, #tpu.memory_space<vmem_shared>>) offsets(%dma_start3A_442 : memref<128xi32, #tpu.memory_space<vmem>>) semaphore(%arg15 : memref<!tpu.dma_semaphore, #tpu.memory_space<semaphore_mem>>) {add = true}
      %dma_start3A_445 = arith.constant 27 : i32
      %dma_start3A_446 = arith.constant 0 : i32
      %dma_start3A_447 = tpu.memref_slice %arg9[%dma_start3A_445, %dma_start3A_446] : memref<32x128xi32, #tpu.memory_space<vmem>> -> memref<1x128xi32, #tpu.memory_space<vmem>>
      %dma_start3A_448 = tpu.memref_squeeze %dma_start3A_447 : memref<1x128xi32, #tpu.memory_space<vmem>> -> memref<128xi32, #tpu.memory_space<vmem>>
      %dma_start3A_449 = arith.constant 0 : i32
      %dma_start3A_450 = tpu.memref_slice %arg13[%dma_start3A_449] : memref<802816xf32, #tpu.memory_space<vmem_shared>> -> memref<802816xf32, #tpu.memory_space<vmem_shared>>
      tpu.enqueue_indirect_dma source(%arg11 : memref<128xf32, #tpu.memory_space<vmem>>) target(%dma_start3A_450 : memref<802816xf32, #tpu.memory_space<vmem_shared>>) offsets(%dma_start3A_448 : memref<128xi32, #tpu.memory_space<vmem>>) semaphore(%arg15 : memref<!tpu.dma_semaphore, #tpu.memory_space<semaphore_mem>>) {add = true}
      %dma_start3A_451 = arith.constant 28 : i32
      %dma_start3A_452 = arith.constant 0 : i32
      %dma_start3A_453 = tpu.memref_slice %arg9[%dma_start3A_451, %dma_start3A_452] : memref<32x128xi32, #tpu.memory_space<vmem>> -> memref<1x128xi32, #tpu.memory_space<vmem>>
      %dma_start3A_454 = tpu.memref_squeeze %dma_start3A_453 : memref<1x128xi32, #tpu.memory_space<vmem>> -> memref<128xi32, #tpu.memory_space<vmem>>
      %dma_start3A_455 = arith.constant 0 : i32
      %dma_start3A_456 = tpu.memref_slice %arg13[%dma_start3A_455] : memref<802816xf32, #tpu.memory_space<vmem_shared>> -> memref<802816xf32, #tpu.memory_space<vmem_shared>>
      tpu.enqueue_indirect_dma source(%arg11 : memref<128xf32, #tpu.memory_space<vmem>>) target(%dma_start3A_456 : memref<802816xf32, #tpu.memory_space<vmem_shared>>) offsets(%dma_start3A_454 : memref<128xi32, #tpu.memory_space<vmem>>) semaphore(%arg15 : memref<!tpu.dma_semaphore, #tpu.memory_space<semaphore_mem>>) {add = true}
      %dma_start3A_457 = arith.constant 29 : i32
      %dma_start3A_458 = arith.constant 0 : i32
      %dma_start3A_459 = tpu.memref_slice %arg9[%dma_start3A_457, %dma_start3A_458] : memref<32x128xi32, #tpu.memory_space<vmem>> -> memref<1x128xi32, #tpu.memory_space<vmem>>
      %dma_start3A_460 = tpu.memref_squeeze %dma_start3A_459 : memref<1x128xi32, #tpu.memory_space<vmem>> -> memref<128xi32, #tpu.memory_space<vmem>>
      %dma_start3A_461 = arith.constant 0 : i32
      %dma_start3A_462 = tpu.memref_slice %arg13[%dma_start3A_461] : memref<802816xf32, #tpu.memory_space<vmem_shared>> -> memref<802816xf32, #tpu.memory_space<vmem_shared>>
      tpu.enqueue_indirect_dma source(%arg11 : memref<128xf32, #tpu.memory_space<vmem>>) target(%dma_start3A_462 : memref<802816xf32, #tpu.memory_space<vmem_shared>>) offsets(%dma_start3A_460 : memref<128xi32, #tpu.memory_space<vmem>>) semaphore(%arg15 : memref<!tpu.dma_semaphore, #tpu.memory_space<semaphore_mem>>) {add = true}
      %dma_start3A_463 = arith.constant 30 : i32
      %dma_start3A_464 = arith.constant 0 : i32
      %dma_start3A_465 = tpu.memref_slice %arg9[%dma_start3A_463, %dma_start3A_464] : memref<32x128xi32, #tpu.memory_space<vmem>> -> memref<1x128xi32, #tpu.memory_space<vmem>>
      %dma_start3A_466 = tpu.memref_squeeze %dma_start3A_465 : memref<1x128xi32, #tpu.memory_space<vmem>> -> memref<128xi32, #tpu.memory_space<vmem>>
      %dma_start3A_467 = arith.constant 0 : i32
      %dma_start3A_468 = tpu.memref_slice %arg13[%dma_start3A_467] : memref<802816xf32, #tpu.memory_space<vmem_shared>> -> memref<802816xf32, #tpu.memory_space<vmem_shared>>
      tpu.enqueue_indirect_dma source(%arg11 : memref<128xf32, #tpu.memory_space<vmem>>) target(%dma_start3A_468 : memref<802816xf32, #tpu.memory_space<vmem_shared>>) offsets(%dma_start3A_466 : memref<128xi32, #tpu.memory_space<vmem>>) semaphore(%arg15 : memref<!tpu.dma_semaphore, #tpu.memory_space<semaphore_mem>>) {add = true}
      %dma_start3A_469 = arith.constant 31 : i32
      %dma_start3A_470 = arith.constant 0 : i32
      %dma_start3A_471 = tpu.memref_slice %arg9[%dma_start3A_469, %dma_start3A_470] : memref<32x128xi32, #tpu.memory_space<vmem>> -> memref<1x128xi32, #tpu.memory_space<vmem>>
      %dma_start3A_472 = tpu.memref_squeeze %dma_start3A_471 : memref<1x128xi32, #tpu.memory_space<vmem>> -> memref<128xi32, #tpu.memory_space<vmem>>
      %dma_start3A_473 = arith.constant 0 : i32
      %dma_start3A_474 = tpu.memref_slice %arg13[%dma_start3A_473] : memref<802816xf32, #tpu.memory_space<vmem_shared>> -> memref<802816xf32, #tpu.memory_space<vmem_shared>>
      tpu.enqueue_indirect_dma source(%arg11 : memref<128xf32, #tpu.memory_space<vmem>>) target(%dma_start3A_474 : memref<802816xf32, #tpu.memory_space<vmem_shared>>) offsets(%dma_start3A_472 : memref<128xi32, #tpu.memory_space<vmem>>) semaphore(%arg15 : memref<!tpu.dma_semaphore, #tpu.memory_space<semaphore_mem>>) {add = true}
      %dma_start3A_475 = arith.constant 0 : i32
      %dma_start3A_476 = arith.constant 0 : i32
      %dma_start3A_477 = tpu.memref_slice %arg10[%dma_start3A_475, %dma_start3A_476] : memref<16x128xi32, #tpu.memory_space<vmem>> -> memref<1x128xi32, #tpu.memory_space<vmem>>
      %dma_start3A_478 = tpu.memref_squeeze %dma_start3A_477 : memref<1x128xi32, #tpu.memory_space<vmem>> -> memref<128xi32, #tpu.memory_space<vmem>>
      %dma_start3A_479 = arith.constant 0 : i32
      %dma_start3A_480 = tpu.memref_slice %arg14[%dma_start3A_479] : memref<802816xf32, #tpu.memory_space<vmem_shared>> -> memref<802816xf32, #tpu.memory_space<vmem_shared>>
      tpu.enqueue_indirect_dma source(%arg11 : memref<128xf32, #tpu.memory_space<vmem>>) target(%dma_start3A_480 : memref<802816xf32, #tpu.memory_space<vmem_shared>>) offsets(%dma_start3A_478 : memref<128xi32, #tpu.memory_space<vmem>>) semaphore(%arg15 : memref<!tpu.dma_semaphore, #tpu.memory_space<semaphore_mem>>) {add = true}
      %dma_start3A_481 = arith.constant 1 : i32
      %dma_start3A_482 = arith.constant 0 : i32
      %dma_start3A_483 = tpu.memref_slice %arg10[%dma_start3A_481, %dma_start3A_482] : memref<16x128xi32, #tpu.memory_space<vmem>> -> memref<1x128xi32, #tpu.memory_space<vmem>>
      %dma_start3A_484 = tpu.memref_squeeze %dma_start3A_483 : memref<1x128xi32, #tpu.memory_space<vmem>> -> memref<128xi32, #tpu.memory_space<vmem>>
      %dma_start3A_485 = arith.constant 0 : i32
      %dma_start3A_486 = tpu.memref_slice %arg14[%dma_start3A_485] : memref<802816xf32, #tpu.memory_space<vmem_shared>> -> memref<802816xf32, #tpu.memory_space<vmem_shared>>
      tpu.enqueue_indirect_dma source(%arg11 : memref<128xf32, #tpu.memory_space<vmem>>) target(%dma_start3A_486 : memref<802816xf32, #tpu.memory_space<vmem_shared>>) offsets(%dma_start3A_484 : memref<128xi32, #tpu.memory_space<vmem>>) semaphore(%arg15 : memref<!tpu.dma_semaphore, #tpu.memory_space<semaphore_mem>>) {add = true}
      %dma_start3A_487 = arith.constant 2 : i32
      %dma_start3A_488 = arith.constant 0 : i32
      %dma_start3A_489 = tpu.memref_slice %arg10[%dma_start3A_487, %dma_start3A_488] : memref<16x128xi32, #tpu.memory_space<vmem>> -> memref<1x128xi32, #tpu.memory_space<vmem>>
      %dma_start3A_490 = tpu.memref_squeeze %dma_start3A_489 : memref<1x128xi32, #tpu.memory_space<vmem>> -> memref<128xi32, #tpu.memory_space<vmem>>
      %dma_start3A_491 = arith.constant 0 : i32
      %dma_start3A_492 = tpu.memref_slice %arg14[%dma_start3A_491] : memref<802816xf32, #tpu.memory_space<vmem_shared>> -> memref<802816xf32, #tpu.memory_space<vmem_shared>>
      tpu.enqueue_indirect_dma source(%arg11 : memref<128xf32, #tpu.memory_space<vmem>>) target(%dma_start3A_492 : memref<802816xf32, #tpu.memory_space<vmem_shared>>) offsets(%dma_start3A_490 : memref<128xi32, #tpu.memory_space<vmem>>) semaphore(%arg15 : memref<!tpu.dma_semaphore, #tpu.memory_space<semaphore_mem>>) {add = true}
      %dma_start3A_493 = arith.constant 3 : i32
      %dma_start3A_494 = arith.constant 0 : i32
      %dma_start3A_495 = tpu.memref_slice %arg10[%dma_start3A_493, %dma_start3A_494] : memref<16x128xi32, #tpu.memory_space<vmem>> -> memref<1x128xi32, #tpu.memory_space<vmem>>
      %dma_start3A_496 = tpu.memref_squeeze %dma_start3A_495 : memref<1x128xi32, #tpu.memory_space<vmem>> -> memref<128xi32, #tpu.memory_space<vmem>>
      %dma_start3A_497 = arith.constant 0 : i32
      %dma_start3A_498 = tpu.memref_slice %arg14[%dma_start3A_497] : memref<802816xf32, #tpu.memory_space<vmem_shared>> -> memref<802816xf32, #tpu.memory_space<vmem_shared>>
      tpu.enqueue_indirect_dma source(%arg11 : memref<128xf32, #tpu.memory_space<vmem>>) target(%dma_start3A_498 : memref<802816xf32, #tpu.memory_space<vmem_shared>>) offsets(%dma_start3A_496 : memref<128xi32, #tpu.memory_space<vmem>>) semaphore(%arg15 : memref<!tpu.dma_semaphore, #tpu.memory_space<semaphore_mem>>) {add = true}
      %dma_start3A_499 = arith.constant 4 : i32
      %dma_start3A_500 = arith.constant 0 : i32
      %dma_start3A_501 = tpu.memref_slice %arg10[%dma_start3A_499, %dma_start3A_500] : memref<16x128xi32, #tpu.memory_space<vmem>> -> memref<1x128xi32, #tpu.memory_space<vmem>>
      %dma_start3A_502 = tpu.memref_squeeze %dma_start3A_501 : memref<1x128xi32, #tpu.memory_space<vmem>> -> memref<128xi32, #tpu.memory_space<vmem>>
      %dma_start3A_503 = arith.constant 0 : i32
      %dma_start3A_504 = tpu.memref_slice %arg14[%dma_start3A_503] : memref<802816xf32, #tpu.memory_space<vmem_shared>> -> memref<802816xf32, #tpu.memory_space<vmem_shared>>
      tpu.enqueue_indirect_dma source(%arg11 : memref<128xf32, #tpu.memory_space<vmem>>) target(%dma_start3A_504 : memref<802816xf32, #tpu.memory_space<vmem_shared>>) offsets(%dma_start3A_502 : memref<128xi32, #tpu.memory_space<vmem>>) semaphore(%arg15 : memref<!tpu.dma_semaphore, #tpu.memory_space<semaphore_mem>>) {add = true}
      %dma_start3A_505 = arith.constant 5 : i32
      %dma_start3A_506 = arith.constant 0 : i32
      %dma_start3A_507 = tpu.memref_slice %arg10[%dma_start3A_505, %dma_start3A_506] : memref<16x128xi32, #tpu.memory_space<vmem>> -> memref<1x128xi32, #tpu.memory_space<vmem>>
      %dma_start3A_508 = tpu.memref_squeeze %dma_start3A_507 : memref<1x128xi32, #tpu.memory_space<vmem>> -> memref<128xi32, #tpu.memory_space<vmem>>
      %dma_start3A_509 = arith.constant 0 : i32
      %dma_start3A_510 = tpu.memref_slice %arg14[%dma_start3A_509] : memref<802816xf32, #tpu.memory_space<vmem_shared>> -> memref<802816xf32, #tpu.memory_space<vmem_shared>>
      tpu.enqueue_indirect_dma source(%arg11 : memref<128xf32, #tpu.memory_space<vmem>>) target(%dma_start3A_510 : memref<802816xf32, #tpu.memory_space<vmem_shared>>) offsets(%dma_start3A_508 : memref<128xi32, #tpu.memory_space<vmem>>) semaphore(%arg15 : memref<!tpu.dma_semaphore, #tpu.memory_space<semaphore_mem>>) {add = true}
      %dma_start3A_511 = arith.constant 6 : i32
      %dma_start3A_512 = arith.constant 0 : i32
      %dma_start3A_513 = tpu.memref_slice %arg10[%dma_start3A_511, %dma_start3A_512] : memref<16x128xi32, #tpu.memory_space<vmem>> -> memref<1x128xi32, #tpu.memory_space<vmem>>
      %dma_start3A_514 = tpu.memref_squeeze %dma_start3A_513 : memref<1x128xi32, #tpu.memory_space<vmem>> -> memref<128xi32, #tpu.memory_space<vmem>>
      %dma_start3A_515 = arith.constant 0 : i32
      %dma_start3A_516 = tpu.memref_slice %arg14[%dma_start3A_515] : memref<802816xf32, #tpu.memory_space<vmem_shared>> -> memref<802816xf32, #tpu.memory_space<vmem_shared>>
      tpu.enqueue_indirect_dma source(%arg11 : memref<128xf32, #tpu.memory_space<vmem>>) target(%dma_start3A_516 : memref<802816xf32, #tpu.memory_space<vmem_shared>>) offsets(%dma_start3A_514 : memref<128xi32, #tpu.memory_space<vmem>>) semaphore(%arg15 : memref<!tpu.dma_semaphore, #tpu.memory_space<semaphore_mem>>) {add = true}
      %dma_start3A_517 = arith.constant 7 : i32
      %dma_start3A_518 = arith.constant 0 : i32
      %dma_start3A_519 = tpu.memref_slice %arg10[%dma_start3A_517, %dma_start3A_518] : memref<16x128xi32, #tpu.memory_space<vmem>> -> memref<1x128xi32, #tpu.memory_space<vmem>>
      %dma_start3A_520 = tpu.memref_squeeze %dma_start3A_519 : memref<1x128xi32, #tpu.memory_space<vmem>> -> memref<128xi32, #tpu.memory_space<vmem>>
      %dma_start3A_521 = arith.constant 0 : i32
      %dma_start3A_522 = tpu.memref_slice %arg14[%dma_start3A_521] : memref<802816xf32, #tpu.memory_space<vmem_shared>> -> memref<802816xf32, #tpu.memory_space<vmem_shared>>
      tpu.enqueue_indirect_dma source(%arg11 : memref<128xf32, #tpu.memory_space<vmem>>) target(%dma_start3A_522 : memref<802816xf32, #tpu.memory_space<vmem_shared>>) offsets(%dma_start3A_520 : memref<128xi32, #tpu.memory_space<vmem>>) semaphore(%arg15 : memref<!tpu.dma_semaphore, #tpu.memory_space<semaphore_mem>>) {add = true}
      %dma_start3A_523 = arith.constant 8 : i32
      %dma_start3A_524 = arith.constant 0 : i32
      %dma_start3A_525 = tpu.memref_slice %arg10[%dma_start3A_523, %dma_start3A_524] : memref<16x128xi32, #tpu.memory_space<vmem>> -> memref<1x128xi32, #tpu.memory_space<vmem>>
      %dma_start3A_526 = tpu.memref_squeeze %dma_start3A_525 : memref<1x128xi32, #tpu.memory_space<vmem>> -> memref<128xi32, #tpu.memory_space<vmem>>
      %dma_start3A_527 = arith.constant 0 : i32
      %dma_start3A_528 = tpu.memref_slice %arg14[%dma_start3A_527] : memref<802816xf32, #tpu.memory_space<vmem_shared>> -> memref<802816xf32, #tpu.memory_space<vmem_shared>>
      tpu.enqueue_indirect_dma source(%arg11 : memref<128xf32, #tpu.memory_space<vmem>>) target(%dma_start3A_528 : memref<802816xf32, #tpu.memory_space<vmem_shared>>) offsets(%dma_start3A_526 : memref<128xi32, #tpu.memory_space<vmem>>) semaphore(%arg15 : memref<!tpu.dma_semaphore, #tpu.memory_space<semaphore_mem>>) {add = true}
      %dma_start3A_529 = arith.constant 9 : i32
      %dma_start3A_530 = arith.constant 0 : i32
      %dma_start3A_531 = tpu.memref_slice %arg10[%dma_start3A_529, %dma_start3A_530] : memref<16x128xi32, #tpu.memory_space<vmem>> -> memref<1x128xi32, #tpu.memory_space<vmem>>
      %dma_start3A_532 = tpu.memref_squeeze %dma_start3A_531 : memref<1x128xi32, #tpu.memory_space<vmem>> -> memref<128xi32, #tpu.memory_space<vmem>>
      %dma_start3A_533 = arith.constant 0 : i32
      %dma_start3A_534 = tpu.memref_slice %arg14[%dma_start3A_533] : memref<802816xf32, #tpu.memory_space<vmem_shared>> -> memref<802816xf32, #tpu.memory_space<vmem_shared>>
      tpu.enqueue_indirect_dma source(%arg11 : memref<128xf32, #tpu.memory_space<vmem>>) target(%dma_start3A_534 : memref<802816xf32, #tpu.memory_space<vmem_shared>>) offsets(%dma_start3A_532 : memref<128xi32, #tpu.memory_space<vmem>>) semaphore(%arg15 : memref<!tpu.dma_semaphore, #tpu.memory_space<semaphore_mem>>) {add = true}
      %dma_start3A_535 = arith.constant 10 : i32
      %dma_start3A_536 = arith.constant 0 : i32
      %dma_start3A_537 = tpu.memref_slice %arg10[%dma_start3A_535, %dma_start3A_536] : memref<16x128xi32, #tpu.memory_space<vmem>> -> memref<1x128xi32, #tpu.memory_space<vmem>>
      %dma_start3A_538 = tpu.memref_squeeze %dma_start3A_537 : memref<1x128xi32, #tpu.memory_space<vmem>> -> memref<128xi32, #tpu.memory_space<vmem>>
      %dma_start3A_539 = arith.constant 0 : i32
      %dma_start3A_540 = tpu.memref_slice %arg14[%dma_start3A_539] : memref<802816xf32, #tpu.memory_space<vmem_shared>> -> memref<802816xf32, #tpu.memory_space<vmem_shared>>
      tpu.enqueue_indirect_dma source(%arg11 : memref<128xf32, #tpu.memory_space<vmem>>) target(%dma_start3A_540 : memref<802816xf32, #tpu.memory_space<vmem_shared>>) offsets(%dma_start3A_538 : memref<128xi32, #tpu.memory_space<vmem>>) semaphore(%arg15 : memref<!tpu.dma_semaphore, #tpu.memory_space<semaphore_mem>>) {add = true}
      %dma_start3A_541 = arith.constant 11 : i32
      %dma_start3A_542 = arith.constant 0 : i32
      %dma_start3A_543 = tpu.memref_slice %arg10[%dma_start3A_541, %dma_start3A_542] : memref<16x128xi32, #tpu.memory_space<vmem>> -> memref<1x128xi32, #tpu.memory_space<vmem>>
      %dma_start3A_544 = tpu.memref_squeeze %dma_start3A_543 : memref<1x128xi32, #tpu.memory_space<vmem>> -> memref<128xi32, #tpu.memory_space<vmem>>
      %dma_start3A_545 = arith.constant 0 : i32
      %dma_start3A_546 = tpu.memref_slice %arg14[%dma_start3A_545] : memref<802816xf32, #tpu.memory_space<vmem_shared>> -> memref<802816xf32, #tpu.memory_space<vmem_shared>>
      tpu.enqueue_indirect_dma source(%arg11 : memref<128xf32, #tpu.memory_space<vmem>>) target(%dma_start3A_546 : memref<802816xf32, #tpu.memory_space<vmem_shared>>) offsets(%dma_start3A_544 : memref<128xi32, #tpu.memory_space<vmem>>) semaphore(%arg15 : memref<!tpu.dma_semaphore, #tpu.memory_space<semaphore_mem>>) {add = true}
      %dma_start3A_547 = arith.constant 12 : i32
      %dma_start3A_548 = arith.constant 0 : i32
      %dma_start3A_549 = tpu.memref_slice %arg10[%dma_start3A_547, %dma_start3A_548] : memref<16x128xi32, #tpu.memory_space<vmem>> -> memref<1x128xi32, #tpu.memory_space<vmem>>
      %dma_start3A_550 = tpu.memref_squeeze %dma_start3A_549 : memref<1x128xi32, #tpu.memory_space<vmem>> -> memref<128xi32, #tpu.memory_space<vmem>>
      %dma_start3A_551 = arith.constant 0 : i32
      %dma_start3A_552 = tpu.memref_slice %arg14[%dma_start3A_551] : memref<802816xf32, #tpu.memory_space<vmem_shared>> -> memref<802816xf32, #tpu.memory_space<vmem_shared>>
      tpu.enqueue_indirect_dma source(%arg11 : memref<128xf32, #tpu.memory_space<vmem>>) target(%dma_start3A_552 : memref<802816xf32, #tpu.memory_space<vmem_shared>>) offsets(%dma_start3A_550 : memref<128xi32, #tpu.memory_space<vmem>>) semaphore(%arg15 : memref<!tpu.dma_semaphore, #tpu.memory_space<semaphore_mem>>) {add = true}
      %dma_start3A_553 = arith.constant 13 : i32
      %dma_start3A_554 = arith.constant 0 : i32
      %dma_start3A_555 = tpu.memref_slice %arg10[%dma_start3A_553, %dma_start3A_554] : memref<16x128xi32, #tpu.memory_space<vmem>> -> memref<1x128xi32, #tpu.memory_space<vmem>>
      %dma_start3A_556 = tpu.memref_squeeze %dma_start3A_555 : memref<1x128xi32, #tpu.memory_space<vmem>> -> memref<128xi32, #tpu.memory_space<vmem>>
      %dma_start3A_557 = arith.constant 0 : i32
      %dma_start3A_558 = tpu.memref_slice %arg14[%dma_start3A_557] : memref<802816xf32, #tpu.memory_space<vmem_shared>> -> memref<802816xf32, #tpu.memory_space<vmem_shared>>
      tpu.enqueue_indirect_dma source(%arg11 : memref<128xf32, #tpu.memory_space<vmem>>) target(%dma_start3A_558 : memref<802816xf32, #tpu.memory_space<vmem_shared>>) offsets(%dma_start3A_556 : memref<128xi32, #tpu.memory_space<vmem>>) semaphore(%arg15 : memref<!tpu.dma_semaphore, #tpu.memory_space<semaphore_mem>>) {add = true}
      %dma_start3A_559 = arith.constant 14 : i32
      %dma_start3A_560 = arith.constant 0 : i32
      %dma_start3A_561 = tpu.memref_slice %arg10[%dma_start3A_559, %dma_start3A_560] : memref<16x128xi32, #tpu.memory_space<vmem>> -> memref<1x128xi32, #tpu.memory_space<vmem>>
      %dma_start3A_562 = tpu.memref_squeeze %dma_start3A_561 : memref<1x128xi32, #tpu.memory_space<vmem>> -> memref<128xi32, #tpu.memory_space<vmem>>
      %dma_start3A_563 = arith.constant 0 : i32
      %dma_start3A_564 = tpu.memref_slice %arg14[%dma_start3A_563] : memref<802816xf32, #tpu.memory_space<vmem_shared>> -> memref<802816xf32, #tpu.memory_space<vmem_shared>>
      tpu.enqueue_indirect_dma source(%arg11 : memref<128xf32, #tpu.memory_space<vmem>>) target(%dma_start3A_564 : memref<802816xf32, #tpu.memory_space<vmem_shared>>) offsets(%dma_start3A_562 : memref<128xi32, #tpu.memory_space<vmem>>) semaphore(%arg15 : memref<!tpu.dma_semaphore, #tpu.memory_space<semaphore_mem>>) {add = true}
      %dma_start3A_565 = arith.constant 15 : i32
      %dma_start3A_566 = arith.constant 0 : i32
      %dma_start3A_567 = tpu.memref_slice %arg10[%dma_start3A_565, %dma_start3A_566] : memref<16x128xi32, #tpu.memory_space<vmem>> -> memref<1x128xi32, #tpu.memory_space<vmem>>
      %dma_start3A_568 = tpu.memref_squeeze %dma_start3A_567 : memref<1x128xi32, #tpu.memory_space<vmem>> -> memref<128xi32, #tpu.memory_space<vmem>>
      %dma_start3A_569 = arith.constant 0 : i32
      %dma_start3A_570 = tpu.memref_slice %arg14[%dma_start3A_569] : memref<802816xf32, #tpu.memory_space<vmem_shared>> -> memref<802816xf32, #tpu.memory_space<vmem_shared>>
      tpu.enqueue_indirect_dma source(%arg11 : memref<128xf32, #tpu.memory_space<vmem>>) target(%dma_start3A_570 : memref<802816xf32, #tpu.memory_space<vmem_shared>>) offsets(%dma_start3A_568 : memref<128xi32, #tpu.memory_space<vmem>>) semaphore(%arg15 : memref<!tpu.dma_semaphore, #tpu.memory_space<semaphore_mem>>) {add = true}
      %dma_wait3A_571 = arith.constant 0 : i32
      %dma_wait3A_572 = arith.constant 0 : i32
      %dma_wait3A_573 = tpu.memref_slice %arg9[%dma_wait3A_571, %dma_wait3A_572] : memref<32x128xi32, #tpu.memory_space<vmem>> -> memref<1x128xi32, #tpu.memory_space<vmem>>
      %dma_wait3A_574 = tpu.memref_squeeze %dma_wait3A_573 : memref<1x128xi32, #tpu.memory_space<vmem>> -> memref<128xi32, #tpu.memory_space<vmem>>
      %dma_wait3A_575 = arith.constant 0 : i32
      %dma_wait3A_576 = tpu.memref_slice %arg13[%dma_wait3A_575] : memref<802816xf32, #tpu.memory_space<vmem_shared>> -> memref<802816xf32, #tpu.memory_space<vmem_shared>>
      tpu.wait_indirect_dma semaphore(%arg15 : memref<!tpu.dma_semaphore, #tpu.memory_space<semaphore_mem>>) src(%arg11 : memref<128xf32, #tpu.memory_space<vmem>>) dst(%dma_wait3A_576 : memref<802816xf32, #tpu.memory_space<vmem_shared>>)
      %dma_wait3A_577 = arith.constant 1 : i32
      %dma_wait3A_578 = arith.constant 0 : i32
      %dma_wait3A_579 = tpu.memref_slice %arg9[%dma_wait3A_577, %dma_wait3A_578] : memref<32x128xi32, #tpu.memory_space<vmem>> -> memref<1x128xi32, #tpu.memory_space<vmem>>
      %dma_wait3A_580 = tpu.memref_squeeze %dma_wait3A_579 : memref<1x128xi32, #tpu.memory_space<vmem>> -> memref<128xi32, #tpu.memory_space<vmem>>
      %dma_wait3A_581 = arith.constant 0 : i32
      %dma_wait3A_582 = tpu.memref_slice %arg13[%dma_wait3A_581] : memref<802816xf32, #tpu.memory_space<vmem_shared>> -> memref<802816xf32, #tpu.memory_space<vmem_shared>>
      tpu.wait_indirect_dma semaphore(%arg15 : memref<!tpu.dma_semaphore, #tpu.memory_space<semaphore_mem>>) src(%arg11 : memref<128xf32, #tpu.memory_space<vmem>>) dst(%dma_wait3A_582 : memref<802816xf32, #tpu.memory_space<vmem_shared>>)
      %dma_wait3A_583 = arith.constant 2 : i32
      %dma_wait3A_584 = arith.constant 0 : i32
      %dma_wait3A_585 = tpu.memref_slice %arg9[%dma_wait3A_583, %dma_wait3A_584] : memref<32x128xi32, #tpu.memory_space<vmem>> -> memref<1x128xi32, #tpu.memory_space<vmem>>
      %dma_wait3A_586 = tpu.memref_squeeze %dma_wait3A_585 : memref<1x128xi32, #tpu.memory_space<vmem>> -> memref<128xi32, #tpu.memory_space<vmem>>
      %dma_wait3A_587 = arith.constant 0 : i32
      %dma_wait3A_588 = tpu.memref_slice %arg13[%dma_wait3A_587] : memref<802816xf32, #tpu.memory_space<vmem_shared>> -> memref<802816xf32, #tpu.memory_space<vmem_shared>>
      tpu.wait_indirect_dma semaphore(%arg15 : memref<!tpu.dma_semaphore, #tpu.memory_space<semaphore_mem>>) src(%arg11 : memref<128xf32, #tpu.memory_space<vmem>>) dst(%dma_wait3A_588 : memref<802816xf32, #tpu.memory_space<vmem_shared>>)
      %dma_wait3A_589 = arith.constant 3 : i32
      %dma_wait3A_590 = arith.constant 0 : i32
      %dma_wait3A_591 = tpu.memref_slice %arg9[%dma_wait3A_589, %dma_wait3A_590] : memref<32x128xi32, #tpu.memory_space<vmem>> -> memref<1x128xi32, #tpu.memory_space<vmem>>
      %dma_wait3A_592 = tpu.memref_squeeze %dma_wait3A_591 : memref<1x128xi32, #tpu.memory_space<vmem>> -> memref<128xi32, #tpu.memory_space<vmem>>
      %dma_wait3A_593 = arith.constant 0 : i32
      %dma_wait3A_594 = tpu.memref_slice %arg13[%dma_wait3A_593] : memref<802816xf32, #tpu.memory_space<vmem_shared>> -> memref<802816xf32, #tpu.memory_space<vmem_shared>>
      tpu.wait_indirect_dma semaphore(%arg15 : memref<!tpu.dma_semaphore, #tpu.memory_space<semaphore_mem>>) src(%arg11 : memref<128xf32, #tpu.memory_space<vmem>>) dst(%dma_wait3A_594 : memref<802816xf32, #tpu.memory_space<vmem_shared>>)
      %dma_wait3A_595 = arith.constant 4 : i32
      %dma_wait3A_596 = arith.constant 0 : i32
      %dma_wait3A_597 = tpu.memref_slice %arg9[%dma_wait3A_595, %dma_wait3A_596] : memref<32x128xi32, #tpu.memory_space<vmem>> -> memref<1x128xi32, #tpu.memory_space<vmem>>
      %dma_wait3A_598 = tpu.memref_squeeze %dma_wait3A_597 : memref<1x128xi32, #tpu.memory_space<vmem>> -> memref<128xi32, #tpu.memory_space<vmem>>
      %dma_wait3A_599 = arith.constant 0 : i32
      %dma_wait3A_600 = tpu.memref_slice %arg13[%dma_wait3A_599] : memref<802816xf32, #tpu.memory_space<vmem_shared>> -> memref<802816xf32, #tpu.memory_space<vmem_shared>>
      tpu.wait_indirect_dma semaphore(%arg15 : memref<!tpu.dma_semaphore, #tpu.memory_space<semaphore_mem>>) src(%arg11 : memref<128xf32, #tpu.memory_space<vmem>>) dst(%dma_wait3A_600 : memref<802816xf32, #tpu.memory_space<vmem_shared>>)
      %dma_wait3A_601 = arith.constant 5 : i32
      %dma_wait3A_602 = arith.constant 0 : i32
      %dma_wait3A_603 = tpu.memref_slice %arg9[%dma_wait3A_601, %dma_wait3A_602] : memref<32x128xi32, #tpu.memory_space<vmem>> -> memref<1x128xi32, #tpu.memory_space<vmem>>
      %dma_wait3A_604 = tpu.memref_squeeze %dma_wait3A_603 : memref<1x128xi32, #tpu.memory_space<vmem>> -> memref<128xi32, #tpu.memory_space<vmem>>
      %dma_wait3A_605 = arith.constant 0 : i32
      %dma_wait3A_606 = tpu.memref_slice %arg13[%dma_wait3A_605] : memref<802816xf32, #tpu.memory_space<vmem_shared>> -> memref<802816xf32, #tpu.memory_space<vmem_shared>>
      tpu.wait_indirect_dma semaphore(%arg15 : memref<!tpu.dma_semaphore, #tpu.memory_space<semaphore_mem>>) src(%arg11 : memref<128xf32, #tpu.memory_space<vmem>>) dst(%dma_wait3A_606 : memref<802816xf32, #tpu.memory_space<vmem_shared>>)
      %dma_wait3A_607 = arith.constant 6 : i32
      %dma_wait3A_608 = arith.constant 0 : i32
      %dma_wait3A_609 = tpu.memref_slice %arg9[%dma_wait3A_607, %dma_wait3A_608] : memref<32x128xi32, #tpu.memory_space<vmem>> -> memref<1x128xi32, #tpu.memory_space<vmem>>
      %dma_wait3A_610 = tpu.memref_squeeze %dma_wait3A_609 : memref<1x128xi32, #tpu.memory_space<vmem>> -> memref<128xi32, #tpu.memory_space<vmem>>
      %dma_wait3A_611 = arith.constant 0 : i32
      %dma_wait3A_612 = tpu.memref_slice %arg13[%dma_wait3A_611] : memref<802816xf32, #tpu.memory_space<vmem_shared>> -> memref<802816xf32, #tpu.memory_space<vmem_shared>>
      tpu.wait_indirect_dma semaphore(%arg15 : memref<!tpu.dma_semaphore, #tpu.memory_space<semaphore_mem>>) src(%arg11 : memref<128xf32, #tpu.memory_space<vmem>>) dst(%dma_wait3A_612 : memref<802816xf32, #tpu.memory_space<vmem_shared>>)
      %dma_wait3A_613 = arith.constant 7 : i32
      %dma_wait3A_614 = arith.constant 0 : i32
      %dma_wait3A_615 = tpu.memref_slice %arg9[%dma_wait3A_613, %dma_wait3A_614] : memref<32x128xi32, #tpu.memory_space<vmem>> -> memref<1x128xi32, #tpu.memory_space<vmem>>
      %dma_wait3A_616 = tpu.memref_squeeze %dma_wait3A_615 : memref<1x128xi32, #tpu.memory_space<vmem>> -> memref<128xi32, #tpu.memory_space<vmem>>
      %dma_wait3A_617 = arith.constant 0 : i32
      %dma_wait3A_618 = tpu.memref_slice %arg13[%dma_wait3A_617] : memref<802816xf32, #tpu.memory_space<vmem_shared>> -> memref<802816xf32, #tpu.memory_space<vmem_shared>>
      tpu.wait_indirect_dma semaphore(%arg15 : memref<!tpu.dma_semaphore, #tpu.memory_space<semaphore_mem>>) src(%arg11 : memref<128xf32, #tpu.memory_space<vmem>>) dst(%dma_wait3A_618 : memref<802816xf32, #tpu.memory_space<vmem_shared>>)
      %dma_wait3A_619 = arith.constant 8 : i32
      %dma_wait3A_620 = arith.constant 0 : i32
      %dma_wait3A_621 = tpu.memref_slice %arg9[%dma_wait3A_619, %dma_wait3A_620] : memref<32x128xi32, #tpu.memory_space<vmem>> -> memref<1x128xi32, #tpu.memory_space<vmem>>
      %dma_wait3A_622 = tpu.memref_squeeze %dma_wait3A_621 : memref<1x128xi32, #tpu.memory_space<vmem>> -> memref<128xi32, #tpu.memory_space<vmem>>
      %dma_wait3A_623 = arith.constant 0 : i32
      %dma_wait3A_624 = tpu.memref_slice %arg13[%dma_wait3A_623] : memref<802816xf32, #tpu.memory_space<vmem_shared>> -> memref<802816xf32, #tpu.memory_space<vmem_shared>>
      tpu.wait_indirect_dma semaphore(%arg15 : memref<!tpu.dma_semaphore, #tpu.memory_space<semaphore_mem>>) src(%arg11 : memref<128xf32, #tpu.memory_space<vmem>>) dst(%dma_wait3A_624 : memref<802816xf32, #tpu.memory_space<vmem_shared>>)
      %dma_wait3A_625 = arith.constant 9 : i32
      %dma_wait3A_626 = arith.constant 0 : i32
      %dma_wait3A_627 = tpu.memref_slice %arg9[%dma_wait3A_625, %dma_wait3A_626] : memref<32x128xi32, #tpu.memory_space<vmem>> -> memref<1x128xi32, #tpu.memory_space<vmem>>
      %dma_wait3A_628 = tpu.memref_squeeze %dma_wait3A_627 : memref<1x128xi32, #tpu.memory_space<vmem>> -> memref<128xi32, #tpu.memory_space<vmem>>
      %dma_wait3A_629 = arith.constant 0 : i32
      %dma_wait3A_630 = tpu.memref_slice %arg13[%dma_wait3A_629] : memref<802816xf32, #tpu.memory_space<vmem_shared>> -> memref<802816xf32, #tpu.memory_space<vmem_shared>>
      tpu.wait_indirect_dma semaphore(%arg15 : memref<!tpu.dma_semaphore, #tpu.memory_space<semaphore_mem>>) src(%arg11 : memref<128xf32, #tpu.memory_space<vmem>>) dst(%dma_wait3A_630 : memref<802816xf32, #tpu.memory_space<vmem_shared>>)
      %dma_wait3A_631 = arith.constant 10 : i32
      %dma_wait3A_632 = arith.constant 0 : i32
      %dma_wait3A_633 = tpu.memref_slice %arg9[%dma_wait3A_631, %dma_wait3A_632] : memref<32x128xi32, #tpu.memory_space<vmem>> -> memref<1x128xi32, #tpu.memory_space<vmem>>
      %dma_wait3A_634 = tpu.memref_squeeze %dma_wait3A_633 : memref<1x128xi32, #tpu.memory_space<vmem>> -> memref<128xi32, #tpu.memory_space<vmem>>
      %dma_wait3A_635 = arith.constant 0 : i32
      %dma_wait3A_636 = tpu.memref_slice %arg13[%dma_wait3A_635] : memref<802816xf32, #tpu.memory_space<vmem_shared>> -> memref<802816xf32, #tpu.memory_space<vmem_shared>>
      tpu.wait_indirect_dma semaphore(%arg15 : memref<!tpu.dma_semaphore, #tpu.memory_space<semaphore_mem>>) src(%arg11 : memref<128xf32, #tpu.memory_space<vmem>>) dst(%dma_wait3A_636 : memref<802816xf32, #tpu.memory_space<vmem_shared>>)
      %dma_wait3A_637 = arith.constant 11 : i32
      %dma_wait3A_638 = arith.constant 0 : i32
      %dma_wait3A_639 = tpu.memref_slice %arg9[%dma_wait3A_637, %dma_wait3A_638] : memref<32x128xi32, #tpu.memory_space<vmem>> -> memref<1x128xi32, #tpu.memory_space<vmem>>
      %dma_wait3A_640 = tpu.memref_squeeze %dma_wait3A_639 : memref<1x128xi32, #tpu.memory_space<vmem>> -> memref<128xi32, #tpu.memory_space<vmem>>
      %dma_wait3A_641 = arith.constant 0 : i32
      %dma_wait3A_642 = tpu.memref_slice %arg13[%dma_wait3A_641] : memref<802816xf32, #tpu.memory_space<vmem_shared>> -> memref<802816xf32, #tpu.memory_space<vmem_shared>>
      tpu.wait_indirect_dma semaphore(%arg15 : memref<!tpu.dma_semaphore, #tpu.memory_space<semaphore_mem>>) src(%arg11 : memref<128xf32, #tpu.memory_space<vmem>>) dst(%dma_wait3A_642 : memref<802816xf32, #tpu.memory_space<vmem_shared>>)
      %dma_wait3A_643 = arith.constant 12 : i32
      %dma_wait3A_644 = arith.constant 0 : i32
      %dma_wait3A_645 = tpu.memref_slice %arg9[%dma_wait3A_643, %dma_wait3A_644] : memref<32x128xi32, #tpu.memory_space<vmem>> -> memref<1x128xi32, #tpu.memory_space<vmem>>
      %dma_wait3A_646 = tpu.memref_squeeze %dma_wait3A_645 : memref<1x128xi32, #tpu.memory_space<vmem>> -> memref<128xi32, #tpu.memory_space<vmem>>
      %dma_wait3A_647 = arith.constant 0 : i32
      %dma_wait3A_648 = tpu.memref_slice %arg13[%dma_wait3A_647] : memref<802816xf32, #tpu.memory_space<vmem_shared>> -> memref<802816xf32, #tpu.memory_space<vmem_shared>>
      tpu.wait_indirect_dma semaphore(%arg15 : memref<!tpu.dma_semaphore, #tpu.memory_space<semaphore_mem>>) src(%arg11 : memref<128xf32, #tpu.memory_space<vmem>>) dst(%dma_wait3A_648 : memref<802816xf32, #tpu.memory_space<vmem_shared>>)
      %dma_wait3A_649 = arith.constant 13 : i32
      %dma_wait3A_650 = arith.constant 0 : i32
      %dma_wait3A_651 = tpu.memref_slice %arg9[%dma_wait3A_649, %dma_wait3A_650] : memref<32x128xi32, #tpu.memory_space<vmem>> -> memref<1x128xi32, #tpu.memory_space<vmem>>
      %dma_wait3A_652 = tpu.memref_squeeze %dma_wait3A_651 : memref<1x128xi32, #tpu.memory_space<vmem>> -> memref<128xi32, #tpu.memory_space<vmem>>
      %dma_wait3A_653 = arith.constant 0 : i32
      %dma_wait3A_654 = tpu.memref_slice %arg13[%dma_wait3A_653] : memref<802816xf32, #tpu.memory_space<vmem_shared>> -> memref<802816xf32, #tpu.memory_space<vmem_shared>>
      tpu.wait_indirect_dma semaphore(%arg15 : memref<!tpu.dma_semaphore, #tpu.memory_space<semaphore_mem>>) src(%arg11 : memref<128xf32, #tpu.memory_space<vmem>>) dst(%dma_wait3A_654 : memref<802816xf32, #tpu.memory_space<vmem_shared>>)
      %dma_wait3A_655 = arith.constant 14 : i32
      %dma_wait3A_656 = arith.constant 0 : i32
      %dma_wait3A_657 = tpu.memref_slice %arg9[%dma_wait3A_655, %dma_wait3A_656] : memref<32x128xi32, #tpu.memory_space<vmem>> -> memref<1x128xi32, #tpu.memory_space<vmem>>
      %dma_wait3A_658 = tpu.memref_squeeze %dma_wait3A_657 : memref<1x128xi32, #tpu.memory_space<vmem>> -> memref<128xi32, #tpu.memory_space<vmem>>
      %dma_wait3A_659 = arith.constant 0 : i32
      %dma_wait3A_660 = tpu.memref_slice %arg13[%dma_wait3A_659] : memref<802816xf32, #tpu.memory_space<vmem_shared>> -> memref<802816xf32, #tpu.memory_space<vmem_shared>>
      tpu.wait_indirect_dma semaphore(%arg15 : memref<!tpu.dma_semaphore, #tpu.memory_space<semaphore_mem>>) src(%arg11 : memref<128xf32, #tpu.memory_space<vmem>>) dst(%dma_wait3A_660 : memref<802816xf32, #tpu.memory_space<vmem_shared>>)
      %dma_wait3A_661 = arith.constant 15 : i32
      %dma_wait3A_662 = arith.constant 0 : i32
      %dma_wait3A_663 = tpu.memref_slice %arg9[%dma_wait3A_661, %dma_wait3A_662] : memref<32x128xi32, #tpu.memory_space<vmem>> -> memref<1x128xi32, #tpu.memory_space<vmem>>
      %dma_wait3A_664 = tpu.memref_squeeze %dma_wait3A_663 : memref<1x128xi32, #tpu.memory_space<vmem>> -> memref<128xi32, #tpu.memory_space<vmem>>
      %dma_wait3A_665 = arith.constant 0 : i32
      %dma_wait3A_666 = tpu.memref_slice %arg13[%dma_wait3A_665] : memref<802816xf32, #tpu.memory_space<vmem_shared>> -> memref<802816xf32, #tpu.memory_space<vmem_shared>>
      tpu.wait_indirect_dma semaphore(%arg15 : memref<!tpu.dma_semaphore, #tpu.memory_space<semaphore_mem>>) src(%arg11 : memref<128xf32, #tpu.memory_space<vmem>>) dst(%dma_wait3A_666 : memref<802816xf32, #tpu.memory_space<vmem_shared>>)
      %dma_wait3A_667 = arith.constant 16 : i32
      %dma_wait3A_668 = arith.constant 0 : i32
      %dma_wait3A_669 = tpu.memref_slice %arg9[%dma_wait3A_667, %dma_wait3A_668] : memref<32x128xi32, #tpu.memory_space<vmem>> -> memref<1x128xi32, #tpu.memory_space<vmem>>
      %dma_wait3A_670 = tpu.memref_squeeze %dma_wait3A_669 : memref<1x128xi32, #tpu.memory_space<vmem>> -> memref<128xi32, #tpu.memory_space<vmem>>
      %dma_wait3A_671 = arith.constant 0 : i32
      %dma_wait3A_672 = tpu.memref_slice %arg13[%dma_wait3A_671] : memref<802816xf32, #tpu.memory_space<vmem_shared>> -> memref<802816xf32, #tpu.memory_space<vmem_shared>>
      tpu.wait_indirect_dma semaphore(%arg15 : memref<!tpu.dma_semaphore, #tpu.memory_space<semaphore_mem>>) src(%arg11 : memref<128xf32, #tpu.memory_space<vmem>>) dst(%dma_wait3A_672 : memref<802816xf32, #tpu.memory_space<vmem_shared>>)
      %dma_wait3A_673 = arith.constant 17 : i32
      %dma_wait3A_674 = arith.constant 0 : i32
      %dma_wait3A_675 = tpu.memref_slice %arg9[%dma_wait3A_673, %dma_wait3A_674] : memref<32x128xi32, #tpu.memory_space<vmem>> -> memref<1x128xi32, #tpu.memory_space<vmem>>
      %dma_wait3A_676 = tpu.memref_squeeze %dma_wait3A_675 : memref<1x128xi32, #tpu.memory_space<vmem>> -> memref<128xi32, #tpu.memory_space<vmem>>
      %dma_wait3A_677 = arith.constant 0 : i32
      %dma_wait3A_678 = tpu.memref_slice %arg13[%dma_wait3A_677] : memref<802816xf32, #tpu.memory_space<vmem_shared>> -> memref<802816xf32, #tpu.memory_space<vmem_shared>>
      tpu.wait_indirect_dma semaphore(%arg15 : memref<!tpu.dma_semaphore, #tpu.memory_space<semaphore_mem>>) src(%arg11 : memref<128xf32, #tpu.memory_space<vmem>>) dst(%dma_wait3A_678 : memref<802816xf32, #tpu.memory_space<vmem_shared>>)
      %dma_wait3A_679 = arith.constant 18 : i32
      %dma_wait3A_680 = arith.constant 0 : i32
      %dma_wait3A_681 = tpu.memref_slice %arg9[%dma_wait3A_679, %dma_wait3A_680] : memref<32x128xi32, #tpu.memory_space<vmem>> -> memref<1x128xi32, #tpu.memory_space<vmem>>
      %dma_wait3A_682 = tpu.memref_squeeze %dma_wait3A_681 : memref<1x128xi32, #tpu.memory_space<vmem>> -> memref<128xi32, #tpu.memory_space<vmem>>
      %dma_wait3A_683 = arith.constant 0 : i32
      %dma_wait3A_684 = tpu.memref_slice %arg13[%dma_wait3A_683] : memref<802816xf32, #tpu.memory_space<vmem_shared>> -> memref<802816xf32, #tpu.memory_space<vmem_shared>>
      tpu.wait_indirect_dma semaphore(%arg15 : memref<!tpu.dma_semaphore, #tpu.memory_space<semaphore_mem>>) src(%arg11 : memref<128xf32, #tpu.memory_space<vmem>>) dst(%dma_wait3A_684 : memref<802816xf32, #tpu.memory_space<vmem_shared>>)
      %dma_wait3A_685 = arith.constant 19 : i32
      %dma_wait3A_686 = arith.constant 0 : i32
      %dma_wait3A_687 = tpu.memref_slice %arg9[%dma_wait3A_685, %dma_wait3A_686] : memref<32x128xi32, #tpu.memory_space<vmem>> -> memref<1x128xi32, #tpu.memory_space<vmem>>
      %dma_wait3A_688 = tpu.memref_squeeze %dma_wait3A_687 : memref<1x128xi32, #tpu.memory_space<vmem>> -> memref<128xi32, #tpu.memory_space<vmem>>
      %dma_wait3A_689 = arith.constant 0 : i32
      %dma_wait3A_690 = tpu.memref_slice %arg13[%dma_wait3A_689] : memref<802816xf32, #tpu.memory_space<vmem_shared>> -> memref<802816xf32, #tpu.memory_space<vmem_shared>>
      tpu.wait_indirect_dma semaphore(%arg15 : memref<!tpu.dma_semaphore, #tpu.memory_space<semaphore_mem>>) src(%arg11 : memref<128xf32, #tpu.memory_space<vmem>>) dst(%dma_wait3A_690 : memref<802816xf32, #tpu.memory_space<vmem_shared>>)
      %dma_wait3A_691 = arith.constant 20 : i32
      %dma_wait3A_692 = arith.constant 0 : i32
      %dma_wait3A_693 = tpu.memref_slice %arg9[%dma_wait3A_691, %dma_wait3A_692] : memref<32x128xi32, #tpu.memory_space<vmem>> -> memref<1x128xi32, #tpu.memory_space<vmem>>
      %dma_wait3A_694 = tpu.memref_squeeze %dma_wait3A_693 : memref<1x128xi32, #tpu.memory_space<vmem>> -> memref<128xi32, #tpu.memory_space<vmem>>
      %dma_wait3A_695 = arith.constant 0 : i32
      %dma_wait3A_696 = tpu.memref_slice %arg13[%dma_wait3A_695] : memref<802816xf32, #tpu.memory_space<vmem_shared>> -> memref<802816xf32, #tpu.memory_space<vmem_shared>>
      tpu.wait_indirect_dma semaphore(%arg15 : memref<!tpu.dma_semaphore, #tpu.memory_space<semaphore_mem>>) src(%arg11 : memref<128xf32, #tpu.memory_space<vmem>>) dst(%dma_wait3A_696 : memref<802816xf32, #tpu.memory_space<vmem_shared>>)
      %dma_wait3A_697 = arith.constant 21 : i32
      %dma_wait3A_698 = arith.constant 0 : i32
      %dma_wait3A_699 = tpu.memref_slice %arg9[%dma_wait3A_697, %dma_wait3A_698] : memref<32x128xi32, #tpu.memory_space<vmem>> -> memref<1x128xi32, #tpu.memory_space<vmem>>
      %dma_wait3A_700 = tpu.memref_squeeze %dma_wait3A_699 : memref<1x128xi32, #tpu.memory_space<vmem>> -> memref<128xi32, #tpu.memory_space<vmem>>
      %dma_wait3A_701 = arith.constant 0 : i32
      %dma_wait3A_702 = tpu.memref_slice %arg13[%dma_wait3A_701] : memref<802816xf32, #tpu.memory_space<vmem_shared>> -> memref<802816xf32, #tpu.memory_space<vmem_shared>>
      tpu.wait_indirect_dma semaphore(%arg15 : memref<!tpu.dma_semaphore, #tpu.memory_space<semaphore_mem>>) src(%arg11 : memref<128xf32, #tpu.memory_space<vmem>>) dst(%dma_wait3A_702 : memref<802816xf32, #tpu.memory_space<vmem_shared>>)
      %dma_wait3A_703 = arith.constant 22 : i32
      %dma_wait3A_704 = arith.constant 0 : i32
      %dma_wait3A_705 = tpu.memref_slice %arg9[%dma_wait3A_703, %dma_wait3A_704] : memref<32x128xi32, #tpu.memory_space<vmem>> -> memref<1x128xi32, #tpu.memory_space<vmem>>
      %dma_wait3A_706 = tpu.memref_squeeze %dma_wait3A_705 : memref<1x128xi32, #tpu.memory_space<vmem>> -> memref<128xi32, #tpu.memory_space<vmem>>
      %dma_wait3A_707 = arith.constant 0 : i32
      %dma_wait3A_708 = tpu.memref_slice %arg13[%dma_wait3A_707] : memref<802816xf32, #tpu.memory_space<vmem_shared>> -> memref<802816xf32, #tpu.memory_space<vmem_shared>>
      tpu.wait_indirect_dma semaphore(%arg15 : memref<!tpu.dma_semaphore, #tpu.memory_space<semaphore_mem>>) src(%arg11 : memref<128xf32, #tpu.memory_space<vmem>>) dst(%dma_wait3A_708 : memref<802816xf32, #tpu.memory_space<vmem_shared>>)
      %dma_wait3A_709 = arith.constant 23 : i32
      %dma_wait3A_710 = arith.constant 0 : i32
      %dma_wait3A_711 = tpu.memref_slice %arg9[%dma_wait3A_709, %dma_wait3A_710] : memref<32x128xi32, #tpu.memory_space<vmem>> -> memref<1x128xi32, #tpu.memory_space<vmem>>
      %dma_wait3A_712 = tpu.memref_squeeze %dma_wait3A_711 : memref<1x128xi32, #tpu.memory_space<vmem>> -> memref<128xi32, #tpu.memory_space<vmem>>
      %dma_wait3A_713 = arith.constant 0 : i32
      %dma_wait3A_714 = tpu.memref_slice %arg13[%dma_wait3A_713] : memref<802816xf32, #tpu.memory_space<vmem_shared>> -> memref<802816xf32, #tpu.memory_space<vmem_shared>>
      tpu.wait_indirect_dma semaphore(%arg15 : memref<!tpu.dma_semaphore, #tpu.memory_space<semaphore_mem>>) src(%arg11 : memref<128xf32, #tpu.memory_space<vmem>>) dst(%dma_wait3A_714 : memref<802816xf32, #tpu.memory_space<vmem_shared>>)
      %dma_wait3A_715 = arith.constant 24 : i32
      %dma_wait3A_716 = arith.constant 0 : i32
      %dma_wait3A_717 = tpu.memref_slice %arg9[%dma_wait3A_715, %dma_wait3A_716] : memref<32x128xi32, #tpu.memory_space<vmem>> -> memref<1x128xi32, #tpu.memory_space<vmem>>
      %dma_wait3A_718 = tpu.memref_squeeze %dma_wait3A_717 : memref<1x128xi32, #tpu.memory_space<vmem>> -> memref<128xi32, #tpu.memory_space<vmem>>
      %dma_wait3A_719 = arith.constant 0 : i32
      %dma_wait3A_720 = tpu.memref_slice %arg13[%dma_wait3A_719] : memref<802816xf32, #tpu.memory_space<vmem_shared>> -> memref<802816xf32, #tpu.memory_space<vmem_shared>>
      tpu.wait_indirect_dma semaphore(%arg15 : memref<!tpu.dma_semaphore, #tpu.memory_space<semaphore_mem>>) src(%arg11 : memref<128xf32, #tpu.memory_space<vmem>>) dst(%dma_wait3A_720 : memref<802816xf32, #tpu.memory_space<vmem_shared>>)
      %dma_wait3A_721 = arith.constant 25 : i32
      %dma_wait3A_722 = arith.constant 0 : i32
      %dma_wait3A_723 = tpu.memref_slice %arg9[%dma_wait3A_721, %dma_wait3A_722] : memref<32x128xi32, #tpu.memory_space<vmem>> -> memref<1x128xi32, #tpu.memory_space<vmem>>
      %dma_wait3A_724 = tpu.memref_squeeze %dma_wait3A_723 : memref<1x128xi32, #tpu.memory_space<vmem>> -> memref<128xi32, #tpu.memory_space<vmem>>
      %dma_wait3A_725 = arith.constant 0 : i32
      %dma_wait3A_726 = tpu.memref_slice %arg13[%dma_wait3A_725] : memref<802816xf32, #tpu.memory_space<vmem_shared>> -> memref<802816xf32, #tpu.memory_space<vmem_shared>>
      tpu.wait_indirect_dma semaphore(%arg15 : memref<!tpu.dma_semaphore, #tpu.memory_space<semaphore_mem>>) src(%arg11 : memref<128xf32, #tpu.memory_space<vmem>>) dst(%dma_wait3A_726 : memref<802816xf32, #tpu.memory_space<vmem_shared>>)
      %dma_wait3A_727 = arith.constant 26 : i32
      %dma_wait3A_728 = arith.constant 0 : i32
      %dma_wait3A_729 = tpu.memref_slice %arg9[%dma_wait3A_727, %dma_wait3A_728] : memref<32x128xi32, #tpu.memory_space<vmem>> -> memref<1x128xi32, #tpu.memory_space<vmem>>
      %dma_wait3A_730 = tpu.memref_squeeze %dma_wait3A_729 : memref<1x128xi32, #tpu.memory_space<vmem>> -> memref<128xi32, #tpu.memory_space<vmem>>
      %dma_wait3A_731 = arith.constant 0 : i32
      %dma_wait3A_732 = tpu.memref_slice %arg13[%dma_wait3A_731] : memref<802816xf32, #tpu.memory_space<vmem_shared>> -> memref<802816xf32, #tpu.memory_space<vmem_shared>>
      tpu.wait_indirect_dma semaphore(%arg15 : memref<!tpu.dma_semaphore, #tpu.memory_space<semaphore_mem>>) src(%arg11 : memref<128xf32, #tpu.memory_space<vmem>>) dst(%dma_wait3A_732 : memref<802816xf32, #tpu.memory_space<vmem_shared>>)
      %dma_wait3A_733 = arith.constant 27 : i32
      %dma_wait3A_734 = arith.constant 0 : i32
      %dma_wait3A_735 = tpu.memref_slice %arg9[%dma_wait3A_733, %dma_wait3A_734] : memref<32x128xi32, #tpu.memory_space<vmem>> -> memref<1x128xi32, #tpu.memory_space<vmem>>
      %dma_wait3A_736 = tpu.memref_squeeze %dma_wait3A_735 : memref<1x128xi32, #tpu.memory_space<vmem>> -> memref<128xi32, #tpu.memory_space<vmem>>
      %dma_wait3A_737 = arith.constant 0 : i32
      %dma_wait3A_738 = tpu.memref_slice %arg13[%dma_wait3A_737] : memref<802816xf32, #tpu.memory_space<vmem_shared>> -> memref<802816xf32, #tpu.memory_space<vmem_shared>>
      tpu.wait_indirect_dma semaphore(%arg15 : memref<!tpu.dma_semaphore, #tpu.memory_space<semaphore_mem>>) src(%arg11 : memref<128xf32, #tpu.memory_space<vmem>>) dst(%dma_wait3A_738 : memref<802816xf32, #tpu.memory_space<vmem_shared>>)
      %dma_wait3A_739 = arith.constant 28 : i32
      %dma_wait3A_740 = arith.constant 0 : i32
      %dma_wait3A_741 = tpu.memref_slice %arg9[%dma_wait3A_739, %dma_wait3A_740] : memref<32x128xi32, #tpu.memory_space<vmem>> -> memref<1x128xi32, #tpu.memory_space<vmem>>
      %dma_wait3A_742 = tpu.memref_squeeze %dma_wait3A_741 : memref<1x128xi32, #tpu.memory_space<vmem>> -> memref<128xi32, #tpu.memory_space<vmem>>
      %dma_wait3A_743 = arith.constant 0 : i32
      %dma_wait3A_744 = tpu.memref_slice %arg13[%dma_wait3A_743] : memref<802816xf32, #tpu.memory_space<vmem_shared>> -> memref<802816xf32, #tpu.memory_space<vmem_shared>>
      tpu.wait_indirect_dma semaphore(%arg15 : memref<!tpu.dma_semaphore, #tpu.memory_space<semaphore_mem>>) src(%arg11 : memref<128xf32, #tpu.memory_space<vmem>>) dst(%dma_wait3A_744 : memref<802816xf32, #tpu.memory_space<vmem_shared>>)
      %dma_wait3A_745 = arith.constant 29 : i32
      %dma_wait3A_746 = arith.constant 0 : i32
      %dma_wait3A_747 = tpu.memref_slice %arg9[%dma_wait3A_745, %dma_wait3A_746] : memref<32x128xi32, #tpu.memory_space<vmem>> -> memref<1x128xi32, #tpu.memory_space<vmem>>
      %dma_wait3A_748 = tpu.memref_squeeze %dma_wait3A_747 : memref<1x128xi32, #tpu.memory_space<vmem>> -> memref<128xi32, #tpu.memory_space<vmem>>
      %dma_wait3A_749 = arith.constant 0 : i32
      %dma_wait3A_750 = tpu.memref_slice %arg13[%dma_wait3A_749] : memref<802816xf32, #tpu.memory_space<vmem_shared>> -> memref<802816xf32, #tpu.memory_space<vmem_shared>>
      tpu.wait_indirect_dma semaphore(%arg15 : memref<!tpu.dma_semaphore, #tpu.memory_space<semaphore_mem>>) src(%arg11 : memref<128xf32, #tpu.memory_space<vmem>>) dst(%dma_wait3A_750 : memref<802816xf32, #tpu.memory_space<vmem_shared>>)
      %dma_wait3A_751 = arith.constant 30 : i32
      %dma_wait3A_752 = arith.constant 0 : i32
      %dma_wait3A_753 = tpu.memref_slice %arg9[%dma_wait3A_751, %dma_wait3A_752] : memref<32x128xi32, #tpu.memory_space<vmem>> -> memref<1x128xi32, #tpu.memory_space<vmem>>
      %dma_wait3A_754 = tpu.memref_squeeze %dma_wait3A_753 : memref<1x128xi32, #tpu.memory_space<vmem>> -> memref<128xi32, #tpu.memory_space<vmem>>
      %dma_wait3A_755 = arith.constant 0 : i32
      %dma_wait3A_756 = tpu.memref_slice %arg13[%dma_wait3A_755] : memref<802816xf32, #tpu.memory_space<vmem_shared>> -> memref<802816xf32, #tpu.memory_space<vmem_shared>>
      tpu.wait_indirect_dma semaphore(%arg15 : memref<!tpu.dma_semaphore, #tpu.memory_space<semaphore_mem>>) src(%arg11 : memref<128xf32, #tpu.memory_space<vmem>>) dst(%dma_wait3A_756 : memref<802816xf32, #tpu.memory_space<vmem_shared>>)
      %dma_wait3A_757 = arith.constant 31 : i32
      %dma_wait3A_758 = arith.constant 0 : i32
      %dma_wait3A_759 = tpu.memref_slice %arg9[%dma_wait3A_757, %dma_wait3A_758] : memref<32x128xi32, #tpu.memory_space<vmem>> -> memref<1x128xi32, #tpu.memory_space<vmem>>
      %dma_wait3A_760 = tpu.memref_squeeze %dma_wait3A_759 : memref<1x128xi32, #tpu.memory_space<vmem>> -> memref<128xi32, #tpu.memory_space<vmem>>
      %dma_wait3A_761 = arith.constant 0 : i32
      %dma_wait3A_762 = tpu.memref_slice %arg13[%dma_wait3A_761] : memref<802816xf32, #tpu.memory_space<vmem_shared>> -> memref<802816xf32, #tpu.memory_space<vmem_shared>>
      tpu.wait_indirect_dma semaphore(%arg15 : memref<!tpu.dma_semaphore, #tpu.memory_space<semaphore_mem>>) src(%arg11 : memref<128xf32, #tpu.memory_space<vmem>>) dst(%dma_wait3A_762 : memref<802816xf32, #tpu.memory_space<vmem_shared>>)
      %dma_wait3A_763 = arith.constant 0 : i32
      %dma_wait3A_764 = arith.constant 0 : i32
      %dma_wait3A_765 = tpu.memref_slice %arg10[%dma_wait3A_763, %dma_wait3A_764] : memref<16x128xi32, #tpu.memory_space<vmem>> -> memref<1x128xi32, #tpu.memory_space<vmem>>
      %dma_wait3A_766 = tpu.memref_squeeze %dma_wait3A_765 : memref<1x128xi32, #tpu.memory_space<vmem>> -> memref<128xi32, #tpu.memory_space<vmem>>
      %dma_wait3A_767 = arith.constant 0 : i32
      %dma_wait3A_768 = tpu.memref_slice %arg14[%dma_wait3A_767] : memref<802816xf32, #tpu.memory_space<vmem_shared>> -> memref<802816xf32, #tpu.memory_space<vmem_shared>>
      tpu.wait_indirect_dma semaphore(%arg15 : memref<!tpu.dma_semaphore, #tpu.memory_space<semaphore_mem>>) src(%arg11 : memref<128xf32, #tpu.memory_space<vmem>>) dst(%dma_wait3A_768 : memref<802816xf32, #tpu.memory_space<vmem_shared>>)
      %dma_wait3A_769 = arith.constant 1 : i32
      %dma_wait3A_770 = arith.constant 0 : i32
      %dma_wait3A_771 = tpu.memref_slice %arg10[%dma_wait3A_769, %dma_wait3A_770] : memref<16x128xi32, #tpu.memory_space<vmem>> -> memref<1x128xi32, #tpu.memory_space<vmem>>
      %dma_wait3A_772 = tpu.memref_squeeze %dma_wait3A_771 : memref<1x128xi32, #tpu.memory_space<vmem>> -> memref<128xi32, #tpu.memory_space<vmem>>
      %dma_wait3A_773 = arith.constant 0 : i32
      %dma_wait3A_774 = tpu.memref_slice %arg14[%dma_wait3A_773] : memref<802816xf32, #tpu.memory_space<vmem_shared>> -> memref<802816xf32, #tpu.memory_space<vmem_shared>>
      tpu.wait_indirect_dma semaphore(%arg15 : memref<!tpu.dma_semaphore, #tpu.memory_space<semaphore_mem>>) src(%arg11 : memref<128xf32, #tpu.memory_space<vmem>>) dst(%dma_wait3A_774 : memref<802816xf32, #tpu.memory_space<vmem_shared>>)
      %dma_wait3A_775 = arith.constant 2 : i32
      %dma_wait3A_776 = arith.constant 0 : i32
      %dma_wait3A_777 = tpu.memref_slice %arg10[%dma_wait3A_775, %dma_wait3A_776] : memref<16x128xi32, #tpu.memory_space<vmem>> -> memref<1x128xi32, #tpu.memory_space<vmem>>
      %dma_wait3A_778 = tpu.memref_squeeze %dma_wait3A_777 : memref<1x128xi32, #tpu.memory_space<vmem>> -> memref<128xi32, #tpu.memory_space<vmem>>
      %dma_wait3A_779 = arith.constant 0 : i32
      %dma_wait3A_780 = tpu.memref_slice %arg14[%dma_wait3A_779] : memref<802816xf32, #tpu.memory_space<vmem_shared>> -> memref<802816xf32, #tpu.memory_space<vmem_shared>>
      tpu.wait_indirect_dma semaphore(%arg15 : memref<!tpu.dma_semaphore, #tpu.memory_space<semaphore_mem>>) src(%arg11 : memref<128xf32, #tpu.memory_space<vmem>>) dst(%dma_wait3A_780 : memref<802816xf32, #tpu.memory_space<vmem_shared>>)
      %dma_wait3A_781 = arith.constant 3 : i32
      %dma_wait3A_782 = arith.constant 0 : i32
      %dma_wait3A_783 = tpu.memref_slice %arg10[%dma_wait3A_781, %dma_wait3A_782] : memref<16x128xi32, #tpu.memory_space<vmem>> -> memref<1x128xi32, #tpu.memory_space<vmem>>
      %dma_wait3A_784 = tpu.memref_squeeze %dma_wait3A_783 : memref<1x128xi32, #tpu.memory_space<vmem>> -> memref<128xi32, #tpu.memory_space<vmem>>
      %dma_wait3A_785 = arith.constant 0 : i32
      %dma_wait3A_786 = tpu.memref_slice %arg14[%dma_wait3A_785] : memref<802816xf32, #tpu.memory_space<vmem_shared>> -> memref<802816xf32, #tpu.memory_space<vmem_shared>>
      tpu.wait_indirect_dma semaphore(%arg15 : memref<!tpu.dma_semaphore, #tpu.memory_space<semaphore_mem>>) src(%arg11 : memref<128xf32, #tpu.memory_space<vmem>>) dst(%dma_wait3A_786 : memref<802816xf32, #tpu.memory_space<vmem_shared>>)
      %dma_wait3A_787 = arith.constant 4 : i32
      %dma_wait3A_788 = arith.constant 0 : i32
      %dma_wait3A_789 = tpu.memref_slice %arg10[%dma_wait3A_787, %dma_wait3A_788] : memref<16x128xi32, #tpu.memory_space<vmem>> -> memref<1x128xi32, #tpu.memory_space<vmem>>
      %dma_wait3A_790 = tpu.memref_squeeze %dma_wait3A_789 : memref<1x128xi32, #tpu.memory_space<vmem>> -> memref<128xi32, #tpu.memory_space<vmem>>
      %dma_wait3A_791 = arith.constant 0 : i32
      %dma_wait3A_792 = tpu.memref_slice %arg14[%dma_wait3A_791] : memref<802816xf32, #tpu.memory_space<vmem_shared>> -> memref<802816xf32, #tpu.memory_space<vmem_shared>>
      tpu.wait_indirect_dma semaphore(%arg15 : memref<!tpu.dma_semaphore, #tpu.memory_space<semaphore_mem>>) src(%arg11 : memref<128xf32, #tpu.memory_space<vmem>>) dst(%dma_wait3A_792 : memref<802816xf32, #tpu.memory_space<vmem_shared>>)
      %dma_wait3A_793 = arith.constant 5 : i32
      %dma_wait3A_794 = arith.constant 0 : i32
      %dma_wait3A_795 = tpu.memref_slice %arg10[%dma_wait3A_793, %dma_wait3A_794] : memref<16x128xi32, #tpu.memory_space<vmem>> -> memref<1x128xi32, #tpu.memory_space<vmem>>
      %dma_wait3A_796 = tpu.memref_squeeze %dma_wait3A_795 : memref<1x128xi32, #tpu.memory_space<vmem>> -> memref<128xi32, #tpu.memory_space<vmem>>
      %dma_wait3A_797 = arith.constant 0 : i32
      %dma_wait3A_798 = tpu.memref_slice %arg14[%dma_wait3A_797] : memref<802816xf32, #tpu.memory_space<vmem_shared>> -> memref<802816xf32, #tpu.memory_space<vmem_shared>>
      tpu.wait_indirect_dma semaphore(%arg15 : memref<!tpu.dma_semaphore, #tpu.memory_space<semaphore_mem>>) src(%arg11 : memref<128xf32, #tpu.memory_space<vmem>>) dst(%dma_wait3A_798 : memref<802816xf32, #tpu.memory_space<vmem_shared>>)
      %dma_wait3A_799 = arith.constant 6 : i32
      %dma_wait3A_800 = arith.constant 0 : i32
      %dma_wait3A_801 = tpu.memref_slice %arg10[%dma_wait3A_799, %dma_wait3A_800] : memref<16x128xi32, #tpu.memory_space<vmem>> -> memref<1x128xi32, #tpu.memory_space<vmem>>
      %dma_wait3A_802 = tpu.memref_squeeze %dma_wait3A_801 : memref<1x128xi32, #tpu.memory_space<vmem>> -> memref<128xi32, #tpu.memory_space<vmem>>
      %dma_wait3A_803 = arith.constant 0 : i32
      %dma_wait3A_804 = tpu.memref_slice %arg14[%dma_wait3A_803] : memref<802816xf32, #tpu.memory_space<vmem_shared>> -> memref<802816xf32, #tpu.memory_space<vmem_shared>>
      tpu.wait_indirect_dma semaphore(%arg15 : memref<!tpu.dma_semaphore, #tpu.memory_space<semaphore_mem>>) src(%arg11 : memref<128xf32, #tpu.memory_space<vmem>>) dst(%dma_wait3A_804 : memref<802816xf32, #tpu.memory_space<vmem_shared>>)
      %dma_wait3A_805 = arith.constant 7 : i32
      %dma_wait3A_806 = arith.constant 0 : i32
      %dma_wait3A_807 = tpu.memref_slice %arg10[%dma_wait3A_805, %dma_wait3A_806] : memref<16x128xi32, #tpu.memory_space<vmem>> -> memref<1x128xi32, #tpu.memory_space<vmem>>
      %dma_wait3A_808 = tpu.memref_squeeze %dma_wait3A_807 : memref<1x128xi32, #tpu.memory_space<vmem>> -> memref<128xi32, #tpu.memory_space<vmem>>
      %dma_wait3A_809 = arith.constant 0 : i32
      %dma_wait3A_810 = tpu.memref_slice %arg14[%dma_wait3A_809] : memref<802816xf32, #tpu.memory_space<vmem_shared>> -> memref<802816xf32, #tpu.memory_space<vmem_shared>>
      tpu.wait_indirect_dma semaphore(%arg15 : memref<!tpu.dma_semaphore, #tpu.memory_space<semaphore_mem>>) src(%arg11 : memref<128xf32, #tpu.memory_space<vmem>>) dst(%dma_wait3A_810 : memref<802816xf32, #tpu.memory_space<vmem_shared>>)
      %dma_wait3A_811 = arith.constant 8 : i32
      %dma_wait3A_812 = arith.constant 0 : i32
      %dma_wait3A_813 = tpu.memref_slice %arg10[%dma_wait3A_811, %dma_wait3A_812] : memref<16x128xi32, #tpu.memory_space<vmem>> -> memref<1x128xi32, #tpu.memory_space<vmem>>
      %dma_wait3A_814 = tpu.memref_squeeze %dma_wait3A_813 : memref<1x128xi32, #tpu.memory_space<vmem>> -> memref<128xi32, #tpu.memory_space<vmem>>
      %dma_wait3A_815 = arith.constant 0 : i32
      %dma_wait3A_816 = tpu.memref_slice %arg14[%dma_wait3A_815] : memref<802816xf32, #tpu.memory_space<vmem_shared>> -> memref<802816xf32, #tpu.memory_space<vmem_shared>>
      tpu.wait_indirect_dma semaphore(%arg15 : memref<!tpu.dma_semaphore, #tpu.memory_space<semaphore_mem>>) src(%arg11 : memref<128xf32, #tpu.memory_space<vmem>>) dst(%dma_wait3A_816 : memref<802816xf32, #tpu.memory_space<vmem_shared>>)
      %dma_wait3A_817 = arith.constant 9 : i32
      %dma_wait3A_818 = arith.constant 0 : i32
      %dma_wait3A_819 = tpu.memref_slice %arg10[%dma_wait3A_817, %dma_wait3A_818] : memref<16x128xi32, #tpu.memory_space<vmem>> -> memref<1x128xi32, #tpu.memory_space<vmem>>
      %dma_wait3A_820 = tpu.memref_squeeze %dma_wait3A_819 : memref<1x128xi32, #tpu.memory_space<vmem>> -> memref<128xi32, #tpu.memory_space<vmem>>
      %dma_wait3A_821 = arith.constant 0 : i32
      %dma_wait3A_822 = tpu.memref_slice %arg14[%dma_wait3A_821] : memref<802816xf32, #tpu.memory_space<vmem_shared>> -> memref<802816xf32, #tpu.memory_space<vmem_shared>>
      tpu.wait_indirect_dma semaphore(%arg15 : memref<!tpu.dma_semaphore, #tpu.memory_space<semaphore_mem>>) src(%arg11 : memref<128xf32, #tpu.memory_space<vmem>>) dst(%dma_wait3A_822 : memref<802816xf32, #tpu.memory_space<vmem_shared>>)
      %dma_wait3A_823 = arith.constant 10 : i32
      %dma_wait3A_824 = arith.constant 0 : i32
      %dma_wait3A_825 = tpu.memref_slice %arg10[%dma_wait3A_823, %dma_wait3A_824] : memref<16x128xi32, #tpu.memory_space<vmem>> -> memref<1x128xi32, #tpu.memory_space<vmem>>
      %dma_wait3A_826 = tpu.memref_squeeze %dma_wait3A_825 : memref<1x128xi32, #tpu.memory_space<vmem>> -> memref<128xi32, #tpu.memory_space<vmem>>
      %dma_wait3A_827 = arith.constant 0 : i32
      %dma_wait3A_828 = tpu.memref_slice %arg14[%dma_wait3A_827] : memref<802816xf32, #tpu.memory_space<vmem_shared>> -> memref<802816xf32, #tpu.memory_space<vmem_shared>>
      tpu.wait_indirect_dma semaphore(%arg15 : memref<!tpu.dma_semaphore, #tpu.memory_space<semaphore_mem>>) src(%arg11 : memref<128xf32, #tpu.memory_space<vmem>>) dst(%dma_wait3A_828 : memref<802816xf32, #tpu.memory_space<vmem_shared>>)
      %dma_wait3A_829 = arith.constant 11 : i32
      %dma_wait3A_830 = arith.constant 0 : i32
      %dma_wait3A_831 = tpu.memref_slice %arg10[%dma_wait3A_829, %dma_wait3A_830] : memref<16x128xi32, #tpu.memory_space<vmem>> -> memref<1x128xi32, #tpu.memory_space<vmem>>
      %dma_wait3A_832 = tpu.memref_squeeze %dma_wait3A_831 : memref<1x128xi32, #tpu.memory_space<vmem>> -> memref<128xi32, #tpu.memory_space<vmem>>
      %dma_wait3A_833 = arith.constant 0 : i32
      %dma_wait3A_834 = tpu.memref_slice %arg14[%dma_wait3A_833] : memref<802816xf32, #tpu.memory_space<vmem_shared>> -> memref<802816xf32, #tpu.memory_space<vmem_shared>>
      tpu.wait_indirect_dma semaphore(%arg15 : memref<!tpu.dma_semaphore, #tpu.memory_space<semaphore_mem>>) src(%arg11 : memref<128xf32, #tpu.memory_space<vmem>>) dst(%dma_wait3A_834 : memref<802816xf32, #tpu.memory_space<vmem_shared>>)
      %dma_wait3A_835 = arith.constant 12 : i32
      %dma_wait3A_836 = arith.constant 0 : i32
      %dma_wait3A_837 = tpu.memref_slice %arg10[%dma_wait3A_835, %dma_wait3A_836] : memref<16x128xi32, #tpu.memory_space<vmem>> -> memref<1x128xi32, #tpu.memory_space<vmem>>
      %dma_wait3A_838 = tpu.memref_squeeze %dma_wait3A_837 : memref<1x128xi32, #tpu.memory_space<vmem>> -> memref<128xi32, #tpu.memory_space<vmem>>
      %dma_wait3A_839 = arith.constant 0 : i32
      %dma_wait3A_840 = tpu.memref_slice %arg14[%dma_wait3A_839] : memref<802816xf32, #tpu.memory_space<vmem_shared>> -> memref<802816xf32, #tpu.memory_space<vmem_shared>>
      tpu.wait_indirect_dma semaphore(%arg15 : memref<!tpu.dma_semaphore, #tpu.memory_space<semaphore_mem>>) src(%arg11 : memref<128xf32, #tpu.memory_space<vmem>>) dst(%dma_wait3A_840 : memref<802816xf32, #tpu.memory_space<vmem_shared>>)
      %dma_wait3A_841 = arith.constant 13 : i32
      %dma_wait3A_842 = arith.constant 0 : i32
      %dma_wait3A_843 = tpu.memref_slice %arg10[%dma_wait3A_841, %dma_wait3A_842] : memref<16x128xi32, #tpu.memory_space<vmem>> -> memref<1x128xi32, #tpu.memory_space<vmem>>
      %dma_wait3A_844 = tpu.memref_squeeze %dma_wait3A_843 : memref<1x128xi32, #tpu.memory_space<vmem>> -> memref<128xi32, #tpu.memory_space<vmem>>
      %dma_wait3A_845 = arith.constant 0 : i32
      %dma_wait3A_846 = tpu.memref_slice %arg14[%dma_wait3A_845] : memref<802816xf32, #tpu.memory_space<vmem_shared>> -> memref<802816xf32, #tpu.memory_space<vmem_shared>>
      tpu.wait_indirect_dma semaphore(%arg15 : memref<!tpu.dma_semaphore, #tpu.memory_space<semaphore_mem>>) src(%arg11 : memref<128xf32, #tpu.memory_space<vmem>>) dst(%dma_wait3A_846 : memref<802816xf32, #tpu.memory_space<vmem_shared>>)
      %dma_wait3A_847 = arith.constant 14 : i32
      %dma_wait3A_848 = arith.constant 0 : i32
      %dma_wait3A_849 = tpu.memref_slice %arg10[%dma_wait3A_847, %dma_wait3A_848] : memref<16x128xi32, #tpu.memory_space<vmem>> -> memref<1x128xi32, #tpu.memory_space<vmem>>
      %dma_wait3A_850 = tpu.memref_squeeze %dma_wait3A_849 : memref<1x128xi32, #tpu.memory_space<vmem>> -> memref<128xi32, #tpu.memory_space<vmem>>
      %dma_wait3A_851 = arith.constant 0 : i32
      %dma_wait3A_852 = tpu.memref_slice %arg14[%dma_wait3A_851] : memref<802816xf32, #tpu.memory_space<vmem_shared>> -> memref<802816xf32, #tpu.memory_space<vmem_shared>>
      tpu.wait_indirect_dma semaphore(%arg15 : memref<!tpu.dma_semaphore, #tpu.memory_space<semaphore_mem>>) src(%arg11 : memref<128xf32, #tpu.memory_space<vmem>>) dst(%dma_wait3A_852 : memref<802816xf32, #tpu.memory_space<vmem_shared>>)
      %dma_wait3A_853 = arith.constant 15 : i32
      %dma_wait3A_854 = arith.constant 0 : i32
      %dma_wait3A_855 = tpu.memref_slice %arg10[%dma_wait3A_853, %dma_wait3A_854] : memref<16x128xi32, #tpu.memory_space<vmem>> -> memref<1x128xi32, #tpu.memory_space<vmem>>
      %dma_wait3A_856 = tpu.memref_squeeze %dma_wait3A_855 : memref<1x128xi32, #tpu.memory_space<vmem>> -> memref<128xi32, #tpu.memory_space<vmem>>
      %dma_wait3A_857 = arith.constant 0 : i32
      %dma_wait3A_858 = tpu.memref_slice %arg14[%dma_wait3A_857] : memref<802816xf32, #tpu.memory_space<vmem_shared>> -> memref<802816xf32, #tpu.memory_space<vmem_shared>>
      tpu.wait_indirect_dma semaphore(%arg15 : memref<!tpu.dma_semaphore, #tpu.memory_space<semaphore_mem>>) src(%arg11 : memref<128xf32, #tpu.memory_space<vmem>>) dst(%dma_wait3A_858 : memref<802816xf32, #tpu.memory_space<vmem_shared>>)
      %barrier3A_859 = arith.constant 0 : index
      tpu.barrier barrier_id(%barrier3A_859)
      %dma_start3A_860 = tpu.memref_slice %arg5[%mul3A_0] : memref<802816xf32, #tpu.memory_space<hbm>> -> memref<50176xf32, #tpu.memory_space<hbm>>
      %dma_start3A_861 = tpu.memref_slice %arg13[%mul3A_0] : memref<802816xf32, #tpu.memory_space<vmem_shared>> -> memref<50176xf32, #tpu.memory_space<vmem_shared>>
      tpu.enqueue_dma source(%dma_start3A_861 : memref<50176xf32, #tpu.memory_space<vmem_shared>>) target(%dma_start3A_860 : memref<50176xf32, #tpu.memory_space<hbm>>) target_semaphore(%arg15 : memref<!tpu.dma_semaphore, #tpu.memory_space<semaphore_mem>>)
      %dma_start3A_862 = tpu.memref_slice %arg7[%mul3A_0] : memref<802816xf32, #tpu.memory_space<hbm>> -> memref<50176xf32, #tpu.memory_space<hbm>>
      %dma_start3A_863 = tpu.memref_slice %arg14[%mul3A_0] : memref<802816xf32, #tpu.memory_space<vmem_shared>> -> memref<50176xf32, #tpu.memory_space<vmem_shared>>
      tpu.enqueue_dma source(%dma_start3A_863 : memref<50176xf32, #tpu.memory_space<vmem_shared>>) target(%dma_start3A_862 : memref<50176xf32, #tpu.memory_space<hbm>>) target_semaphore(%arg15 : memref<!tpu.dma_semaphore, #tpu.memory_space<semaphore_mem>>)
      %dma_wait3A_864 = tpu.memref_slice %arg5[%mul3A_0] : memref<802816xf32, #tpu.memory_space<hbm>> -> memref<50176xf32, #tpu.memory_space<hbm>>
      %dma_wait3A_865 = tpu.memref_slice %arg13[%mul3A_0] : memref<802816xf32, #tpu.memory_space<vmem_shared>> -> memref<50176xf32, #tpu.memory_space<vmem_shared>>
      tpu.wait_dma2 semaphore(%arg15 : memref<!tpu.dma_semaphore, #tpu.memory_space<semaphore_mem>>) src(%dma_wait3A_865 : memref<50176xf32, #tpu.memory_space<vmem_shared>>) dst(%dma_wait3A_864 : memref<50176xf32, #tpu.memory_space<hbm>>)
      %dma_wait3A_866 = tpu.memref_slice %arg7[%mul3A_0] : memref<802816xf32, #tpu.memory_space<hbm>> -> memref<50176xf32, #tpu.memory_space<hbm>>
      %dma_wait3A_867 = tpu.memref_slice %arg14[%mul3A_0] : memref<802816xf32, #tpu.memory_space<vmem_shared>> -> memref<50176xf32, #tpu.memory_space<vmem_shared>>
      tpu.wait_dma2 semaphore(%arg15 : memref<!tpu.dma_semaphore, #tpu.memory_space<semaphore_mem>>) src(%dma_wait3A_867 : memref<50176xf32, #tpu.memory_space<vmem_shared>>) dst(%dma_wait3A_866 : memref<50176xf32, #tpu.memory_space<hbm>>)
    } else {
    }
    %eq3A_3 = arith.constant 1 : i32
    %eq3A_4 = arith.cmpi eq, %arg0, %eq3A_3 : i32
    %convert_element_type3A_5 = arith.extui %eq3A_4 : i1 to i32
    %cond3A_6 = arith.constant 0 : i32
    %cond3A_7 = arith.cmpi ne, %convert_element_type3A_5, %cond3A_6 : i32
    scf.if %cond3A_7 {
      %mul3A_8 = arith.constant 16 : i32
      %mul3A_9 = arith.muli %arg0, %mul3A_8 : i32
      %add3A = arith.addi %mul3A_9, %arg1 : i32
      %dma_start3A = arith.constant 0 : i32
      %dma_start3A_10 = arith.constant 0 : i32
      %dma_start3A_11 = tpu.memref_slice %arg3[%arg1, %dma_start3A, %dma_start3A_10] : memref<16x32x128xi32, #tpu.memory_space<hbm>> -> memref<1x32x128xi32, #tpu.memory_space<hbm>>
      %dma_start3A_12 = tpu.memref_squeeze %dma_start3A_11 : memref<1x32x128xi32, #tpu.memory_space<hbm>> -> memref<32x128xi32, #tpu.memory_space<hbm>>
      %dma_start3A_13 = arith.constant 0 : i32
      %dma_start3A_14 = arith.constant 0 : i32
      %dma_start3A_15 = tpu.memref_slice %arg3[%arg1, %dma_start3A_13, %dma_start3A_14] : memref<16x32x128xi32, #tpu.memory_space<hbm>> -> memref<1x32x128xi32, #tpu.memory_space<hbm>>
      %dma_start3A_16 = tpu.memref_squeeze %dma_start3A_15 : memref<1x32x128xi32, #tpu.memory_space<hbm>> -> memref<32x128xi32, #tpu.memory_space<hbm>>
      tpu.enqueue_dma source(%dma_start3A_16 : memref<32x128xi32, #tpu.memory_space<hbm>>) target(%arg9 : memref<32x128xi32, #tpu.memory_space<vmem>>) target_semaphore(%arg15 : memref<!tpu.dma_semaphore, #tpu.memory_space<semaphore_mem>>)
      %dma_start3A_17 = arith.constant 0 : i32
      %dma_start3A_18 = arith.constant 0 : i32
      %dma_start3A_19 = tpu.memref_slice %arg4[%add3A, %dma_start3A_17, %dma_start3A_18] : memref<32x16x128xi32, #tpu.memory_space<hbm>> -> memref<1x16x128xi32, #tpu.memory_space<hbm>>
      %dma_start3A_20 = tpu.memref_squeeze %dma_start3A_19 : memref<1x16x128xi32, #tpu.memory_space<hbm>> -> memref<16x128xi32, #tpu.memory_space<hbm>>
      %dma_start3A_21 = arith.constant 0 : i32
      %dma_start3A_22 = arith.constant 0 : i32
      %dma_start3A_23 = tpu.memref_slice %arg4[%add3A, %dma_start3A_21, %dma_start3A_22] : memref<32x16x128xi32, #tpu.memory_space<hbm>> -> memref<1x16x128xi32, #tpu.memory_space<hbm>>
      %dma_start3A_24 = tpu.memref_squeeze %dma_start3A_23 : memref<1x16x128xi32, #tpu.memory_space<hbm>> -> memref<16x128xi32, #tpu.memory_space<hbm>>
      tpu.enqueue_dma source(%dma_start3A_24 : memref<16x128xi32, #tpu.memory_space<hbm>>) target(%arg10 : memref<16x128xi32, #tpu.memory_space<vmem>>) target_semaphore(%arg15 : memref<!tpu.dma_semaphore, #tpu.memory_space<semaphore_mem>>)
      %scan3A = arith.constant 0 : i32
      %scan3A_25 = arith.constant 0 : i32
      %scan3A_26 = arith.constant 196 : i32
      %scan3A_27 = arith.addi %scan3A_25, %scan3A_26 : i32
      %scan3A_28 = arith.constant 1 : i32
      scf.for %scan3A_868 = %scan3A_25 to %scan3A_27 step %scan3A_28  : i32 {
        %broadcast_in_dim3A_869 = arith.constant 0.000000e+00 : f32
        %broadcast_in_dim3A_870 = vector.broadcast %broadcast_in_dim3A_869 : f32 to vector<16xf32>
        %mul3A_871 = arith.constant 16 : i32
        %mul3A_872 = arith.muli %scan3A_868, %mul3A_871 : i32
        %swap3A_873 = arith.index_cast %mul3A_872 : i32 to index
        %swap3A_874 = tpu.vector_load %arg12[%swap3A_873] {strides = array<i32>} : memref<3136xf32, #tpu.memory_space<vmem>>, vector<16xf32>,
        %swap3A_875 = vector.shape_cast %swap3A_874 : vector<16xf32> to vector<16xf32>
        %swap3A_876 = vector.shape_cast %broadcast_in_dim3A_870 : vector<16xf32> to vector<16xf32>
        tpu.vector_store %arg12[%swap3A_873], %swap3A_876 {strides = array<i32>} : memref<3136xf32, #tpu.memory_space<vmem>>, vector<16xf32>,
      }
      %scan3A_29 = arith.constant 196 : i32
      %broadcast_in_dim3A = arith.constant 1.000000e+00 : f32
      %broadcast_in_dim3A_30 = vector.broadcast %broadcast_in_dim3A : f32 to vector<16xf32>
      %swap3A = arith.constant 0 : index
      %swap3A_31 = tpu.vector_load %arg11[%swap3A] {strides = array<i32>} : memref<128xf32, #tpu.memory_space<vmem>>, vector<16xf32>,
      %swap3A_32 = vector.shape_cast %swap3A_31 : vector<16xf32> to vector<16xf32>
      %swap3A_33 = vector.shape_cast %broadcast_in_dim3A_30 : vector<16xf32> to vector<16xf32>
      tpu.vector_store %arg11[%swap3A], %swap3A_33 {strides = array<i32>} : memref<128xf32, #tpu.memory_space<vmem>>, vector<16xf32>,
      %broadcast_in_dim3A_34 = arith.constant 1.000000e+00 : f32
      %broadcast_in_dim3A_35 = vector.broadcast %broadcast_in_dim3A_34 : f32 to vector<16xf32>
      %swap3A_36 = arith.constant 16 : index
      %swap3A_37 = tpu.vector_load %arg11[%swap3A_36] {strides = array<i32>} : memref<128xf32, #tpu.memory_space<vmem>>, vector<16xf32>,
      %swap3A_38 = vector.shape_cast %swap3A_37 : vector<16xf32> to vector<16xf32>
      %swap3A_39 = vector.shape_cast %broadcast_in_dim3A_35 : vector<16xf32> to vector<16xf32>
      tpu.vector_store %arg11[%swap3A_36], %swap3A_39 {strides = array<i32>} : memref<128xf32, #tpu.memory_space<vmem>>, vector<16xf32>,
      %broadcast_in_dim3A_40 = arith.constant 1.000000e+00 : f32
      %broadcast_in_dim3A_41 = vector.broadcast %broadcast_in_dim3A_40 : f32 to vector<16xf32>
      %swap3A_42 = arith.constant 32 : index
      %swap3A_43 = tpu.vector_load %arg11[%swap3A_42] {strides = array<i32>} : memref<128xf32, #tpu.memory_space<vmem>>, vector<16xf32>,
      %swap3A_44 = vector.shape_cast %swap3A_43 : vector<16xf32> to vector<16xf32>
      %swap3A_45 = vector.shape_cast %broadcast_in_dim3A_41 : vector<16xf32> to vector<16xf32>
      tpu.vector_store %arg11[%swap3A_42], %swap3A_45 {strides = array<i32>} : memref<128xf32, #tpu.memory_space<vmem>>, vector<16xf32>,
      %broadcast_in_dim3A_46 = arith.constant 1.000000e+00 : f32
      %broadcast_in_dim3A_47 = vector.broadcast %broadcast_in_dim3A_46 : f32 to vector<16xf32>
      %swap3A_48 = arith.constant 48 : index
      %swap3A_49 = tpu.vector_load %arg11[%swap3A_48] {strides = array<i32>} : memref<128xf32, #tpu.memory_space<vmem>>, vector<16xf32>,
      %swap3A_50 = vector.shape_cast %swap3A_49 : vector<16xf32> to vector<16xf32>
      %swap3A_51 = vector.shape_cast %broadcast_in_dim3A_47 : vector<16xf32> to vector<16xf32>
      tpu.vector_store %arg11[%swap3A_48], %swap3A_51 {strides = array<i32>} : memref<128xf32, #tpu.memory_space<vmem>>, vector<16xf32>,
      %broadcast_in_dim3A_52 = arith.constant 1.000000e+00 : f32
      %broadcast_in_dim3A_53 = vector.broadcast %broadcast_in_dim3A_52 : f32 to vector<16xf32>
      %swap3A_54 = arith.constant 64 : index
      %swap3A_55 = tpu.vector_load %arg11[%swap3A_54] {strides = array<i32>} : memref<128xf32, #tpu.memory_space<vmem>>, vector<16xf32>,
      %swap3A_56 = vector.shape_cast %swap3A_55 : vector<16xf32> to vector<16xf32>
      %swap3A_57 = vector.shape_cast %broadcast_in_dim3A_53 : vector<16xf32> to vector<16xf32>
      tpu.vector_store %arg11[%swap3A_54], %swap3A_57 {strides = array<i32>} : memref<128xf32, #tpu.memory_space<vmem>>, vector<16xf32>,
      %broadcast_in_dim3A_58 = arith.constant 1.000000e+00 : f32
      %broadcast_in_dim3A_59 = vector.broadcast %broadcast_in_dim3A_58 : f32 to vector<16xf32>
      %swap3A_60 = arith.constant 80 : index
      %swap3A_61 = tpu.vector_load %arg11[%swap3A_60] {strides = array<i32>} : memref<128xf32, #tpu.memory_space<vmem>>, vector<16xf32>,
      %swap3A_62 = vector.shape_cast %swap3A_61 : vector<16xf32> to vector<16xf32>
      %swap3A_63 = vector.shape_cast %broadcast_in_dim3A_59 : vector<16xf32> to vector<16xf32>
      tpu.vector_store %arg11[%swap3A_60], %swap3A_63 {strides = array<i32>} : memref<128xf32, #tpu.memory_space<vmem>>, vector<16xf32>,
      %broadcast_in_dim3A_64 = arith.constant 1.000000e+00 : f32
      %broadcast_in_dim3A_65 = vector.broadcast %broadcast_in_dim3A_64 : f32 to vector<16xf32>
      %swap3A_66 = arith.constant 96 : index
      %swap3A_67 = tpu.vector_load %arg11[%swap3A_66] {strides = array<i32>} : memref<128xf32, #tpu.memory_space<vmem>>, vector<16xf32>,
      %swap3A_68 = vector.shape_cast %swap3A_67 : vector<16xf32> to vector<16xf32>
      %swap3A_69 = vector.shape_cast %broadcast_in_dim3A_65 : vector<16xf32> to vector<16xf32>
      tpu.vector_store %arg11[%swap3A_66], %swap3A_69 {strides = array<i32>} : memref<128xf32, #tpu.memory_space<vmem>>, vector<16xf32>,
      %broadcast_in_dim3A_70 = arith.constant 1.000000e+00 : f32
      %broadcast_in_dim3A_71 = vector.broadcast %broadcast_in_dim3A_70 : f32 to vector<16xf32>
      %swap3A_72 = arith.constant 112 : index
      %swap3A_73 = tpu.vector_load %arg11[%swap3A_72] {strides = array<i32>} : memref<128xf32, #tpu.memory_space<vmem>>, vector<16xf32>,
      %swap3A_74 = vector.shape_cast %swap3A_73 : vector<16xf32> to vector<16xf32>
      %swap3A_75 = vector.shape_cast %broadcast_in_dim3A_71 : vector<16xf32> to vector<16xf32>
      tpu.vector_store %arg11[%swap3A_72], %swap3A_75 {strides = array<i32>} : memref<128xf32, #tpu.memory_space<vmem>>, vector<16xf32>,
      %add3A_76 = arith.constant 0 : i32
      %add3A_77 = arith.addi %mul3A_0, %add3A_76 : i32
      %dma_start3A_78 = tpu.memref_slice %arg13[%add3A_77] : memref<802816xf32, #tpu.memory_space<vmem_shared>> -> memref<3136xf32, #tpu.memory_space<vmem_shared>>
      %dma_start3A_79 = tpu.memref_slice %arg13[%add3A_77] : memref<802816xf32, #tpu.memory_space<vmem_shared>> -> memref<3136xf32, #tpu.memory_space<vmem_shared>>
      tpu.enqueue_dma source(%arg12 : memref<3136xf32, #tpu.memory_space<vmem>>) target(%dma_start3A_79 : memref<3136xf32, #tpu.memory_space<vmem_shared>>) target_semaphore(%arg15 : memref<!tpu.dma_semaphore, #tpu.memory_space<semaphore_mem>>)
      %add3A_80 = arith.constant 3136 : i32
      %add3A_81 = arith.addi %mul3A_0, %add3A_80 : i32
      %dma_start3A_82 = tpu.memref_slice %arg13[%add3A_81] : memref<802816xf32, #tpu.memory_space<vmem_shared>> -> memref<3136xf32, #tpu.memory_space<vmem_shared>>
      %dma_start3A_83 = tpu.memref_slice %arg13[%add3A_81] : memref<802816xf32, #tpu.memory_space<vmem_shared>> -> memref<3136xf32, #tpu.memory_space<vmem_shared>>
      tpu.enqueue_dma source(%arg12 : memref<3136xf32, #tpu.memory_space<vmem>>) target(%dma_start3A_83 : memref<3136xf32, #tpu.memory_space<vmem_shared>>) target_semaphore(%arg15 : memref<!tpu.dma_semaphore, #tpu.memory_space<semaphore_mem>>)
      %add3A_84 = arith.constant 6272 : i32
      %add3A_85 = arith.addi %mul3A_0, %add3A_84 : i32
      %dma_start3A_86 = tpu.memref_slice %arg13[%add3A_85] : memref<802816xf32, #tpu.memory_space<vmem_shared>> -> memref<3136xf32, #tpu.memory_space<vmem_shared>>
      %dma_start3A_87 = tpu.memref_slice %arg13[%add3A_85] : memref<802816xf32, #tpu.memory_space<vmem_shared>> -> memref<3136xf32, #tpu.memory_space<vmem_shared>>
      tpu.enqueue_dma source(%arg12 : memref<3136xf32, #tpu.memory_space<vmem>>) target(%dma_start3A_87 : memref<3136xf32, #tpu.memory_space<vmem_shared>>) target_semaphore(%arg15 : memref<!tpu.dma_semaphore, #tpu.memory_space<semaphore_mem>>)
      %add3A_88 = arith.constant 9408 : i32
      %add3A_89 = arith.addi %mul3A_0, %add3A_88 : i32
      %dma_start3A_90 = tpu.memref_slice %arg13[%add3A_89] : memref<802816xf32, #tpu.memory_space<vmem_shared>> -> memref<3136xf32, #tpu.memory_space<vmem_shared>>
      %dma_start3A_91 = tpu.memref_slice %arg13[%add3A_89] : memref<802816xf32, #tpu.memory_space<vmem_shared>> -> memref<3136xf32, #tpu.memory_space<vmem_shared>>
      tpu.enqueue_dma source(%arg12 : memref<3136xf32, #tpu.memory_space<vmem>>) target(%dma_start3A_91 : memref<3136xf32, #tpu.memory_space<vmem_shared>>) target_semaphore(%arg15 : memref<!tpu.dma_semaphore, #tpu.memory_space<semaphore_mem>>)
      %add3A_92 = arith.constant 12544 : i32
      %add3A_93 = arith.addi %mul3A_0, %add3A_92 : i32
      %dma_start3A_94 = tpu.memref_slice %arg13[%add3A_93] : memref<802816xf32, #tpu.memory_space<vmem_shared>> -> memref<3136xf32, #tpu.memory_space<vmem_shared>>
      %dma_start3A_95 = tpu.memref_slice %arg13[%add3A_93] : memref<802816xf32, #tpu.memory_space<vmem_shared>> -> memref<3136xf32, #tpu.memory_space<vmem_shared>>
      tpu.enqueue_dma source(%arg12 : memref<3136xf32, #tpu.memory_space<vmem>>) target(%dma_start3A_95 : memref<3136xf32, #tpu.memory_space<vmem_shared>>) target_semaphore(%arg15 : memref<!tpu.dma_semaphore, #tpu.memory_space<semaphore_mem>>)
      %add3A_96 = arith.constant 15680 : i32
      %add3A_97 = arith.addi %mul3A_0, %add3A_96 : i32
      %dma_start3A_98 = tpu.memref_slice %arg13[%add3A_97] : memref<802816xf32, #tpu.memory_space<vmem_shared>> -> memref<3136xf32, #tpu.memory_space<vmem_shared>>
      %dma_start3A_99 = tpu.memref_slice %arg13[%add3A_97] : memref<802816xf32, #tpu.memory_space<vmem_shared>> -> memref<3136xf32, #tpu.memory_space<vmem_shared>>
      tpu.enqueue_dma source(%arg12 : memref<3136xf32, #tpu.memory_space<vmem>>) target(%dma_start3A_99 : memref<3136xf32, #tpu.memory_space<vmem_shared>>) target_semaphore(%arg15 : memref<!tpu.dma_semaphore, #tpu.memory_space<semaphore_mem>>)
      %add3A_100 = arith.constant 18816 : i32
      %add3A_101 = arith.addi %mul3A_0, %add3A_100 : i32
      %dma_start3A_102 = tpu.memref_slice %arg13[%add3A_101] : memref<802816xf32, #tpu.memory_space<vmem_shared>> -> memref<3136xf32, #tpu.memory_space<vmem_shared>>
      %dma_start3A_103 = tpu.memref_slice %arg13[%add3A_101] : memref<802816xf32, #tpu.memory_space<vmem_shared>> -> memref<3136xf32, #tpu.memory_space<vmem_shared>>
      tpu.enqueue_dma source(%arg12 : memref<3136xf32, #tpu.memory_space<vmem>>) target(%dma_start3A_103 : memref<3136xf32, #tpu.memory_space<vmem_shared>>) target_semaphore(%arg15 : memref<!tpu.dma_semaphore, #tpu.memory_space<semaphore_mem>>)
      %add3A_104 = arith.constant 21952 : i32
      %add3A_105 = arith.addi %mul3A_0, %add3A_104 : i32
      %dma_start3A_106 = tpu.memref_slice %arg13[%add3A_105] : memref<802816xf32, #tpu.memory_space<vmem_shared>> -> memref<3136xf32, #tpu.memory_space<vmem_shared>>
      %dma_start3A_107 = tpu.memref_slice %arg13[%add3A_105] : memref<802816xf32, #tpu.memory_space<vmem_shared>> -> memref<3136xf32, #tpu.memory_space<vmem_shared>>
      tpu.enqueue_dma source(%arg12 : memref<3136xf32, #tpu.memory_space<vmem>>) target(%dma_start3A_107 : memref<3136xf32, #tpu.memory_space<vmem_shared>>) target_semaphore(%arg15 : memref<!tpu.dma_semaphore, #tpu.memory_space<semaphore_mem>>)
      %add3A_108 = arith.constant 25088 : i32
      %add3A_109 = arith.addi %mul3A_0, %add3A_108 : i32
      %dma_start3A_110 = tpu.memref_slice %arg13[%add3A_109] : memref<802816xf32, #tpu.memory_space<vmem_shared>> -> memref<3136xf32, #tpu.memory_space<vmem_shared>>
      %dma_start3A_111 = tpu.memref_slice %arg13[%add3A_109] : memref<802816xf32, #tpu.memory_space<vmem_shared>> -> memref<3136xf32, #tpu.memory_space<vmem_shared>>
      tpu.enqueue_dma source(%arg12 : memref<3136xf32, #tpu.memory_space<vmem>>) target(%dma_start3A_111 : memref<3136xf32, #tpu.memory_space<vmem_shared>>) target_semaphore(%arg15 : memref<!tpu.dma_semaphore, #tpu.memory_space<semaphore_mem>>)
      %add3A_112 = arith.constant 28224 : i32
      %add3A_113 = arith.addi %mul3A_0, %add3A_112 : i32
      %dma_start3A_114 = tpu.memref_slice %arg13[%add3A_113] : memref<802816xf32, #tpu.memory_space<vmem_shared>> -> memref<3136xf32, #tpu.memory_space<vmem_shared>>
      %dma_start3A_115 = tpu.memref_slice %arg13[%add3A_113] : memref<802816xf32, #tpu.memory_space<vmem_shared>> -> memref<3136xf32, #tpu.memory_space<vmem_shared>>
      tpu.enqueue_dma source(%arg12 : memref<3136xf32, #tpu.memory_space<vmem>>) target(%dma_start3A_115 : memref<3136xf32, #tpu.memory_space<vmem_shared>>) target_semaphore(%arg15 : memref<!tpu.dma_semaphore, #tpu.memory_space<semaphore_mem>>)
      %add3A_116 = arith.constant 31360 : i32
      %add3A_117 = arith.addi %mul3A_0, %add3A_116 : i32
      %dma_start3A_118 = tpu.memref_slice %arg13[%add3A_117] : memref<802816xf32, #tpu.memory_space<vmem_shared>> -> memref<3136xf32, #tpu.memory_space<vmem_shared>>
      %dma_start3A_119 = tpu.memref_slice %arg13[%add3A_117] : memref<802816xf32, #tpu.memory_space<vmem_shared>> -> memref<3136xf32, #tpu.memory_space<vmem_shared>>
      tpu.enqueue_dma source(%arg12 : memref<3136xf32, #tpu.memory_space<vmem>>) target(%dma_start3A_119 : memref<3136xf32, #tpu.memory_space<vmem_shared>>) target_semaphore(%arg15 : memref<!tpu.dma_semaphore, #tpu.memory_space<semaphore_mem>>)
      %add3A_120 = arith.constant 34496 : i32
      %add3A_121 = arith.addi %mul3A_0, %add3A_120 : i32
      %dma_start3A_122 = tpu.memref_slice %arg13[%add3A_121] : memref<802816xf32, #tpu.memory_space<vmem_shared>> -> memref<3136xf32, #tpu.memory_space<vmem_shared>>
      %dma_start3A_123 = tpu.memref_slice %arg13[%add3A_121] : memref<802816xf32, #tpu.memory_space<vmem_shared>> -> memref<3136xf32, #tpu.memory_space<vmem_shared>>
      tpu.enqueue_dma source(%arg12 : memref<3136xf32, #tpu.memory_space<vmem>>) target(%dma_start3A_123 : memref<3136xf32, #tpu.memory_space<vmem_shared>>) target_semaphore(%arg15 : memref<!tpu.dma_semaphore, #tpu.memory_space<semaphore_mem>>)
      %add3A_124 = arith.constant 37632 : i32
      %add3A_125 = arith.addi %mul3A_0, %add3A_124 : i32
      %dma_start3A_126 = tpu.memref_slice %arg13[%add3A_125] : memref<802816xf32, #tpu.memory_space<vmem_shared>> -> memref<3136xf32, #tpu.memory_space<vmem_shared>>
      %dma_start3A_127 = tpu.memref_slice %arg13[%add3A_125] : memref<802816xf32, #tpu.memory_space<vmem_shared>> -> memref<3136xf32, #tpu.memory_space<vmem_shared>>
      tpu.enqueue_dma source(%arg12 : memref<3136xf32, #tpu.memory_space<vmem>>) target(%dma_start3A_127 : memref<3136xf32, #tpu.memory_space<vmem_shared>>) target_semaphore(%arg15 : memref<!tpu.dma_semaphore, #tpu.memory_space<semaphore_mem>>)
      %add3A_128 = arith.constant 40768 : i32
      %add3A_129 = arith.addi %mul3A_0, %add3A_128 : i32
      %dma_start3A_130 = tpu.memref_slice %arg13[%add3A_129] : memref<802816xf32, #tpu.memory_space<vmem_shared>> -> memref<3136xf32, #tpu.memory_space<vmem_shared>>
      %dma_start3A_131 = tpu.memref_slice %arg13[%add3A_129] : memref<802816xf32, #tpu.memory_space<vmem_shared>> -> memref<3136xf32, #tpu.memory_space<vmem_shared>>
      tpu.enqueue_dma source(%arg12 : memref<3136xf32, #tpu.memory_space<vmem>>) target(%dma_start3A_131 : memref<3136xf32, #tpu.memory_space<vmem_shared>>) target_semaphore(%arg15 : memref<!tpu.dma_semaphore, #tpu.memory_space<semaphore_mem>>)
      %add3A_132 = arith.constant 43904 : i32
      %add3A_133 = arith.addi %mul3A_0, %add3A_132 : i32
      %dma_start3A_134 = tpu.memref_slice %arg13[%add3A_133] : memref<802816xf32, #tpu.memory_space<vmem_shared>> -> memref<3136xf32, #tpu.memory_space<vmem_shared>>
      %dma_start3A_135 = tpu.memref_slice %arg13[%add3A_133] : memref<802816xf32, #tpu.memory_space<vmem_shared>> -> memref<3136xf32, #tpu.memory_space<vmem_shared>>
      tpu.enqueue_dma source(%arg12 : memref<3136xf32, #tpu.memory_space<vmem>>) target(%dma_start3A_135 : memref<3136xf32, #tpu.memory_space<vmem_shared>>) target_semaphore(%arg15 : memref<!tpu.dma_semaphore, #tpu.memory_space<semaphore_mem>>)
      %add3A_136 = arith.constant 47040 : i32
      %add3A_137 = arith.addi %mul3A_0, %add3A_136 : i32
      %dma_start3A_138 = tpu.memref_slice %arg13[%add3A_137] : memref<802816xf32, #tpu.memory_space<vmem_shared>> -> memref<3136xf32, #tpu.memory_space<vmem_shared>>
      %dma_start3A_139 = tpu.memref_slice %arg13[%add3A_137] : memref<802816xf32, #tpu.memory_space<vmem_shared>> -> memref<3136xf32, #tpu.memory_space<vmem_shared>>
      tpu.enqueue_dma source(%arg12 : memref<3136xf32, #tpu.memory_space<vmem>>) target(%dma_start3A_139 : memref<3136xf32, #tpu.memory_space<vmem_shared>>) target_semaphore(%arg15 : memref<!tpu.dma_semaphore, #tpu.memory_space<semaphore_mem>>)
      %add3A_140 = arith.constant 0 : i32
      %add3A_141 = arith.addi %mul3A_0, %add3A_140 : i32
      %dma_start3A_142 = tpu.memref_slice %arg14[%add3A_141] : memref<802816xf32, #tpu.memory_space<vmem_shared>> -> memref<3136xf32, #tpu.memory_space<vmem_shared>>
      %dma_start3A_143 = tpu.memref_slice %arg14[%add3A_141] : memref<802816xf32, #tpu.memory_space<vmem_shared>> -> memref<3136xf32, #tpu.memory_space<vmem_shared>>
      tpu.enqueue_dma source(%arg12 : memref<3136xf32, #tpu.memory_space<vmem>>) target(%dma_start3A_143 : memref<3136xf32, #tpu.memory_space<vmem_shared>>) target_semaphore(%arg15 : memref<!tpu.dma_semaphore, #tpu.memory_space<semaphore_mem>>)
      %add3A_144 = arith.constant 3136 : i32
      %add3A_145 = arith.addi %mul3A_0, %add3A_144 : i32
      %dma_start3A_146 = tpu.memref_slice %arg14[%add3A_145] : memref<802816xf32, #tpu.memory_space<vmem_shared>> -> memref<3136xf32, #tpu.memory_space<vmem_shared>>
      %dma_start3A_147 = tpu.memref_slice %arg14[%add3A_145] : memref<802816xf32, #tpu.memory_space<vmem_shared>> -> memref<3136xf32, #tpu.memory_space<vmem_shared>>
      tpu.enqueue_dma source(%arg12 : memref<3136xf32, #tpu.memory_space<vmem>>) target(%dma_start3A_147 : memref<3136xf32, #tpu.memory_space<vmem_shared>>) target_semaphore(%arg15 : memref<!tpu.dma_semaphore, #tpu.memory_space<semaphore_mem>>)
      %add3A_148 = arith.constant 6272 : i32
      %add3A_149 = arith.addi %mul3A_0, %add3A_148 : i32
      %dma_start3A_150 = tpu.memref_slice %arg14[%add3A_149] : memref<802816xf32, #tpu.memory_space<vmem_shared>> -> memref<3136xf32, #tpu.memory_space<vmem_shared>>
      %dma_start3A_151 = tpu.memref_slice %arg14[%add3A_149] : memref<802816xf32, #tpu.memory_space<vmem_shared>> -> memref<3136xf32, #tpu.memory_space<vmem_shared>>
      tpu.enqueue_dma source(%arg12 : memref<3136xf32, #tpu.memory_space<vmem>>) target(%dma_start3A_151 : memref<3136xf32, #tpu.memory_space<vmem_shared>>) target_semaphore(%arg15 : memref<!tpu.dma_semaphore, #tpu.memory_space<semaphore_mem>>)
      %add3A_152 = arith.constant 9408 : i32
      %add3A_153 = arith.addi %mul3A_0, %add3A_152 : i32
      %dma_start3A_154 = tpu.memref_slice %arg14[%add3A_153] : memref<802816xf32, #tpu.memory_space<vmem_shared>> -> memref<3136xf32, #tpu.memory_space<vmem_shared>>
      %dma_start3A_155 = tpu.memref_slice %arg14[%add3A_153] : memref<802816xf32, #tpu.memory_space<vmem_shared>> -> memref<3136xf32, #tpu.memory_space<vmem_shared>>
      tpu.enqueue_dma source(%arg12 : memref<3136xf32, #tpu.memory_space<vmem>>) target(%dma_start3A_155 : memref<3136xf32, #tpu.memory_space<vmem_shared>>) target_semaphore(%arg15 : memref<!tpu.dma_semaphore, #tpu.memory_space<semaphore_mem>>)
      %add3A_156 = arith.constant 12544 : i32
      %add3A_157 = arith.addi %mul3A_0, %add3A_156 : i32
      %dma_start3A_158 = tpu.memref_slice %arg14[%add3A_157] : memref<802816xf32, #tpu.memory_space<vmem_shared>> -> memref<3136xf32, #tpu.memory_space<vmem_shared>>
      %dma_start3A_159 = tpu.memref_slice %arg14[%add3A_157] : memref<802816xf32, #tpu.memory_space<vmem_shared>> -> memref<3136xf32, #tpu.memory_space<vmem_shared>>
      tpu.enqueue_dma source(%arg12 : memref<3136xf32, #tpu.memory_space<vmem>>) target(%dma_start3A_159 : memref<3136xf32, #tpu.memory_space<vmem_shared>>) target_semaphore(%arg15 : memref<!tpu.dma_semaphore, #tpu.memory_space<semaphore_mem>>)
      %add3A_160 = arith.constant 15680 : i32
      %add3A_161 = arith.addi %mul3A_0, %add3A_160 : i32
      %dma_start3A_162 = tpu.memref_slice %arg14[%add3A_161] : memref<802816xf32, #tpu.memory_space<vmem_shared>> -> memref<3136xf32, #tpu.memory_space<vmem_shared>>
      %dma_start3A_163 = tpu.memref_slice %arg14[%add3A_161] : memref<802816xf32, #tpu.memory_space<vmem_shared>> -> memref<3136xf32, #tpu.memory_space<vmem_shared>>
      tpu.enqueue_dma source(%arg12 : memref<3136xf32, #tpu.memory_space<vmem>>) target(%dma_start3A_163 : memref<3136xf32, #tpu.memory_space<vmem_shared>>) target_semaphore(%arg15 : memref<!tpu.dma_semaphore, #tpu.memory_space<semaphore_mem>>)
      %add3A_164 = arith.constant 18816 : i32
      %add3A_165 = arith.addi %mul3A_0, %add3A_164 : i32
      %dma_start3A_166 = tpu.memref_slice %arg14[%add3A_165] : memref<802816xf32, #tpu.memory_space<vmem_shared>> -> memref<3136xf32, #tpu.memory_space<vmem_shared>>
      %dma_start3A_167 = tpu.memref_slice %arg14[%add3A_165] : memref<802816xf32, #tpu.memory_space<vmem_shared>> -> memref<3136xf32, #tpu.memory_space<vmem_shared>>
      tpu.enqueue_dma source(%arg12 : memref<3136xf32, #tpu.memory_space<vmem>>) target(%dma_start3A_167 : memref<3136xf32, #tpu.memory_space<vmem_shared>>) target_semaphore(%arg15 : memref<!tpu.dma_semaphore, #tpu.memory_space<semaphore_mem>>)
      %add3A_168 = arith.constant 21952 : i32
      %add3A_169 = arith.addi %mul3A_0, %add3A_168 : i32
      %dma_start3A_170 = tpu.memref_slice %arg14[%add3A_169] : memref<802816xf32, #tpu.memory_space<vmem_shared>> -> memref<3136xf32, #tpu.memory_space<vmem_shared>>
      %dma_start3A_171 = tpu.memref_slice %arg14[%add3A_169] : memref<802816xf32, #tpu.memory_space<vmem_shared>> -> memref<3136xf32, #tpu.memory_space<vmem_shared>>
      tpu.enqueue_dma source(%arg12 : memref<3136xf32, #tpu.memory_space<vmem>>) target(%dma_start3A_171 : memref<3136xf32, #tpu.memory_space<vmem_shared>>) target_semaphore(%arg15 : memref<!tpu.dma_semaphore, #tpu.memory_space<semaphore_mem>>)
      %add3A_172 = arith.constant 25088 : i32
      %add3A_173 = arith.addi %mul3A_0, %add3A_172 : i32
      %dma_start3A_174 = tpu.memref_slice %arg14[%add3A_173] : memref<802816xf32, #tpu.memory_space<vmem_shared>> -> memref<3136xf32, #tpu.memory_space<vmem_shared>>
      %dma_start3A_175 = tpu.memref_slice %arg14[%add3A_173] : memref<802816xf32, #tpu.memory_space<vmem_shared>> -> memref<3136xf32, #tpu.memory_space<vmem_shared>>
      tpu.enqueue_dma source(%arg12 : memref<3136xf32, #tpu.memory_space<vmem>>) target(%dma_start3A_175 : memref<3136xf32, #tpu.memory_space<vmem_shared>>) target_semaphore(%arg15 : memref<!tpu.dma_semaphore, #tpu.memory_space<semaphore_mem>>)
      %add3A_176 = arith.constant 28224 : i32
      %add3A_177 = arith.addi %mul3A_0, %add3A_176 : i32
      %dma_start3A_178 = tpu.memref_slice %arg14[%add3A_177] : memref<802816xf32, #tpu.memory_space<vmem_shared>> -> memref<3136xf32, #tpu.memory_space<vmem_shared>>
      %dma_start3A_179 = tpu.memref_slice %arg14[%add3A_177] : memref<802816xf32, #tpu.memory_space<vmem_shared>> -> memref<3136xf32, #tpu.memory_space<vmem_shared>>
      tpu.enqueue_dma source(%arg12 : memref<3136xf32, #tpu.memory_space<vmem>>) target(%dma_start3A_179 : memref<3136xf32, #tpu.memory_space<vmem_shared>>) target_semaphore(%arg15 : memref<!tpu.dma_semaphore, #tpu.memory_space<semaphore_mem>>)
      %add3A_180 = arith.constant 31360 : i32
      %add3A_181 = arith.addi %mul3A_0, %add3A_180 : i32
      %dma_start3A_182 = tpu.memref_slice %arg14[%add3A_181] : memref<802816xf32, #tpu.memory_space<vmem_shared>> -> memref<3136xf32, #tpu.memory_space<vmem_shared>>
      %dma_start3A_183 = tpu.memref_slice %arg14[%add3A_181] : memref<802816xf32, #tpu.memory_space<vmem_shared>> -> memref<3136xf32, #tpu.memory_space<vmem_shared>>
      tpu.enqueue_dma source(%arg12 : memref<3136xf32, #tpu.memory_space<vmem>>) target(%dma_start3A_183 : memref<3136xf32, #tpu.memory_space<vmem_shared>>) target_semaphore(%arg15 : memref<!tpu.dma_semaphore, #tpu.memory_space<semaphore_mem>>)
      %add3A_184 = arith.constant 34496 : i32
      %add3A_185 = arith.addi %mul3A_0, %add3A_184 : i32
      %dma_start3A_186 = tpu.memref_slice %arg14[%add3A_185] : memref<802816xf32, #tpu.memory_space<vmem_shared>> -> memref<3136xf32, #tpu.memory_space<vmem_shared>>
      %dma_start3A_187 = tpu.memref_slice %arg14[%add3A_185] : memref<802816xf32, #tpu.memory_space<vmem_shared>> -> memref<3136xf32, #tpu.memory_space<vmem_shared>>
      tpu.enqueue_dma source(%arg12 : memref<3136xf32, #tpu.memory_space<vmem>>) target(%dma_start3A_187 : memref<3136xf32, #tpu.memory_space<vmem_shared>>) target_semaphore(%arg15 : memref<!tpu.dma_semaphore, #tpu.memory_space<semaphore_mem>>)
      %add3A_188 = arith.constant 37632 : i32
      %add3A_189 = arith.addi %mul3A_0, %add3A_188 : i32
      %dma_start3A_190 = tpu.memref_slice %arg14[%add3A_189] : memref<802816xf32, #tpu.memory_space<vmem_shared>> -> memref<3136xf32, #tpu.memory_space<vmem_shared>>
      %dma_start3A_191 = tpu.memref_slice %arg14[%add3A_189] : memref<802816xf32, #tpu.memory_space<vmem_shared>> -> memref<3136xf32, #tpu.memory_space<vmem_shared>>
      tpu.enqueue_dma source(%arg12 : memref<3136xf32, #tpu.memory_space<vmem>>) target(%dma_start3A_191 : memref<3136xf32, #tpu.memory_space<vmem_shared>>) target_semaphore(%arg15 : memref<!tpu.dma_semaphore, #tpu.memory_space<semaphore_mem>>)
      %add3A_192 = arith.constant 40768 : i32
      %add3A_193 = arith.addi %mul3A_0, %add3A_192 : i32
      %dma_start3A_194 = tpu.memref_slice %arg14[%add3A_193] : memref<802816xf32, #tpu.memory_space<vmem_shared>> -> memref<3136xf32, #tpu.memory_space<vmem_shared>>
      %dma_start3A_195 = tpu.memref_slice %arg14[%add3A_193] : memref<802816xf32, #tpu.memory_space<vmem_shared>> -> memref<3136xf32, #tpu.memory_space<vmem_shared>>
      tpu.enqueue_dma source(%arg12 : memref<3136xf32, #tpu.memory_space<vmem>>) target(%dma_start3A_195 : memref<3136xf32, #tpu.memory_space<vmem_shared>>) target_semaphore(%arg15 : memref<!tpu.dma_semaphore, #tpu.memory_space<semaphore_mem>>)
      %add3A_196 = arith.constant 43904 : i32
      %add3A_197 = arith.addi %mul3A_0, %add3A_196 : i32
      %dma_start3A_198 = tpu.memref_slice %arg14[%add3A_197] : memref<802816xf32, #tpu.memory_space<vmem_shared>> -> memref<3136xf32, #tpu.memory_space<vmem_shared>>
      %dma_start3A_199 = tpu.memref_slice %arg14[%add3A_197] : memref<802816xf32, #tpu.memory_space<vmem_shared>> -> memref<3136xf32, #tpu.memory_space<vmem_shared>>
      tpu.enqueue_dma source(%arg12 : memref<3136xf32, #tpu.memory_space<vmem>>) target(%dma_start3A_199 : memref<3136xf32, #tpu.memory_space<vmem_shared>>) target_semaphore(%arg15 : memref<!tpu.dma_semaphore, #tpu.memory_space<semaphore_mem>>)
      %add3A_200 = arith.constant 47040 : i32
      %add3A_201 = arith.addi %mul3A_0, %add3A_200 : i32
      %dma_start3A_202 = tpu.memref_slice %arg14[%add3A_201] : memref<802816xf32, #tpu.memory_space<vmem_shared>> -> memref<3136xf32, #tpu.memory_space<vmem_shared>>
      %dma_start3A_203 = tpu.memref_slice %arg14[%add3A_201] : memref<802816xf32, #tpu.memory_space<vmem_shared>> -> memref<3136xf32, #tpu.memory_space<vmem_shared>>
      tpu.enqueue_dma source(%arg12 : memref<3136xf32, #tpu.memory_space<vmem>>) target(%dma_start3A_203 : memref<3136xf32, #tpu.memory_space<vmem_shared>>) target_semaphore(%arg15 : memref<!tpu.dma_semaphore, #tpu.memory_space<semaphore_mem>>)
      %dma_wait3A = arith.constant 0 : i32
      %dma_wait3A_204 = arith.constant 0 : i32
      %dma_wait3A_205 = tpu.memref_slice %arg3[%arg1, %dma_wait3A, %dma_wait3A_204] : memref<16x32x128xi32, #tpu.memory_space<hbm>> -> memref<1x32x128xi32, #tpu.memory_space<hbm>>
      %dma_wait3A_206 = tpu.memref_squeeze %dma_wait3A_205 : memref<1x32x128xi32, #tpu.memory_space<hbm>> -> memref<32x128xi32, #tpu.memory_space<hbm>>
      %dma_wait3A_207 = arith.constant 0 : i32
      %dma_wait3A_208 = arith.constant 0 : i32
      %dma_wait3A_209 = tpu.memref_slice %arg3[%arg1, %dma_wait3A_207, %dma_wait3A_208] : memref<16x32x128xi32, #tpu.memory_space<hbm>> -> memref<1x32x128xi32, #tpu.memory_space<hbm>>
      %dma_wait3A_210 = tpu.memref_squeeze %dma_wait3A_209 : memref<1x32x128xi32, #tpu.memory_space<hbm>> -> memref<32x128xi32, #tpu.memory_space<hbm>>
      tpu.wait_dma2 semaphore(%arg15 : memref<!tpu.dma_semaphore, #tpu.memory_space<semaphore_mem>>) src(%dma_wait3A_210 : memref<32x128xi32, #tpu.memory_space<hbm>>) dst(%arg9 : memref<32x128xi32, #tpu.memory_space<vmem>>)
      %dma_wait3A_211 = arith.constant 0 : i32
      %dma_wait3A_212 = arith.constant 0 : i32
      %dma_wait3A_213 = tpu.memref_slice %arg4[%add3A, %dma_wait3A_211, %dma_wait3A_212] : memref<32x16x128xi32, #tpu.memory_space<hbm>> -> memref<1x16x128xi32, #tpu.memory_space<hbm>>
      %dma_wait3A_214 = tpu.memref_squeeze %dma_wait3A_213 : memref<1x16x128xi32, #tpu.memory_space<hbm>> -> memref<16x128xi32, #tpu.memory_space<hbm>>
      %dma_wait3A_215 = arith.constant 0 : i32
      %dma_wait3A_216 = arith.constant 0 : i32
      %dma_wait3A_217 = tpu.memref_slice %arg4[%add3A, %dma_wait3A_215, %dma_wait3A_216] : memref<32x16x128xi32, #tpu.memory_space<hbm>> -> memref<1x16x128xi32, #tpu.memory_space<hbm>>
      %dma_wait3A_218 = tpu.memref_squeeze %dma_wait3A_217 : memref<1x16x128xi32, #tpu.memory_space<hbm>> -> memref<16x128xi32, #tpu.memory_space<hbm>>
      tpu.wait_dma2 semaphore(%arg15 : memref<!tpu.dma_semaphore, #tpu.memory_space<semaphore_mem>>) src(%dma_wait3A_218 : memref<16x128xi32, #tpu.memory_space<hbm>>) dst(%arg10 : memref<16x128xi32, #tpu.memory_space<vmem>>)
      %dma_wait3A_219 = tpu.memref_slice %arg13[%add3A_77] : memref<802816xf32, #tpu.memory_space<vmem_shared>> -> memref<3136xf32, #tpu.memory_space<vmem_shared>>
      %dma_wait3A_220 = tpu.memref_slice %arg13[%add3A_77] : memref<802816xf32, #tpu.memory_space<vmem_shared>> -> memref<3136xf32, #tpu.memory_space<vmem_shared>>
      tpu.wait_dma2 semaphore(%arg15 : memref<!tpu.dma_semaphore, #tpu.memory_space<semaphore_mem>>) src(%arg12 : memref<3136xf32, #tpu.memory_space<vmem>>) dst(%dma_wait3A_220 : memref<3136xf32, #tpu.memory_space<vmem_shared>>)
      %dma_wait3A_221 = tpu.memref_slice %arg13[%add3A_81] : memref<802816xf32, #tpu.memory_space<vmem_shared>> -> memref<3136xf32, #tpu.memory_space<vmem_shared>>
      %dma_wait3A_222 = tpu.memref_slice %arg13[%add3A_81] : memref<802816xf32, #tpu.memory_space<vmem_shared>> -> memref<3136xf32, #tpu.memory_space<vmem_shared>>
      tpu.wait_dma2 semaphore(%arg15 : memref<!tpu.dma_semaphore, #tpu.memory_space<semaphore_mem>>) src(%arg12 : memref<3136xf32, #tpu.memory_space<vmem>>) dst(%dma_wait3A_222 : memref<3136xf32, #tpu.memory_space<vmem_shared>>)
      %dma_wait3A_223 = tpu.memref_slice %arg13[%add3A_85] : memref<802816xf32, #tpu.memory_space<vmem_shared>> -> memref<3136xf32, #tpu.memory_space<vmem_shared>>
      %dma_wait3A_224 = tpu.memref_slice %arg13[%add3A_85] : memref<802816xf32, #tpu.memory_space<vmem_shared>> -> memref<3136xf32, #tpu.memory_space<vmem_shared>>
      tpu.wait_dma2 semaphore(%arg15 : memref<!tpu.dma_semaphore, #tpu.memory_space<semaphore_mem>>) src(%arg12 : memref<3136xf32, #tpu.memory_space<vmem>>) dst(%dma_wait3A_224 : memref<3136xf32, #tpu.memory_space<vmem_shared>>)
      %dma_wait3A_225 = tpu.memref_slice %arg13[%add3A_89] : memref<802816xf32, #tpu.memory_space<vmem_shared>> -> memref<3136xf32, #tpu.memory_space<vmem_shared>>
      %dma_wait3A_226 = tpu.memref_slice %arg13[%add3A_89] : memref<802816xf32, #tpu.memory_space<vmem_shared>> -> memref<3136xf32, #tpu.memory_space<vmem_shared>>
      tpu.wait_dma2 semaphore(%arg15 : memref<!tpu.dma_semaphore, #tpu.memory_space<semaphore_mem>>) src(%arg12 : memref<3136xf32, #tpu.memory_space<vmem>>) dst(%dma_wait3A_226 : memref<3136xf32, #tpu.memory_space<vmem_shared>>)
      %dma_wait3A_227 = tpu.memref_slice %arg13[%add3A_93] : memref<802816xf32, #tpu.memory_space<vmem_shared>> -> memref<3136xf32, #tpu.memory_space<vmem_shared>>
      %dma_wait3A_228 = tpu.memref_slice %arg13[%add3A_93] : memref<802816xf32, #tpu.memory_space<vmem_shared>> -> memref<3136xf32, #tpu.memory_space<vmem_shared>>
      tpu.wait_dma2 semaphore(%arg15 : memref<!tpu.dma_semaphore, #tpu.memory_space<semaphore_mem>>) src(%arg12 : memref<3136xf32, #tpu.memory_space<vmem>>) dst(%dma_wait3A_228 : memref<3136xf32, #tpu.memory_space<vmem_shared>>)
      %dma_wait3A_229 = tpu.memref_slice %arg13[%add3A_97] : memref<802816xf32, #tpu.memory_space<vmem_shared>> -> memref<3136xf32, #tpu.memory_space<vmem_shared>>
      %dma_wait3A_230 = tpu.memref_slice %arg13[%add3A_97] : memref<802816xf32, #tpu.memory_space<vmem_shared>> -> memref<3136xf32, #tpu.memory_space<vmem_shared>>
      tpu.wait_dma2 semaphore(%arg15 : memref<!tpu.dma_semaphore, #tpu.memory_space<semaphore_mem>>) src(%arg12 : memref<3136xf32, #tpu.memory_space<vmem>>) dst(%dma_wait3A_230 : memref<3136xf32, #tpu.memory_space<vmem_shared>>)
      %dma_wait3A_231 = tpu.memref_slice %arg13[%add3A_101] : memref<802816xf32, #tpu.memory_space<vmem_shared>> -> memref<3136xf32, #tpu.memory_space<vmem_shared>>
      %dma_wait3A_232 = tpu.memref_slice %arg13[%add3A_101] : memref<802816xf32, #tpu.memory_space<vmem_shared>> -> memref<3136xf32, #tpu.memory_space<vmem_shared>>
      tpu.wait_dma2 semaphore(%arg15 : memref<!tpu.dma_semaphore, #tpu.memory_space<semaphore_mem>>) src(%arg12 : memref<3136xf32, #tpu.memory_space<vmem>>) dst(%dma_wait3A_232 : memref<3136xf32, #tpu.memory_space<vmem_shared>>)
      %dma_wait3A_233 = tpu.memref_slice %arg13[%add3A_105] : memref<802816xf32, #tpu.memory_space<vmem_shared>> -> memref<3136xf32, #tpu.memory_space<vmem_shared>>
      %dma_wait3A_234 = tpu.memref_slice %arg13[%add3A_105] : memref<802816xf32, #tpu.memory_space<vmem_shared>> -> memref<3136xf32, #tpu.memory_space<vmem_shared>>
      tpu.wait_dma2 semaphore(%arg15 : memref<!tpu.dma_semaphore, #tpu.memory_space<semaphore_mem>>) src(%arg12 : memref<3136xf32, #tpu.memory_space<vmem>>) dst(%dma_wait3A_234 : memref<3136xf32, #tpu.memory_space<vmem_shared>>)
      %dma_wait3A_235 = tpu.memref_slice %arg13[%add3A_109] : memref<802816xf32, #tpu.memory_space<vmem_shared>> -> memref<3136xf32, #tpu.memory_space<vmem_shared>>
      %dma_wait3A_236 = tpu.memref_slice %arg13[%add3A_109] : memref<802816xf32, #tpu.memory_space<vmem_shared>> -> memref<3136xf32, #tpu.memory_space<vmem_shared>>
      tpu.wait_dma2 semaphore(%arg15 : memref<!tpu.dma_semaphore, #tpu.memory_space<semaphore_mem>>) src(%arg12 : memref<3136xf32, #tpu.memory_space<vmem>>) dst(%dma_wait3A_236 : memref<3136xf32, #tpu.memory_space<vmem_shared>>)
      %dma_wait3A_237 = tpu.memref_slice %arg13[%add3A_113] : memref<802816xf32, #tpu.memory_space<vmem_shared>> -> memref<3136xf32, #tpu.memory_space<vmem_shared>>
      %dma_wait3A_238 = tpu.memref_slice %arg13[%add3A_113] : memref<802816xf32, #tpu.memory_space<vmem_shared>> -> memref<3136xf32, #tpu.memory_space<vmem_shared>>
      tpu.wait_dma2 semaphore(%arg15 : memref<!tpu.dma_semaphore, #tpu.memory_space<semaphore_mem>>) src(%arg12 : memref<3136xf32, #tpu.memory_space<vmem>>) dst(%dma_wait3A_238 : memref<3136xf32, #tpu.memory_space<vmem_shared>>)
      %dma_wait3A_239 = tpu.memref_slice %arg13[%add3A_117] : memref<802816xf32, #tpu.memory_space<vmem_shared>> -> memref<3136xf32, #tpu.memory_space<vmem_shared>>
      %dma_wait3A_240 = tpu.memref_slice %arg13[%add3A_117] : memref<802816xf32, #tpu.memory_space<vmem_shared>> -> memref<3136xf32, #tpu.memory_space<vmem_shared>>
      tpu.wait_dma2 semaphore(%arg15 : memref<!tpu.dma_semaphore, #tpu.memory_space<semaphore_mem>>) src(%arg12 : memref<3136xf32, #tpu.memory_space<vmem>>) dst(%dma_wait3A_240 : memref<3136xf32, #tpu.memory_space<vmem_shared>>)
      %dma_wait3A_241 = tpu.memref_slice %arg13[%add3A_121] : memref<802816xf32, #tpu.memory_space<vmem_shared>> -> memref<3136xf32, #tpu.memory_space<vmem_shared>>
      %dma_wait3A_242 = tpu.memref_slice %arg13[%add3A_121] : memref<802816xf32, #tpu.memory_space<vmem_shared>> -> memref<3136xf32, #tpu.memory_space<vmem_shared>>
      tpu.wait_dma2 semaphore(%arg15 : memref<!tpu.dma_semaphore, #tpu.memory_space<semaphore_mem>>) src(%arg12 : memref<3136xf32, #tpu.memory_space<vmem>>) dst(%dma_wait3A_242 : memref<3136xf32, #tpu.memory_space<vmem_shared>>)
      %dma_wait3A_243 = tpu.memref_slice %arg13[%add3A_125] : memref<802816xf32, #tpu.memory_space<vmem_shared>> -> memref<3136xf32, #tpu.memory_space<vmem_shared>>
      %dma_wait3A_244 = tpu.memref_slice %arg13[%add3A_125] : memref<802816xf32, #tpu.memory_space<vmem_shared>> -> memref<3136xf32, #tpu.memory_space<vmem_shared>>
      tpu.wait_dma2 semaphore(%arg15 : memref<!tpu.dma_semaphore, #tpu.memory_space<semaphore_mem>>) src(%arg12 : memref<3136xf32, #tpu.memory_space<vmem>>) dst(%dma_wait3A_244 : memref<3136xf32, #tpu.memory_space<vmem_shared>>)
      %dma_wait3A_245 = tpu.memref_slice %arg13[%add3A_129] : memref<802816xf32, #tpu.memory_space<vmem_shared>> -> memref<3136xf32, #tpu.memory_space<vmem_shared>>
      %dma_wait3A_246 = tpu.memref_slice %arg13[%add3A_129] : memref<802816xf32, #tpu.memory_space<vmem_shared>> -> memref<3136xf32, #tpu.memory_space<vmem_shared>>
      tpu.wait_dma2 semaphore(%arg15 : memref<!tpu.dma_semaphore, #tpu.memory_space<semaphore_mem>>) src(%arg12 : memref<3136xf32, #tpu.memory_space<vmem>>) dst(%dma_wait3A_246 : memref<3136xf32, #tpu.memory_space<vmem_shared>>)
      %dma_wait3A_247 = tpu.memref_slice %arg13[%add3A_133] : memref<802816xf32, #tpu.memory_space<vmem_shared>> -> memref<3136xf32, #tpu.memory_space<vmem_shared>>
      %dma_wait3A_248 = tpu.memref_slice %arg13[%add3A_133] : memref<802816xf32, #tpu.memory_space<vmem_shared>> -> memref<3136xf32, #tpu.memory_space<vmem_shared>>
      tpu.wait_dma2 semaphore(%arg15 : memref<!tpu.dma_semaphore, #tpu.memory_space<semaphore_mem>>) src(%arg12 : memref<3136xf32, #tpu.memory_space<vmem>>) dst(%dma_wait3A_248 : memref<3136xf32, #tpu.memory_space<vmem_shared>>)
      %dma_wait3A_249 = tpu.memref_slice %arg13[%add3A_137] : memref<802816xf32, #tpu.memory_space<vmem_shared>> -> memref<3136xf32, #tpu.memory_space<vmem_shared>>
      %dma_wait3A_250 = tpu.memref_slice %arg13[%add3A_137] : memref<802816xf32, #tpu.memory_space<vmem_shared>> -> memref<3136xf32, #tpu.memory_space<vmem_shared>>
      tpu.wait_dma2 semaphore(%arg15 : memref<!tpu.dma_semaphore, #tpu.memory_space<semaphore_mem>>) src(%arg12 : memref<3136xf32, #tpu.memory_space<vmem>>) dst(%dma_wait3A_250 : memref<3136xf32, #tpu.memory_space<vmem_shared>>)
      %dma_wait3A_251 = tpu.memref_slice %arg14[%add3A_141] : memref<802816xf32, #tpu.memory_space<vmem_shared>> -> memref<3136xf32, #tpu.memory_space<vmem_shared>>
      %dma_wait3A_252 = tpu.memref_slice %arg14[%add3A_141] : memref<802816xf32, #tpu.memory_space<vmem_shared>> -> memref<3136xf32, #tpu.memory_space<vmem_shared>>
      tpu.wait_dma2 semaphore(%arg15 : memref<!tpu.dma_semaphore, #tpu.memory_space<semaphore_mem>>) src(%arg12 : memref<3136xf32, #tpu.memory_space<vmem>>) dst(%dma_wait3A_252 : memref<3136xf32, #tpu.memory_space<vmem_shared>>)
      %dma_wait3A_253 = tpu.memref_slice %arg14[%add3A_145] : memref<802816xf32, #tpu.memory_space<vmem_shared>> -> memref<3136xf32, #tpu.memory_space<vmem_shared>>
      %dma_wait3A_254 = tpu.memref_slice %arg14[%add3A_145] : memref<802816xf32, #tpu.memory_space<vmem_shared>> -> memref<3136xf32, #tpu.memory_space<vmem_shared>>
      tpu.wait_dma2 semaphore(%arg15 : memref<!tpu.dma_semaphore, #tpu.memory_space<semaphore_mem>>) src(%arg12 : memref<3136xf32, #tpu.memory_space<vmem>>) dst(%dma_wait3A_254 : memref<3136xf32, #tpu.memory_space<vmem_shared>>)
      %dma_wait3A_255 = tpu.memref_slice %arg14[%add3A_149] : memref<802816xf32, #tpu.memory_space<vmem_shared>> -> memref<3136xf32, #tpu.memory_space<vmem_shared>>
      %dma_wait3A_256 = tpu.memref_slice %arg14[%add3A_149] : memref<802816xf32, #tpu.memory_space<vmem_shared>> -> memref<3136xf32, #tpu.memory_space<vmem_shared>>
      tpu.wait_dma2 semaphore(%arg15 : memref<!tpu.dma_semaphore, #tpu.memory_space<semaphore_mem>>) src(%arg12 : memref<3136xf32, #tpu.memory_space<vmem>>) dst(%dma_wait3A_256 : memref<3136xf32, #tpu.memory_space<vmem_shared>>)
      %dma_wait3A_257 = tpu.memref_slice %arg14[%add3A_153] : memref<802816xf32, #tpu.memory_space<vmem_shared>> -> memref<3136xf32, #tpu.memory_space<vmem_shared>>
      %dma_wait3A_258 = tpu.memref_slice %arg14[%add3A_153] : memref<802816xf32, #tpu.memory_space<vmem_shared>> -> memref<3136xf32, #tpu.memory_space<vmem_shared>>
      tpu.wait_dma2 semaphore(%arg15 : memref<!tpu.dma_semaphore, #tpu.memory_space<semaphore_mem>>) src(%arg12 : memref<3136xf32, #tpu.memory_space<vmem>>) dst(%dma_wait3A_258 : memref<3136xf32, #tpu.memory_space<vmem_shared>>)
      %dma_wait3A_259 = tpu.memref_slice %arg14[%add3A_157] : memref<802816xf32, #tpu.memory_space<vmem_shared>> -> memref<3136xf32, #tpu.memory_space<vmem_shared>>
      %dma_wait3A_260 = tpu.memref_slice %arg14[%add3A_157] : memref<802816xf32, #tpu.memory_space<vmem_shared>> -> memref<3136xf32, #tpu.memory_space<vmem_shared>>
      tpu.wait_dma2 semaphore(%arg15 : memref<!tpu.dma_semaphore, #tpu.memory_space<semaphore_mem>>) src(%arg12 : memref<3136xf32, #tpu.memory_space<vmem>>) dst(%dma_wait3A_260 : memref<3136xf32, #tpu.memory_space<vmem_shared>>)
      %dma_wait3A_261 = tpu.memref_slice %arg14[%add3A_161] : memref<802816xf32, #tpu.memory_space<vmem_shared>> -> memref<3136xf32, #tpu.memory_space<vmem_shared>>
      %dma_wait3A_262 = tpu.memref_slice %arg14[%add3A_161] : memref<802816xf32, #tpu.memory_space<vmem_shared>> -> memref<3136xf32, #tpu.memory_space<vmem_shared>>
      tpu.wait_dma2 semaphore(%arg15 : memref<!tpu.dma_semaphore, #tpu.memory_space<semaphore_mem>>) src(%arg12 : memref<3136xf32, #tpu.memory_space<vmem>>) dst(%dma_wait3A_262 : memref<3136xf32, #tpu.memory_space<vmem_shared>>)
      %dma_wait3A_263 = tpu.memref_slice %arg14[%add3A_165] : memref<802816xf32, #tpu.memory_space<vmem_shared>> -> memref<3136xf32, #tpu.memory_space<vmem_shared>>
      %dma_wait3A_264 = tpu.memref_slice %arg14[%add3A_165] : memref<802816xf32, #tpu.memory_space<vmem_shared>> -> memref<3136xf32, #tpu.memory_space<vmem_shared>>
      tpu.wait_dma2 semaphore(%arg15 : memref<!tpu.dma_semaphore, #tpu.memory_space<semaphore_mem>>) src(%arg12 : memref<3136xf32, #tpu.memory_space<vmem>>) dst(%dma_wait3A_264 : memref<3136xf32, #tpu.memory_space<vmem_shared>>)
      %dma_wait3A_265 = tpu.memref_slice %arg14[%add3A_169] : memref<802816xf32, #tpu.memory_space<vmem_shared>> -> memref<3136xf32, #tpu.memory_space<vmem_shared>>
      %dma_wait3A_266 = tpu.memref_slice %arg14[%add3A_169] : memref<802816xf32, #tpu.memory_space<vmem_shared>> -> memref<3136xf32, #tpu.memory_space<vmem_shared>>
      tpu.wait_dma2 semaphore(%arg15 : memref<!tpu.dma_semaphore, #tpu.memory_space<semaphore_mem>>) src(%arg12 : memref<3136xf32, #tpu.memory_space<vmem>>) dst(%dma_wait3A_266 : memref<3136xf32, #tpu.memory_space<vmem_shared>>)
      %dma_wait3A_267 = tpu.memref_slice %arg14[%add3A_173] : memref<802816xf32, #tpu.memory_space<vmem_shared>> -> memref<3136xf32, #tpu.memory_space<vmem_shared>>
      %dma_wait3A_268 = tpu.memref_slice %arg14[%add3A_173] : memref<802816xf32, #tpu.memory_space<vmem_shared>> -> memref<3136xf32, #tpu.memory_space<vmem_shared>>
      tpu.wait_dma2 semaphore(%arg15 : memref<!tpu.dma_semaphore, #tpu.memory_space<semaphore_mem>>) src(%arg12 : memref<3136xf32, #tpu.memory_space<vmem>>) dst(%dma_wait3A_268 : memref<3136xf32, #tpu.memory_space<vmem_shared>>)
      %dma_wait3A_269 = tpu.memref_slice %arg14[%add3A_177] : memref<802816xf32, #tpu.memory_space<vmem_shared>> -> memref<3136xf32, #tpu.memory_space<vmem_shared>>
      %dma_wait3A_270 = tpu.memref_slice %arg14[%add3A_177] : memref<802816xf32, #tpu.memory_space<vmem_shared>> -> memref<3136xf32, #tpu.memory_space<vmem_shared>>
      tpu.wait_dma2 semaphore(%arg15 : memref<!tpu.dma_semaphore, #tpu.memory_space<semaphore_mem>>) src(%arg12 : memref<3136xf32, #tpu.memory_space<vmem>>) dst(%dma_wait3A_270 : memref<3136xf32, #tpu.memory_space<vmem_shared>>)
      %dma_wait3A_271 = tpu.memref_slice %arg14[%add3A_181] : memref<802816xf32, #tpu.memory_space<vmem_shared>> -> memref<3136xf32, #tpu.memory_space<vmem_shared>>
      %dma_wait3A_272 = tpu.memref_slice %arg14[%add3A_181] : memref<802816xf32, #tpu.memory_space<vmem_shared>> -> memref<3136xf32, #tpu.memory_space<vmem_shared>>
      tpu.wait_dma2 semaphore(%arg15 : memref<!tpu.dma_semaphore, #tpu.memory_space<semaphore_mem>>) src(%arg12 : memref<3136xf32, #tpu.memory_space<vmem>>) dst(%dma_wait3A_272 : memref<3136xf32, #tpu.memory_space<vmem_shared>>)
      %dma_wait3A_273 = tpu.memref_slice %arg14[%add3A_185] : memref<802816xf32, #tpu.memory_space<vmem_shared>> -> memref<3136xf32, #tpu.memory_space<vmem_shared>>
      %dma_wait3A_274 = tpu.memref_slice %arg14[%add3A_185] : memref<802816xf32, #tpu.memory_space<vmem_shared>> -> memref<3136xf32, #tpu.memory_space<vmem_shared>>
      tpu.wait_dma2 semaphore(%arg15 : memref<!tpu.dma_semaphore, #tpu.memory_space<semaphore_mem>>) src(%arg12 : memref<3136xf32, #tpu.memory_space<vmem>>) dst(%dma_wait3A_274 : memref<3136xf32, #tpu.memory_space<vmem_shared>>)
      %dma_wait3A_275 = tpu.memref_slice %arg14[%add3A_189] : memref<802816xf32, #tpu.memory_space<vmem_shared>> -> memref<3136xf32, #tpu.memory_space<vmem_shared>>
      %dma_wait3A_276 = tpu.memref_slice %arg14[%add3A_189] : memref<802816xf32, #tpu.memory_space<vmem_shared>> -> memref<3136xf32, #tpu.memory_space<vmem_shared>>
      tpu.wait_dma2 semaphore(%arg15 : memref<!tpu.dma_semaphore, #tpu.memory_space<semaphore_mem>>) src(%arg12 : memref<3136xf32, #tpu.memory_space<vmem>>) dst(%dma_wait3A_276 : memref<3136xf32, #tpu.memory_space<vmem_shared>>)
      %dma_wait3A_277 = tpu.memref_slice %arg14[%add3A_193] : memref<802816xf32, #tpu.memory_space<vmem_shared>> -> memref<3136xf32, #tpu.memory_space<vmem_shared>>
      %dma_wait3A_278 = tpu.memref_slice %arg14[%add3A_193] : memref<802816xf32, #tpu.memory_space<vmem_shared>> -> memref<3136xf32, #tpu.memory_space<vmem_shared>>
      tpu.wait_dma2 semaphore(%arg15 : memref<!tpu.dma_semaphore, #tpu.memory_space<semaphore_mem>>) src(%arg12 : memref<3136xf32, #tpu.memory_space<vmem>>) dst(%dma_wait3A_278 : memref<3136xf32, #tpu.memory_space<vmem_shared>>)
      %dma_wait3A_279 = tpu.memref_slice %arg14[%add3A_197] : memref<802816xf32, #tpu.memory_space<vmem_shared>> -> memref<3136xf32, #tpu.memory_space<vmem_shared>>
      %dma_wait3A_280 = tpu.memref_slice %arg14[%add3A_197] : memref<802816xf32, #tpu.memory_space<vmem_shared>> -> memref<3136xf32, #tpu.memory_space<vmem_shared>>
      tpu.wait_dma2 semaphore(%arg15 : memref<!tpu.dma_semaphore, #tpu.memory_space<semaphore_mem>>) src(%arg12 : memref<3136xf32, #tpu.memory_space<vmem>>) dst(%dma_wait3A_280 : memref<3136xf32, #tpu.memory_space<vmem_shared>>)
      %dma_wait3A_281 = tpu.memref_slice %arg14[%add3A_201] : memref<802816xf32, #tpu.memory_space<vmem_shared>> -> memref<3136xf32, #tpu.memory_space<vmem_shared>>
      %dma_wait3A_282 = tpu.memref_slice %arg14[%add3A_201] : memref<802816xf32, #tpu.memory_space<vmem_shared>> -> memref<3136xf32, #tpu.memory_space<vmem_shared>>
      tpu.wait_dma2 semaphore(%arg15 : memref<!tpu.dma_semaphore, #tpu.memory_space<semaphore_mem>>) src(%arg12 : memref<3136xf32, #tpu.memory_space<vmem>>) dst(%dma_wait3A_282 : memref<3136xf32, #tpu.memory_space<vmem_shared>>)
      %barrier3A = arith.constant 0 : index
      tpu.barrier barrier_id(%barrier3A)
      %dma_start3A_283 = arith.constant 0 : i32
      %dma_start3A_284 = arith.constant 0 : i32
      %dma_start3A_285 = tpu.memref_slice %arg9[%dma_start3A_283, %dma_start3A_284] : memref<32x128xi32, #tpu.memory_space<vmem>> -> memref<1x128xi32, #tpu.memory_space<vmem>>
      %dma_start3A_286 = tpu.memref_squeeze %dma_start3A_285 : memref<1x128xi32, #tpu.memory_space<vmem>> -> memref<128xi32, #tpu.memory_space<vmem>>
      %dma_start3A_287 = arith.constant 0 : i32
      %dma_start3A_288 = tpu.memref_slice %arg13[%dma_start3A_287] : memref<802816xf32, #tpu.memory_space<vmem_shared>> -> memref<802816xf32, #tpu.memory_space<vmem_shared>>
      tpu.enqueue_indirect_dma source(%arg11 : memref<128xf32, #tpu.memory_space<vmem>>) target(%dma_start3A_288 : memref<802816xf32, #tpu.memory_space<vmem_shared>>) offsets(%dma_start3A_286 : memref<128xi32, #tpu.memory_space<vmem>>) semaphore(%arg15 : memref<!tpu.dma_semaphore, #tpu.memory_space<semaphore_mem>>) {add = true}
      %dma_start3A_289 = arith.constant 1 : i32
      %dma_start3A_290 = arith.constant 0 : i32
      %dma_start3A_291 = tpu.memref_slice %arg9[%dma_start3A_289, %dma_start3A_290] : memref<32x128xi32, #tpu.memory_space<vmem>> -> memref<1x128xi32, #tpu.memory_space<vmem>>
      %dma_start3A_292 = tpu.memref_squeeze %dma_start3A_291 : memref<1x128xi32, #tpu.memory_space<vmem>> -> memref<128xi32, #tpu.memory_space<vmem>>
      %dma_start3A_293 = arith.constant 0 : i32
      %dma_start3A_294 = tpu.memref_slice %arg13[%dma_start3A_293] : memref<802816xf32, #tpu.memory_space<vmem_shared>> -> memref<802816xf32, #tpu.memory_space<vmem_shared>>
      tpu.enqueue_indirect_dma source(%arg11 : memref<128xf32, #tpu.memory_space<vmem>>) target(%dma_start3A_294 : memref<802816xf32, #tpu.memory_space<vmem_shared>>) offsets(%dma_start3A_292 : memref<128xi32, #tpu.memory_space<vmem>>) semaphore(%arg15 : memref<!tpu.dma_semaphore, #tpu.memory_space<semaphore_mem>>) {add = true}
      %dma_start3A_295 = arith.constant 2 : i32
      %dma_start3A_296 = arith.constant 0 : i32
      %dma_start3A_297 = tpu.memref_slice %arg9[%dma_start3A_295, %dma_start3A_296] : memref<32x128xi32, #tpu.memory_space<vmem>> -> memref<1x128xi32, #tpu.memory_space<vmem>>
      %dma_start3A_298 = tpu.memref_squeeze %dma_start3A_297 : memref<1x128xi32, #tpu.memory_space<vmem>> -> memref<128xi32, #tpu.memory_space<vmem>>
      %dma_start3A_299 = arith.constant 0 : i32
      %dma_start3A_300 = tpu.memref_slice %arg13[%dma_start3A_299] : memref<802816xf32, #tpu.memory_space<vmem_shared>> -> memref<802816xf32, #tpu.memory_space<vmem_shared>>
      tpu.enqueue_indirect_dma source(%arg11 : memref<128xf32, #tpu.memory_space<vmem>>) target(%dma_start3A_300 : memref<802816xf32, #tpu.memory_space<vmem_shared>>) offsets(%dma_start3A_298 : memref<128xi32, #tpu.memory_space<vmem>>) semaphore(%arg15 : memref<!tpu.dma_semaphore, #tpu.memory_space<semaphore_mem>>) {add = true}
      %dma_start3A_301 = arith.constant 3 : i32
      %dma_start3A_302 = arith.constant 0 : i32
      %dma_start3A_303 = tpu.memref_slice %arg9[%dma_start3A_301, %dma_start3A_302] : memref<32x128xi32, #tpu.memory_space<vmem>> -> memref<1x128xi32, #tpu.memory_space<vmem>>
      %dma_start3A_304 = tpu.memref_squeeze %dma_start3A_303 : memref<1x128xi32, #tpu.memory_space<vmem>> -> memref<128xi32, #tpu.memory_space<vmem>>
      %dma_start3A_305 = arith.constant 0 : i32
      %dma_start3A_306 = tpu.memref_slice %arg13[%dma_start3A_305] : memref<802816xf32, #tpu.memory_space<vmem_shared>> -> memref<802816xf32, #tpu.memory_space<vmem_shared>>
      tpu.enqueue_indirect_dma source(%arg11 : memref<128xf32, #tpu.memory_space<vmem>>) target(%dma_start3A_306 : memref<802816xf32, #tpu.memory_space<vmem_shared>>) offsets(%dma_start3A_304 : memref<128xi32, #tpu.memory_space<vmem>>) semaphore(%arg15 : memref<!tpu.dma_semaphore, #tpu.memory_space<semaphore_mem>>) {add = true}
      %dma_start3A_307 = arith.constant 4 : i32
      %dma_start3A_308 = arith.constant 0 : i32
      %dma_start3A_309 = tpu.memref_slice %arg9[%dma_start3A_307, %dma_start3A_308] : memref<32x128xi32, #tpu.memory_space<vmem>> -> memref<1x128xi32, #tpu.memory_space<vmem>>
      %dma_start3A_310 = tpu.memref_squeeze %dma_start3A_309 : memref<1x128xi32, #tpu.memory_space<vmem>> -> memref<128xi32, #tpu.memory_space<vmem>>
      %dma_start3A_311 = arith.constant 0 : i32
      %dma_start3A_312 = tpu.memref_slice %arg13[%dma_start3A_311] : memref<802816xf32, #tpu.memory_space<vmem_shared>> -> memref<802816xf32, #tpu.memory_space<vmem_shared>>
      tpu.enqueue_indirect_dma source(%arg11 : memref<128xf32, #tpu.memory_space<vmem>>) target(%dma_start3A_312 : memref<802816xf32, #tpu.memory_space<vmem_shared>>) offsets(%dma_start3A_310 : memref<128xi32, #tpu.memory_space<vmem>>) semaphore(%arg15 : memref<!tpu.dma_semaphore, #tpu.memory_space<semaphore_mem>>) {add = true}
      %dma_start3A_313 = arith.constant 5 : i32
      %dma_start3A_314 = arith.constant 0 : i32
      %dma_start3A_315 = tpu.memref_slice %arg9[%dma_start3A_313, %dma_start3A_314] : memref<32x128xi32, #tpu.memory_space<vmem>> -> memref<1x128xi32, #tpu.memory_space<vmem>>
      %dma_start3A_316 = tpu.memref_squeeze %dma_start3A_315 : memref<1x128xi32, #tpu.memory_space<vmem>> -> memref<128xi32, #tpu.memory_space<vmem>>
      %dma_start3A_317 = arith.constant 0 : i32
      %dma_start3A_318 = tpu.memref_slice %arg13[%dma_start3A_317] : memref<802816xf32, #tpu.memory_space<vmem_shared>> -> memref<802816xf32, #tpu.memory_space<vmem_shared>>
      tpu.enqueue_indirect_dma source(%arg11 : memref<128xf32, #tpu.memory_space<vmem>>) target(%dma_start3A_318 : memref<802816xf32, #tpu.memory_space<vmem_shared>>) offsets(%dma_start3A_316 : memref<128xi32, #tpu.memory_space<vmem>>) semaphore(%arg15 : memref<!tpu.dma_semaphore, #tpu.memory_space<semaphore_mem>>) {add = true}
      %dma_start3A_319 = arith.constant 6 : i32
      %dma_start3A_320 = arith.constant 0 : i32
      %dma_start3A_321 = tpu.memref_slice %arg9[%dma_start3A_319, %dma_start3A_320] : memref<32x128xi32, #tpu.memory_space<vmem>> -> memref<1x128xi32, #tpu.memory_space<vmem>>
      %dma_start3A_322 = tpu.memref_squeeze %dma_start3A_321 : memref<1x128xi32, #tpu.memory_space<vmem>> -> memref<128xi32, #tpu.memory_space<vmem>>
      %dma_start3A_323 = arith.constant 0 : i32
      %dma_start3A_324 = tpu.memref_slice %arg13[%dma_start3A_323] : memref<802816xf32, #tpu.memory_space<vmem_shared>> -> memref<802816xf32, #tpu.memory_space<vmem_shared>>
      tpu.enqueue_indirect_dma source(%arg11 : memref<128xf32, #tpu.memory_space<vmem>>) target(%dma_start3A_324 : memref<802816xf32, #tpu.memory_space<vmem_shared>>) offsets(%dma_start3A_322 : memref<128xi32, #tpu.memory_space<vmem>>) semaphore(%arg15 : memref<!tpu.dma_semaphore, #tpu.memory_space<semaphore_mem>>) {add = true}
      %dma_start3A_325 = arith.constant 7 : i32
      %dma_start3A_326 = arith.constant 0 : i32
      %dma_start3A_327 = tpu.memref_slice %arg9[%dma_start3A_325, %dma_start3A_326] : memref<32x128xi32, #tpu.memory_space<vmem>> -> memref<1x128xi32, #tpu.memory_space<vmem>>
      %dma_start3A_328 = tpu.memref_squeeze %dma_start3A_327 : memref<1x128xi32, #tpu.memory_space<vmem>> -> memref<128xi32, #tpu.memory_space<vmem>>
      %dma_start3A_329 = arith.constant 0 : i32
      %dma_start3A_330 = tpu.memref_slice %arg13[%dma_start3A_329] : memref<802816xf32, #tpu.memory_space<vmem_shared>> -> memref<802816xf32, #tpu.memory_space<vmem_shared>>
      tpu.enqueue_indirect_dma source(%arg11 : memref<128xf32, #tpu.memory_space<vmem>>) target(%dma_start3A_330 : memref<802816xf32, #tpu.memory_space<vmem_shared>>) offsets(%dma_start3A_328 : memref<128xi32, #tpu.memory_space<vmem>>) semaphore(%arg15 : memref<!tpu.dma_semaphore, #tpu.memory_space<semaphore_mem>>) {add = true}
      %dma_start3A_331 = arith.constant 8 : i32
      %dma_start3A_332 = arith.constant 0 : i32
      %dma_start3A_333 = tpu.memref_slice %arg9[%dma_start3A_331, %dma_start3A_332] : memref<32x128xi32, #tpu.memory_space<vmem>> -> memref<1x128xi32, #tpu.memory_space<vmem>>
      %dma_start3A_334 = tpu.memref_squeeze %dma_start3A_333 : memref<1x128xi32, #tpu.memory_space<vmem>> -> memref<128xi32, #tpu.memory_space<vmem>>
      %dma_start3A_335 = arith.constant 0 : i32
      %dma_start3A_336 = tpu.memref_slice %arg13[%dma_start3A_335] : memref<802816xf32, #tpu.memory_space<vmem_shared>> -> memref<802816xf32, #tpu.memory_space<vmem_shared>>
      tpu.enqueue_indirect_dma source(%arg11 : memref<128xf32, #tpu.memory_space<vmem>>) target(%dma_start3A_336 : memref<802816xf32, #tpu.memory_space<vmem_shared>>) offsets(%dma_start3A_334 : memref<128xi32, #tpu.memory_space<vmem>>) semaphore(%arg15 : memref<!tpu.dma_semaphore, #tpu.memory_space<semaphore_mem>>) {add = true}
      %dma_start3A_337 = arith.constant 9 : i32
      %dma_start3A_338 = arith.constant 0 : i32
      %dma_start3A_339 = tpu.memref_slice %arg9[%dma_start3A_337, %dma_start3A_338] : memref<32x128xi32, #tpu.memory_space<vmem>> -> memref<1x128xi32, #tpu.memory_space<vmem>>
      %dma_start3A_340 = tpu.memref_squeeze %dma_start3A_339 : memref<1x128xi32, #tpu.memory_space<vmem>> -> memref<128xi32, #tpu.memory_space<vmem>>
      %dma_start3A_341 = arith.constant 0 : i32
      %dma_start3A_342 = tpu.memref_slice %arg13[%dma_start3A_341] : memref<802816xf32, #tpu.memory_space<vmem_shared>> -> memref<802816xf32, #tpu.memory_space<vmem_shared>>
      tpu.enqueue_indirect_dma source(%arg11 : memref<128xf32, #tpu.memory_space<vmem>>) target(%dma_start3A_342 : memref<802816xf32, #tpu.memory_space<vmem_shared>>) offsets(%dma_start3A_340 : memref<128xi32, #tpu.memory_space<vmem>>) semaphore(%arg15 : memref<!tpu.dma_semaphore, #tpu.memory_space<semaphore_mem>>) {add = true}
      %dma_start3A_343 = arith.constant 10 : i32
      %dma_start3A_344 = arith.constant 0 : i32
      %dma_start3A_345 = tpu.memref_slice %arg9[%dma_start3A_343, %dma_start3A_344] : memref<32x128xi32, #tpu.memory_space<vmem>> -> memref<1x128xi32, #tpu.memory_space<vmem>>
      %dma_start3A_346 = tpu.memref_squeeze %dma_start3A_345 : memref<1x128xi32, #tpu.memory_space<vmem>> -> memref<128xi32, #tpu.memory_space<vmem>>
      %dma_start3A_347 = arith.constant 0 : i32
      %dma_start3A_348 = tpu.memref_slice %arg13[%dma_start3A_347] : memref<802816xf32, #tpu.memory_space<vmem_shared>> -> memref<802816xf32, #tpu.memory_space<vmem_shared>>
      tpu.enqueue_indirect_dma source(%arg11 : memref<128xf32, #tpu.memory_space<vmem>>) target(%dma_start3A_348 : memref<802816xf32, #tpu.memory_space<vmem_shared>>) offsets(%dma_start3A_346 : memref<128xi32, #tpu.memory_space<vmem>>) semaphore(%arg15 : memref<!tpu.dma_semaphore, #tpu.memory_space<semaphore_mem>>) {add = true}
      %dma_start3A_349 = arith.constant 11 : i32
      %dma_start3A_350 = arith.constant 0 : i32
      %dma_start3A_351 = tpu.memref_slice %arg9[%dma_start3A_349, %dma_start3A_350] : memref<32x128xi32, #tpu.memory_space<vmem>> -> memref<1x128xi32, #tpu.memory_space<vmem>>
      %dma_start3A_352 = tpu.memref_squeeze %dma_start3A_351 : memref<1x128xi32, #tpu.memory_space<vmem>> -> memref<128xi32, #tpu.memory_space<vmem>>
      %dma_start3A_353 = arith.constant 0 : i32
      %dma_start3A_354 = tpu.memref_slice %arg13[%dma_start3A_353] : memref<802816xf32, #tpu.memory_space<vmem_shared>> -> memref<802816xf32, #tpu.memory_space<vmem_shared>>
      tpu.enqueue_indirect_dma source(%arg11 : memref<128xf32, #tpu.memory_space<vmem>>) target(%dma_start3A_354 : memref<802816xf32, #tpu.memory_space<vmem_shared>>) offsets(%dma_start3A_352 : memref<128xi32, #tpu.memory_space<vmem>>) semaphore(%arg15 : memref<!tpu.dma_semaphore, #tpu.memory_space<semaphore_mem>>) {add = true}
      %dma_start3A_355 = arith.constant 12 : i32
      %dma_start3A_356 = arith.constant 0 : i32
      %dma_start3A_357 = tpu.memref_slice %arg9[%dma_start3A_355, %dma_start3A_356] : memref<32x128xi32, #tpu.memory_space<vmem>> -> memref<1x128xi32, #tpu.memory_space<vmem>>
      %dma_start3A_358 = tpu.memref_squeeze %dma_start3A_357 : memref<1x128xi32, #tpu.memory_space<vmem>> -> memref<128xi32, #tpu.memory_space<vmem>>
      %dma_start3A_359 = arith.constant 0 : i32
      %dma_start3A_360 = tpu.memref_slice %arg13[%dma_start3A_359] : memref<802816xf32, #tpu.memory_space<vmem_shared>> -> memref<802816xf32, #tpu.memory_space<vmem_shared>>
      tpu.enqueue_indirect_dma source(%arg11 : memref<128xf32, #tpu.memory_space<vmem>>) target(%dma_start3A_360 : memref<802816xf32, #tpu.memory_space<vmem_shared>>) offsets(%dma_start3A_358 : memref<128xi32, #tpu.memory_space<vmem>>) semaphore(%arg15 : memref<!tpu.dma_semaphore, #tpu.memory_space<semaphore_mem>>) {add = true}
      %dma_start3A_361 = arith.constant 13 : i32
      %dma_start3A_362 = arith.constant 0 : i32
      %dma_start3A_363 = tpu.memref_slice %arg9[%dma_start3A_361, %dma_start3A_362] : memref<32x128xi32, #tpu.memory_space<vmem>> -> memref<1x128xi32, #tpu.memory_space<vmem>>
      %dma_start3A_364 = tpu.memref_squeeze %dma_start3A_363 : memref<1x128xi32, #tpu.memory_space<vmem>> -> memref<128xi32, #tpu.memory_space<vmem>>
      %dma_start3A_365 = arith.constant 0 : i32
      %dma_start3A_366 = tpu.memref_slice %arg13[%dma_start3A_365] : memref<802816xf32, #tpu.memory_space<vmem_shared>> -> memref<802816xf32, #tpu.memory_space<vmem_shared>>
      tpu.enqueue_indirect_dma source(%arg11 : memref<128xf32, #tpu.memory_space<vmem>>) target(%dma_start3A_366 : memref<802816xf32, #tpu.memory_space<vmem_shared>>) offsets(%dma_start3A_364 : memref<128xi32, #tpu.memory_space<vmem>>) semaphore(%arg15 : memref<!tpu.dma_semaphore, #tpu.memory_space<semaphore_mem>>) {add = true}
      %dma_start3A_367 = arith.constant 14 : i32
      %dma_start3A_368 = arith.constant 0 : i32
      %dma_start3A_369 = tpu.memref_slice %arg9[%dma_start3A_367, %dma_start3A_368] : memref<32x128xi32, #tpu.memory_space<vmem>> -> memref<1x128xi32, #tpu.memory_space<vmem>>
      %dma_start3A_370 = tpu.memref_squeeze %dma_start3A_369 : memref<1x128xi32, #tpu.memory_space<vmem>> -> memref<128xi32, #tpu.memory_space<vmem>>
      %dma_start3A_371 = arith.constant 0 : i32
      %dma_start3A_372 = tpu.memref_slice %arg13[%dma_start3A_371] : memref<802816xf32, #tpu.memory_space<vmem_shared>> -> memref<802816xf32, #tpu.memory_space<vmem_shared>>
      tpu.enqueue_indirect_dma source(%arg11 : memref<128xf32, #tpu.memory_space<vmem>>) target(%dma_start3A_372 : memref<802816xf32, #tpu.memory_space<vmem_shared>>) offsets(%dma_start3A_370 : memref<128xi32, #tpu.memory_space<vmem>>) semaphore(%arg15 : memref<!tpu.dma_semaphore, #tpu.memory_space<semaphore_mem>>) {add = true}
      %dma_start3A_373 = arith.constant 15 : i32
      %dma_start3A_374 = arith.constant 0 : i32
      %dma_start3A_375 = tpu.memref_slice %arg9[%dma_start3A_373, %dma_start3A_374] : memref<32x128xi32, #tpu.memory_space<vmem>> -> memref<1x128xi32, #tpu.memory_space<vmem>>
      %dma_start3A_376 = tpu.memref_squeeze %dma_start3A_375 : memref<1x128xi32, #tpu.memory_space<vmem>> -> memref<128xi32, #tpu.memory_space<vmem>>
      %dma_start3A_377 = arith.constant 0 : i32
      %dma_start3A_378 = tpu.memref_slice %arg13[%dma_start3A_377] : memref<802816xf32, #tpu.memory_space<vmem_shared>> -> memref<802816xf32, #tpu.memory_space<vmem_shared>>
      tpu.enqueue_indirect_dma source(%arg11 : memref<128xf32, #tpu.memory_space<vmem>>) target(%dma_start3A_378 : memref<802816xf32, #tpu.memory_space<vmem_shared>>) offsets(%dma_start3A_376 : memref<128xi32, #tpu.memory_space<vmem>>) semaphore(%arg15 : memref<!tpu.dma_semaphore, #tpu.memory_space<semaphore_mem>>) {add = true}
      %dma_start3A_379 = arith.constant 16 : i32
      %dma_start3A_380 = arith.constant 0 : i32
      %dma_start3A_381 = tpu.memref_slice %arg9[%dma_start3A_379, %dma_start3A_380] : memref<32x128xi32, #tpu.memory_space<vmem>> -> memref<1x128xi32, #tpu.memory_space<vmem>>
      %dma_start3A_382 = tpu.memref_squeeze %dma_start3A_381 : memref<1x128xi32, #tpu.memory_space<vmem>> -> memref<128xi32, #tpu.memory_space<vmem>>
      %dma_start3A_383 = arith.constant 0 : i32
      %dma_start3A_384 = tpu.memref_slice %arg13[%dma_start3A_383] : memref<802816xf32, #tpu.memory_space<vmem_shared>> -> memref<802816xf32, #tpu.memory_space<vmem_shared>>
      tpu.enqueue_indirect_dma source(%arg11 : memref<128xf32, #tpu.memory_space<vmem>>) target(%dma_start3A_384 : memref<802816xf32, #tpu.memory_space<vmem_shared>>) offsets(%dma_start3A_382 : memref<128xi32, #tpu.memory_space<vmem>>) semaphore(%arg15 : memref<!tpu.dma_semaphore, #tpu.memory_space<semaphore_mem>>) {add = true}
      %dma_start3A_385 = arith.constant 17 : i32
      %dma_start3A_386 = arith.constant 0 : i32
      %dma_start3A_387 = tpu.memref_slice %arg9[%dma_start3A_385, %dma_start3A_386] : memref<32x128xi32, #tpu.memory_space<vmem>> -> memref<1x128xi32, #tpu.memory_space<vmem>>
      %dma_start3A_388 = tpu.memref_squeeze %dma_start3A_387 : memref<1x128xi32, #tpu.memory_space<vmem>> -> memref<128xi32, #tpu.memory_space<vmem>>
      %dma_start3A_389 = arith.constant 0 : i32
      %dma_start3A_390 = tpu.memref_slice %arg13[%dma_start3A_389] : memref<802816xf32, #tpu.memory_space<vmem_shared>> -> memref<802816xf32, #tpu.memory_space<vmem_shared>>
      tpu.enqueue_indirect_dma source(%arg11 : memref<128xf32, #tpu.memory_space<vmem>>) target(%dma_start3A_390 : memref<802816xf32, #tpu.memory_space<vmem_shared>>) offsets(%dma_start3A_388 : memref<128xi32, #tpu.memory_space<vmem>>) semaphore(%arg15 : memref<!tpu.dma_semaphore, #tpu.memory_space<semaphore_mem>>) {add = true}
      %dma_start3A_391 = arith.constant 18 : i32
      %dma_start3A_392 = arith.constant 0 : i32
      %dma_start3A_393 = tpu.memref_slice %arg9[%dma_start3A_391, %dma_start3A_392] : memref<32x128xi32, #tpu.memory_space<vmem>> -> memref<1x128xi32, #tpu.memory_space<vmem>>
      %dma_start3A_394 = tpu.memref_squeeze %dma_start3A_393 : memref<1x128xi32, #tpu.memory_space<vmem>> -> memref<128xi32, #tpu.memory_space<vmem>>
      %dma_start3A_395 = arith.constant 0 : i32
      %dma_start3A_396 = tpu.memref_slice %arg13[%dma_start3A_395] : memref<802816xf32, #tpu.memory_space<vmem_shared>> -> memref<802816xf32, #tpu.memory_space<vmem_shared>>
      tpu.enqueue_indirect_dma source(%arg11 : memref<128xf32, #tpu.memory_space<vmem>>) target(%dma_start3A_396 : memref<802816xf32, #tpu.memory_space<vmem_shared>>) offsets(%dma_start3A_394 : memref<128xi32, #tpu.memory_space<vmem>>) semaphore(%arg15 : memref<!tpu.dma_semaphore, #tpu.memory_space<semaphore_mem>>) {add = true}
      %dma_start3A_397 = arith.constant 19 : i32
      %dma_start3A_398 = arith.constant 0 : i32
      %dma_start3A_399 = tpu.memref_slice %arg9[%dma_start3A_397, %dma_start3A_398] : memref<32x128xi32, #tpu.memory_space<vmem>> -> memref<1x128xi32, #tpu.memory_space<vmem>>
      %dma_start3A_400 = tpu.memref_squeeze %dma_start3A_399 : memref<1x128xi32, #tpu.memory_space<vmem>> -> memref<128xi32, #tpu.memory_space<vmem>>
      %dma_start3A_401 = arith.constant 0 : i32
      %dma_start3A_402 = tpu.memref_slice %arg13[%dma_start3A_401] : memref<802816xf32, #tpu.memory_space<vmem_shared>> -> memref<802816xf32, #tpu.memory_space<vmem_shared>>
      tpu.enqueue_indirect_dma source(%arg11 : memref<128xf32, #tpu.memory_space<vmem>>) target(%dma_start3A_402 : memref<802816xf32, #tpu.memory_space<vmem_shared>>) offsets(%dma_start3A_400 : memref<128xi32, #tpu.memory_space<vmem>>) semaphore(%arg15 : memref<!tpu.dma_semaphore, #tpu.memory_space<semaphore_mem>>) {add = true}
      %dma_start3A_403 = arith.constant 20 : i32
      %dma_start3A_404 = arith.constant 0 : i32
      %dma_start3A_405 = tpu.memref_slice %arg9[%dma_start3A_403, %dma_start3A_404] : memref<32x128xi32, #tpu.memory_space<vmem>> -> memref<1x128xi32, #tpu.memory_space<vmem>>
      %dma_start3A_406 = tpu.memref_squeeze %dma_start3A_405 : memref<1x128xi32, #tpu.memory_space<vmem>> -> memref<128xi32, #tpu.memory_space<vmem>>
      %dma_start3A_407 = arith.constant 0 : i32
      %dma_start3A_408 = tpu.memref_slice %arg13[%dma_start3A_407] : memref<802816xf32, #tpu.memory_space<vmem_shared>> -> memref<802816xf32, #tpu.memory_space<vmem_shared>>
      tpu.enqueue_indirect_dma source(%arg11 : memref<128xf32, #tpu.memory_space<vmem>>) target(%dma_start3A_408 : memref<802816xf32, #tpu.memory_space<vmem_shared>>) offsets(%dma_start3A_406 : memref<128xi32, #tpu.memory_space<vmem>>) semaphore(%arg15 : memref<!tpu.dma_semaphore, #tpu.memory_space<semaphore_mem>>) {add = true}
      %dma_start3A_409 = arith.constant 21 : i32
      %dma_start3A_410 = arith.constant 0 : i32
      %dma_start3A_411 = tpu.memref_slice %arg9[%dma_start3A_409, %dma_start3A_410] : memref<32x128xi32, #tpu.memory_space<vmem>> -> memref<1x128xi32, #tpu.memory_space<vmem>>
      %dma_start3A_412 = tpu.memref_squeeze %dma_start3A_411 : memref<1x128xi32, #tpu.memory_space<vmem>> -> memref<128xi32, #tpu.memory_space<vmem>>
      %dma_start3A_413 = arith.constant 0 : i32
      %dma_start3A_414 = tpu.memref_slice %arg13[%dma_start3A_413] : memref<802816xf32, #tpu.memory_space<vmem_shared>> -> memref<802816xf32, #tpu.memory_space<vmem_shared>>
      tpu.enqueue_indirect_dma source(%arg11 : memref<128xf32, #tpu.memory_space<vmem>>) target(%dma_start3A_414 : memref<802816xf32, #tpu.memory_space<vmem_shared>>) offsets(%dma_start3A_412 : memref<128xi32, #tpu.memory_space<vmem>>) semaphore(%arg15 : memref<!tpu.dma_semaphore, #tpu.memory_space<semaphore_mem>>) {add = true}
      %dma_start3A_415 = arith.constant 22 : i32
      %dma_start3A_416 = arith.constant 0 : i32
      %dma_start3A_417 = tpu.memref_slice %arg9[%dma_start3A_415, %dma_start3A_416] : memref<32x128xi32, #tpu.memory_space<vmem>> -> memref<1x128xi32, #tpu.memory_space<vmem>>
      %dma_start3A_418 = tpu.memref_squeeze %dma_start3A_417 : memref<1x128xi32, #tpu.memory_space<vmem>> -> memref<128xi32, #tpu.memory_space<vmem>>
      %dma_start3A_419 = arith.constant 0 : i32
      %dma_start3A_420 = tpu.memref_slice %arg13[%dma_start3A_419] : memref<802816xf32, #tpu.memory_space<vmem_shared>> -> memref<802816xf32, #tpu.memory_space<vmem_shared>>
      tpu.enqueue_indirect_dma source(%arg11 : memref<128xf32, #tpu.memory_space<vmem>>) target(%dma_start3A_420 : memref<802816xf32, #tpu.memory_space<vmem_shared>>) offsets(%dma_start3A_418 : memref<128xi32, #tpu.memory_space<vmem>>) semaphore(%arg15 : memref<!tpu.dma_semaphore, #tpu.memory_space<semaphore_mem>>) {add = true}
      %dma_start3A_421 = arith.constant 23 : i32
      %dma_start3A_422 = arith.constant 0 : i32
      %dma_start3A_423 = tpu.memref_slice %arg9[%dma_start3A_421, %dma_start3A_422] : memref<32x128xi32, #tpu.memory_space<vmem>> -> memref<1x128xi32, #tpu.memory_space<vmem>>
      %dma_start3A_424 = tpu.memref_squeeze %dma_start3A_423 : memref<1x128xi32, #tpu.memory_space<vmem>> -> memref<128xi32, #tpu.memory_space<vmem>>
      %dma_start3A_425 = arith.constant 0 : i32
      %dma_start3A_426 = tpu.memref_slice %arg13[%dma_start3A_425] : memref<802816xf32, #tpu.memory_space<vmem_shared>> -> memref<802816xf32, #tpu.memory_space<vmem_shared>>
      tpu.enqueue_indirect_dma source(%arg11 : memref<128xf32, #tpu.memory_space<vmem>>) target(%dma_start3A_426 : memref<802816xf32, #tpu.memory_space<vmem_shared>>) offsets(%dma_start3A_424 : memref<128xi32, #tpu.memory_space<vmem>>) semaphore(%arg15 : memref<!tpu.dma_semaphore, #tpu.memory_space<semaphore_mem>>) {add = true}
      %dma_start3A_427 = arith.constant 24 : i32
      %dma_start3A_428 = arith.constant 0 : i32
      %dma_start3A_429 = tpu.memref_slice %arg9[%dma_start3A_427, %dma_start3A_428] : memref<32x128xi32, #tpu.memory_space<vmem>> -> memref<1x128xi32, #tpu.memory_space<vmem>>
      %dma_start3A_430 = tpu.memref_squeeze %dma_start3A_429 : memref<1x128xi32, #tpu.memory_space<vmem>> -> memref<128xi32, #tpu.memory_space<vmem>>
      %dma_start3A_431 = arith.constant 0 : i32
      %dma_start3A_432 = tpu.memref_slice %arg13[%dma_start3A_431] : memref<802816xf32, #tpu.memory_space<vmem_shared>> -> memref<802816xf32, #tpu.memory_space<vmem_shared>>
      tpu.enqueue_indirect_dma source(%arg11 : memref<128xf32, #tpu.memory_space<vmem>>) target(%dma_start3A_432 : memref<802816xf32, #tpu.memory_space<vmem_shared>>) offsets(%dma_start3A_430 : memref<128xi32, #tpu.memory_space<vmem>>) semaphore(%arg15 : memref<!tpu.dma_semaphore, #tpu.memory_space<semaphore_mem>>) {add = true}
      %dma_start3A_433 = arith.constant 25 : i32
      %dma_start3A_434 = arith.constant 0 : i32
      %dma_start3A_435 = tpu.memref_slice %arg9[%dma_start3A_433, %dma_start3A_434] : memref<32x128xi32, #tpu.memory_space<vmem>> -> memref<1x128xi32, #tpu.memory_space<vmem>>
      %dma_start3A_436 = tpu.memref_squeeze %dma_start3A_435 : memref<1x128xi32, #tpu.memory_space<vmem>> -> memref<128xi32, #tpu.memory_space<vmem>>
      %dma_start3A_437 = arith.constant 0 : i32
      %dma_start3A_438 = tpu.memref_slice %arg13[%dma_start3A_437] : memref<802816xf32, #tpu.memory_space<vmem_shared>> -> memref<802816xf32, #tpu.memory_space<vmem_shared>>
      tpu.enqueue_indirect_dma source(%arg11 : memref<128xf32, #tpu.memory_space<vmem>>) target(%dma_start3A_438 : memref<802816xf32, #tpu.memory_space<vmem_shared>>) offsets(%dma_start3A_436 : memref<128xi32, #tpu.memory_space<vmem>>) semaphore(%arg15 : memref<!tpu.dma_semaphore, #tpu.memory_space<semaphore_mem>>) {add = true}
      %dma_start3A_439 = arith.constant 26 : i32
      %dma_start3A_440 = arith.constant 0 : i32
      %dma_start3A_441 = tpu.memref_slice %arg9[%dma_start3A_439, %dma_start3A_440] : memref<32x128xi32, #tpu.memory_space<vmem>> -> memref<1x128xi32, #tpu.memory_space<vmem>>
      %dma_start3A_442 = tpu.memref_squeeze %dma_start3A_441 : memref<1x128xi32, #tpu.memory_space<vmem>> -> memref<128xi32, #tpu.memory_space<vmem>>
      %dma_start3A_443 = arith.constant 0 : i32
      %dma_start3A_444 = tpu.memref_slice %arg13[%dma_start3A_443] : memref<802816xf32, #tpu.memory_space<vmem_shared>> -> memref<802816xf32, #tpu.memory_space<vmem_shared>>
      tpu.enqueue_indirect_dma source(%arg11 : memref<128xf32, #tpu.memory_space<vmem>>) target(%dma_start3A_444 : memref<802816xf32, #tpu.memory_space<vmem_shared>>) offsets(%dma_start3A_442 : memref<128xi32, #tpu.memory_space<vmem>>) semaphore(%arg15 : memref<!tpu.dma_semaphore, #tpu.memory_space<semaphore_mem>>) {add = true}
      %dma_start3A_445 = arith.constant 27 : i32
      %dma_start3A_446 = arith.constant 0 : i32
      %dma_start3A_447 = tpu.memref_slice %arg9[%dma_start3A_445, %dma_start3A_446] : memref<32x128xi32, #tpu.memory_space<vmem>> -> memref<1x128xi32, #tpu.memory_space<vmem>>
      %dma_start3A_448 = tpu.memref_squeeze %dma_start3A_447 : memref<1x128xi32, #tpu.memory_space<vmem>> -> memref<128xi32, #tpu.memory_space<vmem>>
      %dma_start3A_449 = arith.constant 0 : i32
      %dma_start3A_450 = tpu.memref_slice %arg13[%dma_start3A_449] : memref<802816xf32, #tpu.memory_space<vmem_shared>> -> memref<802816xf32, #tpu.memory_space<vmem_shared>>
      tpu.enqueue_indirect_dma source(%arg11 : memref<128xf32, #tpu.memory_space<vmem>>) target(%dma_start3A_450 : memref<802816xf32, #tpu.memory_space<vmem_shared>>) offsets(%dma_start3A_448 : memref<128xi32, #tpu.memory_space<vmem>>) semaphore(%arg15 : memref<!tpu.dma_semaphore, #tpu.memory_space<semaphore_mem>>) {add = true}
      %dma_start3A_451 = arith.constant 28 : i32
      %dma_start3A_452 = arith.constant 0 : i32
      %dma_start3A_453 = tpu.memref_slice %arg9[%dma_start3A_451, %dma_start3A_452] : memref<32x128xi32, #tpu.memory_space<vmem>> -> memref<1x128xi32, #tpu.memory_space<vmem>>
      %dma_start3A_454 = tpu.memref_squeeze %dma_start3A_453 : memref<1x128xi32, #tpu.memory_space<vmem>> -> memref<128xi32, #tpu.memory_space<vmem>>
      %dma_start3A_455 = arith.constant 0 : i32
      %dma_start3A_456 = tpu.memref_slice %arg13[%dma_start3A_455] : memref<802816xf32, #tpu.memory_space<vmem_shared>> -> memref<802816xf32, #tpu.memory_space<vmem_shared>>
      tpu.enqueue_indirect_dma source(%arg11 : memref<128xf32, #tpu.memory_space<vmem>>) target(%dma_start3A_456 : memref<802816xf32, #tpu.memory_space<vmem_shared>>) offsets(%dma_start3A_454 : memref<128xi32, #tpu.memory_space<vmem>>) semaphore(%arg15 : memref<!tpu.dma_semaphore, #tpu.memory_space<semaphore_mem>>) {add = true}
      %dma_start3A_457 = arith.constant 29 : i32
      %dma_start3A_458 = arith.constant 0 : i32
      %dma_start3A_459 = tpu.memref_slice %arg9[%dma_start3A_457, %dma_start3A_458] : memref<32x128xi32, #tpu.memory_space<vmem>> -> memref<1x128xi32, #tpu.memory_space<vmem>>
      %dma_start3A_460 = tpu.memref_squeeze %dma_start3A_459 : memref<1x128xi32, #tpu.memory_space<vmem>> -> memref<128xi32, #tpu.memory_space<vmem>>
      %dma_start3A_461 = arith.constant 0 : i32
      %dma_start3A_462 = tpu.memref_slice %arg13[%dma_start3A_461] : memref<802816xf32, #tpu.memory_space<vmem_shared>> -> memref<802816xf32, #tpu.memory_space<vmem_shared>>
      tpu.enqueue_indirect_dma source(%arg11 : memref<128xf32, #tpu.memory_space<vmem>>) target(%dma_start3A_462 : memref<802816xf32, #tpu.memory_space<vmem_shared>>) offsets(%dma_start3A_460 : memref<128xi32, #tpu.memory_space<vmem>>) semaphore(%arg15 : memref<!tpu.dma_semaphore, #tpu.memory_space<semaphore_mem>>) {add = true}
      %dma_start3A_463 = arith.constant 30 : i32
      %dma_start3A_464 = arith.constant 0 : i32
      %dma_start3A_465 = tpu.memref_slice %arg9[%dma_start3A_463, %dma_start3A_464] : memref<32x128xi32, #tpu.memory_space<vmem>> -> memref<1x128xi32, #tpu.memory_space<vmem>>
      %dma_start3A_466 = tpu.memref_squeeze %dma_start3A_465 : memref<1x128xi32, #tpu.memory_space<vmem>> -> memref<128xi32, #tpu.memory_space<vmem>>
      %dma_start3A_467 = arith.constant 0 : i32
      %dma_start3A_468 = tpu.memref_slice %arg13[%dma_start3A_467] : memref<802816xf32, #tpu.memory_space<vmem_shared>> -> memref<802816xf32, #tpu.memory_space<vmem_shared>>
      tpu.enqueue_indirect_dma source(%arg11 : memref<128xf32, #tpu.memory_space<vmem>>) target(%dma_start3A_468 : memref<802816xf32, #tpu.memory_space<vmem_shared>>) offsets(%dma_start3A_466 : memref<128xi32, #tpu.memory_space<vmem>>) semaphore(%arg15 : memref<!tpu.dma_semaphore, #tpu.memory_space<semaphore_mem>>) {add = true}
      %dma_start3A_469 = arith.constant 31 : i32
      %dma_start3A_470 = arith.constant 0 : i32
      %dma_start3A_471 = tpu.memref_slice %arg9[%dma_start3A_469, %dma_start3A_470] : memref<32x128xi32, #tpu.memory_space<vmem>> -> memref<1x128xi32, #tpu.memory_space<vmem>>
      %dma_start3A_472 = tpu.memref_squeeze %dma_start3A_471 : memref<1x128xi32, #tpu.memory_space<vmem>> -> memref<128xi32, #tpu.memory_space<vmem>>
      %dma_start3A_473 = arith.constant 0 : i32
      %dma_start3A_474 = tpu.memref_slice %arg13[%dma_start3A_473] : memref<802816xf32, #tpu.memory_space<vmem_shared>> -> memref<802816xf32, #tpu.memory_space<vmem_shared>>
      tpu.enqueue_indirect_dma source(%arg11 : memref<128xf32, #tpu.memory_space<vmem>>) target(%dma_start3A_474 : memref<802816xf32, #tpu.memory_space<vmem_shared>>) offsets(%dma_start3A_472 : memref<128xi32, #tpu.memory_space<vmem>>) semaphore(%arg15 : memref<!tpu.dma_semaphore, #tpu.memory_space<semaphore_mem>>) {add = true}
      %dma_start3A_475 = arith.constant 0 : i32
      %dma_start3A_476 = arith.constant 0 : i32
      %dma_start3A_477 = tpu.memref_slice %arg10[%dma_start3A_475, %dma_start3A_476] : memref<16x128xi32, #tpu.memory_space<vmem>> -> memref<1x128xi32, #tpu.memory_space<vmem>>
      %dma_start3A_478 = tpu.memref_squeeze %dma_start3A_477 : memref<1x128xi32, #tpu.memory_space<vmem>> -> memref<128xi32, #tpu.memory_space<vmem>>
      %dma_start3A_479 = arith.constant 0 : i32
      %dma_start3A_480 = tpu.memref_slice %arg14[%dma_start3A_479] : memref<802816xf32, #tpu.memory_space<vmem_shared>> -> memref<802816xf32, #tpu.memory_space<vmem_shared>>
      tpu.enqueue_indirect_dma source(%arg11 : memref<128xf32, #tpu.memory_space<vmem>>) target(%dma_start3A_480 : memref<802816xf32, #tpu.memory_space<vmem_shared>>) offsets(%dma_start3A_478 : memref<128xi32, #tpu.memory_space<vmem>>) semaphore(%arg15 : memref<!tpu.dma_semaphore, #tpu.memory_space<semaphore_mem>>) {add = true}
      %dma_start3A_481 = arith.constant 1 : i32
      %dma_start3A_482 = arith.constant 0 : i32
      %dma_start3A_483 = tpu.memref_slice %arg10[%dma_start3A_481, %dma_start3A_482] : memref<16x128xi32, #tpu.memory_space<vmem>> -> memref<1x128xi32, #tpu.memory_space<vmem>>
      %dma_start3A_484 = tpu.memref_squeeze %dma_start3A_483 : memref<1x128xi32, #tpu.memory_space<vmem>> -> memref<128xi32, #tpu.memory_space<vmem>>
      %dma_start3A_485 = arith.constant 0 : i32
      %dma_start3A_486 = tpu.memref_slice %arg14[%dma_start3A_485] : memref<802816xf32, #tpu.memory_space<vmem_shared>> -> memref<802816xf32, #tpu.memory_space<vmem_shared>>
      tpu.enqueue_indirect_dma source(%arg11 : memref<128xf32, #tpu.memory_space<vmem>>) target(%dma_start3A_486 : memref<802816xf32, #tpu.memory_space<vmem_shared>>) offsets(%dma_start3A_484 : memref<128xi32, #tpu.memory_space<vmem>>) semaphore(%arg15 : memref<!tpu.dma_semaphore, #tpu.memory_space<semaphore_mem>>) {add = true}
      %dma_start3A_487 = arith.constant 2 : i32
      %dma_start3A_488 = arith.constant 0 : i32
      %dma_start3A_489 = tpu.memref_slice %arg10[%dma_start3A_487, %dma_start3A_488] : memref<16x128xi32, #tpu.memory_space<vmem>> -> memref<1x128xi32, #tpu.memory_space<vmem>>
      %dma_start3A_490 = tpu.memref_squeeze %dma_start3A_489 : memref<1x128xi32, #tpu.memory_space<vmem>> -> memref<128xi32, #tpu.memory_space<vmem>>
      %dma_start3A_491 = arith.constant 0 : i32
      %dma_start3A_492 = tpu.memref_slice %arg14[%dma_start3A_491] : memref<802816xf32, #tpu.memory_space<vmem_shared>> -> memref<802816xf32, #tpu.memory_space<vmem_shared>>
      tpu.enqueue_indirect_dma source(%arg11 : memref<128xf32, #tpu.memory_space<vmem>>) target(%dma_start3A_492 : memref<802816xf32, #tpu.memory_space<vmem_shared>>) offsets(%dma_start3A_490 : memref<128xi32, #tpu.memory_space<vmem>>) semaphore(%arg15 : memref<!tpu.dma_semaphore, #tpu.memory_space<semaphore_mem>>) {add = true}
      %dma_start3A_493 = arith.constant 3 : i32
      %dma_start3A_494 = arith.constant 0 : i32
      %dma_start3A_495 = tpu.memref_slice %arg10[%dma_start3A_493, %dma_start3A_494] : memref<16x128xi32, #tpu.memory_space<vmem>> -> memref<1x128xi32, #tpu.memory_space<vmem>>
      %dma_start3A_496 = tpu.memref_squeeze %dma_start3A_495 : memref<1x128xi32, #tpu.memory_space<vmem>> -> memref<128xi32, #tpu.memory_space<vmem>>
      %dma_start3A_497 = arith.constant 0 : i32
      %dma_start3A_498 = tpu.memref_slice %arg14[%dma_start3A_497] : memref<802816xf32, #tpu.memory_space<vmem_shared>> -> memref<802816xf32, #tpu.memory_space<vmem_shared>>
      tpu.enqueue_indirect_dma source(%arg11 : memref<128xf32, #tpu.memory_space<vmem>>) target(%dma_start3A_498 : memref<802816xf32, #tpu.memory_space<vmem_shared>>) offsets(%dma_start3A_496 : memref<128xi32, #tpu.memory_space<vmem>>) semaphore(%arg15 : memref<!tpu.dma_semaphore, #tpu.memory_space<semaphore_mem>>) {add = true}
      %dma_start3A_499 = arith.constant 4 : i32
      %dma_start3A_500 = arith.constant 0 : i32
      %dma_start3A_501 = tpu.memref_slice %arg10[%dma_start3A_499, %dma_start3A_500] : memref<16x128xi32, #tpu.memory_space<vmem>> -> memref<1x128xi32, #tpu.memory_space<vmem>>
      %dma_start3A_502 = tpu.memref_squeeze %dma_start3A_501 : memref<1x128xi32, #tpu.memory_space<vmem>> -> memref<128xi32, #tpu.memory_space<vmem>>
      %dma_start3A_503 = arith.constant 0 : i32
      %dma_start3A_504 = tpu.memref_slice %arg14[%dma_start3A_503] : memref<802816xf32, #tpu.memory_space<vmem_shared>> -> memref<802816xf32, #tpu.memory_space<vmem_shared>>
      tpu.enqueue_indirect_dma source(%arg11 : memref<128xf32, #tpu.memory_space<vmem>>) target(%dma_start3A_504 : memref<802816xf32, #tpu.memory_space<vmem_shared>>) offsets(%dma_start3A_502 : memref<128xi32, #tpu.memory_space<vmem>>) semaphore(%arg15 : memref<!tpu.dma_semaphore, #tpu.memory_space<semaphore_mem>>) {add = true}
      %dma_start3A_505 = arith.constant 5 : i32
      %dma_start3A_506 = arith.constant 0 : i32
      %dma_start3A_507 = tpu.memref_slice %arg10[%dma_start3A_505, %dma_start3A_506] : memref<16x128xi32, #tpu.memory_space<vmem>> -> memref<1x128xi32, #tpu.memory_space<vmem>>
      %dma_start3A_508 = tpu.memref_squeeze %dma_start3A_507 : memref<1x128xi32, #tpu.memory_space<vmem>> -> memref<128xi32, #tpu.memory_space<vmem>>
      %dma_start3A_509 = arith.constant 0 : i32
      %dma_start3A_510 = tpu.memref_slice %arg14[%dma_start3A_509] : memref<802816xf32, #tpu.memory_space<vmem_shared>> -> memref<802816xf32, #tpu.memory_space<vmem_shared>>
      tpu.enqueue_indirect_dma source(%arg11 : memref<128xf32, #tpu.memory_space<vmem>>) target(%dma_start3A_510 : memref<802816xf32, #tpu.memory_space<vmem_shared>>) offsets(%dma_start3A_508 : memref<128xi32, #tpu.memory_space<vmem>>) semaphore(%arg15 : memref<!tpu.dma_semaphore, #tpu.memory_space<semaphore_mem>>) {add = true}
      %dma_start3A_511 = arith.constant 6 : i32
      %dma_start3A_512 = arith.constant 0 : i32
      %dma_start3A_513 = tpu.memref_slice %arg10[%dma_start3A_511, %dma_start3A_512] : memref<16x128xi32, #tpu.memory_space<vmem>> -> memref<1x128xi32, #tpu.memory_space<vmem>>
      %dma_start3A_514 = tpu.memref_squeeze %dma_start3A_513 : memref<1x128xi32, #tpu.memory_space<vmem>> -> memref<128xi32, #tpu.memory_space<vmem>>
      %dma_start3A_515 = arith.constant 0 : i32
      %dma_start3A_516 = tpu.memref_slice %arg14[%dma_start3A_515] : memref<802816xf32, #tpu.memory_space<vmem_shared>> -> memref<802816xf32, #tpu.memory_space<vmem_shared>>
      tpu.enqueue_indirect_dma source(%arg11 : memref<128xf32, #tpu.memory_space<vmem>>) target(%dma_start3A_516 : memref<802816xf32, #tpu.memory_space<vmem_shared>>) offsets(%dma_start3A_514 : memref<128xi32, #tpu.memory_space<vmem>>) semaphore(%arg15 : memref<!tpu.dma_semaphore, #tpu.memory_space<semaphore_mem>>) {add = true}
      %dma_start3A_517 = arith.constant 7 : i32
      %dma_start3A_518 = arith.constant 0 : i32
      %dma_start3A_519 = tpu.memref_slice %arg10[%dma_start3A_517, %dma_start3A_518] : memref<16x128xi32, #tpu.memory_space<vmem>> -> memref<1x128xi32, #tpu.memory_space<vmem>>
      %dma_start3A_520 = tpu.memref_squeeze %dma_start3A_519 : memref<1x128xi32, #tpu.memory_space<vmem>> -> memref<128xi32, #tpu.memory_space<vmem>>
      %dma_start3A_521 = arith.constant 0 : i32
      %dma_start3A_522 = tpu.memref_slice %arg14[%dma_start3A_521] : memref<802816xf32, #tpu.memory_space<vmem_shared>> -> memref<802816xf32, #tpu.memory_space<vmem_shared>>
      tpu.enqueue_indirect_dma source(%arg11 : memref<128xf32, #tpu.memory_space<vmem>>) target(%dma_start3A_522 : memref<802816xf32, #tpu.memory_space<vmem_shared>>) offsets(%dma_start3A_520 : memref<128xi32, #tpu.memory_space<vmem>>) semaphore(%arg15 : memref<!tpu.dma_semaphore, #tpu.memory_space<semaphore_mem>>) {add = true}
      %dma_start3A_523 = arith.constant 8 : i32
      %dma_start3A_524 = arith.constant 0 : i32
      %dma_start3A_525 = tpu.memref_slice %arg10[%dma_start3A_523, %dma_start3A_524] : memref<16x128xi32, #tpu.memory_space<vmem>> -> memref<1x128xi32, #tpu.memory_space<vmem>>
      %dma_start3A_526 = tpu.memref_squeeze %dma_start3A_525 : memref<1x128xi32, #tpu.memory_space<vmem>> -> memref<128xi32, #tpu.memory_space<vmem>>
      %dma_start3A_527 = arith.constant 0 : i32
      %dma_start3A_528 = tpu.memref_slice %arg14[%dma_start3A_527] : memref<802816xf32, #tpu.memory_space<vmem_shared>> -> memref<802816xf32, #tpu.memory_space<vmem_shared>>
      tpu.enqueue_indirect_dma source(%arg11 : memref<128xf32, #tpu.memory_space<vmem>>) target(%dma_start3A_528 : memref<802816xf32, #tpu.memory_space<vmem_shared>>) offsets(%dma_start3A_526 : memref<128xi32, #tpu.memory_space<vmem>>) semaphore(%arg15 : memref<!tpu.dma_semaphore, #tpu.memory_space<semaphore_mem>>) {add = true}
      %dma_start3A_529 = arith.constant 9 : i32
      %dma_start3A_530 = arith.constant 0 : i32
      %dma_start3A_531 = tpu.memref_slice %arg10[%dma_start3A_529, %dma_start3A_530] : memref<16x128xi32, #tpu.memory_space<vmem>> -> memref<1x128xi32, #tpu.memory_space<vmem>>
      %dma_start3A_532 = tpu.memref_squeeze %dma_start3A_531 : memref<1x128xi32, #tpu.memory_space<vmem>> -> memref<128xi32, #tpu.memory_space<vmem>>
      %dma_start3A_533 = arith.constant 0 : i32
      %dma_start3A_534 = tpu.memref_slice %arg14[%dma_start3A_533] : memref<802816xf32, #tpu.memory_space<vmem_shared>> -> memref<802816xf32, #tpu.memory_space<vmem_shared>>
      tpu.enqueue_indirect_dma source(%arg11 : memref<128xf32, #tpu.memory_space<vmem>>) target(%dma_start3A_534 : memref<802816xf32, #tpu.memory_space<vmem_shared>>) offsets(%dma_start3A_532 : memref<128xi32, #tpu.memory_space<vmem>>) semaphore(%arg15 : memref<!tpu.dma_semaphore, #tpu.memory_space<semaphore_mem>>) {add = true}
      %dma_start3A_535 = arith.constant 10 : i32
      %dma_start3A_536 = arith.constant 0 : i32
      %dma_start3A_537 = tpu.memref_slice %arg10[%dma_start3A_535, %dma_start3A_536] : memref<16x128xi32, #tpu.memory_space<vmem>> -> memref<1x128xi32, #tpu.memory_space<vmem>>
      %dma_start3A_538 = tpu.memref_squeeze %dma_start3A_537 : memref<1x128xi32, #tpu.memory_space<vmem>> -> memref<128xi32, #tpu.memory_space<vmem>>
      %dma_start3A_539 = arith.constant 0 : i32
      %dma_start3A_540 = tpu.memref_slice %arg14[%dma_start3A_539] : memref<802816xf32, #tpu.memory_space<vmem_shared>> -> memref<802816xf32, #tpu.memory_space<vmem_shared>>
      tpu.enqueue_indirect_dma source(%arg11 : memref<128xf32, #tpu.memory_space<vmem>>) target(%dma_start3A_540 : memref<802816xf32, #tpu.memory_space<vmem_shared>>) offsets(%dma_start3A_538 : memref<128xi32, #tpu.memory_space<vmem>>) semaphore(%arg15 : memref<!tpu.dma_semaphore, #tpu.memory_space<semaphore_mem>>) {add = true}
      %dma_start3A_541 = arith.constant 11 : i32
      %dma_start3A_542 = arith.constant 0 : i32
      %dma_start3A_543 = tpu.memref_slice %arg10[%dma_start3A_541, %dma_start3A_542] : memref<16x128xi32, #tpu.memory_space<vmem>> -> memref<1x128xi32, #tpu.memory_space<vmem>>
      %dma_start3A_544 = tpu.memref_squeeze %dma_start3A_543 : memref<1x128xi32, #tpu.memory_space<vmem>> -> memref<128xi32, #tpu.memory_space<vmem>>
      %dma_start3A_545 = arith.constant 0 : i32
      %dma_start3A_546 = tpu.memref_slice %arg14[%dma_start3A_545] : memref<802816xf32, #tpu.memory_space<vmem_shared>> -> memref<802816xf32, #tpu.memory_space<vmem_shared>>
      tpu.enqueue_indirect_dma source(%arg11 : memref<128xf32, #tpu.memory_space<vmem>>) target(%dma_start3A_546 : memref<802816xf32, #tpu.memory_space<vmem_shared>>) offsets(%dma_start3A_544 : memref<128xi32, #tpu.memory_space<vmem>>) semaphore(%arg15 : memref<!tpu.dma_semaphore, #tpu.memory_space<semaphore_mem>>) {add = true}
      %dma_start3A_547 = arith.constant 12 : i32
      %dma_start3A_548 = arith.constant 0 : i32
      %dma_start3A_549 = tpu.memref_slice %arg10[%dma_start3A_547, %dma_start3A_548] : memref<16x128xi32, #tpu.memory_space<vmem>> -> memref<1x128xi32, #tpu.memory_space<vmem>>
      %dma_start3A_550 = tpu.memref_squeeze %dma_start3A_549 : memref<1x128xi32, #tpu.memory_space<vmem>> -> memref<128xi32, #tpu.memory_space<vmem>>
      %dma_start3A_551 = arith.constant 0 : i32
      %dma_start3A_552 = tpu.memref_slice %arg14[%dma_start3A_551] : memref<802816xf32, #tpu.memory_space<vmem_shared>> -> memref<802816xf32, #tpu.memory_space<vmem_shared>>
      tpu.enqueue_indirect_dma source(%arg11 : memref<128xf32, #tpu.memory_space<vmem>>) target(%dma_start3A_552 : memref<802816xf32, #tpu.memory_space<vmem_shared>>) offsets(%dma_start3A_550 : memref<128xi32, #tpu.memory_space<vmem>>) semaphore(%arg15 : memref<!tpu.dma_semaphore, #tpu.memory_space<semaphore_mem>>) {add = true}
      %dma_start3A_553 = arith.constant 13 : i32
      %dma_start3A_554 = arith.constant 0 : i32
      %dma_start3A_555 = tpu.memref_slice %arg10[%dma_start3A_553, %dma_start3A_554] : memref<16x128xi32, #tpu.memory_space<vmem>> -> memref<1x128xi32, #tpu.memory_space<vmem>>
      %dma_start3A_556 = tpu.memref_squeeze %dma_start3A_555 : memref<1x128xi32, #tpu.memory_space<vmem>> -> memref<128xi32, #tpu.memory_space<vmem>>
      %dma_start3A_557 = arith.constant 0 : i32
      %dma_start3A_558 = tpu.memref_slice %arg14[%dma_start3A_557] : memref<802816xf32, #tpu.memory_space<vmem_shared>> -> memref<802816xf32, #tpu.memory_space<vmem_shared>>
      tpu.enqueue_indirect_dma source(%arg11 : memref<128xf32, #tpu.memory_space<vmem>>) target(%dma_start3A_558 : memref<802816xf32, #tpu.memory_space<vmem_shared>>) offsets(%dma_start3A_556 : memref<128xi32, #tpu.memory_space<vmem>>) semaphore(%arg15 : memref<!tpu.dma_semaphore, #tpu.memory_space<semaphore_mem>>) {add = true}
      %dma_start3A_559 = arith.constant 14 : i32
      %dma_start3A_560 = arith.constant 0 : i32
      %dma_start3A_561 = tpu.memref_slice %arg10[%dma_start3A_559, %dma_start3A_560] : memref<16x128xi32, #tpu.memory_space<vmem>> -> memref<1x128xi32, #tpu.memory_space<vmem>>
      %dma_start3A_562 = tpu.memref_squeeze %dma_start3A_561 : memref<1x128xi32, #tpu.memory_space<vmem>> -> memref<128xi32, #tpu.memory_space<vmem>>
      %dma_start3A_563 = arith.constant 0 : i32
      %dma_start3A_564 = tpu.memref_slice %arg14[%dma_start3A_563] : memref<802816xf32, #tpu.memory_space<vmem_shared>> -> memref<802816xf32, #tpu.memory_space<vmem_shared>>
      tpu.enqueue_indirect_dma source(%arg11 : memref<128xf32, #tpu.memory_space<vmem>>) target(%dma_start3A_564 : memref<802816xf32, #tpu.memory_space<vmem_shared>>) offsets(%dma_start3A_562 : memref<128xi32, #tpu.memory_space<vmem>>) semaphore(%arg15 : memref<!tpu.dma_semaphore, #tpu.memory_space<semaphore_mem>>) {add = true}
      %dma_start3A_565 = arith.constant 15 : i32
      %dma_start3A_566 = arith.constant 0 : i32
      %dma_start3A_567 = tpu.memref_slice %arg10[%dma_start3A_565, %dma_start3A_566] : memref<16x128xi32, #tpu.memory_space<vmem>> -> memref<1x128xi32, #tpu.memory_space<vmem>>
      %dma_start3A_568 = tpu.memref_squeeze %dma_start3A_567 : memref<1x128xi32, #tpu.memory_space<vmem>> -> memref<128xi32, #tpu.memory_space<vmem>>
      %dma_start3A_569 = arith.constant 0 : i32
      %dma_start3A_570 = tpu.memref_slice %arg14[%dma_start3A_569] : memref<802816xf32, #tpu.memory_space<vmem_shared>> -> memref<802816xf32, #tpu.memory_space<vmem_shared>>
      tpu.enqueue_indirect_dma source(%arg11 : memref<128xf32, #tpu.memory_space<vmem>>) target(%dma_start3A_570 : memref<802816xf32, #tpu.memory_space<vmem_shared>>) offsets(%dma_start3A_568 : memref<128xi32, #tpu.memory_space<vmem>>) semaphore(%arg15 : memref<!tpu.dma_semaphore, #tpu.memory_space<semaphore_mem>>) {add = true}
      %dma_wait3A_571 = arith.constant 0 : i32
      %dma_wait3A_572 = arith.constant 0 : i32
      %dma_wait3A_573 = tpu.memref_slice %arg9[%dma_wait3A_571, %dma_wait3A_572] : memref<32x128xi32, #tpu.memory_space<vmem>> -> memref<1x128xi32, #tpu.memory_space<vmem>>
      %dma_wait3A_574 = tpu.memref_squeeze %dma_wait3A_573 : memref<1x128xi32, #tpu.memory_space<vmem>> -> memref<128xi32, #tpu.memory_space<vmem>>
      %dma_wait3A_575 = arith.constant 0 : i32
      %dma_wait3A_576 = tpu.memref_slice %arg13[%dma_wait3A_575] : memref<802816xf32, #tpu.memory_space<vmem_shared>> -> memref<802816xf32, #tpu.memory_space<vmem_shared>>
      tpu.wait_indirect_dma semaphore(%arg15 : memref<!tpu.dma_semaphore, #tpu.memory_space<semaphore_mem>>) src(%arg11 : memref<128xf32, #tpu.memory_space<vmem>>) dst(%dma_wait3A_576 : memref<802816xf32, #tpu.memory_space<vmem_shared>>)
      %dma_wait3A_577 = arith.constant 1 : i32
      %dma_wait3A_578 = arith.constant 0 : i32
      %dma_wait3A_579 = tpu.memref_slice %arg9[%dma_wait3A_577, %dma_wait3A_578] : memref<32x128xi32, #tpu.memory_space<vmem>> -> memref<1x128xi32, #tpu.memory_space<vmem>>
      %dma_wait3A_580 = tpu.memref_squeeze %dma_wait3A_579 : memref<1x128xi32, #tpu.memory_space<vmem>> -> memref<128xi32, #tpu.memory_space<vmem>>
      %dma_wait3A_581 = arith.constant 0 : i32
      %dma_wait3A_582 = tpu.memref_slice %arg13[%dma_wait3A_581] : memref<802816xf32, #tpu.memory_space<vmem_shared>> -> memref<802816xf32, #tpu.memory_space<vmem_shared>>
      tpu.wait_indirect_dma semaphore(%arg15 : memref<!tpu.dma_semaphore, #tpu.memory_space<semaphore_mem>>) src(%arg11 : memref<128xf32, #tpu.memory_space<vmem>>) dst(%dma_wait3A_582 : memref<802816xf32, #tpu.memory_space<vmem_shared>>)
      %dma_wait3A_583 = arith.constant 2 : i32
      %dma_wait3A_584 = arith.constant 0 : i32
      %dma_wait3A_585 = tpu.memref_slice %arg9[%dma_wait3A_583, %dma_wait3A_584] : memref<32x128xi32, #tpu.memory_space<vmem>> -> memref<1x128xi32, #tpu.memory_space<vmem>>
      %dma_wait3A_586 = tpu.memref_squeeze %dma_wait3A_585 : memref<1x128xi32, #tpu.memory_space<vmem>> -> memref<128xi32, #tpu.memory_space<vmem>>
      %dma_wait3A_587 = arith.constant 0 : i32
      %dma_wait3A_588 = tpu.memref_slice %arg13[%dma_wait3A_587] : memref<802816xf32, #tpu.memory_space<vmem_shared>> -> memref<802816xf32, #tpu.memory_space<vmem_shared>>
      tpu.wait_indirect_dma semaphore(%arg15 : memref<!tpu.dma_semaphore, #tpu.memory_space<semaphore_mem>>) src(%arg11 : memref<128xf32, #tpu.memory_space<vmem>>) dst(%dma_wait3A_588 : memref<802816xf32, #tpu.memory_space<vmem_shared>>)
      %dma_wait3A_589 = arith.constant 3 : i32
      %dma_wait3A_590 = arith.constant 0 : i32
      %dma_wait3A_591 = tpu.memref_slice %arg9[%dma_wait3A_589, %dma_wait3A_590] : memref<32x128xi32, #tpu.memory_space<vmem>> -> memref<1x128xi32, #tpu.memory_space<vmem>>
      %dma_wait3A_592 = tpu.memref_squeeze %dma_wait3A_591 : memref<1x128xi32, #tpu.memory_space<vmem>> -> memref<128xi32, #tpu.memory_space<vmem>>
      %dma_wait3A_593 = arith.constant 0 : i32
      %dma_wait3A_594 = tpu.memref_slice %arg13[%dma_wait3A_593] : memref<802816xf32, #tpu.memory_space<vmem_shared>> -> memref<802816xf32, #tpu.memory_space<vmem_shared>>
      tpu.wait_indirect_dma semaphore(%arg15 : memref<!tpu.dma_semaphore, #tpu.memory_space<semaphore_mem>>) src(%arg11 : memref<128xf32, #tpu.memory_space<vmem>>) dst(%dma_wait3A_594 : memref<802816xf32, #tpu.memory_space<vmem_shared>>)
      %dma_wait3A_595 = arith.constant 4 : i32
      %dma_wait3A_596 = arith.constant 0 : i32
      %dma_wait3A_597 = tpu.memref_slice %arg9[%dma_wait3A_595, %dma_wait3A_596] : memref<32x128xi32, #tpu.memory_space<vmem>> -> memref<1x128xi32, #tpu.memory_space<vmem>>
      %dma_wait3A_598 = tpu.memref_squeeze %dma_wait3A_597 : memref<1x128xi32, #tpu.memory_space<vmem>> -> memref<128xi32, #tpu.memory_space<vmem>>
      %dma_wait3A_599 = arith.constant 0 : i32
      %dma_wait3A_600 = tpu.memref_slice %arg13[%dma_wait3A_599] : memref<802816xf32, #tpu.memory_space<vmem_shared>> -> memref<802816xf32, #tpu.memory_space<vmem_shared>>
      tpu.wait_indirect_dma semaphore(%arg15 : memref<!tpu.dma_semaphore, #tpu.memory_space<semaphore_mem>>) src(%arg11 : memref<128xf32, #tpu.memory_space<vmem>>) dst(%dma_wait3A_600 : memref<802816xf32, #tpu.memory_space<vmem_shared>>)
      %dma_wait3A_601 = arith.constant 5 : i32
      %dma_wait3A_602 = arith.constant 0 : i32
      %dma_wait3A_603 = tpu.memref_slice %arg9[%dma_wait3A_601, %dma_wait3A_602] : memref<32x128xi32, #tpu.memory_space<vmem>> -> memref<1x128xi32, #tpu.memory_space<vmem>>
      %dma_wait3A_604 = tpu.memref_squeeze %dma_wait3A_603 : memref<1x128xi32, #tpu.memory_space<vmem>> -> memref<128xi32, #tpu.memory_space<vmem>>
      %dma_wait3A_605 = arith.constant 0 : i32
      %dma_wait3A_606 = tpu.memref_slice %arg13[%dma_wait3A_605] : memref<802816xf32, #tpu.memory_space<vmem_shared>> -> memref<802816xf32, #tpu.memory_space<vmem_shared>>
      tpu.wait_indirect_dma semaphore(%arg15 : memref<!tpu.dma_semaphore, #tpu.memory_space<semaphore_mem>>) src(%arg11 : memref<128xf32, #tpu.memory_space<vmem>>) dst(%dma_wait3A_606 : memref<802816xf32, #tpu.memory_space<vmem_shared>>)
      %dma_wait3A_607 = arith.constant 6 : i32
      %dma_wait3A_608 = arith.constant 0 : i32
      %dma_wait3A_609 = tpu.memref_slice %arg9[%dma_wait3A_607, %dma_wait3A_608] : memref<32x128xi32, #tpu.memory_space<vmem>> -> memref<1x128xi32, #tpu.memory_space<vmem>>
      %dma_wait3A_610 = tpu.memref_squeeze %dma_wait3A_609 : memref<1x128xi32, #tpu.memory_space<vmem>> -> memref<128xi32, #tpu.memory_space<vmem>>
      %dma_wait3A_611 = arith.constant 0 : i32
      %dma_wait3A_612 = tpu.memref_slice %arg13[%dma_wait3A_611] : memref<802816xf32, #tpu.memory_space<vmem_shared>> -> memref<802816xf32, #tpu.memory_space<vmem_shared>>
      tpu.wait_indirect_dma semaphore(%arg15 : memref<!tpu.dma_semaphore, #tpu.memory_space<semaphore_mem>>) src(%arg11 : memref<128xf32, #tpu.memory_space<vmem>>) dst(%dma_wait3A_612 : memref<802816xf32, #tpu.memory_space<vmem_shared>>)
      %dma_wait3A_613 = arith.constant 7 : i32
      %dma_wait3A_614 = arith.constant 0 : i32
      %dma_wait3A_615 = tpu.memref_slice %arg9[%dma_wait3A_613, %dma_wait3A_614] : memref<32x128xi32, #tpu.memory_space<vmem>> -> memref<1x128xi32, #tpu.memory_space<vmem>>
      %dma_wait3A_616 = tpu.memref_squeeze %dma_wait3A_615 : memref<1x128xi32, #tpu.memory_space<vmem>> -> memref<128xi32, #tpu.memory_space<vmem>>
      %dma_wait3A_617 = arith.constant 0 : i32
      %dma_wait3A_618 = tpu.memref_slice %arg13[%dma_wait3A_617] : memref<802816xf32, #tpu.memory_space<vmem_shared>> -> memref<802816xf32, #tpu.memory_space<vmem_shared>>
      tpu.wait_indirect_dma semaphore(%arg15 : memref<!tpu.dma_semaphore, #tpu.memory_space<semaphore_mem>>) src(%arg11 : memref<128xf32, #tpu.memory_space<vmem>>) dst(%dma_wait3A_618 : memref<802816xf32, #tpu.memory_space<vmem_shared>>)
      %dma_wait3A_619 = arith.constant 8 : i32
      %dma_wait3A_620 = arith.constant 0 : i32
      %dma_wait3A_621 = tpu.memref_slice %arg9[%dma_wait3A_619, %dma_wait3A_620] : memref<32x128xi32, #tpu.memory_space<vmem>> -> memref<1x128xi32, #tpu.memory_space<vmem>>
      %dma_wait3A_622 = tpu.memref_squeeze %dma_wait3A_621 : memref<1x128xi32, #tpu.memory_space<vmem>> -> memref<128xi32, #tpu.memory_space<vmem>>
      %dma_wait3A_623 = arith.constant 0 : i32
      %dma_wait3A_624 = tpu.memref_slice %arg13[%dma_wait3A_623] : memref<802816xf32, #tpu.memory_space<vmem_shared>> -> memref<802816xf32, #tpu.memory_space<vmem_shared>>
      tpu.wait_indirect_dma semaphore(%arg15 : memref<!tpu.dma_semaphore, #tpu.memory_space<semaphore_mem>>) src(%arg11 : memref<128xf32, #tpu.memory_space<vmem>>) dst(%dma_wait3A_624 : memref<802816xf32, #tpu.memory_space<vmem_shared>>)
      %dma_wait3A_625 = arith.constant 9 : i32
      %dma_wait3A_626 = arith.constant 0 : i32
      %dma_wait3A_627 = tpu.memref_slice %arg9[%dma_wait3A_625, %dma_wait3A_626] : memref<32x128xi32, #tpu.memory_space<vmem>> -> memref<1x128xi32, #tpu.memory_space<vmem>>
      %dma_wait3A_628 = tpu.memref_squeeze %dma_wait3A_627 : memref<1x128xi32, #tpu.memory_space<vmem>> -> memref<128xi32, #tpu.memory_space<vmem>>
      %dma_wait3A_629 = arith.constant 0 : i32
      %dma_wait3A_630 = tpu.memref_slice %arg13[%dma_wait3A_629] : memref<802816xf32, #tpu.memory_space<vmem_shared>> -> memref<802816xf32, #tpu.memory_space<vmem_shared>>
      tpu.wait_indirect_dma semaphore(%arg15 : memref<!tpu.dma_semaphore, #tpu.memory_space<semaphore_mem>>) src(%arg11 : memref<128xf32, #tpu.memory_space<vmem>>) dst(%dma_wait3A_630 : memref<802816xf32, #tpu.memory_space<vmem_shared>>)
      %dma_wait3A_631 = arith.constant 10 : i32
      %dma_wait3A_632 = arith.constant 0 : i32
      %dma_wait3A_633 = tpu.memref_slice %arg9[%dma_wait3A_631, %dma_wait3A_632] : memref<32x128xi32, #tpu.memory_space<vmem>> -> memref<1x128xi32, #tpu.memory_space<vmem>>
      %dma_wait3A_634 = tpu.memref_squeeze %dma_wait3A_633 : memref<1x128xi32, #tpu.memory_space<vmem>> -> memref<128xi32, #tpu.memory_space<vmem>>
      %dma_wait3A_635 = arith.constant 0 : i32
      %dma_wait3A_636 = tpu.memref_slice %arg13[%dma_wait3A_635] : memref<802816xf32, #tpu.memory_space<vmem_shared>> -> memref<802816xf32, #tpu.memory_space<vmem_shared>>
      tpu.wait_indirect_dma semaphore(%arg15 : memref<!tpu.dma_semaphore, #tpu.memory_space<semaphore_mem>>) src(%arg11 : memref<128xf32, #tpu.memory_space<vmem>>) dst(%dma_wait3A_636 : memref<802816xf32, #tpu.memory_space<vmem_shared>>)
      %dma_wait3A_637 = arith.constant 11 : i32
      %dma_wait3A_638 = arith.constant 0 : i32
      %dma_wait3A_639 = tpu.memref_slice %arg9[%dma_wait3A_637, %dma_wait3A_638] : memref<32x128xi32, #tpu.memory_space<vmem>> -> memref<1x128xi32, #tpu.memory_space<vmem>>
      %dma_wait3A_640 = tpu.memref_squeeze %dma_wait3A_639 : memref<1x128xi32, #tpu.memory_space<vmem>> -> memref<128xi32, #tpu.memory_space<vmem>>
      %dma_wait3A_641 = arith.constant 0 : i32
      %dma_wait3A_642 = tpu.memref_slice %arg13[%dma_wait3A_641] : memref<802816xf32, #tpu.memory_space<vmem_shared>> -> memref<802816xf32, #tpu.memory_space<vmem_shared>>
      tpu.wait_indirect_dma semaphore(%arg15 : memref<!tpu.dma_semaphore, #tpu.memory_space<semaphore_mem>>) src(%arg11 : memref<128xf32, #tpu.memory_space<vmem>>) dst(%dma_wait3A_642 : memref<802816xf32, #tpu.memory_space<vmem_shared>>)
      %dma_wait3A_643 = arith.constant 12 : i32
      %dma_wait3A_644 = arith.constant 0 : i32
      %dma_wait3A_645 = tpu.memref_slice %arg9[%dma_wait3A_643, %dma_wait3A_644] : memref<32x128xi32, #tpu.memory_space<vmem>> -> memref<1x128xi32, #tpu.memory_space<vmem>>
      %dma_wait3A_646 = tpu.memref_squeeze %dma_wait3A_645 : memref<1x128xi32, #tpu.memory_space<vmem>> -> memref<128xi32, #tpu.memory_space<vmem>>
      %dma_wait3A_647 = arith.constant 0 : i32
      %dma_wait3A_648 = tpu.memref_slice %arg13[%dma_wait3A_647] : memref<802816xf32, #tpu.memory_space<vmem_shared>> -> memref<802816xf32, #tpu.memory_space<vmem_shared>>
      tpu.wait_indirect_dma semaphore(%arg15 : memref<!tpu.dma_semaphore, #tpu.memory_space<semaphore_mem>>) src(%arg11 : memref<128xf32, #tpu.memory_space<vmem>>) dst(%dma_wait3A_648 : memref<802816xf32, #tpu.memory_space<vmem_shared>>)
      %dma_wait3A_649 = arith.constant 13 : i32
      %dma_wait3A_650 = arith.constant 0 : i32
      %dma_wait3A_651 = tpu.memref_slice %arg9[%dma_wait3A_649, %dma_wait3A_650] : memref<32x128xi32, #tpu.memory_space<vmem>> -> memref<1x128xi32, #tpu.memory_space<vmem>>
      %dma_wait3A_652 = tpu.memref_squeeze %dma_wait3A_651 : memref<1x128xi32, #tpu.memory_space<vmem>> -> memref<128xi32, #tpu.memory_space<vmem>>
      %dma_wait3A_653 = arith.constant 0 : i32
      %dma_wait3A_654 = tpu.memref_slice %arg13[%dma_wait3A_653] : memref<802816xf32, #tpu.memory_space<vmem_shared>> -> memref<802816xf32, #tpu.memory_space<vmem_shared>>
      tpu.wait_indirect_dma semaphore(%arg15 : memref<!tpu.dma_semaphore, #tpu.memory_space<semaphore_mem>>) src(%arg11 : memref<128xf32, #tpu.memory_space<vmem>>) dst(%dma_wait3A_654 : memref<802816xf32, #tpu.memory_space<vmem_shared>>)
      %dma_wait3A_655 = arith.constant 14 : i32
      %dma_wait3A_656 = arith.constant 0 : i32
      %dma_wait3A_657 = tpu.memref_slice %arg9[%dma_wait3A_655, %dma_wait3A_656] : memref<32x128xi32, #tpu.memory_space<vmem>> -> memref<1x128xi32, #tpu.memory_space<vmem>>
      %dma_wait3A_658 = tpu.memref_squeeze %dma_wait3A_657 : memref<1x128xi32, #tpu.memory_space<vmem>> -> memref<128xi32, #tpu.memory_space<vmem>>
      %dma_wait3A_659 = arith.constant 0 : i32
      %dma_wait3A_660 = tpu.memref_slice %arg13[%dma_wait3A_659] : memref<802816xf32, #tpu.memory_space<vmem_shared>> -> memref<802816xf32, #tpu.memory_space<vmem_shared>>
      tpu.wait_indirect_dma semaphore(%arg15 : memref<!tpu.dma_semaphore, #tpu.memory_space<semaphore_mem>>) src(%arg11 : memref<128xf32, #tpu.memory_space<vmem>>) dst(%dma_wait3A_660 : memref<802816xf32, #tpu.memory_space<vmem_shared>>)
      %dma_wait3A_661 = arith.constant 15 : i32
      %dma_wait3A_662 = arith.constant 0 : i32
      %dma_wait3A_663 = tpu.memref_slice %arg9[%dma_wait3A_661, %dma_wait3A_662] : memref<32x128xi32, #tpu.memory_space<vmem>> -> memref<1x128xi32, #tpu.memory_space<vmem>>
      %dma_wait3A_664 = tpu.memref_squeeze %dma_wait3A_663 : memref<1x128xi32, #tpu.memory_space<vmem>> -> memref<128xi32, #tpu.memory_space<vmem>>
      %dma_wait3A_665 = arith.constant 0 : i32
      %dma_wait3A_666 = tpu.memref_slice %arg13[%dma_wait3A_665] : memref<802816xf32, #tpu.memory_space<vmem_shared>> -> memref<802816xf32, #tpu.memory_space<vmem_shared>>
      tpu.wait_indirect_dma semaphore(%arg15 : memref<!tpu.dma_semaphore, #tpu.memory_space<semaphore_mem>>) src(%arg11 : memref<128xf32, #tpu.memory_space<vmem>>) dst(%dma_wait3A_666 : memref<802816xf32, #tpu.memory_space<vmem_shared>>)
      %dma_wait3A_667 = arith.constant 16 : i32
      %dma_wait3A_668 = arith.constant 0 : i32
      %dma_wait3A_669 = tpu.memref_slice %arg9[%dma_wait3A_667, %dma_wait3A_668] : memref<32x128xi32, #tpu.memory_space<vmem>> -> memref<1x128xi32, #tpu.memory_space<vmem>>
      %dma_wait3A_670 = tpu.memref_squeeze %dma_wait3A_669 : memref<1x128xi32, #tpu.memory_space<vmem>> -> memref<128xi32, #tpu.memory_space<vmem>>
      %dma_wait3A_671 = arith.constant 0 : i32
      %dma_wait3A_672 = tpu.memref_slice %arg13[%dma_wait3A_671] : memref<802816xf32, #tpu.memory_space<vmem_shared>> -> memref<802816xf32, #tpu.memory_space<vmem_shared>>
      tpu.wait_indirect_dma semaphore(%arg15 : memref<!tpu.dma_semaphore, #tpu.memory_space<semaphore_mem>>) src(%arg11 : memref<128xf32, #tpu.memory_space<vmem>>) dst(%dma_wait3A_672 : memref<802816xf32, #tpu.memory_space<vmem_shared>>)
      %dma_wait3A_673 = arith.constant 17 : i32
      %dma_wait3A_674 = arith.constant 0 : i32
      %dma_wait3A_675 = tpu.memref_slice %arg9[%dma_wait3A_673, %dma_wait3A_674] : memref<32x128xi32, #tpu.memory_space<vmem>> -> memref<1x128xi32, #tpu.memory_space<vmem>>
      %dma_wait3A_676 = tpu.memref_squeeze %dma_wait3A_675 : memref<1x128xi32, #tpu.memory_space<vmem>> -> memref<128xi32, #tpu.memory_space<vmem>>
      %dma_wait3A_677 = arith.constant 0 : i32
      %dma_wait3A_678 = tpu.memref_slice %arg13[%dma_wait3A_677] : memref<802816xf32, #tpu.memory_space<vmem_shared>> -> memref<802816xf32, #tpu.memory_space<vmem_shared>>
      tpu.wait_indirect_dma semaphore(%arg15 : memref<!tpu.dma_semaphore, #tpu.memory_space<semaphore_mem>>) src(%arg11 : memref<128xf32, #tpu.memory_space<vmem>>) dst(%dma_wait3A_678 : memref<802816xf32, #tpu.memory_space<vmem_shared>>)
      %dma_wait3A_679 = arith.constant 18 : i32
      %dma_wait3A_680 = arith.constant 0 : i32
      %dma_wait3A_681 = tpu.memref_slice %arg9[%dma_wait3A_679, %dma_wait3A_680] : memref<32x128xi32, #tpu.memory_space<vmem>> -> memref<1x128xi32, #tpu.memory_space<vmem>>
      %dma_wait3A_682 = tpu.memref_squeeze %dma_wait3A_681 : memref<1x128xi32, #tpu.memory_space<vmem>> -> memref<128xi32, #tpu.memory_space<vmem>>
      %dma_wait3A_683 = arith.constant 0 : i32
      %dma_wait3A_684 = tpu.memref_slice %arg13[%dma_wait3A_683] : memref<802816xf32, #tpu.memory_space<vmem_shared>> -> memref<802816xf32, #tpu.memory_space<vmem_shared>>
      tpu.wait_indirect_dma semaphore(%arg15 : memref<!tpu.dma_semaphore, #tpu.memory_space<semaphore_mem>>) src(%arg11 : memref<128xf32, #tpu.memory_space<vmem>>) dst(%dma_wait3A_684 : memref<802816xf32, #tpu.memory_space<vmem_shared>>)
      %dma_wait3A_685 = arith.constant 19 : i32
      %dma_wait3A_686 = arith.constant 0 : i32
      %dma_wait3A_687 = tpu.memref_slice %arg9[%dma_wait3A_685, %dma_wait3A_686] : memref<32x128xi32, #tpu.memory_space<vmem>> -> memref<1x128xi32, #tpu.memory_space<vmem>>
      %dma_wait3A_688 = tpu.memref_squeeze %dma_wait3A_687 : memref<1x128xi32, #tpu.memory_space<vmem>> -> memref<128xi32, #tpu.memory_space<vmem>>
      %dma_wait3A_689 = arith.constant 0 : i32
      %dma_wait3A_690 = tpu.memref_slice %arg13[%dma_wait3A_689] : memref<802816xf32, #tpu.memory_space<vmem_shared>> -> memref<802816xf32, #tpu.memory_space<vmem_shared>>
      tpu.wait_indirect_dma semaphore(%arg15 : memref<!tpu.dma_semaphore, #tpu.memory_space<semaphore_mem>>) src(%arg11 : memref<128xf32, #tpu.memory_space<vmem>>) dst(%dma_wait3A_690 : memref<802816xf32, #tpu.memory_space<vmem_shared>>)
      %dma_wait3A_691 = arith.constant 20 : i32
      %dma_wait3A_692 = arith.constant 0 : i32
      %dma_wait3A_693 = tpu.memref_slice %arg9[%dma_wait3A_691, %dma_wait3A_692] : memref<32x128xi32, #tpu.memory_space<vmem>> -> memref<1x128xi32, #tpu.memory_space<vmem>>
      %dma_wait3A_694 = tpu.memref_squeeze %dma_wait3A_693 : memref<1x128xi32, #tpu.memory_space<vmem>> -> memref<128xi32, #tpu.memory_space<vmem>>
      %dma_wait3A_695 = arith.constant 0 : i32
      %dma_wait3A_696 = tpu.memref_slice %arg13[%dma_wait3A_695] : memref<802816xf32, #tpu.memory_space<vmem_shared>> -> memref<802816xf32, #tpu.memory_space<vmem_shared>>
      tpu.wait_indirect_dma semaphore(%arg15 : memref<!tpu.dma_semaphore, #tpu.memory_space<semaphore_mem>>) src(%arg11 : memref<128xf32, #tpu.memory_space<vmem>>) dst(%dma_wait3A_696 : memref<802816xf32, #tpu.memory_space<vmem_shared>>)
      %dma_wait3A_697 = arith.constant 21 : i32
      %dma_wait3A_698 = arith.constant 0 : i32
      %dma_wait3A_699 = tpu.memref_slice %arg9[%dma_wait3A_697, %dma_wait3A_698] : memref<32x128xi32, #tpu.memory_space<vmem>> -> memref<1x128xi32, #tpu.memory_space<vmem>>
      %dma_wait3A_700 = tpu.memref_squeeze %dma_wait3A_699 : memref<1x128xi32, #tpu.memory_space<vmem>> -> memref<128xi32, #tpu.memory_space<vmem>>
      %dma_wait3A_701 = arith.constant 0 : i32
      %dma_wait3A_702 = tpu.memref_slice %arg13[%dma_wait3A_701] : memref<802816xf32, #tpu.memory_space<vmem_shared>> -> memref<802816xf32, #tpu.memory_space<vmem_shared>>
      tpu.wait_indirect_dma semaphore(%arg15 : memref<!tpu.dma_semaphore, #tpu.memory_space<semaphore_mem>>) src(%arg11 : memref<128xf32, #tpu.memory_space<vmem>>) dst(%dma_wait3A_702 : memref<802816xf32, #tpu.memory_space<vmem_shared>>)
      %dma_wait3A_703 = arith.constant 22 : i32
      %dma_wait3A_704 = arith.constant 0 : i32
      %dma_wait3A_705 = tpu.memref_slice %arg9[%dma_wait3A_703, %dma_wait3A_704] : memref<32x128xi32, #tpu.memory_space<vmem>> -> memref<1x128xi32, #tpu.memory_space<vmem>>
      %dma_wait3A_706 = tpu.memref_squeeze %dma_wait3A_705 : memref<1x128xi32, #tpu.memory_space<vmem>> -> memref<128xi32, #tpu.memory_space<vmem>>
      %dma_wait3A_707 = arith.constant 0 : i32
      %dma_wait3A_708 = tpu.memref_slice %arg13[%dma_wait3A_707] : memref<802816xf32, #tpu.memory_space<vmem_shared>> -> memref<802816xf32, #tpu.memory_space<vmem_shared>>
      tpu.wait_indirect_dma semaphore(%arg15 : memref<!tpu.dma_semaphore, #tpu.memory_space<semaphore_mem>>) src(%arg11 : memref<128xf32, #tpu.memory_space<vmem>>) dst(%dma_wait3A_708 : memref<802816xf32, #tpu.memory_space<vmem_shared>>)
      %dma_wait3A_709 = arith.constant 23 : i32
      %dma_wait3A_710 = arith.constant 0 : i32
      %dma_wait3A_711 = tpu.memref_slice %arg9[%dma_wait3A_709, %dma_wait3A_710] : memref<32x128xi32, #tpu.memory_space<vmem>> -> memref<1x128xi32, #tpu.memory_space<vmem>>
      %dma_wait3A_712 = tpu.memref_squeeze %dma_wait3A_711 : memref<1x128xi32, #tpu.memory_space<vmem>> -> memref<128xi32, #tpu.memory_space<vmem>>
      %dma_wait3A_713 = arith.constant 0 : i32
      %dma_wait3A_714 = tpu.memref_slice %arg13[%dma_wait3A_713] : memref<802816xf32, #tpu.memory_space<vmem_shared>> -> memref<802816xf32, #tpu.memory_space<vmem_shared>>
      tpu.wait_indirect_dma semaphore(%arg15 : memref<!tpu.dma_semaphore, #tpu.memory_space<semaphore_mem>>) src(%arg11 : memref<128xf32, #tpu.memory_space<vmem>>) dst(%dma_wait3A_714 : memref<802816xf32, #tpu.memory_space<vmem_shared>>)
      %dma_wait3A_715 = arith.constant 24 : i32
      %dma_wait3A_716 = arith.constant 0 : i32
      %dma_wait3A_717 = tpu.memref_slice %arg9[%dma_wait3A_715, %dma_wait3A_716] : memref<32x128xi32, #tpu.memory_space<vmem>> -> memref<1x128xi32, #tpu.memory_space<vmem>>
      %dma_wait3A_718 = tpu.memref_squeeze %dma_wait3A_717 : memref<1x128xi32, #tpu.memory_space<vmem>> -> memref<128xi32, #tpu.memory_space<vmem>>
      %dma_wait3A_719 = arith.constant 0 : i32
      %dma_wait3A_720 = tpu.memref_slice %arg13[%dma_wait3A_719] : memref<802816xf32, #tpu.memory_space<vmem_shared>> -> memref<802816xf32, #tpu.memory_space<vmem_shared>>
      tpu.wait_indirect_dma semaphore(%arg15 : memref<!tpu.dma_semaphore, #tpu.memory_space<semaphore_mem>>) src(%arg11 : memref<128xf32, #tpu.memory_space<vmem>>) dst(%dma_wait3A_720 : memref<802816xf32, #tpu.memory_space<vmem_shared>>)
      %dma_wait3A_721 = arith.constant 25 : i32
      %dma_wait3A_722 = arith.constant 0 : i32
      %dma_wait3A_723 = tpu.memref_slice %arg9[%dma_wait3A_721, %dma_wait3A_722] : memref<32x128xi32, #tpu.memory_space<vmem>> -> memref<1x128xi32, #tpu.memory_space<vmem>>
      %dma_wait3A_724 = tpu.memref_squeeze %dma_wait3A_723 : memref<1x128xi32, #tpu.memory_space<vmem>> -> memref<128xi32, #tpu.memory_space<vmem>>
      %dma_wait3A_725 = arith.constant 0 : i32
      %dma_wait3A_726 = tpu.memref_slice %arg13[%dma_wait3A_725] : memref<802816xf32, #tpu.memory_space<vmem_shared>> -> memref<802816xf32, #tpu.memory_space<vmem_shared>>
      tpu.wait_indirect_dma semaphore(%arg15 : memref<!tpu.dma_semaphore, #tpu.memory_space<semaphore_mem>>) src(%arg11 : memref<128xf32, #tpu.memory_space<vmem>>) dst(%dma_wait3A_726 : memref<802816xf32, #tpu.memory_space<vmem_shared>>)
      %dma_wait3A_727 = arith.constant 26 : i32
      %dma_wait3A_728 = arith.constant 0 : i32
      %dma_wait3A_729 = tpu.memref_slice %arg9[%dma_wait3A_727, %dma_wait3A_728] : memref<32x128xi32, #tpu.memory_space<vmem>> -> memref<1x128xi32, #tpu.memory_space<vmem>>
      %dma_wait3A_730 = tpu.memref_squeeze %dma_wait3A_729 : memref<1x128xi32, #tpu.memory_space<vmem>> -> memref<128xi32, #tpu.memory_space<vmem>>
      %dma_wait3A_731 = arith.constant 0 : i32
      %dma_wait3A_732 = tpu.memref_slice %arg13[%dma_wait3A_731] : memref<802816xf32, #tpu.memory_space<vmem_shared>> -> memref<802816xf32, #tpu.memory_space<vmem_shared>>
      tpu.wait_indirect_dma semaphore(%arg15 : memref<!tpu.dma_semaphore, #tpu.memory_space<semaphore_mem>>) src(%arg11 : memref<128xf32, #tpu.memory_space<vmem>>) dst(%dma_wait3A_732 : memref<802816xf32, #tpu.memory_space<vmem_shared>>)
      %dma_wait3A_733 = arith.constant 27 : i32
      %dma_wait3A_734 = arith.constant 0 : i32
      %dma_wait3A_735 = tpu.memref_slice %arg9[%dma_wait3A_733, %dma_wait3A_734] : memref<32x128xi32, #tpu.memory_space<vmem>> -> memref<1x128xi32, #tpu.memory_space<vmem>>
      %dma_wait3A_736 = tpu.memref_squeeze %dma_wait3A_735 : memref<1x128xi32, #tpu.memory_space<vmem>> -> memref<128xi32, #tpu.memory_space<vmem>>
      %dma_wait3A_737 = arith.constant 0 : i32
      %dma_wait3A_738 = tpu.memref_slice %arg13[%dma_wait3A_737] : memref<802816xf32, #tpu.memory_space<vmem_shared>> -> memref<802816xf32, #tpu.memory_space<vmem_shared>>
      tpu.wait_indirect_dma semaphore(%arg15 : memref<!tpu.dma_semaphore, #tpu.memory_space<semaphore_mem>>) src(%arg11 : memref<128xf32, #tpu.memory_space<vmem>>) dst(%dma_wait3A_738 : memref<802816xf32, #tpu.memory_space<vmem_shared>>)
      %dma_wait3A_739 = arith.constant 28 : i32
      %dma_wait3A_740 = arith.constant 0 : i32
      %dma_wait3A_741 = tpu.memref_slice %arg9[%dma_wait3A_739, %dma_wait3A_740] : memref<32x128xi32, #tpu.memory_space<vmem>> -> memref<1x128xi32, #tpu.memory_space<vmem>>
      %dma_wait3A_742 = tpu.memref_squeeze %dma_wait3A_741 : memref<1x128xi32, #tpu.memory_space<vmem>> -> memref<128xi32, #tpu.memory_space<vmem>>
      %dma_wait3A_743 = arith.constant 0 : i32
      %dma_wait3A_744 = tpu.memref_slice %arg13[%dma_wait3A_743] : memref<802816xf32, #tpu.memory_space<vmem_shared>> -> memref<802816xf32, #tpu.memory_space<vmem_shared>>
      tpu.wait_indirect_dma semaphore(%arg15 : memref<!tpu.dma_semaphore, #tpu.memory_space<semaphore_mem>>) src(%arg11 : memref<128xf32, #tpu.memory_space<vmem>>) dst(%dma_wait3A_744 : memref<802816xf32, #tpu.memory_space<vmem_shared>>)
      %dma_wait3A_745 = arith.constant 29 : i32
      %dma_wait3A_746 = arith.constant 0 : i32
      %dma_wait3A_747 = tpu.memref_slice %arg9[%dma_wait3A_745, %dma_wait3A_746] : memref<32x128xi32, #tpu.memory_space<vmem>> -> memref<1x128xi32, #tpu.memory_space<vmem>>
      %dma_wait3A_748 = tpu.memref_squeeze %dma_wait3A_747 : memref<1x128xi32, #tpu.memory_space<vmem>> -> memref<128xi32, #tpu.memory_space<vmem>>
      %dma_wait3A_749 = arith.constant 0 : i32
      %dma_wait3A_750 = tpu.memref_slice %arg13[%dma_wait3A_749] : memref<802816xf32, #tpu.memory_space<vmem_shared>> -> memref<802816xf32, #tpu.memory_space<vmem_shared>>
      tpu.wait_indirect_dma semaphore(%arg15 : memref<!tpu.dma_semaphore, #tpu.memory_space<semaphore_mem>>) src(%arg11 : memref<128xf32, #tpu.memory_space<vmem>>) dst(%dma_wait3A_750 : memref<802816xf32, #tpu.memory_space<vmem_shared>>)
      %dma_wait3A_751 = arith.constant 30 : i32
      %dma_wait3A_752 = arith.constant 0 : i32
      %dma_wait3A_753 = tpu.memref_slice %arg9[%dma_wait3A_751, %dma_wait3A_752] : memref<32x128xi32, #tpu.memory_space<vmem>> -> memref<1x128xi32, #tpu.memory_space<vmem>>
      %dma_wait3A_754 = tpu.memref_squeeze %dma_wait3A_753 : memref<1x128xi32, #tpu.memory_space<vmem>> -> memref<128xi32, #tpu.memory_space<vmem>>
      %dma_wait3A_755 = arith.constant 0 : i32
      %dma_wait3A_756 = tpu.memref_slice %arg13[%dma_wait3A_755] : memref<802816xf32, #tpu.memory_space<vmem_shared>> -> memref<802816xf32, #tpu.memory_space<vmem_shared>>
      tpu.wait_indirect_dma semaphore(%arg15 : memref<!tpu.dma_semaphore, #tpu.memory_space<semaphore_mem>>) src(%arg11 : memref<128xf32, #tpu.memory_space<vmem>>) dst(%dma_wait3A_756 : memref<802816xf32, #tpu.memory_space<vmem_shared>>)
      %dma_wait3A_757 = arith.constant 31 : i32
      %dma_wait3A_758 = arith.constant 0 : i32
      %dma_wait3A_759 = tpu.memref_slice %arg9[%dma_wait3A_757, %dma_wait3A_758] : memref<32x128xi32, #tpu.memory_space<vmem>> -> memref<1x128xi32, #tpu.memory_space<vmem>>
      %dma_wait3A_760 = tpu.memref_squeeze %dma_wait3A_759 : memref<1x128xi32, #tpu.memory_space<vmem>> -> memref<128xi32, #tpu.memory_space<vmem>>
      %dma_wait3A_761 = arith.constant 0 : i32
      %dma_wait3A_762 = tpu.memref_slice %arg13[%dma_wait3A_761] : memref<802816xf32, #tpu.memory_space<vmem_shared>> -> memref<802816xf32, #tpu.memory_space<vmem_shared>>
      tpu.wait_indirect_dma semaphore(%arg15 : memref<!tpu.dma_semaphore, #tpu.memory_space<semaphore_mem>>) src(%arg11 : memref<128xf32, #tpu.memory_space<vmem>>) dst(%dma_wait3A_762 : memref<802816xf32, #tpu.memory_space<vmem_shared>>)
      %dma_wait3A_763 = arith.constant 0 : i32
      %dma_wait3A_764 = arith.constant 0 : i32
      %dma_wait3A_765 = tpu.memref_slice %arg10[%dma_wait3A_763, %dma_wait3A_764] : memref<16x128xi32, #tpu.memory_space<vmem>> -> memref<1x128xi32, #tpu.memory_space<vmem>>
      %dma_wait3A_766 = tpu.memref_squeeze %dma_wait3A_765 : memref<1x128xi32, #tpu.memory_space<vmem>> -> memref<128xi32, #tpu.memory_space<vmem>>
      %dma_wait3A_767 = arith.constant 0 : i32
      %dma_wait3A_768 = tpu.memref_slice %arg14[%dma_wait3A_767] : memref<802816xf32, #tpu.memory_space<vmem_shared>> -> memref<802816xf32, #tpu.memory_space<vmem_shared>>
      tpu.wait_indirect_dma semaphore(%arg15 : memref<!tpu.dma_semaphore, #tpu.memory_space<semaphore_mem>>) src(%arg11 : memref<128xf32, #tpu.memory_space<vmem>>) dst(%dma_wait3A_768 : memref<802816xf32, #tpu.memory_space<vmem_shared>>)
      %dma_wait3A_769 = arith.constant 1 : i32
      %dma_wait3A_770 = arith.constant 0 : i32
      %dma_wait3A_771 = tpu.memref_slice %arg10[%dma_wait3A_769, %dma_wait3A_770] : memref<16x128xi32, #tpu.memory_space<vmem>> -> memref<1x128xi32, #tpu.memory_space<vmem>>
      %dma_wait3A_772 = tpu.memref_squeeze %dma_wait3A_771 : memref<1x128xi32, #tpu.memory_space<vmem>> -> memref<128xi32, #tpu.memory_space<vmem>>
      %dma_wait3A_773 = arith.constant 0 : i32
      %dma_wait3A_774 = tpu.memref_slice %arg14[%dma_wait3A_773] : memref<802816xf32, #tpu.memory_space<vmem_shared>> -> memref<802816xf32, #tpu.memory_space<vmem_shared>>
      tpu.wait_indirect_dma semaphore(%arg15 : memref<!tpu.dma_semaphore, #tpu.memory_space<semaphore_mem>>) src(%arg11 : memref<128xf32, #tpu.memory_space<vmem>>) dst(%dma_wait3A_774 : memref<802816xf32, #tpu.memory_space<vmem_shared>>)
      %dma_wait3A_775 = arith.constant 2 : i32
      %dma_wait3A_776 = arith.constant 0 : i32
      %dma_wait3A_777 = tpu.memref_slice %arg10[%dma_wait3A_775, %dma_wait3A_776] : memref<16x128xi32, #tpu.memory_space<vmem>> -> memref<1x128xi32, #tpu.memory_space<vmem>>
      %dma_wait3A_778 = tpu.memref_squeeze %dma_wait3A_777 : memref<1x128xi32, #tpu.memory_space<vmem>> -> memref<128xi32, #tpu.memory_space<vmem>>
      %dma_wait3A_779 = arith.constant 0 : i32
      %dma_wait3A_780 = tpu.memref_slice %arg14[%dma_wait3A_779] : memref<802816xf32, #tpu.memory_space<vmem_shared>> -> memref<802816xf32, #tpu.memory_space<vmem_shared>>
      tpu.wait_indirect_dma semaphore(%arg15 : memref<!tpu.dma_semaphore, #tpu.memory_space<semaphore_mem>>) src(%arg11 : memref<128xf32, #tpu.memory_space<vmem>>) dst(%dma_wait3A_780 : memref<802816xf32, #tpu.memory_space<vmem_shared>>)
      %dma_wait3A_781 = arith.constant 3 : i32
      %dma_wait3A_782 = arith.constant 0 : i32
      %dma_wait3A_783 = tpu.memref_slice %arg10[%dma_wait3A_781, %dma_wait3A_782] : memref<16x128xi32, #tpu.memory_space<vmem>> -> memref<1x128xi32, #tpu.memory_space<vmem>>
      %dma_wait3A_784 = tpu.memref_squeeze %dma_wait3A_783 : memref<1x128xi32, #tpu.memory_space<vmem>> -> memref<128xi32, #tpu.memory_space<vmem>>
      %dma_wait3A_785 = arith.constant 0 : i32
      %dma_wait3A_786 = tpu.memref_slice %arg14[%dma_wait3A_785] : memref<802816xf32, #tpu.memory_space<vmem_shared>> -> memref<802816xf32, #tpu.memory_space<vmem_shared>>
      tpu.wait_indirect_dma semaphore(%arg15 : memref<!tpu.dma_semaphore, #tpu.memory_space<semaphore_mem>>) src(%arg11 : memref<128xf32, #tpu.memory_space<vmem>>) dst(%dma_wait3A_786 : memref<802816xf32, #tpu.memory_space<vmem_shared>>)
      %dma_wait3A_787 = arith.constant 4 : i32
      %dma_wait3A_788 = arith.constant 0 : i32
      %dma_wait3A_789 = tpu.memref_slice %arg10[%dma_wait3A_787, %dma_wait3A_788] : memref<16x128xi32, #tpu.memory_space<vmem>> -> memref<1x128xi32, #tpu.memory_space<vmem>>
      %dma_wait3A_790 = tpu.memref_squeeze %dma_wait3A_789 : memref<1x128xi32, #tpu.memory_space<vmem>> -> memref<128xi32, #tpu.memory_space<vmem>>
      %dma_wait3A_791 = arith.constant 0 : i32
      %dma_wait3A_792 = tpu.memref_slice %arg14[%dma_wait3A_791] : memref<802816xf32, #tpu.memory_space<vmem_shared>> -> memref<802816xf32, #tpu.memory_space<vmem_shared>>
      tpu.wait_indirect_dma semaphore(%arg15 : memref<!tpu.dma_semaphore, #tpu.memory_space<semaphore_mem>>) src(%arg11 : memref<128xf32, #tpu.memory_space<vmem>>) dst(%dma_wait3A_792 : memref<802816xf32, #tpu.memory_space<vmem_shared>>)
      %dma_wait3A_793 = arith.constant 5 : i32
      %dma_wait3A_794 = arith.constant 0 : i32
      %dma_wait3A_795 = tpu.memref_slice %arg10[%dma_wait3A_793, %dma_wait3A_794] : memref<16x128xi32, #tpu.memory_space<vmem>> -> memref<1x128xi32, #tpu.memory_space<vmem>>
      %dma_wait3A_796 = tpu.memref_squeeze %dma_wait3A_795 : memref<1x128xi32, #tpu.memory_space<vmem>> -> memref<128xi32, #tpu.memory_space<vmem>>
      %dma_wait3A_797 = arith.constant 0 : i32
      %dma_wait3A_798 = tpu.memref_slice %arg14[%dma_wait3A_797] : memref<802816xf32, #tpu.memory_space<vmem_shared>> -> memref<802816xf32, #tpu.memory_space<vmem_shared>>
      tpu.wait_indirect_dma semaphore(%arg15 : memref<!tpu.dma_semaphore, #tpu.memory_space<semaphore_mem>>) src(%arg11 : memref<128xf32, #tpu.memory_space<vmem>>) dst(%dma_wait3A_798 : memref<802816xf32, #tpu.memory_space<vmem_shared>>)
      %dma_wait3A_799 = arith.constant 6 : i32
      %dma_wait3A_800 = arith.constant 0 : i32
      %dma_wait3A_801 = tpu.memref_slice %arg10[%dma_wait3A_799, %dma_wait3A_800] : memref<16x128xi32, #tpu.memory_space<vmem>> -> memref<1x128xi32, #tpu.memory_space<vmem>>
      %dma_wait3A_802 = tpu.memref_squeeze %dma_wait3A_801 : memref<1x128xi32, #tpu.memory_space<vmem>> -> memref<128xi32, #tpu.memory_space<vmem>>
      %dma_wait3A_803 = arith.constant 0 : i32
      %dma_wait3A_804 = tpu.memref_slice %arg14[%dma_wait3A_803] : memref<802816xf32, #tpu.memory_space<vmem_shared>> -> memref<802816xf32, #tpu.memory_space<vmem_shared>>
      tpu.wait_indirect_dma semaphore(%arg15 : memref<!tpu.dma_semaphore, #tpu.memory_space<semaphore_mem>>) src(%arg11 : memref<128xf32, #tpu.memory_space<vmem>>) dst(%dma_wait3A_804 : memref<802816xf32, #tpu.memory_space<vmem_shared>>)
      %dma_wait3A_805 = arith.constant 7 : i32
      %dma_wait3A_806 = arith.constant 0 : i32
      %dma_wait3A_807 = tpu.memref_slice %arg10[%dma_wait3A_805, %dma_wait3A_806] : memref<16x128xi32, #tpu.memory_space<vmem>> -> memref<1x128xi32, #tpu.memory_space<vmem>>
      %dma_wait3A_808 = tpu.memref_squeeze %dma_wait3A_807 : memref<1x128xi32, #tpu.memory_space<vmem>> -> memref<128xi32, #tpu.memory_space<vmem>>
      %dma_wait3A_809 = arith.constant 0 : i32
      %dma_wait3A_810 = tpu.memref_slice %arg14[%dma_wait3A_809] : memref<802816xf32, #tpu.memory_space<vmem_shared>> -> memref<802816xf32, #tpu.memory_space<vmem_shared>>
      tpu.wait_indirect_dma semaphore(%arg15 : memref<!tpu.dma_semaphore, #tpu.memory_space<semaphore_mem>>) src(%arg11 : memref<128xf32, #tpu.memory_space<vmem>>) dst(%dma_wait3A_810 : memref<802816xf32, #tpu.memory_space<vmem_shared>>)
      %dma_wait3A_811 = arith.constant 8 : i32
      %dma_wait3A_812 = arith.constant 0 : i32
      %dma_wait3A_813 = tpu.memref_slice %arg10[%dma_wait3A_811, %dma_wait3A_812] : memref<16x128xi32, #tpu.memory_space<vmem>> -> memref<1x128xi32, #tpu.memory_space<vmem>>
      %dma_wait3A_814 = tpu.memref_squeeze %dma_wait3A_813 : memref<1x128xi32, #tpu.memory_space<vmem>> -> memref<128xi32, #tpu.memory_space<vmem>>
      %dma_wait3A_815 = arith.constant 0 : i32
      %dma_wait3A_816 = tpu.memref_slice %arg14[%dma_wait3A_815] : memref<802816xf32, #tpu.memory_space<vmem_shared>> -> memref<802816xf32, #tpu.memory_space<vmem_shared>>
      tpu.wait_indirect_dma semaphore(%arg15 : memref<!tpu.dma_semaphore, #tpu.memory_space<semaphore_mem>>) src(%arg11 : memref<128xf32, #tpu.memory_space<vmem>>) dst(%dma_wait3A_816 : memref<802816xf32, #tpu.memory_space<vmem_shared>>)
      %dma_wait3A_817 = arith.constant 9 : i32
      %dma_wait3A_818 = arith.constant 0 : i32
      %dma_wait3A_819 = tpu.memref_slice %arg10[%dma_wait3A_817, %dma_wait3A_818] : memref<16x128xi32, #tpu.memory_space<vmem>> -> memref<1x128xi32, #tpu.memory_space<vmem>>
      %dma_wait3A_820 = tpu.memref_squeeze %dma_wait3A_819 : memref<1x128xi32, #tpu.memory_space<vmem>> -> memref<128xi32, #tpu.memory_space<vmem>>
      %dma_wait3A_821 = arith.constant 0 : i32
      %dma_wait3A_822 = tpu.memref_slice %arg14[%dma_wait3A_821] : memref<802816xf32, #tpu.memory_space<vmem_shared>> -> memref<802816xf32, #tpu.memory_space<vmem_shared>>
      tpu.wait_indirect_dma semaphore(%arg15 : memref<!tpu.dma_semaphore, #tpu.memory_space<semaphore_mem>>) src(%arg11 : memref<128xf32, #tpu.memory_space<vmem>>) dst(%dma_wait3A_822 : memref<802816xf32, #tpu.memory_space<vmem_shared>>)
      %dma_wait3A_823 = arith.constant 10 : i32
      %dma_wait3A_824 = arith.constant 0 : i32
      %dma_wait3A_825 = tpu.memref_slice %arg10[%dma_wait3A_823, %dma_wait3A_824] : memref<16x128xi32, #tpu.memory_space<vmem>> -> memref<1x128xi32, #tpu.memory_space<vmem>>
      %dma_wait3A_826 = tpu.memref_squeeze %dma_wait3A_825 : memref<1x128xi32, #tpu.memory_space<vmem>> -> memref<128xi32, #tpu.memory_space<vmem>>
      %dma_wait3A_827 = arith.constant 0 : i32
      %dma_wait3A_828 = tpu.memref_slice %arg14[%dma_wait3A_827] : memref<802816xf32, #tpu.memory_space<vmem_shared>> -> memref<802816xf32, #tpu.memory_space<vmem_shared>>
      tpu.wait_indirect_dma semaphore(%arg15 : memref<!tpu.dma_semaphore, #tpu.memory_space<semaphore_mem>>) src(%arg11 : memref<128xf32, #tpu.memory_space<vmem>>) dst(%dma_wait3A_828 : memref<802816xf32, #tpu.memory_space<vmem_shared>>)
      %dma_wait3A_829 = arith.constant 11 : i32
      %dma_wait3A_830 = arith.constant 0 : i32
      %dma_wait3A_831 = tpu.memref_slice %arg10[%dma_wait3A_829, %dma_wait3A_830] : memref<16x128xi32, #tpu.memory_space<vmem>> -> memref<1x128xi32, #tpu.memory_space<vmem>>
      %dma_wait3A_832 = tpu.memref_squeeze %dma_wait3A_831 : memref<1x128xi32, #tpu.memory_space<vmem>> -> memref<128xi32, #tpu.memory_space<vmem>>
      %dma_wait3A_833 = arith.constant 0 : i32
      %dma_wait3A_834 = tpu.memref_slice %arg14[%dma_wait3A_833] : memref<802816xf32, #tpu.memory_space<vmem_shared>> -> memref<802816xf32, #tpu.memory_space<vmem_shared>>
      tpu.wait_indirect_dma semaphore(%arg15 : memref<!tpu.dma_semaphore, #tpu.memory_space<semaphore_mem>>) src(%arg11 : memref<128xf32, #tpu.memory_space<vmem>>) dst(%dma_wait3A_834 : memref<802816xf32, #tpu.memory_space<vmem_shared>>)
      %dma_wait3A_835 = arith.constant 12 : i32
      %dma_wait3A_836 = arith.constant 0 : i32
      %dma_wait3A_837 = tpu.memref_slice %arg10[%dma_wait3A_835, %dma_wait3A_836] : memref<16x128xi32, #tpu.memory_space<vmem>> -> memref<1x128xi32, #tpu.memory_space<vmem>>
      %dma_wait3A_838 = tpu.memref_squeeze %dma_wait3A_837 : memref<1x128xi32, #tpu.memory_space<vmem>> -> memref<128xi32, #tpu.memory_space<vmem>>
      %dma_wait3A_839 = arith.constant 0 : i32
      %dma_wait3A_840 = tpu.memref_slice %arg14[%dma_wait3A_839] : memref<802816xf32, #tpu.memory_space<vmem_shared>> -> memref<802816xf32, #tpu.memory_space<vmem_shared>>
      tpu.wait_indirect_dma semaphore(%arg15 : memref<!tpu.dma_semaphore, #tpu.memory_space<semaphore_mem>>) src(%arg11 : memref<128xf32, #tpu.memory_space<vmem>>) dst(%dma_wait3A_840 : memref<802816xf32, #tpu.memory_space<vmem_shared>>)
      %dma_wait3A_841 = arith.constant 13 : i32
      %dma_wait3A_842 = arith.constant 0 : i32
      %dma_wait3A_843 = tpu.memref_slice %arg10[%dma_wait3A_841, %dma_wait3A_842] : memref<16x128xi32, #tpu.memory_space<vmem>> -> memref<1x128xi32, #tpu.memory_space<vmem>>
      %dma_wait3A_844 = tpu.memref_squeeze %dma_wait3A_843 : memref<1x128xi32, #tpu.memory_space<vmem>> -> memref<128xi32, #tpu.memory_space<vmem>>
      %dma_wait3A_845 = arith.constant 0 : i32
      %dma_wait3A_846 = tpu.memref_slice %arg14[%dma_wait3A_845] : memref<802816xf32, #tpu.memory_space<vmem_shared>> -> memref<802816xf32, #tpu.memory_space<vmem_shared>>
      tpu.wait_indirect_dma semaphore(%arg15 : memref<!tpu.dma_semaphore, #tpu.memory_space<semaphore_mem>>) src(%arg11 : memref<128xf32, #tpu.memory_space<vmem>>) dst(%dma_wait3A_846 : memref<802816xf32, #tpu.memory_space<vmem_shared>>)
      %dma_wait3A_847 = arith.constant 14 : i32
      %dma_wait3A_848 = arith.constant 0 : i32
      %dma_wait3A_849 = tpu.memref_slice %arg10[%dma_wait3A_847, %dma_wait3A_848] : memref<16x128xi32, #tpu.memory_space<vmem>> -> memref<1x128xi32, #tpu.memory_space<vmem>>
      %dma_wait3A_850 = tpu.memref_squeeze %dma_wait3A_849 : memref<1x128xi32, #tpu.memory_space<vmem>> -> memref<128xi32, #tpu.memory_space<vmem>>
      %dma_wait3A_851 = arith.constant 0 : i32
      %dma_wait3A_852 = tpu.memref_slice %arg14[%dma_wait3A_851] : memref<802816xf32, #tpu.memory_space<vmem_shared>> -> memref<802816xf32, #tpu.memory_space<vmem_shared>>
      tpu.wait_indirect_dma semaphore(%arg15 : memref<!tpu.dma_semaphore, #tpu.memory_space<semaphore_mem>>) src(%arg11 : memref<128xf32, #tpu.memory_space<vmem>>) dst(%dma_wait3A_852 : memref<802816xf32, #tpu.memory_space<vmem_shared>>)
      %dma_wait3A_853 = arith.constant 15 : i32
      %dma_wait3A_854 = arith.constant 0 : i32
      %dma_wait3A_855 = tpu.memref_slice %arg10[%dma_wait3A_853, %dma_wait3A_854] : memref<16x128xi32, #tpu.memory_space<vmem>> -> memref<1x128xi32, #tpu.memory_space<vmem>>
      %dma_wait3A_856 = tpu.memref_squeeze %dma_wait3A_855 : memref<1x128xi32, #tpu.memory_space<vmem>> -> memref<128xi32, #tpu.memory_space<vmem>>
      %dma_wait3A_857 = arith.constant 0 : i32
      %dma_wait3A_858 = tpu.memref_slice %arg14[%dma_wait3A_857] : memref<802816xf32, #tpu.memory_space<vmem_shared>> -> memref<802816xf32, #tpu.memory_space<vmem_shared>>
      tpu.wait_indirect_dma semaphore(%arg15 : memref<!tpu.dma_semaphore, #tpu.memory_space<semaphore_mem>>) src(%arg11 : memref<128xf32, #tpu.memory_space<vmem>>) dst(%dma_wait3A_858 : memref<802816xf32, #tpu.memory_space<vmem_shared>>)
      %barrier3A_859 = arith.constant 0 : index
      tpu.barrier barrier_id(%barrier3A_859)
      %dma_start3A_860 = tpu.memref_slice %arg6[%mul3A_0] : memref<802816xf32, #tpu.memory_space<hbm>> -> memref<50176xf32, #tpu.memory_space<hbm>>
      %dma_start3A_861 = tpu.memref_slice %arg13[%mul3A_0] : memref<802816xf32, #tpu.memory_space<vmem_shared>> -> memref<50176xf32, #tpu.memory_space<vmem_shared>>
      tpu.enqueue_dma source(%dma_start3A_861 : memref<50176xf32, #tpu.memory_space<vmem_shared>>) target(%dma_start3A_860 : memref<50176xf32, #tpu.memory_space<hbm>>) target_semaphore(%arg15 : memref<!tpu.dma_semaphore, #tpu.memory_space<semaphore_mem>>)
      %dma_start3A_862 = tpu.memref_slice %arg8[%mul3A_0] : memref<802816xf32, #tpu.memory_space<hbm>> -> memref<50176xf32, #tpu.memory_space<hbm>>
      %dma_start3A_863 = tpu.memref_slice %arg14[%mul3A_0] : memref<802816xf32, #tpu.memory_space<vmem_shared>> -> memref<50176xf32, #tpu.memory_space<vmem_shared>>
      tpu.enqueue_dma source(%dma_start3A_863 : memref<50176xf32, #tpu.memory_space<vmem_shared>>) target(%dma_start3A_862 : memref<50176xf32, #tpu.memory_space<hbm>>) target_semaphore(%arg15 : memref<!tpu.dma_semaphore, #tpu.memory_space<semaphore_mem>>)
      %dma_wait3A_864 = tpu.memref_slice %arg6[%mul3A_0] : memref<802816xf32, #tpu.memory_space<hbm>> -> memref<50176xf32, #tpu.memory_space<hbm>>
      %dma_wait3A_865 = tpu.memref_slice %arg13[%mul3A_0] : memref<802816xf32, #tpu.memory_space<vmem_shared>> -> memref<50176xf32, #tpu.memory_space<vmem_shared>>
      tpu.wait_dma2 semaphore(%arg15 : memref<!tpu.dma_semaphore, #tpu.memory_space<semaphore_mem>>) src(%dma_wait3A_865 : memref<50176xf32, #tpu.memory_space<vmem_shared>>) dst(%dma_wait3A_864 : memref<50176xf32, #tpu.memory_space<hbm>>)
      %dma_wait3A_866 = tpu.memref_slice %arg8[%mul3A_0] : memref<802816xf32, #tpu.memory_space<hbm>> -> memref<50176xf32, #tpu.memory_space<hbm>>
      %dma_wait3A_867 = tpu.memref_slice %arg14[%mul3A_0] : memref<802816xf32, #tpu.memory_space<vmem_shared>> -> memref<50176xf32, #tpu.memory_space<vmem_shared>>
      tpu.wait_dma2 semaphore(%arg15 : memref<!tpu.dma_semaphore, #tpu.memory_space<semaphore_mem>>) src(%dma_wait3A_867 : memref<50176xf32, #tpu.memory_space<vmem_shared>>) dst(%dma_wait3A_866 : memref<50176xf32, #tpu.memory_space<hbm>>)
    } else {
    }
    return
  }
}

module attributes {stable_mosaic.version = 14 : i64} {
  func.func @_tc_body(%arg0: memref<896x512xbf16, #tpu.memory_space<vmem>>, %arg1: memref<896x896xbf16, #tpu.memory_space<vmem>>, %arg2: memref<896x896xbf16, #tpu.memory_space<vmem>>, %arg3: memref<896x896xbf16, #tpu.memory_space<vmem>>, %arg4: memref<7x896x128xf32, #tpu.memory_space<vmem>>, %arg5: memref<7x896x128xf32, #tpu.memory_space<vmem>>, %arg6: memref<7x896x128xf32, #tpu.memory_space<vmem>>, %arg7: memref<7x896x128xf32, #tpu.memory_space<vmem>>, %arg8: memref<512x512xbf16, #tpu.memory_space<vmem>>, %arg9: memref<1x512xf32, #tpu.memory_space<vmem>>, %arg10: memref<512x512xbf16, #tpu.memory_space<vmem>>, %arg11: memref<1x512xf32, #tpu.memory_space<vmem>>, %arg12: memref<512x512xbf16, #tpu.memory_space<vmem>>, %arg13: memref<1x512xf32, #tpu.memory_space<vmem>>, %arg14: memref<512x512xbf16, #tpu.memory_space<vmem>>, %arg15: memref<1x512xf32, #tpu.memory_space<vmem>>, %arg16: memref<512x512xbf16, #tpu.memory_space<vmem>>, %arg17: memref<1x512xf32, #tpu.memory_space<vmem>>, %arg18: memref<512x512xbf16, #tpu.memory_space<vmem>>, %arg19: memref<1x512xf32, #tpu.memory_space<vmem>>, %arg20: memref<8x32xf32, #tpu.memory_space<vmem>>, %arg21: memref<1x32xf32, #tpu.memory_space<vmem>>, %arg22: memref<32x8xf32, #tpu.memory_space<vmem>>, %arg23: memref<1x8xf32, #tpu.memory_space<vmem>>, %arg24: memref<1x8xf32, #tpu.memory_space<vmem>>, %arg25: memref<1x1xf32, #tpu.memory_space<vmem>>, %arg26: memref<896x1xf32, #tpu.memory_space<vmem>>, %arg27: memref<853x512xf32, #tpu.memory_space<vmem>>) attributes {dimension_semantics = [], scalar_prefetch = 0 : i64, scratch_operands = 0 : i64, tpu.core_type = #tpu.core_type<tc>} {
    %get3A = arith.constant 0 : index
    %get3A_0 = arith.constant 0 : index
    %get3A_1 = vector.load %arg0[%get3A, %get3A_0] : memref<896x512xbf16, #tpu.memory_space<vmem>>, vector<896x512xbf16>
    %get3A_2 = arith.constant 0 : index
    %get3A_3 = arith.constant 0 : index
    %get3A_4 = vector.load %arg26[%get3A_2, %get3A_3] : memref<896x1xf32, #tpu.memory_space<vmem>>, vector<896x1xf32>
    %get3A_5 = arith.constant 0 : index
    %get3A_6 = arith.constant 0 : index
    %get3A_7 = arith.constant 0 : index
    %get3A_8 = vector.load %arg4[%get3A_5, %get3A_6, %get3A_7] : memref<7x896x128xf32, #tpu.memory_space<vmem>>, vector<7x896x128xf32>
    %broadcast_in_dim3A = arith.constant 1.000000e+00 : f32
    %broadcast_in_dim3A_9 = vector.broadcast %broadcast_in_dim3A : f32 to vector<896x1xf32>
    %get3A_10 = arith.constant 0 : index
    %get3A_11 = arith.constant 0 : index
    %get3A_12 = vector.load %arg1[%get3A_10, %get3A_11] : memref<896x896xbf16, #tpu.memory_space<vmem>>, vector<128x896xbf16>
    %transpose3A = tpu.transpose %get3A_12, [1, 0] : vector<128x896xbf16> -> vector<896x128xbf16>
    %slice3A = vector.extract_strided_slice %get3A_8 {offsets = [0, 0, 0], sizes = [1, 896, 128], strides = [1, 1, 1]} : vector<7x896x128xf32> to vector<1x896x128xf32>
    %squeeze3A = vector.shape_cast %slice3A : vector<1x896x128xf32> to vector<896x128xf32>
    %convert_element_type3A = arith.truncf %squeeze3A : vector<896x128xf32> to vector<896x128xbf16>
    %mul3A = arith.mulf %convert_element_type3A, %transpose3A : vector<896x128xbf16>
    %convert_element_type3A_13 = arith.extf %mul3A : vector<896x128xbf16> to vector<896x128xf32>
    %reduce_sum3A = arith.constant dense<0.000000e+00> : vector<896xf32>
    %reduce_sum3A_14 = vector.multi_reduction <add>, %convert_element_type3A_13, %reduce_sum3A [1] : vector<896x128xf32> to vector<896xf32>
    %broadcast_in_dim3A_15 = vector.shape_cast %reduce_sum3A_14 : vector<896xf32> to vector<896x1xf32>
    %add3A = arith.addf %broadcast_in_dim3A_9, %broadcast_in_dim3A_15 : vector<896x1xf32>
    %get3A_16 = arith.constant 128 : index
    %get3A_17 = arith.constant 0 : index
    %get3A_18 = vector.load %arg1[%get3A_16, %get3A_17] : memref<896x896xbf16, #tpu.memory_space<vmem>>, vector<128x896xbf16>
    %transpose3A_19 = tpu.transpose %get3A_18, [1, 0] : vector<128x896xbf16> -> vector<896x128xbf16>
    %slice3A_20 = vector.extract_strided_slice %get3A_8 {offsets = [1, 0, 0], sizes = [1, 896, 128], strides = [1, 1, 1]} : vector<7x896x128xf32> to vector<1x896x128xf32>
    %squeeze3A_21 = vector.shape_cast %slice3A_20 : vector<1x896x128xf32> to vector<896x128xf32>
    %convert_element_type3A_22 = arith.truncf %squeeze3A_21 : vector<896x128xf32> to vector<896x128xbf16>
    %mul3A_23 = arith.mulf %convert_element_type3A_22, %transpose3A_19 : vector<896x128xbf16>
    %convert_element_type3A_24 = arith.extf %mul3A_23 : vector<896x128xbf16> to vector<896x128xf32>
    %reduce_sum3A_25 = arith.constant dense<0.000000e+00> : vector<896xf32>
    %reduce_sum3A_26 = vector.multi_reduction <add>, %convert_element_type3A_24, %reduce_sum3A_25 [1] : vector<896x128xf32> to vector<896xf32>
    %broadcast_in_dim3A_27 = vector.shape_cast %reduce_sum3A_26 : vector<896xf32> to vector<896x1xf32>
    %add3A_28 = arith.addf %add3A, %broadcast_in_dim3A_27 : vector<896x1xf32>
    %get3A_29 = arith.constant 256 : index
    %get3A_30 = arith.constant 0 : index
    %get3A_31 = vector.load %arg1[%get3A_29, %get3A_30] : memref<896x896xbf16, #tpu.memory_space<vmem>>, vector<128x896xbf16>
    %transpose3A_32 = tpu.transpose %get3A_31, [1, 0] : vector<128x896xbf16> -> vector<896x128xbf16>
    %slice3A_33 = vector.extract_strided_slice %get3A_8 {offsets = [2, 0, 0], sizes = [1, 896, 128], strides = [1, 1, 1]} : vector<7x896x128xf32> to vector<1x896x128xf32>
    %squeeze3A_34 = vector.shape_cast %slice3A_33 : vector<1x896x128xf32> to vector<896x128xf32>
    %convert_element_type3A_35 = arith.truncf %squeeze3A_34 : vector<896x128xf32> to vector<896x128xbf16>
    %mul3A_36 = arith.mulf %convert_element_type3A_35, %transpose3A_32 : vector<896x128xbf16>
    %convert_element_type3A_37 = arith.extf %mul3A_36 : vector<896x128xbf16> to vector<896x128xf32>
    %reduce_sum3A_38 = arith.constant dense<0.000000e+00> : vector<896xf32>
    %reduce_sum3A_39 = vector.multi_reduction <add>, %convert_element_type3A_37, %reduce_sum3A_38 [1] : vector<896x128xf32> to vector<896xf32>
    %broadcast_in_dim3A_40 = vector.shape_cast %reduce_sum3A_39 : vector<896xf32> to vector<896x1xf32>
    %add3A_41 = arith.addf %add3A_28, %broadcast_in_dim3A_40 : vector<896x1xf32>
    %get3A_42 = arith.constant 384 : index
    %get3A_43 = arith.constant 0 : index
    %get3A_44 = vector.load %arg1[%get3A_42, %get3A_43] : memref<896x896xbf16, #tpu.memory_space<vmem>>, vector<128x896xbf16>
    %transpose3A_45 = tpu.transpose %get3A_44, [1, 0] : vector<128x896xbf16> -> vector<896x128xbf16>
    %slice3A_46 = vector.extract_strided_slice %get3A_8 {offsets = [3, 0, 0], sizes = [1, 896, 128], strides = [1, 1, 1]} : vector<7x896x128xf32> to vector<1x896x128xf32>
    %squeeze3A_47 = vector.shape_cast %slice3A_46 : vector<1x896x128xf32> to vector<896x128xf32>
    %convert_element_type3A_48 = arith.truncf %squeeze3A_47 : vector<896x128xf32> to vector<896x128xbf16>
    %mul3A_49 = arith.mulf %convert_element_type3A_48, %transpose3A_45 : vector<896x128xbf16>
    %convert_element_type3A_50 = arith.extf %mul3A_49 : vector<896x128xbf16> to vector<896x128xf32>
    %reduce_sum3A_51 = arith.constant dense<0.000000e+00> : vector<896xf32>
    %reduce_sum3A_52 = vector.multi_reduction <add>, %convert_element_type3A_50, %reduce_sum3A_51 [1] : vector<896x128xf32> to vector<896xf32>
    %broadcast_in_dim3A_53 = vector.shape_cast %reduce_sum3A_52 : vector<896xf32> to vector<896x1xf32>
    %add3A_54 = arith.addf %add3A_41, %broadcast_in_dim3A_53 : vector<896x1xf32>
    %get3A_55 = arith.constant 512 : index
    %get3A_56 = arith.constant 0 : index
    %get3A_57 = vector.load %arg1[%get3A_55, %get3A_56] : memref<896x896xbf16, #tpu.memory_space<vmem>>, vector<128x896xbf16>
    %transpose3A_58 = tpu.transpose %get3A_57, [1, 0] : vector<128x896xbf16> -> vector<896x128xbf16>
    %slice3A_59 = vector.extract_strided_slice %get3A_8 {offsets = [4, 0, 0], sizes = [1, 896, 128], strides = [1, 1, 1]} : vector<7x896x128xf32> to vector<1x896x128xf32>
    %squeeze3A_60 = vector.shape_cast %slice3A_59 : vector<1x896x128xf32> to vector<896x128xf32>
    %convert_element_type3A_61 = arith.truncf %squeeze3A_60 : vector<896x128xf32> to vector<896x128xbf16>
    %mul3A_62 = arith.mulf %convert_element_type3A_61, %transpose3A_58 : vector<896x128xbf16>
    %convert_element_type3A_63 = arith.extf %mul3A_62 : vector<896x128xbf16> to vector<896x128xf32>
    %reduce_sum3A_64 = arith.constant dense<0.000000e+00> : vector<896xf32>
    %reduce_sum3A_65 = vector.multi_reduction <add>, %convert_element_type3A_63, %reduce_sum3A_64 [1] : vector<896x128xf32> to vector<896xf32>
    %broadcast_in_dim3A_66 = vector.shape_cast %reduce_sum3A_65 : vector<896xf32> to vector<896x1xf32>
    %add3A_67 = arith.addf %add3A_54, %broadcast_in_dim3A_66 : vector<896x1xf32>
    %get3A_68 = arith.constant 640 : index
    %get3A_69 = arith.constant 0 : index
    %get3A_70 = vector.load %arg1[%get3A_68, %get3A_69] : memref<896x896xbf16, #tpu.memory_space<vmem>>, vector<128x896xbf16>
    %transpose3A_71 = tpu.transpose %get3A_70, [1, 0] : vector<128x896xbf16> -> vector<896x128xbf16>
    %slice3A_72 = vector.extract_strided_slice %get3A_8 {offsets = [5, 0, 0], sizes = [1, 896, 128], strides = [1, 1, 1]} : vector<7x896x128xf32> to vector<1x896x128xf32>
    %squeeze3A_73 = vector.shape_cast %slice3A_72 : vector<1x896x128xf32> to vector<896x128xf32>
    %convert_element_type3A_74 = arith.truncf %squeeze3A_73 : vector<896x128xf32> to vector<896x128xbf16>
    %mul3A_75 = arith.mulf %convert_element_type3A_74, %transpose3A_71 : vector<896x128xbf16>
    %convert_element_type3A_76 = arith.extf %mul3A_75 : vector<896x128xbf16> to vector<896x128xf32>
    %reduce_sum3A_77 = arith.constant dense<0.000000e+00> : vector<896xf32>
    %reduce_sum3A_78 = vector.multi_reduction <add>, %convert_element_type3A_76, %reduce_sum3A_77 [1] : vector<896x128xf32> to vector<896xf32>
    %broadcast_in_dim3A_79 = vector.shape_cast %reduce_sum3A_78 : vector<896xf32> to vector<896x1xf32>
    %add3A_80 = arith.addf %add3A_67, %broadcast_in_dim3A_79 : vector<896x1xf32>
    %get3A_81 = arith.constant 768 : index
    %get3A_82 = arith.constant 0 : index
    %get3A_83 = vector.load %arg1[%get3A_81, %get3A_82] : memref<896x896xbf16, #tpu.memory_space<vmem>>, vector<128x896xbf16>
    %transpose3A_84 = tpu.transpose %get3A_83, [1, 0] : vector<128x896xbf16> -> vector<896x128xbf16>
    %slice3A_85 = vector.extract_strided_slice %get3A_8 {offsets = [6, 0, 0], sizes = [1, 896, 128], strides = [1, 1, 1]} : vector<7x896x128xf32> to vector<1x896x128xf32>
    %squeeze3A_86 = vector.shape_cast %slice3A_85 : vector<1x896x128xf32> to vector<896x128xf32>
    %convert_element_type3A_87 = arith.truncf %squeeze3A_86 : vector<896x128xf32> to vector<896x128xbf16>
    %mul3A_88 = arith.mulf %convert_element_type3A_87, %transpose3A_84 : vector<896x128xbf16>
    %convert_element_type3A_89 = arith.extf %mul3A_88 : vector<896x128xbf16> to vector<896x128xf32>
    %reduce_sum3A_90 = arith.constant dense<0.000000e+00> : vector<896xf32>
    %reduce_sum3A_91 = vector.multi_reduction <add>, %convert_element_type3A_89, %reduce_sum3A_90 [1] : vector<896x128xf32> to vector<896xf32>
    %broadcast_in_dim3A_92 = vector.shape_cast %reduce_sum3A_91 : vector<896xf32> to vector<896x1xf32>
    %add3A_93 = arith.addf %add3A_80, %broadcast_in_dim3A_92 : vector<896x1xf32>
    %gt3A = arith.constant 0.000000e+00 : f32
    %gt3A_94 = vector.broadcast %gt3A : f32 to vector<896x1xf32>
    %gt3A_95 = arith.cmpf ogt, %add3A_93, %gt3A_94 : vector<896x1xf32>
    %rsqrt3A = math.rsqrt %add3A_93 : vector<896x1xf32>
    %jit3A = arith.constant 0.000000e+00 : f32
    %broadcast_in_dim3A_96 = vector.broadcast %jit3A : f32 to vector<896x1xf32>
    %select_n3A = arith.select %gt3A_95, %rsqrt3A, %broadcast_in_dim3A_96 : vector<896x1xi1>, vector<896x1xf32>
    %mul3A_97 = arith.mulf %select_n3A, %get3A_4 : vector<896x1xf32>
    %get3A_98 = arith.constant 0 : index
    %get3A_99 = arith.constant 0 : index
    %get3A_100 = vector.load %arg8[%get3A_98, %get3A_99] : memref<512x512xbf16, #tpu.memory_space<vmem>>, vector<512x512xbf16>
    %dot_general3A = arith.constant dense<0.000000e+00> : vector<896x512xf32>
    %dot_general3A_101 = tpu.matmul %get3A_1, %get3A_100, %dot_general3A {dimension_numbers = #tpu.dot_dimension_numbers<[1], [0], [0], [1], [0, 0, 1, 1], [], []>, transpose_lhs_hint = false} : vector<896x512xbf16>, vector<512x512xbf16>, vector<896x512xf32> -> vector<896x512xf32>
    %mul3A_102 = vector.broadcast %mul3A_97 : vector<896x1xf32> to vector<896x512xf32>
    %mul3A_103 = arith.mulf %mul3A_102, %dot_general3A_101 : vector<896x512xf32>
    %convert_element_type3A_104 = arith.truncf %mul3A_103 : vector<896x512xf32> to vector<896x512xbf16>
    %slice3A_105 = vector.extract_strided_slice %convert_element_type3A_104 {offsets = [0, 0], sizes = [128, 512], strides = [1, 1]} : vector<896x512xbf16> to vector<128x512xbf16>
    %dot_general3A_106 = arith.constant dense<0.000000e+00> : vector<896x512xf32>
    %dot_general3A_107 = tpu.matmul %mul3A, %slice3A_105, %dot_general3A_106 {dimension_numbers = #tpu.dot_dimension_numbers<[1], [0], [0], [1], [0, 0, 1, 1], [], []>, transpose_lhs_hint = false} : vector<896x128xbf16>, vector<128x512xbf16>, vector<896x512xf32> -> vector<896x512xf32>
    %add3A_108 = arith.addf %mul3A_103, %dot_general3A_107 : vector<896x512xf32>
    %slice3A_109 = vector.extract_strided_slice %convert_element_type3A_104 {offsets = [128, 0], sizes = [128, 512], strides = [1, 1]} : vector<896x512xbf16> to vector<128x512xbf16>
    %dot_general3A_110 = arith.constant dense<0.000000e+00> : vector<896x512xf32>
    %dot_general3A_111 = tpu.matmul %mul3A_23, %slice3A_109, %dot_general3A_110 {dimension_numbers = #tpu.dot_dimension_numbers<[1], [0], [0], [1], [0, 0, 1, 1], [], []>, transpose_lhs_hint = false} : vector<896x128xbf16>, vector<128x512xbf16>, vector<896x512xf32> -> vector<896x512xf32>
    %add3A_112 = arith.addf %add3A_108, %dot_general3A_111 : vector<896x512xf32>
    %slice3A_113 = vector.extract_strided_slice %convert_element_type3A_104 {offsets = [256, 0], sizes = [128, 512], strides = [1, 1]} : vector<896x512xbf16> to vector<128x512xbf16>
    %dot_general3A_114 = arith.constant dense<0.000000e+00> : vector<896x512xf32>
    %dot_general3A_115 = tpu.matmul %mul3A_36, %slice3A_113, %dot_general3A_114 {dimension_numbers = #tpu.dot_dimension_numbers<[1], [0], [0], [1], [0, 0, 1, 1], [], []>, transpose_lhs_hint = false} : vector<896x128xbf16>, vector<128x512xbf16>, vector<896x512xf32> -> vector<896x512xf32>
    %add3A_116 = arith.addf %add3A_112, %dot_general3A_115 : vector<896x512xf32>
    %slice3A_117 = vector.extract_strided_slice %convert_element_type3A_104 {offsets = [384, 0], sizes = [128, 512], strides = [1, 1]} : vector<896x512xbf16> to vector<128x512xbf16>
    %dot_general3A_118 = arith.constant dense<0.000000e+00> : vector<896x512xf32>
    %dot_general3A_119 = tpu.matmul %mul3A_49, %slice3A_117, %dot_general3A_118 {dimension_numbers = #tpu.dot_dimension_numbers<[1], [0], [0], [1], [0, 0, 1, 1], [], []>, transpose_lhs_hint = false} : vector<896x128xbf16>, vector<128x512xbf16>, vector<896x512xf32> -> vector<896x512xf32>
    %add3A_120 = arith.addf %add3A_116, %dot_general3A_119 : vector<896x512xf32>
    %slice3A_121 = vector.extract_strided_slice %convert_element_type3A_104 {offsets = [512, 0], sizes = [128, 512], strides = [1, 1]} : vector<896x512xbf16> to vector<128x512xbf16>
    %dot_general3A_122 = arith.constant dense<0.000000e+00> : vector<896x512xf32>
    %dot_general3A_123 = tpu.matmul %mul3A_62, %slice3A_121, %dot_general3A_122 {dimension_numbers = #tpu.dot_dimension_numbers<[1], [0], [0], [1], [0, 0, 1, 1], [], []>, transpose_lhs_hint = false} : vector<896x128xbf16>, vector<128x512xbf16>, vector<896x512xf32> -> vector<896x512xf32>
    %add3A_124 = arith.addf %add3A_120, %dot_general3A_123 : vector<896x512xf32>
    %slice3A_125 = vector.extract_strided_slice %convert_element_type3A_104 {offsets = [640, 0], sizes = [128, 512], strides = [1, 1]} : vector<896x512xbf16> to vector<128x512xbf16>
    %dot_general3A_126 = arith.constant dense<0.000000e+00> : vector<896x512xf32>
    %dot_general3A_127 = tpu.matmul %mul3A_75, %slice3A_125, %dot_general3A_126 {dimension_numbers = #tpu.dot_dimension_numbers<[1], [0], [0], [1], [0, 0, 1, 1], [], []>, transpose_lhs_hint = false} : vector<896x128xbf16>, vector<128x512xbf16>, vector<896x512xf32> -> vector<896x512xf32>
    %add3A_128 = arith.addf %add3A_124, %dot_general3A_127 : vector<896x512xf32>
    %slice3A_129 = vector.extract_strided_slice %convert_element_type3A_104 {offsets = [768, 0], sizes = [128, 512], strides = [1, 1]} : vector<896x512xbf16> to vector<128x512xbf16>
    %dot_general3A_130 = arith.constant dense<0.000000e+00> : vector<896x512xf32>
    %dot_general3A_131 = tpu.matmul %mul3A_88, %slice3A_129, %dot_general3A_130 {dimension_numbers = #tpu.dot_dimension_numbers<[1], [0], [0], [1], [0, 0, 1, 1], [], []>, transpose_lhs_hint = false} : vector<896x128xbf16>, vector<128x512xbf16>, vector<896x512xf32> -> vector<896x512xf32>
    %add3A_132 = arith.addf %add3A_128, %dot_general3A_131 : vector<896x512xf32>
    %mul3A_133 = vector.broadcast %mul3A_97 : vector<896x1xf32> to vector<896x512xf32>
    %mul3A_134 = arith.mulf %mul3A_133, %add3A_132 : vector<896x512xf32>
    %get3A_135 = arith.constant 0 : index
    %get3A_136 = arith.constant 0 : index
    %get3A_137 = vector.load %arg9[%get3A_135, %get3A_136] : memref<1x512xf32, #tpu.memory_space<vmem>>, vector<1x512xf32>
    %add3A_138 = vector.broadcast %get3A_137 : vector<1x512xf32> to vector<896x512xf32>
    %add3A_139 = arith.addf %mul3A_134, %add3A_138 : vector<896x512xf32>
    %max3A = arith.constant 0.000000e+00 : f32
    %max3A_140 = vector.broadcast %max3A : f32 to vector<896x512xf32>
    %max3A_141 = arith.maximumf %add3A_139, %max3A_140 : vector<896x512xf32>
    %mul3A_142 = vector.broadcast %get3A_4 : vector<896x1xf32> to vector<896x512xf32>
    %mul3A_143 = arith.mulf %max3A_141, %mul3A_142 : vector<896x512xf32>
    %convert_element_type3A_144 = arith.truncf %mul3A_143 : vector<896x512xf32> to vector<896x512xbf16>
    %get3A_145 = arith.constant 0 : index
    %get3A_146 = arith.constant 0 : index
    %get3A_147 = vector.load %arg10[%get3A_145, %get3A_146] : memref<512x512xbf16, #tpu.memory_space<vmem>>, vector<512x512xbf16>
    %dot_general3A_148 = arith.constant dense<0.000000e+00> : vector<896x512xf32>
    %dot_general3A_149 = tpu.matmul %convert_element_type3A_144, %get3A_147, %dot_general3A_148 {dimension_numbers = #tpu.dot_dimension_numbers<[1], [0], [0], [1], [0, 0, 1, 1], [], []>, transpose_lhs_hint = false} : vector<896x512xbf16>, vector<512x512xbf16>, vector<896x512xf32> -> vector<896x512xf32>
    %mul3A_150 = vector.broadcast %mul3A_97 : vector<896x1xf32> to vector<896x512xf32>
    %mul3A_151 = arith.mulf %mul3A_150, %dot_general3A_149 : vector<896x512xf32>
    %convert_element_type3A_152 = arith.truncf %mul3A_151 : vector<896x512xf32> to vector<896x512xbf16>
    %slice3A_153 = vector.extract_strided_slice %convert_element_type3A_152 {offsets = [0, 0], sizes = [128, 512], strides = [1, 1]} : vector<896x512xbf16> to vector<128x512xbf16>
    %dot_general3A_154 = arith.constant dense<0.000000e+00> : vector<896x512xf32>
    %dot_general3A_155 = tpu.matmul %mul3A, %slice3A_153, %dot_general3A_154 {dimension_numbers = #tpu.dot_dimension_numbers<[1], [0], [0], [1], [0, 0, 1, 1], [], []>, transpose_lhs_hint = false} : vector<896x128xbf16>, vector<128x512xbf16>, vector<896x512xf32> -> vector<896x512xf32>
    %add3A_156 = arith.addf %mul3A_151, %dot_general3A_155 : vector<896x512xf32>
    %slice3A_157 = vector.extract_strided_slice %convert_element_type3A_152 {offsets = [128, 0], sizes = [128, 512], strides = [1, 1]} : vector<896x512xbf16> to vector<128x512xbf16>
    %dot_general3A_158 = arith.constant dense<0.000000e+00> : vector<896x512xf32>
    %dot_general3A_159 = tpu.matmul %mul3A_23, %slice3A_157, %dot_general3A_158 {dimension_numbers = #tpu.dot_dimension_numbers<[1], [0], [0], [1], [0, 0, 1, 1], [], []>, transpose_lhs_hint = false} : vector<896x128xbf16>, vector<128x512xbf16>, vector<896x512xf32> -> vector<896x512xf32>
    %add3A_160 = arith.addf %add3A_156, %dot_general3A_159 : vector<896x512xf32>
    %slice3A_161 = vector.extract_strided_slice %convert_element_type3A_152 {offsets = [256, 0], sizes = [128, 512], strides = [1, 1]} : vector<896x512xbf16> to vector<128x512xbf16>
    %dot_general3A_162 = arith.constant dense<0.000000e+00> : vector<896x512xf32>
    %dot_general3A_163 = tpu.matmul %mul3A_36, %slice3A_161, %dot_general3A_162 {dimension_numbers = #tpu.dot_dimension_numbers<[1], [0], [0], [1], [0, 0, 1, 1], [], []>, transpose_lhs_hint = false} : vector<896x128xbf16>, vector<128x512xbf16>, vector<896x512xf32> -> vector<896x512xf32>
    %add3A_164 = arith.addf %add3A_160, %dot_general3A_163 : vector<896x512xf32>
    %slice3A_165 = vector.extract_strided_slice %convert_element_type3A_152 {offsets = [384, 0], sizes = [128, 512], strides = [1, 1]} : vector<896x512xbf16> to vector<128x512xbf16>
    %dot_general3A_166 = arith.constant dense<0.000000e+00> : vector<896x512xf32>
    %dot_general3A_167 = tpu.matmul %mul3A_49, %slice3A_165, %dot_general3A_166 {dimension_numbers = #tpu.dot_dimension_numbers<[1], [0], [0], [1], [0, 0, 1, 1], [], []>, transpose_lhs_hint = false} : vector<896x128xbf16>, vector<128x512xbf16>, vector<896x512xf32> -> vector<896x512xf32>
    %add3A_168 = arith.addf %add3A_164, %dot_general3A_167 : vector<896x512xf32>
    %slice3A_169 = vector.extract_strided_slice %convert_element_type3A_152 {offsets = [512, 0], sizes = [128, 512], strides = [1, 1]} : vector<896x512xbf16> to vector<128x512xbf16>
    %dot_general3A_170 = arith.constant dense<0.000000e+00> : vector<896x512xf32>
    %dot_general3A_171 = tpu.matmul %mul3A_62, %slice3A_169, %dot_general3A_170 {dimension_numbers = #tpu.dot_dimension_numbers<[1], [0], [0], [1], [0, 0, 1, 1], [], []>, transpose_lhs_hint = false} : vector<896x128xbf16>, vector<128x512xbf16>, vector<896x512xf32> -> vector<896x512xf32>
    %add3A_172 = arith.addf %add3A_168, %dot_general3A_171 : vector<896x512xf32>
    %slice3A_173 = vector.extract_strided_slice %convert_element_type3A_152 {offsets = [640, 0], sizes = [128, 512], strides = [1, 1]} : vector<896x512xbf16> to vector<128x512xbf16>
    %dot_general3A_174 = arith.constant dense<0.000000e+00> : vector<896x512xf32>
    %dot_general3A_175 = tpu.matmul %mul3A_75, %slice3A_173, %dot_general3A_174 {dimension_numbers = #tpu.dot_dimension_numbers<[1], [0], [0], [1], [0, 0, 1, 1], [], []>, transpose_lhs_hint = false} : vector<896x128xbf16>, vector<128x512xbf16>, vector<896x512xf32> -> vector<896x512xf32>
    %add3A_176 = arith.addf %add3A_172, %dot_general3A_175 : vector<896x512xf32>
    %slice3A_177 = vector.extract_strided_slice %convert_element_type3A_152 {offsets = [768, 0], sizes = [128, 512], strides = [1, 1]} : vector<896x512xbf16> to vector<128x512xbf16>
    %dot_general3A_178 = arith.constant dense<0.000000e+00> : vector<896x512xf32>
    %dot_general3A_179 = tpu.matmul %mul3A_88, %slice3A_177, %dot_general3A_178 {dimension_numbers = #tpu.dot_dimension_numbers<[1], [0], [0], [1], [0, 0, 1, 1], [], []>, transpose_lhs_hint = false} : vector<896x128xbf16>, vector<128x512xbf16>, vector<896x512xf32> -> vector<896x512xf32>
    %add3A_180 = arith.addf %add3A_176, %dot_general3A_179 : vector<896x512xf32>
    %mul3A_181 = vector.broadcast %mul3A_97 : vector<896x1xf32> to vector<896x512xf32>
    %mul3A_182 = arith.mulf %mul3A_181, %add3A_180 : vector<896x512xf32>
    %get3A_183 = arith.constant 0 : index
    %get3A_184 = arith.constant 0 : index
    %get3A_185 = vector.load %arg11[%get3A_183, %get3A_184] : memref<1x512xf32, #tpu.memory_space<vmem>>, vector<1x512xf32>
    %add3A_186 = vector.broadcast %get3A_185 : vector<1x512xf32> to vector<896x512xf32>
    %add3A_187 = arith.addf %mul3A_182, %add3A_186 : vector<896x512xf32>
    %max3A_188 = arith.constant 0.000000e+00 : f32
    %max3A_189 = vector.broadcast %max3A_188 : f32 to vector<896x512xf32>
    %max3A_190 = arith.maximumf %add3A_187, %max3A_189 : vector<896x512xf32>
    %mul3A_191 = vector.broadcast %get3A_4 : vector<896x1xf32> to vector<896x512xf32>
    %mul3A_192 = arith.mulf %max3A_190, %mul3A_191 : vector<896x512xf32>
    %get3A_193 = arith.constant 0 : index
    %get3A_194 = arith.constant 0 : index
    %get3A_195 = arith.constant 0 : index
    %get3A_196 = vector.load %arg5[%get3A_193, %get3A_194, %get3A_195] : memref<7x896x128xf32, #tpu.memory_space<vmem>>, vector<7x896x128xf32>
    %get3A_197 = arith.constant 0 : index
    %get3A_198 = arith.constant 0 : index
    %get3A_199 = arith.constant 0 : index
    %get3A_200 = vector.load %arg6[%get3A_197, %get3A_198, %get3A_199] : memref<7x896x128xf32, #tpu.memory_space<vmem>>, vector<7x896x128xf32>
    %add3A_201 = arith.addf %get3A_196, %get3A_200 : vector<7x896x128xf32>
    %broadcast_in_dim3A_202 = arith.constant 1.000000e+00 : f32
    %broadcast_in_dim3A_203 = vector.broadcast %broadcast_in_dim3A_202 : f32 to vector<896x1xf32>
    %get3A_204 = arith.constant 0 : index
    %get3A_205 = arith.constant 0 : index
    %get3A_206 = vector.load %arg2[%get3A_204, %get3A_205] : memref<896x896xbf16, #tpu.memory_space<vmem>>, vector<128x896xbf16>
    %transpose3A_207 = tpu.transpose %get3A_206, [1, 0] : vector<128x896xbf16> -> vector<896x128xbf16>
    %slice3A_208 = vector.extract_strided_slice %add3A_201 {offsets = [0, 0, 0], sizes = [1, 896, 128], strides = [1, 1, 1]} : vector<7x896x128xf32> to vector<1x896x128xf32>
    %squeeze3A_209 = vector.shape_cast %slice3A_208 : vector<1x896x128xf32> to vector<896x128xf32>
    %convert_element_type3A_210 = arith.truncf %squeeze3A_209 : vector<896x128xf32> to vector<896x128xbf16>
    %mul3A_211 = arith.mulf %convert_element_type3A_210, %transpose3A_207 : vector<896x128xbf16>
    %convert_element_type3A_212 = arith.extf %mul3A_211 : vector<896x128xbf16> to vector<896x128xf32>
    %reduce_sum3A_213 = arith.constant dense<0.000000e+00> : vector<896xf32>
    %reduce_sum3A_214 = vector.multi_reduction <add>, %convert_element_type3A_212, %reduce_sum3A_213 [1] : vector<896x128xf32> to vector<896xf32>
    %broadcast_in_dim3A_215 = vector.shape_cast %reduce_sum3A_214 : vector<896xf32> to vector<896x1xf32>
    %add3A_216 = arith.addf %broadcast_in_dim3A_203, %broadcast_in_dim3A_215 : vector<896x1xf32>
    %get3A_217 = arith.constant 128 : index
    %get3A_218 = arith.constant 0 : index
    %get3A_219 = vector.load %arg2[%get3A_217, %get3A_218] : memref<896x896xbf16, #tpu.memory_space<vmem>>, vector<128x896xbf16>
    %transpose3A_220 = tpu.transpose %get3A_219, [1, 0] : vector<128x896xbf16> -> vector<896x128xbf16>
    %slice3A_221 = vector.extract_strided_slice %add3A_201 {offsets = [1, 0, 0], sizes = [1, 896, 128], strides = [1, 1, 1]} : vector<7x896x128xf32> to vector<1x896x128xf32>
    %squeeze3A_222 = vector.shape_cast %slice3A_221 : vector<1x896x128xf32> to vector<896x128xf32>
    %convert_element_type3A_223 = arith.truncf %squeeze3A_222 : vector<896x128xf32> to vector<896x128xbf16>
    %mul3A_224 = arith.mulf %convert_element_type3A_223, %transpose3A_220 : vector<896x128xbf16>
    %convert_element_type3A_225 = arith.extf %mul3A_224 : vector<896x128xbf16> to vector<896x128xf32>
    %reduce_sum3A_226 = arith.constant dense<0.000000e+00> : vector<896xf32>
    %reduce_sum3A_227 = vector.multi_reduction <add>, %convert_element_type3A_225, %reduce_sum3A_226 [1] : vector<896x128xf32> to vector<896xf32>
    %broadcast_in_dim3A_228 = vector.shape_cast %reduce_sum3A_227 : vector<896xf32> to vector<896x1xf32>
    %add3A_229 = arith.addf %add3A_216, %broadcast_in_dim3A_228 : vector<896x1xf32>
    %get3A_230 = arith.constant 256 : index
    %get3A_231 = arith.constant 0 : index
    %get3A_232 = vector.load %arg2[%get3A_230, %get3A_231] : memref<896x896xbf16, #tpu.memory_space<vmem>>, vector<128x896xbf16>
    %transpose3A_233 = tpu.transpose %get3A_232, [1, 0] : vector<128x896xbf16> -> vector<896x128xbf16>
    %slice3A_234 = vector.extract_strided_slice %add3A_201 {offsets = [2, 0, 0], sizes = [1, 896, 128], strides = [1, 1, 1]} : vector<7x896x128xf32> to vector<1x896x128xf32>
    %squeeze3A_235 = vector.shape_cast %slice3A_234 : vector<1x896x128xf32> to vector<896x128xf32>
    %convert_element_type3A_236 = arith.truncf %squeeze3A_235 : vector<896x128xf32> to vector<896x128xbf16>
    %mul3A_237 = arith.mulf %convert_element_type3A_236, %transpose3A_233 : vector<896x128xbf16>
    %convert_element_type3A_238 = arith.extf %mul3A_237 : vector<896x128xbf16> to vector<896x128xf32>
    %reduce_sum3A_239 = arith.constant dense<0.000000e+00> : vector<896xf32>
    %reduce_sum3A_240 = vector.multi_reduction <add>, %convert_element_type3A_238, %reduce_sum3A_239 [1] : vector<896x128xf32> to vector<896xf32>
    %broadcast_in_dim3A_241 = vector.shape_cast %reduce_sum3A_240 : vector<896xf32> to vector<896x1xf32>
    %add3A_242 = arith.addf %add3A_229, %broadcast_in_dim3A_241 : vector<896x1xf32>
    %get3A_243 = arith.constant 384 : index
    %get3A_244 = arith.constant 0 : index
    %get3A_245 = vector.load %arg2[%get3A_243, %get3A_244] : memref<896x896xbf16, #tpu.memory_space<vmem>>, vector<128x896xbf16>
    %transpose3A_246 = tpu.transpose %get3A_245, [1, 0] : vector<128x896xbf16> -> vector<896x128xbf16>
    %slice3A_247 = vector.extract_strided_slice %add3A_201 {offsets = [3, 0, 0], sizes = [1, 896, 128], strides = [1, 1, 1]} : vector<7x896x128xf32> to vector<1x896x128xf32>
    %squeeze3A_248 = vector.shape_cast %slice3A_247 : vector<1x896x128xf32> to vector<896x128xf32>
    %convert_element_type3A_249 = arith.truncf %squeeze3A_248 : vector<896x128xf32> to vector<896x128xbf16>
    %mul3A_250 = arith.mulf %convert_element_type3A_249, %transpose3A_246 : vector<896x128xbf16>
    %convert_element_type3A_251 = arith.extf %mul3A_250 : vector<896x128xbf16> to vector<896x128xf32>
    %reduce_sum3A_252 = arith.constant dense<0.000000e+00> : vector<896xf32>
    %reduce_sum3A_253 = vector.multi_reduction <add>, %convert_element_type3A_251, %reduce_sum3A_252 [1] : vector<896x128xf32> to vector<896xf32>
    %broadcast_in_dim3A_254 = vector.shape_cast %reduce_sum3A_253 : vector<896xf32> to vector<896x1xf32>
    %add3A_255 = arith.addf %add3A_242, %broadcast_in_dim3A_254 : vector<896x1xf32>
    %get3A_256 = arith.constant 512 : index
    %get3A_257 = arith.constant 0 : index
    %get3A_258 = vector.load %arg2[%get3A_256, %get3A_257] : memref<896x896xbf16, #tpu.memory_space<vmem>>, vector<128x896xbf16>
    %transpose3A_259 = tpu.transpose %get3A_258, [1, 0] : vector<128x896xbf16> -> vector<896x128xbf16>
    %slice3A_260 = vector.extract_strided_slice %add3A_201 {offsets = [4, 0, 0], sizes = [1, 896, 128], strides = [1, 1, 1]} : vector<7x896x128xf32> to vector<1x896x128xf32>
    %squeeze3A_261 = vector.shape_cast %slice3A_260 : vector<1x896x128xf32> to vector<896x128xf32>
    %convert_element_type3A_262 = arith.truncf %squeeze3A_261 : vector<896x128xf32> to vector<896x128xbf16>
    %mul3A_263 = arith.mulf %convert_element_type3A_262, %transpose3A_259 : vector<896x128xbf16>
    %convert_element_type3A_264 = arith.extf %mul3A_263 : vector<896x128xbf16> to vector<896x128xf32>
    %reduce_sum3A_265 = arith.constant dense<0.000000e+00> : vector<896xf32>
    %reduce_sum3A_266 = vector.multi_reduction <add>, %convert_element_type3A_264, %reduce_sum3A_265 [1] : vector<896x128xf32> to vector<896xf32>
    %broadcast_in_dim3A_267 = vector.shape_cast %reduce_sum3A_266 : vector<896xf32> to vector<896x1xf32>
    %add3A_268 = arith.addf %add3A_255, %broadcast_in_dim3A_267 : vector<896x1xf32>
    %get3A_269 = arith.constant 640 : index
    %get3A_270 = arith.constant 0 : index
    %get3A_271 = vector.load %arg2[%get3A_269, %get3A_270] : memref<896x896xbf16, #tpu.memory_space<vmem>>, vector<128x896xbf16>
    %transpose3A_272 = tpu.transpose %get3A_271, [1, 0] : vector<128x896xbf16> -> vector<896x128xbf16>
    %slice3A_273 = vector.extract_strided_slice %add3A_201 {offsets = [5, 0, 0], sizes = [1, 896, 128], strides = [1, 1, 1]} : vector<7x896x128xf32> to vector<1x896x128xf32>
    %squeeze3A_274 = vector.shape_cast %slice3A_273 : vector<1x896x128xf32> to vector<896x128xf32>
    %convert_element_type3A_275 = arith.truncf %squeeze3A_274 : vector<896x128xf32> to vector<896x128xbf16>
    %mul3A_276 = arith.mulf %convert_element_type3A_275, %transpose3A_272 : vector<896x128xbf16>
    %convert_element_type3A_277 = arith.extf %mul3A_276 : vector<896x128xbf16> to vector<896x128xf32>
    %reduce_sum3A_278 = arith.constant dense<0.000000e+00> : vector<896xf32>
    %reduce_sum3A_279 = vector.multi_reduction <add>, %convert_element_type3A_277, %reduce_sum3A_278 [1] : vector<896x128xf32> to vector<896xf32>
    %broadcast_in_dim3A_280 = vector.shape_cast %reduce_sum3A_279 : vector<896xf32> to vector<896x1xf32>
    %add3A_281 = arith.addf %add3A_268, %broadcast_in_dim3A_280 : vector<896x1xf32>
    %get3A_282 = arith.constant 768 : index
    %get3A_283 = arith.constant 0 : index
    %get3A_284 = vector.load %arg2[%get3A_282, %get3A_283] : memref<896x896xbf16, #tpu.memory_space<vmem>>, vector<128x896xbf16>
    %transpose3A_285 = tpu.transpose %get3A_284, [1, 0] : vector<128x896xbf16> -> vector<896x128xbf16>
    %slice3A_286 = vector.extract_strided_slice %add3A_201 {offsets = [6, 0, 0], sizes = [1, 896, 128], strides = [1, 1, 1]} : vector<7x896x128xf32> to vector<1x896x128xf32>
    %squeeze3A_287 = vector.shape_cast %slice3A_286 : vector<1x896x128xf32> to vector<896x128xf32>
    %convert_element_type3A_288 = arith.truncf %squeeze3A_287 : vector<896x128xf32> to vector<896x128xbf16>
    %mul3A_289 = arith.mulf %convert_element_type3A_288, %transpose3A_285 : vector<896x128xbf16>
    %convert_element_type3A_290 = arith.extf %mul3A_289 : vector<896x128xbf16> to vector<896x128xf32>
    %reduce_sum3A_291 = arith.constant dense<0.000000e+00> : vector<896xf32>
    %reduce_sum3A_292 = vector.multi_reduction <add>, %convert_element_type3A_290, %reduce_sum3A_291 [1] : vector<896x128xf32> to vector<896xf32>
    %broadcast_in_dim3A_293 = vector.shape_cast %reduce_sum3A_292 : vector<896xf32> to vector<896x1xf32>
    %add3A_294 = arith.addf %add3A_281, %broadcast_in_dim3A_293 : vector<896x1xf32>
    %gt3A_295 = arith.constant 0.000000e+00 : f32
    %gt3A_296 = vector.broadcast %gt3A_295 : f32 to vector<896x1xf32>
    %gt3A_297 = arith.cmpf ogt, %add3A_294, %gt3A_296 : vector<896x1xf32>
    %rsqrt3A_298 = math.rsqrt %add3A_294 : vector<896x1xf32>
    %jit3A_299 = arith.constant 0.000000e+00 : f32
    %broadcast_in_dim3A_300 = vector.broadcast %jit3A_299 : f32 to vector<896x1xf32>
    %select_n3A_301 = arith.select %gt3A_297, %rsqrt3A_298, %broadcast_in_dim3A_300 : vector<896x1xi1>, vector<896x1xf32>
    %mul3A_302 = arith.mulf %select_n3A_301, %get3A_4 : vector<896x1xf32>
    %get3A_303 = arith.constant 0 : index
    %get3A_304 = arith.constant 0 : index
    %get3A_305 = vector.load %arg12[%get3A_303, %get3A_304] : memref<512x512xbf16, #tpu.memory_space<vmem>>, vector<512x512xbf16>
    %dot_general3A_306 = arith.constant dense<0.000000e+00> : vector<896x512xf32>
    %dot_general3A_307 = tpu.matmul %get3A_1, %get3A_305, %dot_general3A_306 {dimension_numbers = #tpu.dot_dimension_numbers<[1], [0], [0], [1], [0, 0, 1, 1], [], []>, transpose_lhs_hint = false} : vector<896x512xbf16>, vector<512x512xbf16>, vector<896x512xf32> -> vector<896x512xf32>
    %mul3A_308 = vector.broadcast %mul3A_302 : vector<896x1xf32> to vector<896x512xf32>
    %mul3A_309 = arith.mulf %mul3A_308, %dot_general3A_307 : vector<896x512xf32>
    %convert_element_type3A_310 = arith.truncf %mul3A_309 : vector<896x512xf32> to vector<896x512xbf16>
    %slice3A_311 = vector.extract_strided_slice %convert_element_type3A_310 {offsets = [0, 0], sizes = [128, 512], strides = [1, 1]} : vector<896x512xbf16> to vector<128x512xbf16>
    %dot_general3A_312 = arith.constant dense<0.000000e+00> : vector<896x512xf32>
    %dot_general3A_313 = tpu.matmul %mul3A_211, %slice3A_311, %dot_general3A_312 {dimension_numbers = #tpu.dot_dimension_numbers<[1], [0], [0], [1], [0, 0, 1, 1], [], []>, transpose_lhs_hint = false} : vector<896x128xbf16>, vector<128x512xbf16>, vector<896x512xf32> -> vector<896x512xf32>
    %add3A_314 = arith.addf %mul3A_309, %dot_general3A_313 : vector<896x512xf32>
    %slice3A_315 = vector.extract_strided_slice %convert_element_type3A_310 {offsets = [128, 0], sizes = [128, 512], strides = [1, 1]} : vector<896x512xbf16> to vector<128x512xbf16>
    %dot_general3A_316 = arith.constant dense<0.000000e+00> : vector<896x512xf32>
    %dot_general3A_317 = tpu.matmul %mul3A_224, %slice3A_315, %dot_general3A_316 {dimension_numbers = #tpu.dot_dimension_numbers<[1], [0], [0], [1], [0, 0, 1, 1], [], []>, transpose_lhs_hint = false} : vector<896x128xbf16>, vector<128x512xbf16>, vector<896x512xf32> -> vector<896x512xf32>
    %add3A_318 = arith.addf %add3A_314, %dot_general3A_317 : vector<896x512xf32>
    %slice3A_319 = vector.extract_strided_slice %convert_element_type3A_310 {offsets = [256, 0], sizes = [128, 512], strides = [1, 1]} : vector<896x512xbf16> to vector<128x512xbf16>
    %dot_general3A_320 = arith.constant dense<0.000000e+00> : vector<896x512xf32>
    %dot_general3A_321 = tpu.matmul %mul3A_237, %slice3A_319, %dot_general3A_320 {dimension_numbers = #tpu.dot_dimension_numbers<[1], [0], [0], [1], [0, 0, 1, 1], [], []>, transpose_lhs_hint = false} : vector<896x128xbf16>, vector<128x512xbf16>, vector<896x512xf32> -> vector<896x512xf32>
    %add3A_322 = arith.addf %add3A_318, %dot_general3A_321 : vector<896x512xf32>
    %slice3A_323 = vector.extract_strided_slice %convert_element_type3A_310 {offsets = [384, 0], sizes = [128, 512], strides = [1, 1]} : vector<896x512xbf16> to vector<128x512xbf16>
    %dot_general3A_324 = arith.constant dense<0.000000e+00> : vector<896x512xf32>
    %dot_general3A_325 = tpu.matmul %mul3A_250, %slice3A_323, %dot_general3A_324 {dimension_numbers = #tpu.dot_dimension_numbers<[1], [0], [0], [1], [0, 0, 1, 1], [], []>, transpose_lhs_hint = false} : vector<896x128xbf16>, vector<128x512xbf16>, vector<896x512xf32> -> vector<896x512xf32>
    %add3A_326 = arith.addf %add3A_322, %dot_general3A_325 : vector<896x512xf32>
    %slice3A_327 = vector.extract_strided_slice %convert_element_type3A_310 {offsets = [512, 0], sizes = [128, 512], strides = [1, 1]} : vector<896x512xbf16> to vector<128x512xbf16>
    %dot_general3A_328 = arith.constant dense<0.000000e+00> : vector<896x512xf32>
    %dot_general3A_329 = tpu.matmul %mul3A_263, %slice3A_327, %dot_general3A_328 {dimension_numbers = #tpu.dot_dimension_numbers<[1], [0], [0], [1], [0, 0, 1, 1], [], []>, transpose_lhs_hint = false} : vector<896x128xbf16>, vector<128x512xbf16>, vector<896x512xf32> -> vector<896x512xf32>
    %add3A_330 = arith.addf %add3A_326, %dot_general3A_329 : vector<896x512xf32>
    %slice3A_331 = vector.extract_strided_slice %convert_element_type3A_310 {offsets = [640, 0], sizes = [128, 512], strides = [1, 1]} : vector<896x512xbf16> to vector<128x512xbf16>
    %dot_general3A_332 = arith.constant dense<0.000000e+00> : vector<896x512xf32>
    %dot_general3A_333 = tpu.matmul %mul3A_276, %slice3A_331, %dot_general3A_332 {dimension_numbers = #tpu.dot_dimension_numbers<[1], [0], [0], [1], [0, 0, 1, 1], [], []>, transpose_lhs_hint = false} : vector<896x128xbf16>, vector<128x512xbf16>, vector<896x512xf32> -> vector<896x512xf32>
    %add3A_334 = arith.addf %add3A_330, %dot_general3A_333 : vector<896x512xf32>
    %slice3A_335 = vector.extract_strided_slice %convert_element_type3A_310 {offsets = [768, 0], sizes = [128, 512], strides = [1, 1]} : vector<896x512xbf16> to vector<128x512xbf16>
    %dot_general3A_336 = arith.constant dense<0.000000e+00> : vector<896x512xf32>
    %dot_general3A_337 = tpu.matmul %mul3A_289, %slice3A_335, %dot_general3A_336 {dimension_numbers = #tpu.dot_dimension_numbers<[1], [0], [0], [1], [0, 0, 1, 1], [], []>, transpose_lhs_hint = false} : vector<896x128xbf16>, vector<128x512xbf16>, vector<896x512xf32> -> vector<896x512xf32>
    %add3A_338 = arith.addf %add3A_334, %dot_general3A_337 : vector<896x512xf32>
    %mul3A_339 = vector.broadcast %mul3A_302 : vector<896x1xf32> to vector<896x512xf32>
    %mul3A_340 = arith.mulf %mul3A_339, %add3A_338 : vector<896x512xf32>
    %get3A_341 = arith.constant 0 : index
    %get3A_342 = arith.constant 0 : index
    %get3A_343 = vector.load %arg13[%get3A_341, %get3A_342] : memref<1x512xf32, #tpu.memory_space<vmem>>, vector<1x512xf32>
    %add3A_344 = vector.broadcast %get3A_343 : vector<1x512xf32> to vector<896x512xf32>
    %add3A_345 = arith.addf %mul3A_340, %add3A_344 : vector<896x512xf32>
    %max3A_346 = arith.constant 0.000000e+00 : f32
    %max3A_347 = vector.broadcast %max3A_346 : f32 to vector<896x512xf32>
    %max3A_348 = arith.maximumf %add3A_345, %max3A_347 : vector<896x512xf32>
    %mul3A_349 = vector.broadcast %get3A_4 : vector<896x1xf32> to vector<896x512xf32>
    %mul3A_350 = arith.mulf %max3A_348, %mul3A_349 : vector<896x512xf32>
    %convert_element_type3A_351 = arith.truncf %mul3A_350 : vector<896x512xf32> to vector<896x512xbf16>
    %get3A_352 = arith.constant 0 : index
    %get3A_353 = arith.constant 0 : index
    %get3A_354 = vector.load %arg14[%get3A_352, %get3A_353] : memref<512x512xbf16, #tpu.memory_space<vmem>>, vector<512x512xbf16>
    %dot_general3A_355 = arith.constant dense<0.000000e+00> : vector<896x512xf32>
    %dot_general3A_356 = tpu.matmul %convert_element_type3A_351, %get3A_354, %dot_general3A_355 {dimension_numbers = #tpu.dot_dimension_numbers<[1], [0], [0], [1], [0, 0, 1, 1], [], []>, transpose_lhs_hint = false} : vector<896x512xbf16>, vector<512x512xbf16>, vector<896x512xf32> -> vector<896x512xf32>
    %mul3A_357 = vector.broadcast %mul3A_302 : vector<896x1xf32> to vector<896x512xf32>
    %mul3A_358 = arith.mulf %mul3A_357, %dot_general3A_356 : vector<896x512xf32>
    %convert_element_type3A_359 = arith.truncf %mul3A_358 : vector<896x512xf32> to vector<896x512xbf16>
    %slice3A_360 = vector.extract_strided_slice %convert_element_type3A_359 {offsets = [0, 0], sizes = [128, 512], strides = [1, 1]} : vector<896x512xbf16> to vector<128x512xbf16>
    %dot_general3A_361 = arith.constant dense<0.000000e+00> : vector<896x512xf32>
    %dot_general3A_362 = tpu.matmul %mul3A_211, %slice3A_360, %dot_general3A_361 {dimension_numbers = #tpu.dot_dimension_numbers<[1], [0], [0], [1], [0, 0, 1, 1], [], []>, transpose_lhs_hint = false} : vector<896x128xbf16>, vector<128x512xbf16>, vector<896x512xf32> -> vector<896x512xf32>
    %add3A_363 = arith.addf %mul3A_358, %dot_general3A_362 : vector<896x512xf32>
    %slice3A_364 = vector.extract_strided_slice %convert_element_type3A_359 {offsets = [128, 0], sizes = [128, 512], strides = [1, 1]} : vector<896x512xbf16> to vector<128x512xbf16>
    %dot_general3A_365 = arith.constant dense<0.000000e+00> : vector<896x512xf32>
    %dot_general3A_366 = tpu.matmul %mul3A_224, %slice3A_364, %dot_general3A_365 {dimension_numbers = #tpu.dot_dimension_numbers<[1], [0], [0], [1], [0, 0, 1, 1], [], []>, transpose_lhs_hint = false} : vector<896x128xbf16>, vector<128x512xbf16>, vector<896x512xf32> -> vector<896x512xf32>
    %add3A_367 = arith.addf %add3A_363, %dot_general3A_366 : vector<896x512xf32>
    %slice3A_368 = vector.extract_strided_slice %convert_element_type3A_359 {offsets = [256, 0], sizes = [128, 512], strides = [1, 1]} : vector<896x512xbf16> to vector<128x512xbf16>
    %dot_general3A_369 = arith.constant dense<0.000000e+00> : vector<896x512xf32>
    %dot_general3A_370 = tpu.matmul %mul3A_237, %slice3A_368, %dot_general3A_369 {dimension_numbers = #tpu.dot_dimension_numbers<[1], [0], [0], [1], [0, 0, 1, 1], [], []>, transpose_lhs_hint = false} : vector<896x128xbf16>, vector<128x512xbf16>, vector<896x512xf32> -> vector<896x512xf32>
    %add3A_371 = arith.addf %add3A_367, %dot_general3A_370 : vector<896x512xf32>
    %slice3A_372 = vector.extract_strided_slice %convert_element_type3A_359 {offsets = [384, 0], sizes = [128, 512], strides = [1, 1]} : vector<896x512xbf16> to vector<128x512xbf16>
    %dot_general3A_373 = arith.constant dense<0.000000e+00> : vector<896x512xf32>
    %dot_general3A_374 = tpu.matmul %mul3A_250, %slice3A_372, %dot_general3A_373 {dimension_numbers = #tpu.dot_dimension_numbers<[1], [0], [0], [1], [0, 0, 1, 1], [], []>, transpose_lhs_hint = false} : vector<896x128xbf16>, vector<128x512xbf16>, vector<896x512xf32> -> vector<896x512xf32>
    %add3A_375 = arith.addf %add3A_371, %dot_general3A_374 : vector<896x512xf32>
    %slice3A_376 = vector.extract_strided_slice %convert_element_type3A_359 {offsets = [512, 0], sizes = [128, 512], strides = [1, 1]} : vector<896x512xbf16> to vector<128x512xbf16>
    %dot_general3A_377 = arith.constant dense<0.000000e+00> : vector<896x512xf32>
    %dot_general3A_378 = tpu.matmul %mul3A_263, %slice3A_376, %dot_general3A_377 {dimension_numbers = #tpu.dot_dimension_numbers<[1], [0], [0], [1], [0, 0, 1, 1], [], []>, transpose_lhs_hint = false} : vector<896x128xbf16>, vector<128x512xbf16>, vector<896x512xf32> -> vector<896x512xf32>
    %add3A_379 = arith.addf %add3A_375, %dot_general3A_378 : vector<896x512xf32>
    %slice3A_380 = vector.extract_strided_slice %convert_element_type3A_359 {offsets = [640, 0], sizes = [128, 512], strides = [1, 1]} : vector<896x512xbf16> to vector<128x512xbf16>
    %dot_general3A_381 = arith.constant dense<0.000000e+00> : vector<896x512xf32>
    %dot_general3A_382 = tpu.matmul %mul3A_276, %slice3A_380, %dot_general3A_381 {dimension_numbers = #tpu.dot_dimension_numbers<[1], [0], [0], [1], [0, 0, 1, 1], [], []>, transpose_lhs_hint = false} : vector<896x128xbf16>, vector<128x512xbf16>, vector<896x512xf32> -> vector<896x512xf32>
    %add3A_383 = arith.addf %add3A_379, %dot_general3A_382 : vector<896x512xf32>
    %slice3A_384 = vector.extract_strided_slice %convert_element_type3A_359 {offsets = [768, 0], sizes = [128, 512], strides = [1, 1]} : vector<896x512xbf16> to vector<128x512xbf16>
    %dot_general3A_385 = arith.constant dense<0.000000e+00> : vector<896x512xf32>
    %dot_general3A_386 = tpu.matmul %mul3A_289, %slice3A_384, %dot_general3A_385 {dimension_numbers = #tpu.dot_dimension_numbers<[1], [0], [0], [1], [0, 0, 1, 1], [], []>, transpose_lhs_hint = false} : vector<896x128xbf16>, vector<128x512xbf16>, vector<896x512xf32> -> vector<896x512xf32>
    %add3A_387 = arith.addf %add3A_383, %dot_general3A_386 : vector<896x512xf32>
    %mul3A_388 = vector.broadcast %mul3A_302 : vector<896x1xf32> to vector<896x512xf32>
    %mul3A_389 = arith.mulf %mul3A_388, %add3A_387 : vector<896x512xf32>
    %get3A_390 = arith.constant 0 : index
    %get3A_391 = arith.constant 0 : index
    %get3A_392 = vector.load %arg15[%get3A_390, %get3A_391] : memref<1x512xf32, #tpu.memory_space<vmem>>, vector<1x512xf32>
    %add3A_393 = vector.broadcast %get3A_392 : vector<1x512xf32> to vector<896x512xf32>
    %add3A_394 = arith.addf %mul3A_389, %add3A_393 : vector<896x512xf32>
    %max3A_395 = arith.constant 0.000000e+00 : f32
    %max3A_396 = vector.broadcast %max3A_395 : f32 to vector<896x512xf32>
    %max3A_397 = arith.maximumf %add3A_394, %max3A_396 : vector<896x512xf32>
    %mul3A_398 = vector.broadcast %get3A_4 : vector<896x1xf32> to vector<896x512xf32>
    %mul3A_399 = arith.mulf %max3A_397, %mul3A_398 : vector<896x512xf32>
    %get3A_400 = arith.constant 0 : index
    %get3A_401 = arith.constant 0 : index
    %get3A_402 = arith.constant 0 : index
    %get3A_403 = vector.load %arg7[%get3A_400, %get3A_401, %get3A_402] : memref<7x896x128xf32, #tpu.memory_space<vmem>>, vector<7x896x128xf32>
    %broadcast_in_dim3A_404 = arith.constant 1.000000e+00 : f32
    %broadcast_in_dim3A_405 = vector.broadcast %broadcast_in_dim3A_404 : f32 to vector<896x1xf32>
    %get3A_406 = arith.constant 0 : index
    %get3A_407 = arith.constant 0 : index
    %get3A_408 = vector.load %arg3[%get3A_406, %get3A_407] : memref<896x896xbf16, #tpu.memory_space<vmem>>, vector<128x896xbf16>
    %transpose3A_409 = tpu.transpose %get3A_408, [1, 0] : vector<128x896xbf16> -> vector<896x128xbf16>
    %slice3A_410 = vector.extract_strided_slice %get3A_403 {offsets = [0, 0, 0], sizes = [1, 896, 128], strides = [1, 1, 1]} : vector<7x896x128xf32> to vector<1x896x128xf32>
    %squeeze3A_411 = vector.shape_cast %slice3A_410 : vector<1x896x128xf32> to vector<896x128xf32>
    %convert_element_type3A_412 = arith.truncf %squeeze3A_411 : vector<896x128xf32> to vector<896x128xbf16>
    %mul3A_413 = arith.mulf %convert_element_type3A_412, %transpose3A_409 : vector<896x128xbf16>
    %convert_element_type3A_414 = arith.extf %mul3A_413 : vector<896x128xbf16> to vector<896x128xf32>
    %reduce_sum3A_415 = arith.constant dense<0.000000e+00> : vector<896xf32>
    %reduce_sum3A_416 = vector.multi_reduction <add>, %convert_element_type3A_414, %reduce_sum3A_415 [1] : vector<896x128xf32> to vector<896xf32>
    %broadcast_in_dim3A_417 = vector.shape_cast %reduce_sum3A_416 : vector<896xf32> to vector<896x1xf32>
    %add3A_418 = arith.addf %broadcast_in_dim3A_405, %broadcast_in_dim3A_417 : vector<896x1xf32>
    %get3A_419 = arith.constant 128 : index
    %get3A_420 = arith.constant 0 : index
    %get3A_421 = vector.load %arg3[%get3A_419, %get3A_420] : memref<896x896xbf16, #tpu.memory_space<vmem>>, vector<128x896xbf16>
    %transpose3A_422 = tpu.transpose %get3A_421, [1, 0] : vector<128x896xbf16> -> vector<896x128xbf16>
    %slice3A_423 = vector.extract_strided_slice %get3A_403 {offsets = [1, 0, 0], sizes = [1, 896, 128], strides = [1, 1, 1]} : vector<7x896x128xf32> to vector<1x896x128xf32>
    %squeeze3A_424 = vector.shape_cast %slice3A_423 : vector<1x896x128xf32> to vector<896x128xf32>
    %convert_element_type3A_425 = arith.truncf %squeeze3A_424 : vector<896x128xf32> to vector<896x128xbf16>
    %mul3A_426 = arith.mulf %convert_element_type3A_425, %transpose3A_422 : vector<896x128xbf16>
    %convert_element_type3A_427 = arith.extf %mul3A_426 : vector<896x128xbf16> to vector<896x128xf32>
    %reduce_sum3A_428 = arith.constant dense<0.000000e+00> : vector<896xf32>
    %reduce_sum3A_429 = vector.multi_reduction <add>, %convert_element_type3A_427, %reduce_sum3A_428 [1] : vector<896x128xf32> to vector<896xf32>
    %broadcast_in_dim3A_430 = vector.shape_cast %reduce_sum3A_429 : vector<896xf32> to vector<896x1xf32>
    %add3A_431 = arith.addf %add3A_418, %broadcast_in_dim3A_430 : vector<896x1xf32>
    %get3A_432 = arith.constant 256 : index
    %get3A_433 = arith.constant 0 : index
    %get3A_434 = vector.load %arg3[%get3A_432, %get3A_433] : memref<896x896xbf16, #tpu.memory_space<vmem>>, vector<128x896xbf16>
    %transpose3A_435 = tpu.transpose %get3A_434, [1, 0] : vector<128x896xbf16> -> vector<896x128xbf16>
    %slice3A_436 = vector.extract_strided_slice %get3A_403 {offsets = [2, 0, 0], sizes = [1, 896, 128], strides = [1, 1, 1]} : vector<7x896x128xf32> to vector<1x896x128xf32>
    %squeeze3A_437 = vector.shape_cast %slice3A_436 : vector<1x896x128xf32> to vector<896x128xf32>
    %convert_element_type3A_438 = arith.truncf %squeeze3A_437 : vector<896x128xf32> to vector<896x128xbf16>
    %mul3A_439 = arith.mulf %convert_element_type3A_438, %transpose3A_435 : vector<896x128xbf16>
    %convert_element_type3A_440 = arith.extf %mul3A_439 : vector<896x128xbf16> to vector<896x128xf32>
    %reduce_sum3A_441 = arith.constant dense<0.000000e+00> : vector<896xf32>
    %reduce_sum3A_442 = vector.multi_reduction <add>, %convert_element_type3A_440, %reduce_sum3A_441 [1] : vector<896x128xf32> to vector<896xf32>
    %broadcast_in_dim3A_443 = vector.shape_cast %reduce_sum3A_442 : vector<896xf32> to vector<896x1xf32>
    %add3A_444 = arith.addf %add3A_431, %broadcast_in_dim3A_443 : vector<896x1xf32>
    %get3A_445 = arith.constant 384 : index
    %get3A_446 = arith.constant 0 : index
    %get3A_447 = vector.load %arg3[%get3A_445, %get3A_446] : memref<896x896xbf16, #tpu.memory_space<vmem>>, vector<128x896xbf16>
    %transpose3A_448 = tpu.transpose %get3A_447, [1, 0] : vector<128x896xbf16> -> vector<896x128xbf16>
    %slice3A_449 = vector.extract_strided_slice %get3A_403 {offsets = [3, 0, 0], sizes = [1, 896, 128], strides = [1, 1, 1]} : vector<7x896x128xf32> to vector<1x896x128xf32>
    %squeeze3A_450 = vector.shape_cast %slice3A_449 : vector<1x896x128xf32> to vector<896x128xf32>
    %convert_element_type3A_451 = arith.truncf %squeeze3A_450 : vector<896x128xf32> to vector<896x128xbf16>
    %mul3A_452 = arith.mulf %convert_element_type3A_451, %transpose3A_448 : vector<896x128xbf16>
    %convert_element_type3A_453 = arith.extf %mul3A_452 : vector<896x128xbf16> to vector<896x128xf32>
    %reduce_sum3A_454 = arith.constant dense<0.000000e+00> : vector<896xf32>
    %reduce_sum3A_455 = vector.multi_reduction <add>, %convert_element_type3A_453, %reduce_sum3A_454 [1] : vector<896x128xf32> to vector<896xf32>
    %broadcast_in_dim3A_456 = vector.shape_cast %reduce_sum3A_455 : vector<896xf32> to vector<896x1xf32>
    %add3A_457 = arith.addf %add3A_444, %broadcast_in_dim3A_456 : vector<896x1xf32>
    %get3A_458 = arith.constant 512 : index
    %get3A_459 = arith.constant 0 : index
    %get3A_460 = vector.load %arg3[%get3A_458, %get3A_459] : memref<896x896xbf16, #tpu.memory_space<vmem>>, vector<128x896xbf16>
    %transpose3A_461 = tpu.transpose %get3A_460, [1, 0] : vector<128x896xbf16> -> vector<896x128xbf16>
    %slice3A_462 = vector.extract_strided_slice %get3A_403 {offsets = [4, 0, 0], sizes = [1, 896, 128], strides = [1, 1, 1]} : vector<7x896x128xf32> to vector<1x896x128xf32>
    %squeeze3A_463 = vector.shape_cast %slice3A_462 : vector<1x896x128xf32> to vector<896x128xf32>
    %convert_element_type3A_464 = arith.truncf %squeeze3A_463 : vector<896x128xf32> to vector<896x128xbf16>
    %mul3A_465 = arith.mulf %convert_element_type3A_464, %transpose3A_461 : vector<896x128xbf16>
    %convert_element_type3A_466 = arith.extf %mul3A_465 : vector<896x128xbf16> to vector<896x128xf32>
    %reduce_sum3A_467 = arith.constant dense<0.000000e+00> : vector<896xf32>
    %reduce_sum3A_468 = vector.multi_reduction <add>, %convert_element_type3A_466, %reduce_sum3A_467 [1] : vector<896x128xf32> to vector<896xf32>
    %broadcast_in_dim3A_469 = vector.shape_cast %reduce_sum3A_468 : vector<896xf32> to vector<896x1xf32>
    %add3A_470 = arith.addf %add3A_457, %broadcast_in_dim3A_469 : vector<896x1xf32>
    %get3A_471 = arith.constant 640 : index
    %get3A_472 = arith.constant 0 : index
    %get3A_473 = vector.load %arg3[%get3A_471, %get3A_472] : memref<896x896xbf16, #tpu.memory_space<vmem>>, vector<128x896xbf16>
    %transpose3A_474 = tpu.transpose %get3A_473, [1, 0] : vector<128x896xbf16> -> vector<896x128xbf16>
    %slice3A_475 = vector.extract_strided_slice %get3A_403 {offsets = [5, 0, 0], sizes = [1, 896, 128], strides = [1, 1, 1]} : vector<7x896x128xf32> to vector<1x896x128xf32>
    %squeeze3A_476 = vector.shape_cast %slice3A_475 : vector<1x896x128xf32> to vector<896x128xf32>
    %convert_element_type3A_477 = arith.truncf %squeeze3A_476 : vector<896x128xf32> to vector<896x128xbf16>
    %mul3A_478 = arith.mulf %convert_element_type3A_477, %transpose3A_474 : vector<896x128xbf16>
    %convert_element_type3A_479 = arith.extf %mul3A_478 : vector<896x128xbf16> to vector<896x128xf32>
    %reduce_sum3A_480 = arith.constant dense<0.000000e+00> : vector<896xf32>
    %reduce_sum3A_481 = vector.multi_reduction <add>, %convert_element_type3A_479, %reduce_sum3A_480 [1] : vector<896x128xf32> to vector<896xf32>
    %broadcast_in_dim3A_482 = vector.shape_cast %reduce_sum3A_481 : vector<896xf32> to vector<896x1xf32>
    %add3A_483 = arith.addf %add3A_470, %broadcast_in_dim3A_482 : vector<896x1xf32>
    %get3A_484 = arith.constant 768 : index
    %get3A_485 = arith.constant 0 : index
    %get3A_486 = vector.load %arg3[%get3A_484, %get3A_485] : memref<896x896xbf16, #tpu.memory_space<vmem>>, vector<128x896xbf16>
    %transpose3A_487 = tpu.transpose %get3A_486, [1, 0] : vector<128x896xbf16> -> vector<896x128xbf16>
    %slice3A_488 = vector.extract_strided_slice %get3A_403 {offsets = [6, 0, 0], sizes = [1, 896, 128], strides = [1, 1, 1]} : vector<7x896x128xf32> to vector<1x896x128xf32>
    %squeeze3A_489 = vector.shape_cast %slice3A_488 : vector<1x896x128xf32> to vector<896x128xf32>
    %convert_element_type3A_490 = arith.truncf %squeeze3A_489 : vector<896x128xf32> to vector<896x128xbf16>
    %mul3A_491 = arith.mulf %convert_element_type3A_490, %transpose3A_487 : vector<896x128xbf16>
    %convert_element_type3A_492 = arith.extf %mul3A_491 : vector<896x128xbf16> to vector<896x128xf32>
    %reduce_sum3A_493 = arith.constant dense<0.000000e+00> : vector<896xf32>
    %reduce_sum3A_494 = vector.multi_reduction <add>, %convert_element_type3A_492, %reduce_sum3A_493 [1] : vector<896x128xf32> to vector<896xf32>
    %broadcast_in_dim3A_495 = vector.shape_cast %reduce_sum3A_494 : vector<896xf32> to vector<896x1xf32>
    %add3A_496 = arith.addf %add3A_483, %broadcast_in_dim3A_495 : vector<896x1xf32>
    %gt3A_497 = arith.constant 0.000000e+00 : f32
    %gt3A_498 = vector.broadcast %gt3A_497 : f32 to vector<896x1xf32>
    %gt3A_499 = arith.cmpf ogt, %add3A_496, %gt3A_498 : vector<896x1xf32>
    %rsqrt3A_500 = math.rsqrt %add3A_496 : vector<896x1xf32>
    %jit3A_501 = arith.constant 0.000000e+00 : f32
    %broadcast_in_dim3A_502 = vector.broadcast %jit3A_501 : f32 to vector<896x1xf32>
    %select_n3A_503 = arith.select %gt3A_499, %rsqrt3A_500, %broadcast_in_dim3A_502 : vector<896x1xi1>, vector<896x1xf32>
    %mul3A_504 = arith.mulf %select_n3A_503, %get3A_4 : vector<896x1xf32>
    %get3A_505 = arith.constant 0 : index
    %get3A_506 = arith.constant 0 : index
    %get3A_507 = vector.load %arg16[%get3A_505, %get3A_506] : memref<512x512xbf16, #tpu.memory_space<vmem>>, vector<512x512xbf16>
    %dot_general3A_508 = arith.constant dense<0.000000e+00> : vector<896x512xf32>
    %dot_general3A_509 = tpu.matmul %get3A_1, %get3A_507, %dot_general3A_508 {dimension_numbers = #tpu.dot_dimension_numbers<[1], [0], [0], [1], [0, 0, 1, 1], [], []>, transpose_lhs_hint = false} : vector<896x512xbf16>, vector<512x512xbf16>, vector<896x512xf32> -> vector<896x512xf32>
    %mul3A_510 = vector.broadcast %mul3A_504 : vector<896x1xf32> to vector<896x512xf32>
    %mul3A_511 = arith.mulf %mul3A_510, %dot_general3A_509 : vector<896x512xf32>
    %convert_element_type3A_512 = arith.truncf %mul3A_511 : vector<896x512xf32> to vector<896x512xbf16>
    %slice3A_513 = vector.extract_strided_slice %convert_element_type3A_512 {offsets = [0, 0], sizes = [128, 512], strides = [1, 1]} : vector<896x512xbf16> to vector<128x512xbf16>
    %dot_general3A_514 = arith.constant dense<0.000000e+00> : vector<896x512xf32>
    %dot_general3A_515 = tpu.matmul %mul3A_413, %slice3A_513, %dot_general3A_514 {dimension_numbers = #tpu.dot_dimension_numbers<[1], [0], [0], [1], [0, 0, 1, 1], [], []>, transpose_lhs_hint = false} : vector<896x128xbf16>, vector<128x512xbf16>, vector<896x512xf32> -> vector<896x512xf32>
    %add3A_516 = arith.addf %mul3A_511, %dot_general3A_515 : vector<896x512xf32>
    %slice3A_517 = vector.extract_strided_slice %convert_element_type3A_512 {offsets = [128, 0], sizes = [128, 512], strides = [1, 1]} : vector<896x512xbf16> to vector<128x512xbf16>
    %dot_general3A_518 = arith.constant dense<0.000000e+00> : vector<896x512xf32>
    %dot_general3A_519 = tpu.matmul %mul3A_426, %slice3A_517, %dot_general3A_518 {dimension_numbers = #tpu.dot_dimension_numbers<[1], [0], [0], [1], [0, 0, 1, 1], [], []>, transpose_lhs_hint = false} : vector<896x128xbf16>, vector<128x512xbf16>, vector<896x512xf32> -> vector<896x512xf32>
    %add3A_520 = arith.addf %add3A_516, %dot_general3A_519 : vector<896x512xf32>
    %slice3A_521 = vector.extract_strided_slice %convert_element_type3A_512 {offsets = [256, 0], sizes = [128, 512], strides = [1, 1]} : vector<896x512xbf16> to vector<128x512xbf16>
    %dot_general3A_522 = arith.constant dense<0.000000e+00> : vector<896x512xf32>
    %dot_general3A_523 = tpu.matmul %mul3A_439, %slice3A_521, %dot_general3A_522 {dimension_numbers = #tpu.dot_dimension_numbers<[1], [0], [0], [1], [0, 0, 1, 1], [], []>, transpose_lhs_hint = false} : vector<896x128xbf16>, vector<128x512xbf16>, vector<896x512xf32> -> vector<896x512xf32>
    %add3A_524 = arith.addf %add3A_520, %dot_general3A_523 : vector<896x512xf32>
    %slice3A_525 = vector.extract_strided_slice %convert_element_type3A_512 {offsets = [384, 0], sizes = [128, 512], strides = [1, 1]} : vector<896x512xbf16> to vector<128x512xbf16>
    %dot_general3A_526 = arith.constant dense<0.000000e+00> : vector<896x512xf32>
    %dot_general3A_527 = tpu.matmul %mul3A_452, %slice3A_525, %dot_general3A_526 {dimension_numbers = #tpu.dot_dimension_numbers<[1], [0], [0], [1], [0, 0, 1, 1], [], []>, transpose_lhs_hint = false} : vector<896x128xbf16>, vector<128x512xbf16>, vector<896x512xf32> -> vector<896x512xf32>
    %add3A_528 = arith.addf %add3A_524, %dot_general3A_527 : vector<896x512xf32>
    %slice3A_529 = vector.extract_strided_slice %convert_element_type3A_512 {offsets = [512, 0], sizes = [128, 512], strides = [1, 1]} : vector<896x512xbf16> to vector<128x512xbf16>
    %dot_general3A_530 = arith.constant dense<0.000000e+00> : vector<896x512xf32>
    %dot_general3A_531 = tpu.matmul %mul3A_465, %slice3A_529, %dot_general3A_530 {dimension_numbers = #tpu.dot_dimension_numbers<[1], [0], [0], [1], [0, 0, 1, 1], [], []>, transpose_lhs_hint = false} : vector<896x128xbf16>, vector<128x512xbf16>, vector<896x512xf32> -> vector<896x512xf32>
    %add3A_532 = arith.addf %add3A_528, %dot_general3A_531 : vector<896x512xf32>
    %slice3A_533 = vector.extract_strided_slice %convert_element_type3A_512 {offsets = [640, 0], sizes = [128, 512], strides = [1, 1]} : vector<896x512xbf16> to vector<128x512xbf16>
    %dot_general3A_534 = arith.constant dense<0.000000e+00> : vector<896x512xf32>
    %dot_general3A_535 = tpu.matmul %mul3A_478, %slice3A_533, %dot_general3A_534 {dimension_numbers = #tpu.dot_dimension_numbers<[1], [0], [0], [1], [0, 0, 1, 1], [], []>, transpose_lhs_hint = false} : vector<896x128xbf16>, vector<128x512xbf16>, vector<896x512xf32> -> vector<896x512xf32>
    %add3A_536 = arith.addf %add3A_532, %dot_general3A_535 : vector<896x512xf32>
    %slice3A_537 = vector.extract_strided_slice %convert_element_type3A_512 {offsets = [768, 0], sizes = [128, 512], strides = [1, 1]} : vector<896x512xbf16> to vector<128x512xbf16>
    %dot_general3A_538 = arith.constant dense<0.000000e+00> : vector<896x512xf32>
    %dot_general3A_539 = tpu.matmul %mul3A_491, %slice3A_537, %dot_general3A_538 {dimension_numbers = #tpu.dot_dimension_numbers<[1], [0], [0], [1], [0, 0, 1, 1], [], []>, transpose_lhs_hint = false} : vector<896x128xbf16>, vector<128x512xbf16>, vector<896x512xf32> -> vector<896x512xf32>
    %add3A_540 = arith.addf %add3A_536, %dot_general3A_539 : vector<896x512xf32>
    %mul3A_541 = vector.broadcast %mul3A_504 : vector<896x1xf32> to vector<896x512xf32>
    %mul3A_542 = arith.mulf %mul3A_541, %add3A_540 : vector<896x512xf32>
    %get3A_543 = arith.constant 0 : index
    %get3A_544 = arith.constant 0 : index
    %get3A_545 = vector.load %arg17[%get3A_543, %get3A_544] : memref<1x512xf32, #tpu.memory_space<vmem>>, vector<1x512xf32>
    %add3A_546 = vector.broadcast %get3A_545 : vector<1x512xf32> to vector<896x512xf32>
    %add3A_547 = arith.addf %mul3A_542, %add3A_546 : vector<896x512xf32>
    %max3A_548 = arith.constant 0.000000e+00 : f32
    %max3A_549 = vector.broadcast %max3A_548 : f32 to vector<896x512xf32>
    %max3A_550 = arith.maximumf %add3A_547, %max3A_549 : vector<896x512xf32>
    %mul3A_551 = vector.broadcast %get3A_4 : vector<896x1xf32> to vector<896x512xf32>
    %mul3A_552 = arith.mulf %max3A_550, %mul3A_551 : vector<896x512xf32>
    %convert_element_type3A_553 = arith.truncf %mul3A_552 : vector<896x512xf32> to vector<896x512xbf16>
    %get3A_554 = arith.constant 0 : index
    %get3A_555 = arith.constant 0 : index
    %get3A_556 = vector.load %arg18[%get3A_554, %get3A_555] : memref<512x512xbf16, #tpu.memory_space<vmem>>, vector<512x512xbf16>
    %dot_general3A_557 = arith.constant dense<0.000000e+00> : vector<896x512xf32>
    %dot_general3A_558 = tpu.matmul %convert_element_type3A_553, %get3A_556, %dot_general3A_557 {dimension_numbers = #tpu.dot_dimension_numbers<[1], [0], [0], [1], [0, 0, 1, 1], [], []>, transpose_lhs_hint = false} : vector<896x512xbf16>, vector<512x512xbf16>, vector<896x512xf32> -> vector<896x512xf32>
    %mul3A_559 = vector.broadcast %mul3A_504 : vector<896x1xf32> to vector<896x512xf32>
    %mul3A_560 = arith.mulf %mul3A_559, %dot_general3A_558 : vector<896x512xf32>
    %convert_element_type3A_561 = arith.truncf %mul3A_560 : vector<896x512xf32> to vector<896x512xbf16>
    %slice3A_562 = vector.extract_strided_slice %convert_element_type3A_561 {offsets = [0, 0], sizes = [128, 512], strides = [1, 1]} : vector<896x512xbf16> to vector<128x512xbf16>
    %dot_general3A_563 = arith.constant dense<0.000000e+00> : vector<896x512xf32>
    %dot_general3A_564 = tpu.matmul %mul3A_413, %slice3A_562, %dot_general3A_563 {dimension_numbers = #tpu.dot_dimension_numbers<[1], [0], [0], [1], [0, 0, 1, 1], [], []>, transpose_lhs_hint = false} : vector<896x128xbf16>, vector<128x512xbf16>, vector<896x512xf32> -> vector<896x512xf32>
    %add3A_565 = arith.addf %mul3A_560, %dot_general3A_564 : vector<896x512xf32>
    %slice3A_566 = vector.extract_strided_slice %convert_element_type3A_561 {offsets = [128, 0], sizes = [128, 512], strides = [1, 1]} : vector<896x512xbf16> to vector<128x512xbf16>
    %dot_general3A_567 = arith.constant dense<0.000000e+00> : vector<896x512xf32>
    %dot_general3A_568 = tpu.matmul %mul3A_426, %slice3A_566, %dot_general3A_567 {dimension_numbers = #tpu.dot_dimension_numbers<[1], [0], [0], [1], [0, 0, 1, 1], [], []>, transpose_lhs_hint = false} : vector<896x128xbf16>, vector<128x512xbf16>, vector<896x512xf32> -> vector<896x512xf32>
    %add3A_569 = arith.addf %add3A_565, %dot_general3A_568 : vector<896x512xf32>
    %slice3A_570 = vector.extract_strided_slice %convert_element_type3A_561 {offsets = [256, 0], sizes = [128, 512], strides = [1, 1]} : vector<896x512xbf16> to vector<128x512xbf16>
    %dot_general3A_571 = arith.constant dense<0.000000e+00> : vector<896x512xf32>
    %dot_general3A_572 = tpu.matmul %mul3A_439, %slice3A_570, %dot_general3A_571 {dimension_numbers = #tpu.dot_dimension_numbers<[1], [0], [0], [1], [0, 0, 1, 1], [], []>, transpose_lhs_hint = false} : vector<896x128xbf16>, vector<128x512xbf16>, vector<896x512xf32> -> vector<896x512xf32>
    %add3A_573 = arith.addf %add3A_569, %dot_general3A_572 : vector<896x512xf32>
    %slice3A_574 = vector.extract_strided_slice %convert_element_type3A_561 {offsets = [384, 0], sizes = [128, 512], strides = [1, 1]} : vector<896x512xbf16> to vector<128x512xbf16>
    %dot_general3A_575 = arith.constant dense<0.000000e+00> : vector<896x512xf32>
    %dot_general3A_576 = tpu.matmul %mul3A_452, %slice3A_574, %dot_general3A_575 {dimension_numbers = #tpu.dot_dimension_numbers<[1], [0], [0], [1], [0, 0, 1, 1], [], []>, transpose_lhs_hint = false} : vector<896x128xbf16>, vector<128x512xbf16>, vector<896x512xf32> -> vector<896x512xf32>
    %add3A_577 = arith.addf %add3A_573, %dot_general3A_576 : vector<896x512xf32>
    %slice3A_578 = vector.extract_strided_slice %convert_element_type3A_561 {offsets = [512, 0], sizes = [128, 512], strides = [1, 1]} : vector<896x512xbf16> to vector<128x512xbf16>
    %dot_general3A_579 = arith.constant dense<0.000000e+00> : vector<896x512xf32>
    %dot_general3A_580 = tpu.matmul %mul3A_465, %slice3A_578, %dot_general3A_579 {dimension_numbers = #tpu.dot_dimension_numbers<[1], [0], [0], [1], [0, 0, 1, 1], [], []>, transpose_lhs_hint = false} : vector<896x128xbf16>, vector<128x512xbf16>, vector<896x512xf32> -> vector<896x512xf32>
    %add3A_581 = arith.addf %add3A_577, %dot_general3A_580 : vector<896x512xf32>
    %slice3A_582 = vector.extract_strided_slice %convert_element_type3A_561 {offsets = [640, 0], sizes = [128, 512], strides = [1, 1]} : vector<896x512xbf16> to vector<128x512xbf16>
    %dot_general3A_583 = arith.constant dense<0.000000e+00> : vector<896x512xf32>
    %dot_general3A_584 = tpu.matmul %mul3A_478, %slice3A_582, %dot_general3A_583 {dimension_numbers = #tpu.dot_dimension_numbers<[1], [0], [0], [1], [0, 0, 1, 1], [], []>, transpose_lhs_hint = false} : vector<896x128xbf16>, vector<128x512xbf16>, vector<896x512xf32> -> vector<896x512xf32>
    %add3A_585 = arith.addf %add3A_581, %dot_general3A_584 : vector<896x512xf32>
    %slice3A_586 = vector.extract_strided_slice %convert_element_type3A_561 {offsets = [768, 0], sizes = [128, 512], strides = [1, 1]} : vector<896x512xbf16> to vector<128x512xbf16>
    %dot_general3A_587 = arith.constant dense<0.000000e+00> : vector<896x512xf32>
    %dot_general3A_588 = tpu.matmul %mul3A_491, %slice3A_586, %dot_general3A_587 {dimension_numbers = #tpu.dot_dimension_numbers<[1], [0], [0], [1], [0, 0, 1, 1], [], []>, transpose_lhs_hint = false} : vector<896x128xbf16>, vector<128x512xbf16>, vector<896x512xf32> -> vector<896x512xf32>
    %add3A_589 = arith.addf %add3A_585, %dot_general3A_588 : vector<896x512xf32>
    %mul3A_590 = vector.broadcast %mul3A_504 : vector<896x1xf32> to vector<896x512xf32>
    %mul3A_591 = arith.mulf %mul3A_590, %add3A_589 : vector<896x512xf32>
    %get3A_592 = arith.constant 0 : index
    %get3A_593 = arith.constant 0 : index
    %get3A_594 = vector.load %arg19[%get3A_592, %get3A_593] : memref<1x512xf32, #tpu.memory_space<vmem>>, vector<1x512xf32>
    %add3A_595 = vector.broadcast %get3A_594 : vector<1x512xf32> to vector<896x512xf32>
    %add3A_596 = arith.addf %mul3A_591, %add3A_595 : vector<896x512xf32>
    %max3A_597 = arith.constant 0.000000e+00 : f32
    %max3A_598 = vector.broadcast %max3A_597 : f32 to vector<896x512xf32>
    %max3A_599 = arith.maximumf %add3A_596, %max3A_598 : vector<896x512xf32>
    %mul3A_600 = vector.broadcast %get3A_4 : vector<896x1xf32> to vector<896x512xf32>
    %mul3A_601 = arith.mulf %max3A_599, %mul3A_600 : vector<896x512xf32>
    %get3A_602 = arith.constant 0 : index
    %get3A_603 = arith.constant 0 : index
    %get3A_604 = vector.load %arg21[%get3A_602, %get3A_603] : memref<1x32xf32, #tpu.memory_space<vmem>>, vector<1x32xf32>
    %reduce_sum3A_605 = vector.shape_cast %mul3A_143 : vector<896x512xf32> to vector<1x896x512xf32>
    %reduce_sum3A_606 = arith.constant dense<0.000000e+00> : vector<1xf32>
    %reduce_sum3A_607 = vector.multi_reduction <add>, %reduce_sum3A_605, %reduce_sum3A_606 [1, 2] : vector<1x896x512xf32> to vector<1xf32>
    %reduce_sum3A_608 = vector.shape_cast %reduce_sum3A_607 : vector<1xf32> to vector<1x1x1xf32>
    %reduce_sum3A_609 = vector.extract %reduce_sum3A_608[0, 0, 0] : f32 from vector<1x1x1xf32>
    %mul3A_610 = arith.constant 2.28971271E-6 : f32
    %mul3A_611 = arith.mulf %reduce_sum3A_609, %mul3A_610 : f32
    %get3A_612 = arith.constant 0 : index
    %get3A_613 = arith.constant 0 : index
    %get3A_614 = vector.load %arg20[%get3A_612, %get3A_613] : memref<8x32xf32, #tpu.memory_space<vmem>>, vector<1x32xf32>
    %mul3A_615 = vector.broadcast %mul3A_611 : f32 to vector<1x32xf32>
    %mul3A_616 = arith.mulf %mul3A_615, %get3A_614 : vector<1x32xf32>
    %add3A_617 = arith.addf %get3A_604, %mul3A_616 : vector<1x32xf32>
    %reduce_sum3A_618 = vector.shape_cast %mul3A_192 : vector<896x512xf32> to vector<1x896x512xf32>
    %reduce_sum3A_619 = arith.constant dense<0.000000e+00> : vector<1xf32>
    %reduce_sum3A_620 = vector.multi_reduction <add>, %reduce_sum3A_618, %reduce_sum3A_619 [1, 2] : vector<1x896x512xf32> to vector<1xf32>
    %reduce_sum3A_621 = vector.shape_cast %reduce_sum3A_620 : vector<1xf32> to vector<1x1x1xf32>
    %reduce_sum3A_622 = vector.extract %reduce_sum3A_621[0, 0, 0] : f32 from vector<1x1x1xf32>
    %mul3A_623 = arith.constant 2.28971271E-6 : f32
    %mul3A_624 = arith.mulf %reduce_sum3A_622, %mul3A_623 : f32
    %get3A_625 = arith.constant 1 : index
    %get3A_626 = arith.constant 0 : index
    %get3A_627 = vector.load %arg20[%get3A_625, %get3A_626] : memref<8x32xf32, #tpu.memory_space<vmem>>, vector<1x32xf32>
    %mul3A_628 = vector.broadcast %mul3A_624 : f32 to vector<1x32xf32>
    %mul3A_629 = arith.mulf %mul3A_628, %get3A_627 : vector<1x32xf32>
    %add3A_630 = arith.addf %add3A_617, %mul3A_629 : vector<1x32xf32>
    %reduce_sum3A_631 = vector.shape_cast %mul3A_350 : vector<896x512xf32> to vector<1x896x512xf32>
    %reduce_sum3A_632 = arith.constant dense<0.000000e+00> : vector<1xf32>
    %reduce_sum3A_633 = vector.multi_reduction <add>, %reduce_sum3A_631, %reduce_sum3A_632 [1, 2] : vector<1x896x512xf32> to vector<1xf32>
    %reduce_sum3A_634 = vector.shape_cast %reduce_sum3A_633 : vector<1xf32> to vector<1x1x1xf32>
    %reduce_sum3A_635 = vector.extract %reduce_sum3A_634[0, 0, 0] : f32 from vector<1x1x1xf32>
    %mul3A_636 = arith.constant 2.28971271E-6 : f32
    %mul3A_637 = arith.mulf %reduce_sum3A_635, %mul3A_636 : f32
    %get3A_638 = arith.constant 2 : index
    %get3A_639 = arith.constant 0 : index
    %get3A_640 = vector.load %arg20[%get3A_638, %get3A_639] : memref<8x32xf32, #tpu.memory_space<vmem>>, vector<1x32xf32>
    %mul3A_641 = vector.broadcast %mul3A_637 : f32 to vector<1x32xf32>
    %mul3A_642 = arith.mulf %mul3A_641, %get3A_640 : vector<1x32xf32>
    %add3A_643 = arith.addf %add3A_630, %mul3A_642 : vector<1x32xf32>
    %reduce_sum3A_644 = vector.shape_cast %mul3A_399 : vector<896x512xf32> to vector<1x896x512xf32>
    %reduce_sum3A_645 = arith.constant dense<0.000000e+00> : vector<1xf32>
    %reduce_sum3A_646 = vector.multi_reduction <add>, %reduce_sum3A_644, %reduce_sum3A_645 [1, 2] : vector<1x896x512xf32> to vector<1xf32>
    %reduce_sum3A_647 = vector.shape_cast %reduce_sum3A_646 : vector<1xf32> to vector<1x1x1xf32>
    %reduce_sum3A_648 = vector.extract %reduce_sum3A_647[0, 0, 0] : f32 from vector<1x1x1xf32>
    %mul3A_649 = arith.constant 2.28971271E-6 : f32
    %mul3A_650 = arith.mulf %reduce_sum3A_648, %mul3A_649 : f32
    %get3A_651 = arith.constant 3 : index
    %get3A_652 = arith.constant 0 : index
    %get3A_653 = vector.load %arg20[%get3A_651, %get3A_652] : memref<8x32xf32, #tpu.memory_space<vmem>>, vector<1x32xf32>
    %mul3A_654 = vector.broadcast %mul3A_650 : f32 to vector<1x32xf32>
    %mul3A_655 = arith.mulf %mul3A_654, %get3A_653 : vector<1x32xf32>
    %add3A_656 = arith.addf %add3A_643, %mul3A_655 : vector<1x32xf32>
    %reduce_sum3A_657 = vector.shape_cast %mul3A_552 : vector<896x512xf32> to vector<1x896x512xf32>
    %reduce_sum3A_658 = arith.constant dense<0.000000e+00> : vector<1xf32>
    %reduce_sum3A_659 = vector.multi_reduction <add>, %reduce_sum3A_657, %reduce_sum3A_658 [1, 2] : vector<1x896x512xf32> to vector<1xf32>
    %reduce_sum3A_660 = vector.shape_cast %reduce_sum3A_659 : vector<1xf32> to vector<1x1x1xf32>
    %reduce_sum3A_661 = vector.extract %reduce_sum3A_660[0, 0, 0] : f32 from vector<1x1x1xf32>
    %mul3A_662 = arith.constant 2.28971271E-6 : f32
    %mul3A_663 = arith.mulf %reduce_sum3A_661, %mul3A_662 : f32
    %get3A_664 = arith.constant 4 : index
    %get3A_665 = arith.constant 0 : index
    %get3A_666 = vector.load %arg20[%get3A_664, %get3A_665] : memref<8x32xf32, #tpu.memory_space<vmem>>, vector<1x32xf32>
    %mul3A_667 = vector.broadcast %mul3A_663 : f32 to vector<1x32xf32>
    %mul3A_668 = arith.mulf %mul3A_667, %get3A_666 : vector<1x32xf32>
    %add3A_669 = arith.addf %add3A_656, %mul3A_668 : vector<1x32xf32>
    %reduce_sum3A_670 = vector.shape_cast %mul3A_601 : vector<896x512xf32> to vector<1x896x512xf32>
    %reduce_sum3A_671 = arith.constant dense<0.000000e+00> : vector<1xf32>
    %reduce_sum3A_672 = vector.multi_reduction <add>, %reduce_sum3A_670, %reduce_sum3A_671 [1, 2] : vector<1x896x512xf32> to vector<1xf32>
    %reduce_sum3A_673 = vector.shape_cast %reduce_sum3A_672 : vector<1xf32> to vector<1x1x1xf32>
    %reduce_sum3A_674 = vector.extract %reduce_sum3A_673[0, 0, 0] : f32 from vector<1x1x1xf32>
    %mul3A_675 = arith.constant 2.28971271E-6 : f32
    %mul3A_676 = arith.mulf %reduce_sum3A_674, %mul3A_675 : f32
    %get3A_677 = arith.constant 5 : index
    %get3A_678 = arith.constant 0 : index
    %get3A_679 = vector.load %arg20[%get3A_677, %get3A_678] : memref<8x32xf32, #tpu.memory_space<vmem>>, vector<1x32xf32>
    %mul3A_680 = vector.broadcast %mul3A_676 : f32 to vector<1x32xf32>
    %mul3A_681 = arith.mulf %mul3A_680, %get3A_679 : vector<1x32xf32>
    %add3A_682 = arith.addf %add3A_669, %mul3A_681 : vector<1x32xf32>
    %max3A_683 = arith.constant 0.000000e+00 : f32
    %max3A_684 = vector.broadcast %max3A_683 : f32 to vector<1x32xf32>
    %max3A_685 = arith.maximumf %add3A_682, %max3A_684 : vector<1x32xf32>
    %get3A_686 = arith.constant 0 : index
    %get3A_687 = arith.constant 0 : index
    %get3A_688 = vector.load %arg22[%get3A_686, %get3A_687] : memref<32x8xf32, #tpu.memory_space<vmem>>, vector<32x8xf32>
    %dot_general3A_689 = arith.constant dense<0.000000e+00> : vector<1x8xf32>
    %dot_general3A_690 = tpu.matmul %max3A_685, %get3A_688, %dot_general3A_689 {dimension_numbers = #tpu.dot_dimension_numbers<[1], [0], [0], [1], [0, 0, 1, 1], [], []>, transpose_lhs_hint = false} : vector<1x32xf32>, vector<32x8xf32>, vector<1x8xf32> -> vector<1x8xf32>
    %get3A_691 = arith.constant 0 : index
    %get3A_692 = arith.constant 0 : index
    %get3A_693 = vector.load %arg23[%get3A_691, %get3A_692] : memref<1x8xf32, #tpu.memory_space<vmem>>, vector<1x8xf32>
    %add3A_694 = arith.addf %dot_general3A_690, %get3A_693 : vector<1x8xf32>
    %neg3A = arith.constant 0.000000e+00 : f32
    %neg3A_695 = vector.broadcast %neg3A : f32 to vector<1x8xf32>
    %neg3A_696 = arith.subf %neg3A_695, %add3A_694 : vector<1x8xf32>
    %exp3A = math.exp %neg3A_696 : vector<1x8xf32>
    %add3A_697 = arith.constant 1.000000e+00 : f32
    %add3A_698 = vector.broadcast %add3A_697 : f32 to vector<1x8xf32>
    %add3A_699 = arith.addf %add3A_698, %exp3A : vector<1x8xf32>
    %div3A = arith.constant 1.000000e+00 : f32
    %div3A_700 = vector.broadcast %div3A : f32 to vector<1x8xf32>
    %div3A_701 = arith.divf %div3A_700, %add3A_699 : vector<1x8xf32>
    %get3A_702 = arith.constant 0 : index
    %get3A_703 = arith.constant 0 : index
    %get3A_704 = vector.load %arg24[%get3A_702, %get3A_703] : memref<1x8xf32, #tpu.memory_space<vmem>>, vector<1x8xf32>
    %mul3A_705 = arith.mulf %div3A_701, %get3A_704 : vector<1x8xf32>
    %get3A_706 = arith.constant 0 : index
    %get3A_707 = arith.constant 0 : index
    %get3A_708 = vector.load %arg25[%get3A_706, %get3A_707] : memref<1x1xf32, #tpu.memory_space<vmem>>, vector<1x1xf32>
    %get3A_709 = vector.extract %get3A_708[0, 0] : f32 from vector<1x1xf32>
    %broadcast_in_dim3A_710 = vector.broadcast %get3A_709 : f32 to vector<896x512xf32>
    %slice3A_711 = vector.extract_strided_slice %mul3A_705 {offsets = [0, 0], sizes = [1, 1], strides = [1, 1]} : vector<1x8xf32> to vector<1x1xf32>
    %mul3A_712 = vector.broadcast %slice3A_711 : vector<1x1xf32> to vector<896x512xf32>
    %mul3A_713 = arith.mulf %mul3A_712, %mul3A_143 : vector<896x512xf32>
    %add3A_714 = arith.addf %broadcast_in_dim3A_710, %mul3A_713 : vector<896x512xf32>
    %slice3A_715 = vector.extract_strided_slice %mul3A_705 {offsets = [0, 1], sizes = [1, 1], strides = [1, 1]} : vector<1x8xf32> to vector<1x1xf32>
    %mul3A_716 = vector.broadcast %slice3A_715 : vector<1x1xf32> to vector<896x512xf32>
    %mul3A_717 = arith.mulf %mul3A_716, %mul3A_192 : vector<896x512xf32>
    %add3A_718 = arith.addf %add3A_714, %mul3A_717 : vector<896x512xf32>
    %slice3A_719 = vector.extract_strided_slice %mul3A_705 {offsets = [0, 2], sizes = [1, 1], strides = [1, 1]} : vector<1x8xf32> to vector<1x1xf32>
    %mul3A_720 = vector.broadcast %slice3A_719 : vector<1x1xf32> to vector<896x512xf32>
    %mul3A_721 = arith.mulf %mul3A_720, %mul3A_350 : vector<896x512xf32>
    %add3A_722 = arith.addf %add3A_718, %mul3A_721 : vector<896x512xf32>
    %slice3A_723 = vector.extract_strided_slice %mul3A_705 {offsets = [0, 3], sizes = [1, 1], strides = [1, 1]} : vector<1x8xf32> to vector<1x1xf32>
    %mul3A_724 = vector.broadcast %slice3A_723 : vector<1x1xf32> to vector<896x512xf32>
    %mul3A_725 = arith.mulf %mul3A_724, %mul3A_399 : vector<896x512xf32>
    %add3A_726 = arith.addf %add3A_722, %mul3A_725 : vector<896x512xf32>
    %slice3A_727 = vector.extract_strided_slice %mul3A_705 {offsets = [0, 4], sizes = [1, 1], strides = [1, 1]} : vector<1x8xf32> to vector<1x1xf32>
    %mul3A_728 = vector.broadcast %slice3A_727 : vector<1x1xf32> to vector<896x512xf32>
    %mul3A_729 = arith.mulf %mul3A_728, %mul3A_552 : vector<896x512xf32>
    %add3A_730 = arith.addf %add3A_726, %mul3A_729 : vector<896x512xf32>
    %slice3A_731 = vector.extract_strided_slice %mul3A_705 {offsets = [0, 5], sizes = [1, 1], strides = [1, 1]} : vector<1x8xf32> to vector<1x1xf32>
    %mul3A_732 = vector.broadcast %slice3A_731 : vector<1x1xf32> to vector<896x512xf32>
    %mul3A_733 = arith.mulf %mul3A_732, %mul3A_601 : vector<896x512xf32>
    %add3A_734 = arith.addf %add3A_730, %mul3A_733 : vector<896x512xf32>
    %slice3A_735 = vector.extract_strided_slice %add3A_734 {offsets = [0, 0], sizes = [853, 512], strides = [1, 1]} : vector<896x512xf32> to vector<853x512xf32>
    %swap3A = arith.constant 0 : index
    %swap3A_736 = arith.constant 0 : index
    %swap3A_737 = vector.load %arg27[%swap3A, %swap3A_736] : memref<853x512xf32, #tpu.memory_space<vmem>>, vector<853x512xf32>
    tpu.vector_store %arg27[%swap3A, %swap3A_736], %slice3A_735 {strides = array<i32>} : memref<853x512xf32, #tpu.memory_space<vmem>>, vector<853x512xf32>,
    return
  }
}

</mosaic_0001>

<sc_bundles>
// kernel: kernel.4.cloned.1.call-start
scs
__scs_entry_jumppad:
0x0: {  	(pc) =	sbr.rel $0x88, $3  }
0x1: {  	(tag) =	ssettag $0x0;
	lr =	simm.s32 $0x1  }
0x2: {  	[smem:$0x3F88] =	sst lr;
	_ =	strace $0xD0000000  }
0x3: {  	_ = 	snop  }
0x4: {  	_ = 	snop  }
0x5: {  	_ = 	snop  }
0x6: {  	_ = 	snop  }
0x7: {  	_ = 	snop  }
__scs_overlays_trampoline_lowered:
0x8: {  	[smem:$0x3F97] =	sst s0  }
0x9: {  	[smem:$0x3F98] =	sst s1  }
0xa: {  	[smem:$0x3F99] =	sst s2  }
0xb: {  	[smem:$0x3F9A] =	sst s3  }
0xc: {  	[smem:$0x3F9B] =	sst s4  }
0xd: {  	[smem:$0x3F9C] =	sst s5  }
0xe: {  	[smem:$0x3F9D] =	sst s6  }
0xf: {  	[smem:$0x3F9E] =	sst s7  }
0x10: {  	[smem:$0x3F9F] =	sst s8  }
0x11: {  	[smem:$0x3FA0] =	sst s9;
	s0 =	simm.s32 @!p0 $0x0  }
0x12: {  	s1 =	sld [smem:$0x3F86];
	s0 =	simm.s32 @p0 $0x1  }
0x13: {  	[smem:$0x3FA1] =	sst s0;
	s0 =	simm.s32 @!p1 $0x0  }
0x14: {  	s2 =	sld [smem:$0x3F85];
	s0 =	simm.s32 @p1 $0x1  }
0x15: {  	[smem:$0x3FA2] =	sst s0;
	s0 =	simm.s32 @!p2 $0x0  }
0x16: {  	s3 =	sld [smem:$0x3FDB];
	s0 =	simm.s32 @p2 $0x1  }
0x17: {  	s4 =	simm.s32 $0x1BF5;
	[smem:$0x3FA4] =	sst s0  }
0x18: {  	s0 =	sld [smem:$0x3F87];
	_ =	swait.ge [sflag:s4], $0x0  }
0x19: {  	s7 =	sld [smem:$0x3F88]  }
0x1a: {  	s8 =	sadd.s32 $0xFFFFE003, lr  }
0x1b: {  	s9 =	sadd.s32 $0xFFFFFEF7, lr;
	s5 =	simm.s32 $0xFFFFFFFF;
	p2 =	slt.u32 s8, $0xFFFFF086  }
0x1c: {  	p1 =	slt.u32 s9, $0xF7A;
	s5 =	simm.s32 @!p2 $0x0  }
0x1d: {  	s5 =	simm.s32 @p1 $0x1;
	p0 =	seq.s32 s7, s2  }
0x1e: {  	s7 =	smul.u32 @!p0 $0xF7A, s2;
	p2 =	seq.s32 @!p0 s5, $0x0  }
0x1f: {  	s9 =	smul.u32 $0xF7A, s1;
	s8 =	simm.s32 @!p0 $0x1BF5;
	p2 =	por !p2, p0  }
0x20: {  	[sflag:s8] =	ssyncset.s32 @!p0 $0xFFFFF086;
	s6 =	sadd.s32 @!p0 s3, s7;
	s7 =	simm.s32 @!p0 $0x108  }
0x21: {  	s3 =	sadd.s32 s3, s9;
	s6 =	sadd.s32 @!p0 $0x88, s6;
	s7 =	simm.s32 @p2 $0x1082  }
0x22: {  	[simem:s7], [sflag:s8] =	dma.local @!p0 [hbm:s6], $0xF7A  }
0x23: {  	s9 =	sor.u32 $0xD0000000, s2;
	s6 =	simm.s32 $0x108;
	_ =	swait.ge @!p0 [sflag:s8], $0x0  }
0x24: {  	s3 =	sadd.s32 $0x88, s3;
	s6 =	simm.s32 @!p1 $0x1082;
	[sflag:s4] =	ssyncset.s32 $0xFFFFF086  }
0x25: {  	[simem:s6], [sflag:s4] =	dma.local [hbm:s3], $0xF7A  }
0x26: {  	[smem:$0x3F88] =	sst s1;
	(tag) =	ssettag s2;
	_ =	strace s9  }
0x27: {  	s1 =	sld [smem:$0x3F98]  }
0x28: {  	s2 =	sld [smem:$0x3F99]  }
0x29: {  	s4 =	sld [smem:$0x3F9B]  }
0x2a: {  	p0 =	seq.s32 s5, $0x0;
	s5 =	sld [smem:$0x3F9C]  }
0x2b: {  	s6 =	sld [smem:$0x3F9D]  }
0x2c: {  	s7 =	sld [smem:$0x3F9E]  }
0x2d: {  	s3 =	simm.s32 $0x108;
	s8 =	sld [smem:$0x3F9F]  }
0x2e: {  	s3 =	simm.s32 @!p0 $0x1082;
	s9 =	sld [smem:$0x3FA0]  }
0x2f: {  	lr =	sadd.s32 s0, s3;
	s0 =	sld [smem:$0x3F97]  }
0x30: {  	s3 =	sld [smem:$0x3F9A]  }
0x31: {  	[smem:$0x3FA3] =	sst s10  }
0x32: {  	s10 =	sld [smem:$0x3FA1];
	_ =	sdelay $0x3  }
0x33: {  	p0 =	seq.s32 s10, $0x1;
	s10 =	sld [smem:$0x3FA3];
	_ =	sdelay $0x3  }
0x34: {  	[smem:$0x3FA3] =	sst s10  }
0x35: {  	s10 =	sld [smem:$0x3FA2];
	_ =	sdelay $0x3  }
0x36: {  	p1 =	seq.s32 s10, $0x1;
	s10 =	sld [smem:$0x3FA3];
	_ =	sdelay $0x3  }
0x37: {  	[smem:$0x3FA3] =	sst s10  }
0x38: {  	s10 =	sld [smem:$0x3FA4]  }
0x39: {  	_ = 	snop;
	(pc) =	sbr.ind lr, $3  }
0x3a: {  	_ = 	snop  }
0x3b: {  	_ = 	snop  }
0x3c: {  	p2 =	seq.s32 s10, $0x1;
	s10 =	sld [smem:$0x3FA3]  }
0x3d: {  	_ =	shalt  }
0x3e: {  	_ =	shalt  }
0x3f: {  	_ =	shalt  }
0x40: {  	_ =	shalt  }
0x41: {  	_ =	shalt  }
0x42: {  	_ =	shalt  }
0x43: {  	_ =	shalt  }
0x44: {  	_ =	shalt  }
0x45: {  	_ =	shalt  }
0x46: {  	_ =	shalt  }
0x47: {  	_ =	shalt  }
0x48: {  	_ =	shalt  }
0x49: {  	_ =	shalt  }
0x4a: {  	_ =	shalt  }
0x4b: {  	_ =	shalt  }
0x4c: {  	_ =	shalt  }
0x4d: {  	_ =	shalt  }
0x4e: {  	_ =	shalt  }
0x4f: {  	_ =	shalt  }
0x50: {  	_ =	shalt  }
0x51: {  	_ =	shalt  }
0x52: {  	_ =	shalt  }
0x53: {  	_ =	shalt  }
0x54: {  	_ =	shalt  }
0x55: {  	_ =	shalt  }
0x56: {  	_ =	shalt  }
0x57: {  	_ =	shalt  }
0x58: {  	_ =	shalt  }
0x59: {  	_ =	shalt  }
0x5a: {  	_ =	shalt  }
0x5b: {  	_ =	shalt  }
0x5c: {  	_ =	shalt  }
0x5d: {  	_ =	shalt  }
0x5e: {  	_ =	shalt  }
0x5f: {  	_ =	shalt  }
0x60: {  	_ =	shalt  }
0x61: {  	_ =	shalt  }
0x62: {  	_ =	shalt  }
0x63: {  	_ =	shalt  }
0x64: {  	_ =	shalt  }
0x65: {  	_ =	shalt  }
0x66: {  	_ =	shalt  }
0x67: {  	_ =	shalt  }
0x68: {  	_ =	shalt  }
0x69: {  	_ =	shalt  }
0x6a: {  	_ =	shalt  }
0x6b: {  	_ =	shalt  }
0x6c: {  	_ =	shalt  }
0x6d: {  	_ =	shalt  }
0x6e: {  	_ =	shalt  }
0x6f: {  	_ =	shalt  }
0x70: {  	_ =	shalt  }
0x71: {  	_ =	shalt  }
0x72: {  	_ =	shalt  }
0x73: {  	_ =	shalt  }
0x74: {  	_ =	shalt  }
0x75: {  	_ =	shalt  }
0x76: {  	_ =	shalt  }
0x77: {  	_ =	shalt  }
0x78: {  	_ =	shalt  }
0x79: {  	_ =	shalt  }
0x7a: {  	_ =	shalt  }
0x7b: {  	_ =	shalt  }
0x7c: {  	_ =	shalt  }
0x7d: {  	_ =	shalt  }
0x7e: {  	_ =	shalt  }
0x7f: {  	_ =	shalt  }
0x80: {  	_ =	shalt  }
0x81: {  	_ =	shalt  }
0x82: {  	_ =	shalt  }
0x83: {  	_ =	shalt  }
0x84: {  	_ =	shalt  }
0x85: {  	_ =	shalt  }
0x86: {  	_ =	shalt  }
0x87: {  	_ =	shalt  }
.Lfunc_end0:
.L_simem_size_0:
called_computation_lowered:
.L_overlay_start_0:
0x88: {  	s2 =	sld [smem:$0x3FD9]  }
0x89: {  	s3 =	sld [smem:$0x3FFE];
	_ =	sdelay $0x1  }
0x8a: {  	s1 =	srdreg.scid  }
0x8b: {  	s0 =	sand.u32 $0x1, s1  }
0x8c: {  	s17 =	sshll.u32 s0, $0xA;
	s2 =	sadd.s32 s3, s2  }
0x8d: {  	s2 =	sadd.s32 s2, s17  }
0x8e: {  	[smem:$0x3FAF] =	sst s2  }
0x8f: {  	_ = 	snop  }
0x90: {  	s2 =	sld [smem:$0x3FD0];
	(tm) =	ssettm $0x1  }
0x91: {  	s18 =	sld [smem:$0x3FFB];
	_ =	sdelay $0x3  }
0x92: {  	_ =	strace s18  }
0x93: {  	s3 =	sld [smem:$0x3FFC];
	_ =	sdelay $0x3  }
0x94: {  	_ =	strace s3  }
0x95: {  	s3 =	sld [smem:$0x3FFD];
	_ =	sdelay $0x3  }
0x96: {  	_ =	strace s3  }
0x97: {  	_ =	strace $0x8FFFFFFF  }
0x98: {  	s19 =	sld [smem:$0x3FDB];
	_ =	sdelay $0x1  }
0x99: {  	s4 =	simm.s32 $_scs_section_size  }
0x9a: {  	s5 =	simm.s32 $_size__tile_overlayer_lowered;
	s6 =	simm.s32 $_tile_overlayer_lowered  }
0x9b: {  	s22 =	simm.s32 $0x1BFF;
	s21 =	sshll.u32 s6, $0x1;
	s3 =	sadd.s32 s4, s19  }
0x9c: {  	s7 =	simm.s32 $0x0;
	s20 =	sshll.u32 s5, $0x1;
	s5 =	sadd.s32 s21, s3  }
0x9d: {  	[timem:s7], [sflag:s22] =	dma.local [hbm:s5], s20  }
0x9e: {  	_ =	swait.ge [sflag:s22], s20  }
0x9f: {  	s4 =	ssub.s32 $0x0, s20;
	[sflag:s22] =	ssyncset.done $0x0  }
0xa0: {  	[sflag:s22] =	ssyncadd.s32 s4;
	_ =	sdelay $0x1  }
0xa1: {  	s23 =	simm.s32 $0x1B8B  }
0xa2: {  	_ =	swait.ge [sflag:s23], $0x1  }
0xa3: {  	[sflag:s23] =	ssyncset.done $0x0  }
0xa4: {  	s25 =	simm.s32 $0x1B8E;
	s24 =	sld [smem:$0x3FFE];
	[sflag:s23] =	ssyncadd.s32 $0xFFFFFFFF  }
0xa5: {  	s26 =	simm.s32 $execute0_lowered;
	[smem:$0x3FD2] =	sst s25  }
0xa6: {  	s5 =	sshll.u32 s26, $0x1;
	_ =	strace $0x80000046;
	[dreg:$0x1] =	wrdreg $0xFFFFFFFF  }
0xa7: {  	s28 =	simm.s32 $_size_execute0_lowered;
	s3 =	sadd.s32 s3, s5;
	[dreg:$0x0] =	wrdreg $0x0  }
0xa8: {  	s5 =	sshll.u32 s28, $0x1;
	[dreg:$0x2] =	wrdreg s3  }
0xa9: {  	[dreg:$0x3] =	wrdreg s5  }
0xaa: {  	[dreg:$0x4] =	wrdreg $0xC0  }
0xab: {  	_ =	task [dreg:s7], $0x5FFFF  }
0xac: {  	[dreg:$0x1] =	wrdreg $0xFFFFFFFF  }
0xad: {  	[dreg:$0x0] =	wrdreg $0x60  }
0xae: {  	[dreg:$0x2] =	wrdreg s24  }
0xaf: {  	[dreg:$0x3] =	wrdreg s2  }
0xb0: {  	[dreg:$0x4] =	wrdreg $0x25000  }
0xb1: {  	[dreg:$0x5] =	wrdreg $0xE9000  }
0xb2: {  	[dreg:$0x6] =	wrdreg $0x9  }
0xb3: {  	_ =	task.clear_ibuf [dreg:s7], $0x7FFFF;
	_ =	strace $0x90000046  }
0xb4: {  	s29 =	simm.s32 $0x9;
	_ =	strace $0x80000048  }
0xb5: {  	_ =	swait.ge [sflag:s29], $0x1  }
0xb6: {  	[sflag:s29] =	ssyncadd.s32 $0xFFFFFFFF  }
0xb7: {  	_ =	strace $0x90000048  }
0xb8: {  	_ =	sfence  }
0xb9: {  	s30 =	sld [smem:$0x0];
	_ =	sdelay $0x2  }
0xba: {  	s31 =	sshll.u32 s1, $0xD;
	s1 =	sshrl.u32 s1, $0x2  }
0xbb: {  	s3 =	sand.u32 $0x4000, s31;
	s1 =	sadd.s32 s1, s30  }
0xbc: {  	s0 =	sor.u32 s3, s0;
	s1 =	sshll.u32 s1, $0x11  }
0xbd: {  	s0 =	sor.u32 s1, s0  }
0xbe: {  	s0 =	sadd.s32 $0x8F2B, s0  }
0xbf: {  	[sflag:s0] =	ssyncadd.remote.s32 $0x1  }
0xc0: {  	_ =	sfence.sel $0xFFFF  }
0xc1: {  	[dreg:$0x0] =	wrdreg $0xFFFFFFFF;
	(pc) =	sbr.abs _section_cstart, $3  }
0xc2: {  	[dreg:$0x1] =	wrdreg $0xFFFFFFFF  }
0xc3: {  	_ =	task.clear_ibuf [dreg:s7], $0x2FFFF;
	_ =	strace $0x9FFFFFFF  }
0xc4: {  	(tm) =	ssettm $0x7FFFFFFF  }
0xc5: {  	_ =	shalt  }
tec
execute0_lowered:
.L_overlay_start_1:
0x0: {  	(tag) =	ssettag $0x1  }
0x1: {  	s0 =	rddreg [dreg:$0x0]  }
0x2: {  	s1 =	rddreg [dreg:$0x1]  }
0x3: {  	s2 =	rddreg [dreg:$0x2]  }
0x4: {  	s3 =	rddreg [dreg:$0x3];
	s4 =	simm.s32 $0x0;
	s7 =	stileid.u32  }
0x5: {  	s5 =	srdreg.scid;
	[smem:$0x7FF] =	sst s4;
	s24 =	sshll.u32 s7, $0x9  }
0x6: {  	s25 =	sand.u32 $0x1, s5;
	s26 =	sadd.s32 $0x6600, s0;
	s6 =	sadd.s32 $0x1EE00, s0  }
0x7: {  	s13 =	smul.u32 $0xC400, s7;
	_ =	strace $0x80000047;
	[dreg:$0x5] =	wrdreg s26  }
0x8: {  	s10 =	sshll.u32 s7, $0x8;
	s14 =	sadd.s32 s24, s0;
	[dreg:$0x6] =	wrdreg s6  }
0x9: {  	s8 =	ssub.s32 $0x2, s25;
	s6 =	sadd.s32 $0x37600, s0;
	s0 =	sadd.s32 $0x4FE00, s0  }
0xa: {  	s16 =	sadd.s32 s1, s10;
	[dreg:$0x7] =	wrdreg s6;
	s9 =	sshrl.u32 s8, $0x1  }
0xb: {  	[dreg:$0x8] =	wrdreg s0;
	s11 =	sadd.s32 $0xC40, s13;
	s17 =	sadd.s32 $0x1880, s13  }
0xc: {  	s18 =	sadd.s32 $0x24C0, s13;
	[dreg:$0x9] =	wrdreg s16;
	s12 =	sadd.s32 s11, s2  }
0xd: {  	s21 =	sadd.s32 $0x3100, s13;
	s19 =	sadd.s32 s17, s2;
	[dreg:$0xa] =	wrdreg s12  }
0xe: {  	s23 =	sadd.s32 $0x3D40, s13;
	s20 =	sadd.s32 s18, s2;
	[dreg:$0xb] =	wrdreg s19  }
0xf: {  	s24 =	sadd.s32 $0x4980, s13;
	s22 =	sadd.s32 s21, s2;
	[dreg:$0xc] =	wrdreg s20  }
0x10: {  	s15 =	ssub.s32 s8, s9;
	s8 =	sadd.s32 s23, s2;
	[dreg:$0xd] =	wrdreg s22  }
0x11: {  	p0 =	seq.s32 s25, $0x1;
	s25 =	sadd.s32 s24, s2;
	[dreg:$0xe] =	wrdreg s8  }
0x12: {  	s0 =	sadd.s32 s11, s3;
	[dreg:$0xf] =	wrdreg s25  }
0x13: {  	s1 =	sadd.s32 s17, s3;
	[dreg:$0x10] =	wrdreg s0  }
0x14: {  	s4 =	sadd.s32 s18, s3;
	[dreg:$0x11] =	wrdreg s1  }
0x15: {  	s26 =	sadd.s32 $0x55C0, s13;
	s5 =	sadd.s32 s21, s3;
	[dreg:$0x12] =	wrdreg s4  }
0x16: {  	s6 =	sadd.s32 s23, s3;
	s9 =	sadd.s32 s24, s3;
	[dreg:$0x13] =	wrdreg s5  }
0x17: {  	s10 =	sadd.s32 s26, s2;
	s11 =	sadd.s32 s26, s3;
	[dreg:$0x14] =	wrdreg s6  }
0x18: {  	s18 =	sadd.s32 $0x6E40, s13;
	s21 =	sadd.s32 $0x9300, s13;
	[dreg:$0x15] =	wrdreg s9  }
0x19: {  	s23 =	sadd.s32 $0xAB80, s13;
	s24 =	sadd.s32 $0x1000, s16;
	[dreg:$0x16] =	wrdreg s10  }
0x1a: {  	s16 =	simm.s32 $0x1880;
	[dreg:$0x17] =	wrdreg s11;
	s12 =	sadd.s32 $0x6200, s13  }
0x1b: {  	s26 =	sadd.s32 s18, s2;
	s28 =	sadd.s32 s18, s3;
	s19 =	sadd.s32 $0x7A80, s13  }
0x1c: {  	s20 =	sadd.s32 $0x86C0, s13;
	s4 =	sadd.s32 s21, s2;
	s5 =	sadd.s32 s21, s3  }
0x1d: {  	s22 =	sadd.s32 $0x9F40, s13;
	s8 =	sadd.s32 s23, s2;
	s1 =	sadd.s32 s23, s3  }
0x1e: {  	s10 =	sadd.s32 $0xB7C0, s13;
	s11 =	sadd.s32 s13, s2;
	[dreg:$0x1b] =	wrdreg s24  }
0x1f: {  	s18 =	simm.s32 $0x80;
	s17 =	sadd.s32 s12, s2;
	s25 =	sadd.s32 s12, s3  }
0x20: {  	s29 =	sadd.s32 s19, s2;
	s30 =	sadd.s32 s19, s3;
	s31 =	sadd.s32 s20, s2  }
0x21: {  	s0 =	sadd.s32 s20, s3;
	s6 =	sadd.s32 s22, s2;
	s7 =	sadd.s32 s22, s3  }
.Ltmp0:
0x22: {  	s9 =	sadd.s32 s10, s2;
	s10 =	sadd.s32 s10, s3;
	(pc) =	sbr.rel .LBB2_1-.Ltmp0, $4  }
0x23: {  	s12 =	sadd.s32 s13, s3;
	[dreg:$0x18] =	wrdreg s17;
	s17 =	sadd.s32 $0x4600, s14  }
0x24: {  	s13 =	sshrl.u32 s13, $0x3;
	s14 =	sadd.s32 $0x2600, s14;
	[dreg:$0x19] =	wrdreg s17  }
0x25: {  	s19 =	simm.s32 $0x1800;
	s20 =	simm.s32 $0x0;
	[dreg:$0x1a] =	wrdreg s14  }
0x26: {  	v0 =	vimm.f32 $0.0e+00;
	v1 =	vimm.f32 $1.000000000e+00;
	s14 =	smax.u32 s15, $0x1;
	s15 =	simm.s32 $0x1000;
	s17 =	simm.s32 $0x1  }
.LBB2_7:
0x27: {  	[tilespmem:s22+$0x1880] =	vst v0;
	s22 =	rddreg [dreg:$0x6]  }
0x28: {  	s21 =	rddreg [dreg:$0x8]  }
.LBB2_8:
0x29: {  	[tilespmem:$0x1800] =	vst v1  }
0x2a: {  	[tilespmem:$0x1810] =	vst v1  }
0x2b: {  	[tilespmem:$0x1820] =	vst v1  }
0x2c: {  	[tilespmem:$0x1830] =	vst v1  }
0x2d: {  	[tilespmem:$0x1840] =	vst v1  }
0x2e: {  	[tilespmem:$0x1850] =	vst v1  }
0x2f: {  	[tilespmem:$0x1860] =	vst v1  }
0x30: {  	[tilespmem:$0x1870] =	vst v1  }
0x31: {  	[spmem:s11] =	stream.linear.scatter [tilespmem:s16], [sflag:$0x1], $0xC40, $0x38;
	[tilespmem:$0x1AD00] =	vst v63  }
0x32: {  	s23 =	rddreg [dreg:$0xa]  }
0x33: {  	[spmem:s23] =	stream.linear.scatter [tilespmem:s16], [sflag:$0x1], $0xC40, $0x38;
	[tilespmem:$0x1AD00] =	vst v63  }
0x34: {  	s24 =	rddreg [dreg:$0xb]  }
0x35: {  	[spmem:s24] =	stream.linear.scatter [tilespmem:s16], [sflag:$0x1], $0xC40, $0x38;
	[tilespmem:$0x1AD00] =	vst v63  }
0x36: {  	s24 =	rddreg [dreg:$0xc]  }
0x37: {  	[spmem:s24] =	stream.linear.scatter [tilespmem:s16], [sflag:$0x1], $0xC40, $0x38;
	[tilespmem:$0x1AD00] =	vst v63  }
0x38: {  	s24 =	rddreg [dreg:$0xd]  }
0x39: {  	[spmem:s24] =	stream.linear.scatter [tilespmem:s16], [sflag:$0x1], $0xC40, $0x38;
	[tilespmem:$0x1AD00] =	vst v63  }
0x3a: {  	s24 =	rddreg [dreg:$0xe]  }
0x3b: {  	[spmem:s24] =	stream.linear.scatter [tilespmem:s16], [sflag:$0x1], $0xC40, $0x38;
	[tilespmem:$0x1AD00] =	vst v63  }
0x3c: {  	s24 =	rddreg [dreg:$0xf]  }
0x3d: {  	[spmem:s24] =	stream.linear.scatter [tilespmem:s16], [sflag:$0x1], $0xC40, $0x38;
	[tilespmem:$0x1AD00] =	vst v63  }
0x3e: {  	s24 =	rddreg [dreg:$0x16]  }
0x3f: {  	[spmem:s24] =	stream.linear.scatter [tilespmem:s16], [sflag:$0x1], $0xC40, $0x38;
	[tilespmem:$0x1AD00] =	vst v63  }
0x40: {  	s24 =	rddreg [dreg:$0x18]  }
0x41: {  	[spmem:s24] =	stream.linear.scatter [tilespmem:s16], [sflag:$0x1], $0xC40, $0x38;
	[tilespmem:$0x1AD00] =	vst v63  }
0x42: {  	_ = 	snop  }
0x43: {  	[spmem:s26] =	stream.linear.scatter [tilespmem:s16], [sflag:$0x1], $0xC40, $0x38;
	[tilespmem:$0x1AD00] =	vst v63  }
0x44: {  	_ = 	snop  }
0x45: {  	[spmem:s29] =	stream.linear.scatter [tilespmem:s16], [sflag:$0x1], $0xC40, $0x38;
	[tilespmem:$0x1AD00] =	vst v63  }
0x46: {  	_ = 	snop  }
0x47: {  	[spmem:s31] =	stream.linear.scatter [tilespmem:s16], [sflag:$0x1], $0xC40, $0x38;
	[tilespmem:$0x1AD00] =	vst v63  }
0x48: {  	_ = 	snop  }
0x49: {  	[spmem:s4] =	stream.linear.scatter [tilespmem:s16], [sflag:$0x1], $0xC40, $0x38;
	[tilespmem:$0x1AD00] =	vst v63  }
0x4a: {  	_ = 	snop  }
0x4b: {  	[spmem:s6] =	stream.linear.scatter [tilespmem:s16], [sflag:$0x1], $0xC40, $0x38;
	[tilespmem:$0x1AD00] =	vst v63  }
0x4c: {  	_ = 	snop  }
0x4d: {  	[spmem:s8] =	stream.linear.scatter [tilespmem:s16], [sflag:$0x1], $0xC40, $0x38;
	[tilespmem:$0x1AD00] =	vst v63  }
0x4e: {  	_ = 	snop  }
0x4f: {  	[spmem:s9] =	stream.linear.scatter [tilespmem:s16], [sflag:$0x1], $0xC40, $0x38;
	[tilespmem:$0x1AD00] =	vst v63  }
0x50: {  	_ = 	snop  }
0x51: {  	[spmem:s12] =	stream.linear.scatter [tilespmem:s16], [sflag:$0x1], $0xC40, $0x38;
	[tilespmem:$0x1AD00] =	vst v63  }
0x52: {  	s24 =	rddreg [dreg:$0x10]  }
0x53: {  	[spmem:s24] =	stream.linear.scatter [tilespmem:s16], [sflag:$0x1], $0xC40, $0x38;
	[tilespmem:$0x1AD00] =	vst v63  }
0x54: {  	s24 =	rddreg [dreg:$0x11]  }
0x55: {  	[spmem:s24] =	stream.linear.scatter [tilespmem:s16], [sflag:$0x1], $0xC40, $0x38;
	[tilespmem:$0x1AD00] =	vst v63  }
0x56: {  	s24 =	rddreg [dreg:$0x12]  }
0x57: {  	[spmem:s24] =	stream.linear.scatter [tilespmem:s16], [sflag:$0x1], $0xC40, $0x38;
	[tilespmem:$0x1AD00] =	vst v63  }
0x58: {  	s24 =	rddreg [dreg:$0x13]  }
0x59: {  	[spmem:s24] =	stream.linear.scatter [tilespmem:s16], [sflag:$0x1], $0xC40, $0x38;
	[tilespmem:$0x1AD00] =	vst v63  }
0x5a: {  	s24 =	rddreg [dreg:$0x14]  }
0x5b: {  	[spmem:s24] =	stream.linear.scatter [tilespmem:s16], [sflag:$0x1], $0xC40, $0x38;
	[tilespmem:$0x1AD00] =	vst v63  }
0x5c: {  	s24 =	rddreg [dreg:$0x15]  }
0x5d: {  	[spmem:s24] =	stream.linear.scatter [tilespmem:s16], [sflag:$0x1], $0xC40, $0x38;
	[tilespmem:$0x1AD00] =	vst v63  }
0x5e: {  	s24 =	rddreg [dreg:$0x17]  }
0x5f: {  	[spmem:s24] =	stream.linear.scatter [tilespmem:s16], [sflag:$0x1], $0xC40, $0x38;
	[tilespmem:$0x1AD00] =	vst v63  }
0x60: {  	_ = 	snop  }
0x61: {  	[spmem:s25] =	stream.linear.scatter [tilespmem:s16], [sflag:$0x1], $0xC40, $0x38;
	[tilespmem:$0x1AD00] =	vst v63  }
0x62: {  	_ = 	snop  }
0x63: {  	[spmem:s28] =	stream.linear.scatter [tilespmem:s16], [sflag:$0x1], $0xC40, $0x38;
	[tilespmem:$0x1AD00] =	vst v63  }
0x64: {  	_ = 	snop  }
0x65: {  	[spmem:s30] =	stream.linear.scatter [tilespmem:s16], [sflag:$0x1], $0xC40, $0x38;
	[tilespmem:$0x1AD00] =	vst v63  }
0x66: {  	_ = 	snop  }
0x67: {  	[spmem:s0] =	stream.linear.scatter [tilespmem:s16], [sflag:$0x1], $0xC40, $0x38;
	[tilespmem:$0x1AD00] =	vst v63  }
0x68: {  	_ = 	snop  }
0x69: {  	[spmem:s5] =	stream.linear.scatter [tilespmem:s16], [sflag:$0x1], $0xC40, $0x38;
	[tilespmem:$0x1AD00] =	vst v63  }
0x6a: {  	_ = 	snop  }
0x6b: {  	[spmem:s7] =	stream.linear.scatter [tilespmem:s16], [sflag:$0x1], $0xC40, $0x38;
	[tilespmem:$0x1AD00] =	vst v63  }
0x6c: {  	_ = 	snop  }
0x6d: {  	[spmem:s1] =	stream.linear.scatter [tilespmem:s16], [sflag:$0x1], $0xC40, $0x38;
	[tilespmem:$0x1AD00] =	vst v63  }
0x6e: {  	_ = 	snop  }
0x6f: {  	[spmem:s10] =	stream.linear.scatter [tilespmem:s16], [sflag:$0x1], $0xC40, $0x38;
	[tilespmem:$0x1AD00] =	vst v63  }
0x70: {  	_ =	swait.ge [sflag:s17], $0x1000  }
0x71: {  	[sflag:s17] =	ssyncset.done $0x0  }
0x72: {  	[sflag:s17] =	ssyncadd.s32 $0xFFFFF000  }
0x73: {  	_ =	swait.ge [sflag:s17], $0x800  }
0x74: {  	[sflag:s17] =	ssyncset.done $0x0  }
0x75: {  	[sflag:s17] =	ssyncadd.s32 $0xFFFFF800  }
0x76: {  	_ =	swait.ge [sflag:s17], $0xC40  }
0x77: {  	[sflag:s17] =	ssyncset.done $0x0  }
0x78: {  	[sflag:s17] =	ssyncadd.s32 $0xFFFFF3C0  }
0x79: {  	_ =	swait.ge [sflag:s17], $0xC40  }
0x7a: {  	[sflag:s17] =	ssyncset.done $0x0  }
0x7b: {  	[sflag:s17] =	ssyncadd.s32 $0xFFFFF3C0  }
0x7c: {  	_ =	swait.ge [sflag:s17], $0xC40  }
0x7d: {  	[sflag:s17] =	ssyncset.done $0x0  }
0x7e: {  	[sflag:s17] =	ssyncadd.s32 $0xFFFFF3C0  }
0x7f: {  	_ =	swait.ge [sflag:s17], $0xC40  }
0x80: {  	[sflag:s17] =	ssyncset.done $0x0  }
0x81: {  	[sflag:s17] =	ssyncadd.s32 $0xFFFFF3C0  }
0x82: {  	_ =	swait.ge [sflag:s17], $0xC40  }
0x83: {  	[sflag:s17] =	ssyncset.done $0x0  }
0x84: {  	[sflag:s17] =	ssyncadd.s32 $0xFFFFF3C0  }
0x85: {  	_ =	swait.ge [sflag:s17], $0xC40  }
0x86: {  	[sflag:s17] =	ssyncset.done $0x0  }
0x87: {  	[sflag:s17] =	ssyncadd.s32 $0xFFFFF3C0  }
0x88: {  	_ =	swait.ge [sflag:s17], $0xC40  }
0x89: {  	[sflag:s17] =	ssyncset.done $0x0  }
0x8a: {  	[sflag:s17] =	ssyncadd.s32 $0xFFFFF3C0  }
0x8b: {  	_ =	swait.ge [sflag:s17], $0xC40  }
0x8c: {  	[sflag:s17] =	ssyncset.done $0x0  }
0x8d: {  	[sflag:s17] =	ssyncadd.s32 $0xFFFFF3C0  }
0x8e: {  	_ =	swait.ge [sflag:s17], $0xC40  }
0x8f: {  	[sflag:s17] =	ssyncset.done $0x0  }
0x90: {  	[sflag:s17] =	ssyncadd.s32 $0xFFFFF3C0  }
0x91: {  	_ =	swait.ge [sflag:s17], $0xC40  }
0x92: {  	[sflag:s17] =	ssyncset.done $0x0  }
0x93: {  	[sflag:s17] =	ssyncadd.s32 $0xFFFFF3C0  }
0x94: {  	_ =	swait.ge [sflag:s17], $0xC40  }
0x95: {  	[sflag:s17] =	ssyncset.done $0x0  }
0x96: {  	[sflag:s17] =	ssyncadd.s32 $0xFFFFF3C0  }
0x97: {  	_ =	swait.ge [sflag:s17], $0xC40  }
0x98: {  	[sflag:s17] =	ssyncset.done $0x0  }
0x99: {  	[sflag:s17] =	ssyncadd.s32 $0xFFFFF3C0  }
0x9a: {  	_ =	swait.ge [sflag:s17], $0xC40  }
0x9b: {  	[sflag:s17] =	ssyncset.done $0x0  }
0x9c: {  	[sflag:s17] =	ssyncadd.s32 $0xFFFFF3C0  }
0x9d: {  	_ =	swait.ge [sflag:s17], $0xC40  }
0x9e: {  	[sflag:s17] =	ssyncset.done $0x0  }
0x9f: {  	[sflag:s17] =	ssyncadd.s32 $0xFFFFF3C0  }
0xa0: {  	_ =	swait.ge [sflag:s17], $0xC40  }
0xa1: {  	[sflag:s17] =	ssyncset.done $0x0  }
0xa2: {  	[sflag:s17] =	ssyncadd.s32 $0xFFFFF3C0  }
0xa3: {  	_ =	swait.ge [sflag:s17], $0xC40  }
0xa4: {  	[sflag:s17] =	ssyncset.done $0x0  }
0xa5: {  	[sflag:s17] =	ssyncadd.s32 $0xFFFFF3C0  }
0xa6: {  	_ =	swait.ge [sflag:s17], $0xC40  }
0xa7: {  	[sflag:s17] =	ssyncset.done $0x0  }
0xa8: {  	[sflag:s17] =	ssyncadd.s32 $0xFFFFF3C0  }
0xa9: {  	_ =	swait.ge [sflag:s17], $0xC40  }
0xaa: {  	[sflag:s17] =	ssyncset.done $0x0  }
0xab: {  	[sflag:s17] =	ssyncadd.s32 $0xFFFFF3C0  }
0xac: {  	_ =	swait.ge [sflag:s17], $0xC40  }
0xad: {  	[sflag:s17] =	ssyncset.done $0x0  }
0xae: {  	[sflag:s17] =	ssyncadd.s32 $0xFFFFF3C0  }
0xaf: {  	_ =	swait.ge [sflag:s17], $0xC40  }
0xb0: {  	[sflag:s17] =	ssyncset.done $0x0  }
0xb1: {  	[sflag:s17] =	ssyncadd.s32 $0xFFFFF3C0  }
0xb2: {  	_ =	swait.ge [sflag:s17], $0xC40  }
0xb3: {  	[sflag:s17] =	ssyncset.done $0x0  }
0xb4: {  	[sflag:s17] =	ssyncadd.s32 $0xFFFFF3C0  }
0xb5: {  	_ =	swait.ge [sflag:s17], $0xC40  }
0xb6: {  	[sflag:s17] =	ssyncset.done $0x0  }
0xb7: {  	[sflag:s17] =	ssyncadd.s32 $0xFFFFF3C0  }
0xb8: {  	_ =	swait.ge [sflag:s17], $0xC40  }
0xb9: {  	[sflag:s17] =	ssyncset.done $0x0  }
0xba: {  	[sflag:s17] =	ssyncadd.s32 $0xFFFFF3C0  }
0xbb: {  	_ =	swait.ge [sflag:s17], $0xC40  }
0xbc: {  	[sflag:s17] =	ssyncset.done $0x0  }
0xbd: {  	[sflag:s17] =	ssyncadd.s32 $0xFFFFF3C0  }
0xbe: {  	_ =	swait.ge [sflag:s17], $0xC40  }
0xbf: {  	[sflag:s17] =	ssyncset.done $0x0  }
0xc0: {  	[sflag:s17] =	ssyncadd.s32 $0xFFFFF3C0  }
0xc1: {  	_ =	swait.ge [sflag:s17], $0xC40  }
0xc2: {  	[sflag:s17] =	ssyncset.done $0x0  }
0xc3: {  	[sflag:s17] =	ssyncadd.s32 $0xFFFFF3C0  }
0xc4: {  	_ =	swait.ge [sflag:s17], $0xC40  }
0xc5: {  	[sflag:s17] =	ssyncset.done $0x0  }
0xc6: {  	[sflag:s17] =	ssyncadd.s32 $0xFFFFF3C0  }
0xc7: {  	_ =	swait.ge [sflag:s17], $0xC40  }
0xc8: {  	[sflag:s17] =	ssyncset.done $0x0  }
0xc9: {  	[sflag:s17] =	ssyncadd.s32 $0xFFFFF3C0  }
0xca: {  	_ =	swait.ge [sflag:s17], $0xC40  }
0xcb: {  	[sflag:s17] =	ssyncset.done $0x0  }
0xcc: {  	[sflag:s17] =	ssyncadd.s32 $0xFFFFF3C0  }
0xcd: {  	_ =	swait.ge [sflag:s17], $0xC40  }
0xce: {  	[sflag:s17] =	ssyncset.done $0x0  }
0xcf: {  	[sflag:s17] =	ssyncadd.s32 $0xFFFFF3C0  }
0xd0: {  	_ =	swait.ge [sflag:s17], $0xC40  }
0xd1: {  	[sflag:s17] =	ssyncset.done $0x0  }
0xd2: {  	[sflag:s17] =	ssyncadd.s32 $0xFFFFF3C0  }
0xd3: {  	_ =	swait.ge [sflag:s17], $0xC40  }
0xd4: {  	[sflag:s17] =	ssyncset.done $0x0  }
0xd5: {  	[sflag:s17] =	ssyncadd.s32 $0xFFFFF3C0  }
0xd6: {  	s24 =	simm.s32 $0x0;
	[bflag:$0x0] =	sbarrier.arrive $0xFFFF  }
0xd7: {  	[spmem:s2] =	stream.indirect.scatter.add.f32 [tilespmem:s19], [sflag:$0x1], $0x1, s24, s18, $0xb8;
	[tilespmem:$0x1AD00] =	vst v63  }
0xd8: {  	_ = 	snop  }
0xd9: {  	[spmem:s2] =	stream.indirect.scatter.add.f32 [tilespmem:s19], [sflag:$0x1], $0x1, s18, s18, $0xb8;
	[tilespmem:$0x1AD00] =	vst v63  }
0xda: {  	s24 =	simm.s32 $0x100  }
0xdb: {  	[spmem:s2] =	stream.indirect.scatter.add.f32 [tilespmem:s19], [sflag:$0x1], $0x1, s24, s18, $0xb8;
	[tilespmem:$0x1AD00] =	vst v63  }
0xdc: {  	s24 =	simm.s32 $0x180  }
0xdd: {  	[spmem:s2] =	stream.indirect.scatter.add.f32 [tilespmem:s19], [sflag:$0x1], $0x1, s24, s18, $0xb8;
	[tilespmem:$0x1AD00] =	vst v63  }
0xde: {  	s24 =	simm.s32 $0x200  }
0xdf: {  	[spmem:s2] =	stream.indirect.scatter.add.f32 [tilespmem:s19], [sflag:$0x1], $0x1, s24, s18, $0xb8;
	[tilespmem:$0x1AD00] =	vst v63  }
0xe0: {  	s24 =	simm.s32 $0x280  }
0xe1: {  	[spmem:s2] =	stream.indirect.scatter.add.f32 [tilespmem:s19], [sflag:$0x1], $0x1, s24, s18, $0xb8;
	[tilespmem:$0x1AD00] =	vst v63  }
0xe2: {  	s24 =	simm.s32 $0x300  }
0xe3: {  	[spmem:s2] =	stream.indirect.scatter.add.f32 [tilespmem:s19], [sflag:$0x1], $0x1, s24, s18, $0xb8;
	[tilespmem:$0x1AD00] =	vst v63  }
0xe4: {  	s24 =	simm.s32 $0x380  }
0xe5: {  	[spmem:s2] =	stream.indirect.scatter.add.f32 [tilespmem:s19], [sflag:$0x1], $0x1, s24, s18, $0xb8;
	[tilespmem:$0x1AD00] =	vst v63  }
0xe6: {  	s24 =	simm.s32 $0x400  }
0xe7: {  	[spmem:s2] =	stream.indirect.scatter.add.f32 [tilespmem:s19], [sflag:$0x1], $0x1, s24, s18, $0xb8;
	[tilespmem:$0x1AD00] =	vst v63  }
0xe8: {  	s24 =	simm.s32 $0x480  }
0xe9: {  	[spmem:s2] =	stream.indirect.scatter.add.f32 [tilespmem:s19], [sflag:$0x1], $0x1, s24, s18, $0xb8;
	[tilespmem:$0x1AD00] =	vst v63  }
0xea: {  	s24 =	simm.s32 $0x500  }
0xeb: {  	[spmem:s2] =	stream.indirect.scatter.add.f32 [tilespmem:s19], [sflag:$0x1], $0x1, s24, s18, $0xb8;
	[tilespmem:$0x1AD00] =	vst v63  }
0xec: {  	s24 =	simm.s32 $0x580  }
0xed: {  	[spmem:s2] =	stream.indirect.scatter.add.f32 [tilespmem:s19], [sflag:$0x1], $0x1, s24, s18, $0xb8;
	[tilespmem:$0x1AD00] =	vst v63  }
0xee: {  	s24 =	simm.s32 $0x600  }
0xef: {  	[spmem:s2] =	stream.indirect.scatter.add.f32 [tilespmem:s19], [sflag:$0x1], $0x1, s24, s18, $0xb8;
	[tilespmem:$0x1AD00] =	vst v63  }
0xf0: {  	s24 =	simm.s32 $0x680  }
0xf1: {  	[spmem:s2] =	stream.indirect.scatter.add.f32 [tilespmem:s19], [sflag:$0x1], $0x1, s24, s18, $0xb8;
	[tilespmem:$0x1AD00] =	vst v63  }
0xf2: {  	s24 =	simm.s32 $0x700  }
0xf3: {  	[spmem:s2] =	stream.indirect.scatter.add.f32 [tilespmem:s19], [sflag:$0x1], $0x1, s24, s18, $0xb8;
	[tilespmem:$0x1AD00] =	vst v63  }
0xf4: {  	s24 =	simm.s32 $0x780  }
0xf5: {  	[spmem:s2] =	stream.indirect.scatter.add.f32 [tilespmem:s19], [sflag:$0x1], $0x1, s24, s18, $0xb8;
	[tilespmem:$0x1AD00] =	vst v63  }
0xf6: {  	s24 =	simm.s32 $0x800  }
0xf7: {  	[spmem:s2] =	stream.indirect.scatter.add.f32 [tilespmem:s19], [sflag:$0x1], $0x1, s24, s18, $0xb8;
	[tilespmem:$0x1AD00] =	vst v63  }
0xf8: {  	s24 =	simm.s32 $0x880  }
0xf9: {  	[spmem:s2] =	stream.indirect.scatter.add.f32 [tilespmem:s19], [sflag:$0x1], $0x1, s24, s18, $0xb8;
	[tilespmem:$0x1AD00] =	vst v63  }
0xfa: {  	s24 =	simm.s32 $0x900  }
0xfb: {  	[spmem:s2] =	stream.indirect.scatter.add.f32 [tilespmem:s19], [sflag:$0x1], $0x1, s24, s18, $0xb8;
	[tilespmem:$0x1AD00] =	vst v63  }
0xfc: {  	s24 =	simm.s32 $0x980  }
0xfd: {  	[spmem:s2] =	stream.indirect.scatter.add.f32 [tilespmem:s19], [sflag:$0x1], $0x1, s24, s18, $0xb8;
	[tilespmem:$0x1AD00] =	vst v63  }
0xfe: {  	s24 =	simm.s32 $0xA00  }
0xff: {  	[spmem:s2] =	stream.indirect.scatter.add.f32 [tilespmem:s19], [sflag:$0x1], $0x1, s24, s18, $0xb8;
	[tilespmem:$0x1AD00] =	vst v63  }
0x100: {  	s24 =	simm.s32 $0xA80  }
0x101: {  	[spmem:s2] =	stream.indirect.scatter.add.f32 [tilespmem:s19], [sflag:$0x1], $0x1, s24, s18, $0xb8;
	[tilespmem:$0x1AD00] =	vst v63  }
0x102: {  	s24 =	simm.s32 $0xB00  }
0x103: {  	[spmem:s2] =	stream.indirect.scatter.add.f32 [tilespmem:s19], [sflag:$0x1], $0x1, s24, s18, $0xb8;
	[tilespmem:$0x1AD00] =	vst v63  }
0x104: {  	s24 =	simm.s32 $0xB80  }
0x105: {  	[spmem:s2] =	stream.indirect.scatter.add.f32 [tilespmem:s19], [sflag:$0x1], $0x1, s24, s18, $0xb8;
	[tilespmem:$0x1AD00] =	vst v63  }
0x106: {  	s24 =	simm.s32 $0xC00  }
0x107: {  	[spmem:s2] =	stream.indirect.scatter.add.f32 [tilespmem:s19], [sflag:$0x1], $0x1, s24, s18, $0xb8;
	[tilespmem:$0x1AD00] =	vst v63  }
0x108: {  	s24 =	simm.s32 $0xC80  }
0x109: {  	[spmem:s2] =	stream.indirect.scatter.add.f32 [tilespmem:s19], [sflag:$0x1], $0x1, s24, s18, $0xb8;
	[tilespmem:$0x1AD00] =	vst v63  }
0x10a: {  	s24 =	simm.s32 $0xD00  }
0x10b: {  	[spmem:s2] =	stream.indirect.scatter.add.f32 [tilespmem:s19], [sflag:$0x1], $0x1, s24, s18, $0xb8;
	[tilespmem:$0x1AD00] =	vst v63  }
0x10c: {  	s24 =	simm.s32 $0xD80  }
0x10d: {  	[spmem:s2] =	stream.indirect.scatter.add.f32 [tilespmem:s19], [sflag:$0x1], $0x1, s24, s18, $0xb8;
	[tilespmem:$0x1AD00] =	vst v63  }
0x10e: {  	s24 =	simm.s32 $0xE00  }
0x10f: {  	[spmem:s2] =	stream.indirect.scatter.add.f32 [tilespmem:s19], [sflag:$0x1], $0x1, s24, s18, $0xb8;
	[tilespmem:$0x1AD00] =	vst v63  }
0x110: {  	s24 =	simm.s32 $0xE80  }
0x111: {  	[spmem:s2] =	stream.indirect.scatter.add.f32 [tilespmem:s19], [sflag:$0x1], $0x1, s24, s18, $0xb8;
	[tilespmem:$0x1AD00] =	vst v63  }
0x112: {  	s24 =	simm.s32 $0xF00  }
0x113: {  	[spmem:s2] =	stream.indirect.scatter.add.f32 [tilespmem:s19], [sflag:$0x1], $0x1, s24, s18, $0xb8;
	[tilespmem:$0x1AD00] =	vst v63  }
0x114: {  	s24 =	simm.s32 $0xF80  }
0x115: {  	[spmem:s2] =	stream.indirect.scatter.add.f32 [tilespmem:s19], [sflag:$0x1], $0x1, s24, s18, $0xb8;
	[tilespmem:$0x1AD00] =	vst v63  }
0x116: {  	_ = 	snop  }
0x117: {  	[spmem:s3] =	stream.indirect.scatter.add.f32 [tilespmem:s19], [sflag:$0x1], $0x1, s15, s18, $0xb8;
	[tilespmem:$0x1AD00] =	vst v63  }
0x118: {  	s24 =	simm.s32 $0x1080  }
0x119: {  	[spmem:s3] =	stream.indirect.scatter.add.f32 [tilespmem:s19], [sflag:$0x1], $0x1, s24, s18, $0xb8;
	[tilespmem:$0x1AD00] =	vst v63  }
0x11a: {  	s24 =	simm.s32 $0x1100  }
0x11b: {  	[spmem:s3] =	stream.indirect.scatter.add.f32 [tilespmem:s19], [sflag:$0x1], $0x1, s24, s18, $0xb8;
	[tilespmem:$0x1AD00] =	vst v63  }
0x11c: {  	s24 =	simm.s32 $0x1180  }
0x11d: {  	[spmem:s3] =	stream.indirect.scatter.add.f32 [tilespmem:s19], [sflag:$0x1], $0x1, s24, s18, $0xb8;
	[tilespmem:$0x1AD00] =	vst v63  }
0x11e: {  	s24 =	simm.s32 $0x1200  }
0x11f: {  	[spmem:s3] =	stream.indirect.scatter.add.f32 [tilespmem:s19], [sflag:$0x1], $0x1, s24, s18, $0xb8;
	[tilespmem:$0x1AD00] =	vst v63  }
0x120: {  	s24 =	simm.s32 $0x1280  }
0x121: {  	[spmem:s3] =	stream.indirect.scatter.add.f32 [tilespmem:s19], [sflag:$0x1], $0x1, s24, s18, $0xb8;
	[tilespmem:$0x1AD00] =	vst v63  }
0x122: {  	s24 =	simm.s32 $0x1300  }
0x123: {  	[spmem:s3] =	stream.indirect.scatter.add.f32 [tilespmem:s19], [sflag:$0x1], $0x1, s24, s18, $0xb8;
	[tilespmem:$0x1AD00] =	vst v63  }
0x124: {  	s24 =	simm.s32 $0x1380  }
0x125: {  	[spmem:s3] =	stream.indirect.scatter.add.f32 [tilespmem:s19], [sflag:$0x1], $0x1, s24, s18, $0xb8;
	[tilespmem:$0x1AD00] =	vst v63  }
0x126: {  	s24 =	simm.s32 $0x1400  }
0x127: {  	[spmem:s3] =	stream.indirect.scatter.add.f32 [tilespmem:s19], [sflag:$0x1], $0x1, s24, s18, $0xb8;
	[tilespmem:$0x1AD00] =	vst v63  }
0x128: {  	s24 =	simm.s32 $0x1480  }
0x129: {  	[spmem:s3] =	stream.indirect.scatter.add.f32 [tilespmem:s19], [sflag:$0x1], $0x1, s24, s18, $0xb8;
	[tilespmem:$0x1AD00] =	vst v63  }
0x12a: {  	s24 =	simm.s32 $0x1500  }
0x12b: {  	[spmem:s3] =	stream.indirect.scatter.add.f32 [tilespmem:s19], [sflag:$0x1], $0x1, s24, s18, $0xb8;
	[tilespmem:$0x1AD00] =	vst v63  }
0x12c: {  	s24 =	simm.s32 $0x1580  }
0x12d: {  	[spmem:s3] =	stream.indirect.scatter.add.f32 [tilespmem:s19], [sflag:$0x1], $0x1, s24, s18, $0xb8;
	[tilespmem:$0x1AD00] =	vst v63  }
0x12e: {  	s24 =	simm.s32 $0x1600  }
0x12f: {  	[spmem:s3] =	stream.indirect.scatter.add.f32 [tilespmem:s19], [sflag:$0x1], $0x1, s24, s18, $0xb8;
	[tilespmem:$0x1AD00] =	vst v63  }
0x130: {  	s24 =	simm.s32 $0x1680  }
0x131: {  	[spmem:s3] =	stream.indirect.scatter.add.f32 [tilespmem:s19], [sflag:$0x1], $0x1, s24, s18, $0xb8;
	[tilespmem:$0x1AD00] =	vst v63  }
0x132: {  	s24 =	simm.s32 $0x1700  }
0x133: {  	[spmem:s3] =	stream.indirect.scatter.add.f32 [tilespmem:s19], [sflag:$0x1], $0x1, s24, s18, $0xb8;
	[tilespmem:$0x1AD00] =	vst v63  }
0x134: {  	s24 =	simm.s32 $0x1780  }
0x135: {  	[spmem:s3] =	stream.indirect.scatter.add.f32 [tilespmem:s19], [sflag:$0x1], $0x1, s24, s18, $0xb8;
	[tilespmem:$0x1AD00] =	vst v63  }
0x136: {  	_ =	swait.ge [sflag:s17], $0x80  }
0x137: {  	[sflag:s17] =	ssyncset.done $0x0  }
0x138: {  	[sflag:s17] =	ssyncadd.s32 $0xFFFFFF80  }
0x139: {  	_ =	swait.ge [sflag:s17], $0x80  }
0x13a: {  	[sflag:s17] =	ssyncset.done $0x0  }
0x13b: {  	[sflag:s17] =	ssyncadd.s32 $0xFFFFFF80  }
0x13c: {  	_ =	swait.ge [sflag:s17], $0x80  }
0x13d: {  	[sflag:s17] =	ssyncset.done $0x0  }
0x13e: {  	[sflag:s17] =	ssyncadd.s32 $0xFFFFFF80  }
0x13f: {  	_ =	swait.ge [sflag:s17], $0x80  }
0x140: {  	[sflag:s17] =	ssyncset.done $0x0  }
0x141: {  	[sflag:s17] =	ssyncadd.s32 $0xFFFFFF80  }
0x142: {  	_ =	swait.ge [sflag:s17], $0x80  }
0x143: {  	[sflag:s17] =	ssyncset.done $0x0  }
0x144: {  	[sflag:s17] =	ssyncadd.s32 $0xFFFFFF80  }
0x145: {  	_ =	swait.ge [sflag:s17], $0x80  }
0x146: {  	[sflag:s17] =	ssyncset.done $0x0  }
0x147: {  	[sflag:s17] =	ssyncadd.s32 $0xFFFFFF80  }
0x148: {  	_ =	swait.ge [sflag:s17], $0x80  }
0x149: {  	[sflag:s17] =	ssyncset.done $0x0  }
0x14a: {  	[sflag:s17] =	ssyncadd.s32 $0xFFFFFF80  }
0x14b: {  	_ =	swait.ge [sflag:s17], $0x80  }
0x14c: {  	[sflag:s17] =	ssyncset.done $0x0  }
0x14d: {  	[sflag:s17] =	ssyncadd.s32 $0xFFFFFF80  }
0x14e: {  	_ =	swait.ge [sflag:s17], $0x80  }
0x14f: {  	[sflag:s17] =	ssyncset.done $0x0  }
0x150: {  	[sflag:s17] =	ssyncadd.s32 $0xFFFFFF80  }
0x151: {  	_ =	swait.ge [sflag:s17], $0x80  }
0x152: {  	[sflag:s17] =	ssyncset.done $0x0  }
0x153: {  	[sflag:s17] =	ssyncadd.s32 $0xFFFFFF80  }
0x154: {  	_ =	swait.ge [sflag:s17], $0x80  }
0x155: {  	[sflag:s17] =	ssyncset.done $0x0  }
0x156: {  	[sflag:s17] =	ssyncadd.s32 $0xFFFFFF80  }
0x157: {  	_ =	swait.ge [sflag:s17], $0x80  }
0x158: {  	[sflag:s17] =	ssyncset.done $0x0  }
0x159: {  	[sflag:s17] =	ssyncadd.s32 $0xFFFFFF80  }
0x15a: {  	_ =	swait.ge [sflag:s17], $0x80  }
0x15b: {  	[sflag:s17] =	ssyncset.done $0x0  }
0x15c: {  	[sflag:s17] =	ssyncadd.s32 $0xFFFFFF80  }
0x15d: {  	_ =	swait.ge [sflag:s17], $0x80  }
0x15e: {  	[sflag:s17] =	ssyncset.done $0x0  }
0x15f: {  	[sflag:s17] =	ssyncadd.s32 $0xFFFFFF80  }
0x160: {  	_ =	swait.ge [sflag:s17], $0x80  }
0x161: {  	[sflag:s17] =	ssyncset.done $0x0  }
0x162: {  	[sflag:s17] =	ssyncadd.s32 $0xFFFFFF80  }
0x163: {  	_ =	swait.ge [sflag:s17], $0x80  }
0x164: {  	[sflag:s17] =	ssyncset.done $0x0  }
0x165: {  	[sflag:s17] =	ssyncadd.s32 $0xFFFFFF80  }
0x166: {  	_ =	swait.ge [sflag:s17], $0x80  }
0x167: {  	[sflag:s17] =	ssyncset.done $0x0  }
0x168: {  	[sflag:s17] =	ssyncadd.s32 $0xFFFFFF80  }
0x169: {  	_ =	swait.ge [sflag:s17], $0x80  }
0x16a: {  	[sflag:s17] =	ssyncset.done $0x0  }
0x16b: {  	[sflag:s17] =	ssyncadd.s32 $0xFFFFFF80  }
0x16c: {  	_ =	swait.ge [sflag:s17], $0x80  }
0x16d: {  	[sflag:s17] =	ssyncset.done $0x0  }
0x16e: {  	[sflag:s17] =	ssyncadd.s32 $0xFFFFFF80  }
0x16f: {  	_ =	swait.ge [sflag:s17], $0x80  }
0x170: {  	[sflag:s17] =	ssyncset.done $0x0  }
0x171: {  	[sflag:s17] =	ssyncadd.s32 $0xFFFFFF80  }
0x172: {  	_ =	swait.ge [sflag:s17], $0x80  }
0x173: {  	[sflag:s17] =	ssyncset.done $0x0  }
0x174: {  	[sflag:s17] =	ssyncadd.s32 $0xFFFFFF80  }
0x175: {  	_ =	swait.ge [sflag:s17], $0x80  }
0x176: {  	[sflag:s17] =	ssyncset.done $0x0  }
0x177: {  	[sflag:s17] =	ssyncadd.s32 $0xFFFFFF80  }
0x178: {  	_ =	swait.ge [sflag:s17], $0x80  }
0x179: {  	[sflag:s17] =	ssyncset.done $0x0  }
0x17a: {  	[sflag:s17] =	ssyncadd.s32 $0xFFFFFF80  }
0x17b: {  	_ =	swait.ge [sflag:s17], $0x80  }
0x17c: {  	[sflag:s17] =	ssyncset.done $0x0  }
0x17d: {  	[sflag:s17] =	ssyncadd.s32 $0xFFFFFF80  }
0x17e: {  	_ =	swait.ge [sflag:s17], $0x80  }
0x17f: {  	[sflag:s17] =	ssyncset.done $0x0  }
0x180: {  	[sflag:s17] =	ssyncadd.s32 $0xFFFFFF80  }
0x181: {  	_ =	swait.ge [sflag:s17], $0x80  }
0x182: {  	[sflag:s17] =	ssyncset.done $0x0  }
0x183: {  	[sflag:s17] =	ssyncadd.s32 $0xFFFFFF80  }
0x184: {  	_ =	swait.ge [sflag:s17], $0x80  }
0x185: {  	[sflag:s17] =	ssyncset.done $0x0  }
0x186: {  	[sflag:s17] =	ssyncadd.s32 $0xFFFFFF80  }
0x187: {  	_ =	swait.ge [sflag:s17], $0x80  }
0x188: {  	[sflag:s17] =	ssyncset.done $0x0  }
0x189: {  	[sflag:s17] =	ssyncadd.s32 $0xFFFFFF80  }
0x18a: {  	_ =	swait.ge [sflag:s17], $0x80  }
0x18b: {  	[sflag:s17] =	ssyncset.done $0x0  }
0x18c: {  	[sflag:s17] =	ssyncadd.s32 $0xFFFFFF80  }
0x18d: {  	_ =	swait.ge [sflag:s17], $0x80  }
0x18e: {  	[sflag:s17] =	ssyncset.done $0x0  }
0x18f: {  	[sflag:s17] =	ssyncadd.s32 $0xFFFFFF80  }
0x190: {  	_ =	swait.ge [sflag:s17], $0x80  }
0x191: {  	[sflag:s17] =	ssyncset.done $0x0  }
0x192: {  	[sflag:s17] =	ssyncadd.s32 $0xFFFFFF80  }
0x193: {  	_ =	swait.ge [sflag:s17], $0x80  }
0x194: {  	[sflag:s17] =	ssyncset.done $0x0  }
0x195: {  	[sflag:s17] =	ssyncadd.s32 $0xFFFFFF80  }
0x196: {  	_ =	swait.ge [sflag:s17], $0x80  }
0x197: {  	[sflag:s17] =	ssyncset.done $0x0  }
0x198: {  	[sflag:s17] =	ssyncadd.s32 $0xFFFFFF80  }
0x199: {  	_ =	swait.ge [sflag:s17], $0x80  }
0x19a: {  	[sflag:s17] =	ssyncset.done $0x0  }
0x19b: {  	[sflag:s17] =	ssyncadd.s32 $0xFFFFFF80  }
0x19c: {  	_ =	swait.ge [sflag:s17], $0x80  }
0x19d: {  	[sflag:s17] =	ssyncset.done $0x0  }
0x19e: {  	[sflag:s17] =	ssyncadd.s32 $0xFFFFFF80  }
0x19f: {  	_ =	swait.ge [sflag:s17], $0x80  }
0x1a0: {  	[sflag:s17] =	ssyncset.done $0x0  }
0x1a1: {  	[sflag:s17] =	ssyncadd.s32 $0xFFFFFF80  }
0x1a2: {  	_ =	swait.ge [sflag:s17], $0x80  }
0x1a3: {  	[sflag:s17] =	ssyncset.done $0x0  }
0x1a4: {  	[sflag:s17] =	ssyncadd.s32 $0xFFFFFF80  }
0x1a5: {  	_ =	swait.ge [sflag:s17], $0x80  }
0x1a6: {  	[sflag:s17] =	ssyncset.done $0x0  }
0x1a7: {  	[sflag:s17] =	ssyncadd.s32 $0xFFFFFF80  }
0x1a8: {  	_ =	swait.ge [sflag:s17], $0x80  }
0x1a9: {  	[sflag:s17] =	ssyncset.done $0x0  }
0x1aa: {  	[sflag:s17] =	ssyncadd.s32 $0xFFFFFF80  }
0x1ab: {  	_ =	swait.ge [sflag:s17], $0x80  }
0x1ac: {  	[sflag:s17] =	ssyncset.done $0x0  }
0x1ad: {  	[sflag:s17] =	ssyncadd.s32 $0xFFFFFF80  }
0x1ae: {  	_ =	swait.ge [sflag:s17], $0x80  }
0x1af: {  	[sflag:s17] =	ssyncset.done $0x0  }
0x1b0: {  	[sflag:s17] =	ssyncadd.s32 $0xFFFFFF80  }
0x1b1: {  	_ =	swait.ge [sflag:s17], $0x80  }
0x1b2: {  	[sflag:s17] =	ssyncset.done $0x0  }
0x1b3: {  	[sflag:s17] =	ssyncadd.s32 $0xFFFFFF80  }
0x1b4: {  	_ =	swait.ge [sflag:s17], $0x80  }
0x1b5: {  	[sflag:s17] =	ssyncset.done $0x0  }
0x1b6: {  	[sflag:s17] =	ssyncadd.s32 $0xFFFFFF80  }
0x1b7: {  	_ =	swait.ge [sflag:s17], $0x80  }
0x1b8: {  	[sflag:s17] =	ssyncset.done $0x0  }
0x1b9: {  	[sflag:s17] =	ssyncadd.s32 $0xFFFFFF80  }
0x1ba: {  	_ =	swait.ge [sflag:s17], $0x80  }
0x1bb: {  	[sflag:s17] =	ssyncset.done $0x0  }
0x1bc: {  	[sflag:s17] =	ssyncadd.s32 $0xFFFFFF80  }
0x1bd: {  	_ =	swait.ge [sflag:s17], $0x80  }
0x1be: {  	[sflag:s17] =	ssyncset.done $0x0  }
0x1bf: {  	[sflag:s17] =	ssyncadd.s32 $0xFFFFFF80  }
0x1c0: {  	_ =	swait.ge [sflag:s17], $0x80  }
0x1c1: {  	[sflag:s17] =	ssyncset.done $0x0  }
0x1c2: {  	[sflag:s17] =	ssyncadd.s32 $0xFFFFFF80  }
0x1c3: {  	_ =	swait.ge [sflag:s17], $0x80  }
0x1c4: {  	s24 =	stileid.u32;
	[sflag:s17] =	ssyncset.done $0x0  }
0x1c5: {  	s22 =	sadd.s32 s22, s13;
	s23 =	sshll.u32 s24, $0x6;
	[sflag:s17] =	ssyncadd.s32 $0xFFFFFF80  }
0x1c6: {  	s24 =	sshrl.u32 s11, $0x3;
	s23 =	sor.u32 $0x1C01, s23;
	[bflag:$0x0] =	sbarrier.arrive $0xFFFF  }
0x1c7: {  	[hbm:s22], [sflag:s23] =	dma.local [spmem:s24], $0x1880  }
0x1c8: {  	s21 =	sadd.s32 s21, s13;
	s20 =	sadd.s32 $0x1, s20;
	s24 =	sshrl.u32 s12, $0x3  }
0x1c9: {  	[hbm:s21], [sflag:s23] =	dma.local [spmem:s24], $0x1880  }
0x1ca: {  	p1 =	sne.s32 s20, s14;
	_ =	swait.ge [sflag:s17], $0x1880  }
.Ltmp1:
0x1cb: {  	[sflag:s17] =	ssyncset.done $0x0;
	(pc) =	sbr.rel @!p1 .LBB2_9-.Ltmp1, $4  }
0x1cc: {  	[sflag:s17] =	ssyncadd.s32 $0xFFFFE780  }
0x1cd: {  	_ =	swait.ge [sflag:s17], $0x1880  }
0x1ce: {  	[sflag:s17] =	ssyncset.done $0x0  }
0x1cf: {  	[sflag:s17] =	ssyncadd.s32 $0xFFFFE780  }
.LBB2_1:
.Ltmp2:
0x1d0: {  	(pc) =	sbr.rel @!p0 .LBB2_2-.Ltmp2, $2  }
0x1d1: {  	_ =	sdelay $0x2  }
0x1d2: {  	s21 =	simm.s32 $0x0  }
0x1d3: {  	s22 =	rddreg [dreg:$0x1a]  }
0x1d4: {  	[tilespmem:s21], [sflag:$0x1] =	stream.linear.gather [hbm4b:s22+s21], $0x1000, $0x38;
	[tilespmem:$0x1AD00] =	vst v63  }
0x1d5: {  	s24 =	rddreg [dreg:$0x1b]  }
0x1d6: {  	[tilespmem:s15], [sflag:$0x1] =	stream.linear.gather [hbm4b:s24+s21], $0x800, $0x38;
	[tilespmem:$0x1AD00] =	vst v63  }
0x1d7: {  	s22 =	simm.s32 $0x0;
	s21 =	simm.s32 $0x40  }
.LBB2_6:
0x1d8: {  	p1 =	sne.s32 s21, $0x30C0;
	[tilespmem:s22+$0x1880] =	vst v0;
	s22 =	smov.u32 s21;
	s21 =	sadd.s32 $0x40, s21  }
.Ltmp3:
0x1d9: {  	(pc) =	sbr.rel @p1 .LBB2_6-.Ltmp3, $2  }
0x1da: {  	_ =	sdelay $0x2  }
0x1db: {  	s22 =	sshra.s32 s22, $0x2  }
.Ltmp4:
0x1dc: {  	_ = 	snop;
	(pc) =	sbr.rel .LBB2_7-.Ltmp4, $1  }
0x1dd: {  	_ =	sdelay $0x3  }
.LBB2_2:
0x1de: {  	s22 =	rddreg [dreg:$0x19]  }
0x1df: {  	[tilespmem:s21], [sflag:$0x1] =	stream.linear.gather [hbm4b:s22+s21], $0x1000, $0x38;
	[tilespmem:$0x1AD00] =	vst v63  }
0x1e0: {  	s24 =	rddreg [dreg:$0x9]  }
0x1e1: {  	[tilespmem:s15], [sflag:$0x1] =	stream.linear.gather [hbm4b:s24+s21], $0x800, $0x38;
	[tilespmem:$0x1AD00] =	vst v63  }
0x1e2: {  	s22 =	simm.s32 $0x0;
	s21 =	simm.s32 $0x40  }
.LBB2_3:
0x1e3: {  	p1 =	seq.s32 s21, $0x30C0;
	[tilespmem:s22+$0x1880] =	vst v0;
	s22 =	smov.u32 s21;
	s21 =	sadd.s32 $0x40, s21  }
.Ltmp5:
0x1e4: {  	(pc) =	sbr.rel @!p1 .LBB2_3-.Ltmp5, $2  }
0x1e5: {  	_ =	sdelay $0x2  }
0x1e6: {  	s22 =	sshra.s32 s22, $0x2  }
.Ltmp6:
0x1e7: {  	(pc) =	sbr.rel .LBB2_8-.Ltmp6, $3  }
0x1e8: {  	_ =	sdelay $0x1  }
0x1e9: {  	[tilespmem:s22+$0x1880] =	vst v0;
	s22 =	rddreg [dreg:$0x5]  }
0x1ea: {  	s21 =	rddreg [dreg:$0x7]  }
.LBB2_9:
0x1eb: {  	_ =	sfence.sel $0x180000  }
0x1ec: {  	[bflag:$0x0] =	sbarrier.arrive $0xFFFF  }
0x1ed: {  	_ =	strace $0x90000047  }
0x1ee: {  	s0 =	stileid.u32;
	[bflag:$0x2] =	sbarrier.arrive $0xFFFF  }
0x1ef: {  	p0 =	sne.s32 s0, $0x0;
	s0 =	rddreg [dreg:$0x4]  }
0x1f0: {  	s0 =	sadd.s32 @!p0 $0x100000, s0  }
0x1f1: {  	[sflag:s0] =	ssyncadd.tile.s32 @!p0 $0x1;
	_ =	shalt  }
.Lfunc_end2:
_tile_overlayer_lowered:
.L_overlay_start_2:
0x1f2: {  	(tag) =	ssettag $0x2  }
0x1f3: {  	s0 =	rddreg [dreg:$0x0];
	s2 =	stileid.u32  }
0x1f4: {  	s1 =	rddreg [dreg:$0x1];
	p0 =	sne.s32 s2, $0x0  }
0x1f5: {  	s3 =	rddreg [dreg:$0x2];
	[bflag:$0x3] =	sbarrier.arrive $0xFFFF;
	s2 =	simm.s32 @!p0 $0x1C02  }
0x1f6: {  	[timem:s3], [sflag:s2] =	dma.local @!p0 [hbm:s0], s1  }
0x1f7: {  	s0 =	simm.s32 @!p0 $0x2  }
0x1f8: {  	_ =	swait.ge @!p0 [sflag:s0], s1  }
0x1f9: {  	s1 =	ssub.s32 @!p0 $0x0, s1;
	[sflag:s0] =	ssyncset.done @!p0 $0x0  }
0x1fa: {  	[sflag:s0] =	ssyncadd.s32 @!p0 s1  }
0x1fb: {  	[bflag:$0x3] =	sbarrier.arrive $0xFFFF  }
0x1fc: {  	_ =	shalt  }

</sc_bundles>
